<compile_context>
chip_gen: v7x
topology: tpu7x:2x2x1
jax: 0.10.2.dev20260603
libtpu: 0.0.44.dev20260713+nightly
codegen_flags: <defaults>
</compile_context>

<pallas_src>
import functools

import jax
import jax.numpy as jnp
from jax import lax
from jax.experimental import pallas as pl
from jax.experimental.pallas import tpu as pltpu
from jax.experimental.pallas import tpu_sc as plsc

N, E, D, ED = 10000, 320000, 128, 3
NC, NS, LANES = 2, 16, 16
NW = NC * NS
EW = E // NW
CHUNK = 80
NCHUNKS = EW // CHUNK
NBUF = 4
NSLOTS = ((NCHUNKS + NBUF - 1) // NBUF) * NBUF
ROWS_PER_TILE = 624
TAIL_ROWS = N - NS * ROWS_PER_TILE
DC = D // LANES


def _sc_body(src_hbm, dst_hbm, el_hbm, zeros_hbm, x_hbm, out_hbm, *scr):
    srcb = scr[0:NBUF]
    dstb = scr[NBUF:2 * NBUF]
    eb = scr[2 * NBUF:3 * NBUF]
    acc = scr[3 * NBUF]
    msem = scr[3 * NBUF + 1:4 * NBUF + 1]
    gsem = scr[4 * NBUF + 1:5 * NBUF + 1]
    ssem = scr[5 * NBUF + 1:6 * NBUF + 1]

    cid = lax.axis_index("c")
    sid = lax.axis_index("s")
    wid = sid * NC + cid
    base = wid * EW

    pltpu.sync_copy(zeros_hbm.at[pl.ds(sid * ROWS_PER_TILE, ROWS_PER_TILE)],
                    acc.at[pl.ds(sid * ROWS_PER_TILE, ROWS_PER_TILE)])

    @pl.when(sid == NS - 1)
    def _zero_tail():
        pltpu.sync_copy(zeros_hbm.at[pl.ds(NS * ROWS_PER_TILE, TAIL_ROWS)],
                        acc.at[pl.ds(NS * ROWS_PER_TILE, TAIL_ROWS)])

    plsc.subcore_barrier()

    def meta_descs(c, b):
        off = base + c * CHUNK
        return (
            pltpu.make_async_copy(src_hbm.at[pl.ds(off, CHUNK)], srcb[b],
                                  msem[b]),
            pltpu.make_async_copy(dst_hbm.at[pl.ds(off, CHUNK)], dstb[b],
                                  msem[b]),
            pltpu.make_async_copy(el_hbm.at[pl.ds(off, CHUNK)], eb[b],
                                  msem[b]),
        )

    def issue_meta(c, b):
        for d in meta_descs(c, b):
            d.start()

    def wait_meta(c, b):
        for d in meta_descs(c, b):
            d.wait()

    def gather_desc(b):
        return pltpu.make_async_copy(x_hbm.at[srcb[b]], eb[b], gsem[b])

    def scatter_desc(b):
        return pltpu.make_async_copy(eb[b], acc.at[dstb[b]], ssem[b])

    def compute(b):
        ebuf = eb[b]

        @plsc.parallel_loop(0, CHUNK, 1, unroll=4)
        def edge_body(e):
            for c in range(DC):
                v = ebuf[e, pl.ds(c * LANES, LANES)]
                ebuf[e, pl.ds(c * LANES, LANES)] = jnp.maximum(v, 0.0)

    def slot(s, k):
        @pl.when(s <= NCHUNKS - 1)
        def _wait_gather():
            gather_desc(k).wait()

        @pl.when(jnp.logical_and(s >= 2, s - 2 <= NCHUNKS - 1))
        def _drain_scatter():
            scatter_desc((k - 2) % NBUF).wait()

        @pl.when(s + 2 <= NCHUNKS - 1)
        def _prefetch_meta():
            issue_meta(s + 2, (k + 2) % NBUF)

        @pl.when(s + 1 <= NCHUNKS - 1)
        def _launch_gather():
            wait_meta(s + 1, (k + 1) % NBUF)
            pltpu.async_copy(x_hbm.at[srcb[(k + 1) % NBUF]],
                             eb[(k + 1) % NBUF], gsem[(k + 1) % NBUF],
                             add=True)

        @pl.when(s <= NCHUNKS - 1)
        def _compute_scatter():
            compute(k)
            pltpu.async_copy(eb[k], acc.at[dstb[k]], ssem[k], add=True)

    issue_meta(0, 0)
    issue_meta(1, 1)
    wait_meta(0, 0)
    pltpu.async_copy(x_hbm.at[srcb[0]], eb[0], gsem[0], add=True)

    def outer(t, carry):
        for k in range(NBUF):
            slot(t * NBUF + k, k)
        return carry

    lax.fori_loop(0, NSLOTS // NBUF, outer, 0)

    plsc.subcore_barrier()
    pltpu.sync_copy(acc.at[pl.ds(sid * ROWS_PER_TILE, ROWS_PER_TILE)],
                    out_hbm.at[cid, pl.ds(sid * ROWS_PER_TILE, ROWS_PER_TILE)])

    @pl.when(sid == NS - 1)
    def _write_tail():
        pltpu.sync_copy(acc.at[pl.ds(NS * ROWS_PER_TILE, TAIL_ROWS)],
                        out_hbm.at[cid, pl.ds(NS * ROWS_PER_TILE, TAIL_ROWS)])


_sc_layer = functools.partial(
    pl.kernel,
    out_type=jax.ShapeDtypeStruct((NC, N, D), jnp.float32),
    mesh=plsc.VectorSubcoreMesh(core_axis_name="c", subcore_axis_name="s"),
    scratch_types=(
        [pltpu.VMEM((CHUNK,), jnp.int32) for _ in range(NBUF)]
        + [pltpu.VMEM((CHUNK,), jnp.int32) for _ in range(NBUF)]
        + [pltpu.VMEM((CHUNK, D), jnp.float32) for _ in range(NBUF)]
        + [pltpu.VMEM_SHARED((N, D), jnp.float32)]
        + [pltpu.SemaphoreType.DMA for _ in range(3 * NBUF)]
    ),
)(_sc_body)



_EBLK = 8000


def _tc_edge_body(attr_ref, we_ref, be_ref, o_ref):
    o_ref[...] = (jnp.dot(attr_ref[...], we_ref[...],
                          preferred_element_type=jnp.float32) + be_ref[...])


_tc_edge = pl.pallas_call(
    _tc_edge_body,
    grid=(E // _EBLK,),
    in_specs=[pl.BlockSpec((_EBLK, ED), lambda i: (i, 0)),
              pl.BlockSpec((ED, D), lambda i: (0, 0)),
              pl.BlockSpec((1, D), lambda i: (0, 0))],
    out_specs=pl.BlockSpec((_EBLK, D), lambda i: (i, 0)),
    out_shape=jax.ShapeDtypeStruct((E, D), jnp.float32),
)



def _tc_body_mid(x_ref, acc_ref, wm_ref, bm_ref, o_ref):
    h = x_ref[...] + acc_ref[0] + acc_ref[1]
    h = jnp.maximum(jnp.dot(h, wm_ref[0], preferred_element_type=jnp.float32)
                    + bm_ref[0], 0.0)
    h = jnp.maximum(jnp.dot(h, wm_ref[1], preferred_element_type=jnp.float32)
                    + bm_ref[1], 0.0)
    h = jnp.dot(h, wm_ref[2], preferred_element_type=jnp.float32) + bm_ref[2]
    o_ref[...] = jnp.maximum(h, 0.0) + x_ref[...]


def _tc_body_final(x_ref, acc_ref, wm_ref, bm_ref, wp1_ref, bp1_ref, wp2_ref,
                   bp2_ref, o_ref):
    h = x_ref[...] + acc_ref[0] + acc_ref[1]
    h = jnp.maximum(jnp.dot(h, wm_ref[0], preferred_element_type=jnp.float32)
                    + bm_ref[0], 0.0)
    h = jnp.maximum(jnp.dot(h, wm_ref[1], preferred_element_type=jnp.float32)
                    + bm_ref[1], 0.0)
    h = jnp.dot(h, wm_ref[2], preferred_element_type=jnp.float32) + bm_ref[2]
    h = jnp.maximum(h, 0.0) + x_ref[...]
    h = jnp.maximum(jnp.dot(h, wp1_ref[...], preferred_element_type=jnp.float32)
                    + bp1_ref[...], 0.0)
    o_ref[...] = (jnp.dot(h, wp2_ref[...], preferred_element_type=jnp.float32)
                  + bp2_ref[...])


_TC_BLK = 1000
_TC_GRID = N // _TC_BLK

_x_spec = pl.BlockSpec((_TC_BLK, D), lambda i: (i, 0))
_acc_spec = pl.BlockSpec((NC, _TC_BLK, D), lambda i: (0, i, 0))
_wm_spec = pl.BlockSpec((3, D, D), lambda i: (0, 0, 0))
_bm_spec = pl.BlockSpec((3, D), lambda i: (0, 0))
_w_spec = pl.BlockSpec((D, D), lambda i: (0, 0))
_b_spec = pl.BlockSpec((1, D), lambda i: (0, 0))

_tc_mid = pl.pallas_call(
    _tc_body_mid,
    grid=(_TC_GRID,),
    in_specs=[_x_spec, _acc_spec, _wm_spec, _bm_spec],
    out_specs=_x_spec,
    out_shape=jax.ShapeDtypeStruct((N, D), jnp.float32),
)

_tc_final = pl.pallas_call(
    _tc_body_final,
    grid=(_TC_GRID,),
    in_specs=[_x_spec, _acc_spec, _wm_spec, _bm_spec,
              _w_spec, _b_spec, _w_spec, _b_spec],
    out_specs=_x_spec,
    out_shape=jax.ShapeDtypeStruct((N, D), jnp.float32),
)


def kernel(x, edge_index, edge_attr, We, be, Wm, bm, Wp1, bp1, Wp2, bp2):
    src = edge_index[0]
    dst = edge_index[1]
    zeros_nd = jnp.zeros((N, D), jnp.float32)
    bp1r = bp1.reshape(1, D)
    bp2r = bp2.reshape(1, D)
    els = [_tc_edge(edge_attr, We[l], be[l].reshape(1, D)) for l in range(3)]
    for l in range(3):
        agg = _sc_layer(src, dst, els[l], zeros_nd, x)
        if l < 2:
            x = _tc_mid(x, agg, Wm[l], bm[l])
        else:
            x = _tc_final(x, agg, Wm[l], bm[l], Wp1, bp1r, Wp2, bp2r)
    return x

# --- scband reference (transcript-rebuilt; emitter-appended) ---
"""Pipeline reference for scband-gin-66632122630729 (READ-ONLY COPY).

The authoritative reference and input builder live on the scoring server;
editing this copy changes nothing except your own understanding.
"""

import jax, jax.numpy as jnp
import numpy as np

N, E, D, ED, L = 10000, 320000, 128, 3, 3

def setup_inputs(seed: int = 0):
    key = jax.random.key(seed)
    ks = jax.random.split(key, 12)
    x = jax.random.normal(ks[0], (N, D), dtype=jnp.float32)
    edge_index = jax.random.randint(ks[1], (2, E), 0, N, dtype=jnp.int32)
    edge_attr = jax.random.normal(ks[2], (E, ED), dtype=jnp.float32)
    s_e = 1.0 / np.sqrt(ED)
    s_d = 1.0 / np.sqrt(D)
    We = jax.random.uniform(ks[3], (L, ED, D), minval=-s_e, maxval=s_e, dtype=jnp.float32)
    be = jax.random.uniform(ks[4], (L, D), minval=-s_e, maxval=s_e, dtype=jnp.float32)
    Wm = jax.random.uniform(ks[5], (L, 3, D, D), minval=-s_d, maxval=s_d, dtype=jnp.float32)
    bm = jax.random.uniform(ks[6], (L, 3, D), minval=-s_d, maxval=s_d, dtype=jnp.float32)
    Wp1 = jax.random.uniform(ks[7], (D, D), minval=-s_d, maxval=s_d, dtype=jnp.float32)
    bp1 = jax.random.uniform(ks[8], (D,), minval=-s_d, maxval=s_d, dtype=jnp.float32)
    Wp2 = jax.random.uniform(ks[9], (D, D), minval=-s_d, maxval=s_d, dtype=jnp.float32)
    bp2 = jax.random.uniform(ks[10], (D,), minval=-s_d, maxval=s_d, dtype=jnp.float32)
    return {"x": x, "edge_index": edge_index, "edge_attr": edge_attr,
            "We": We, "be": be, "Wm": Wm, "bm": bm,
            "Wp1": Wp1, "bp1": bp1, "Wp2": Wp2, "bp2": bp2}

def _mlp(h, Wm_l, bm_l):
    # 3-layer mlp: relu after all but last layer
    h = h @ Wm_l[0] + bm_l[0]
    h = jax.nn.relu(h)
    h = h @ Wm_l[1] + bm_l[1]
    h = jax.nn.relu(h)
    h = h @ Wm_l[2] + bm_l[2]
    return h

def _gine_conv(x, edge_index, edge_attr, We_l, be_l, Wm_l, bm_l):
    src = edge_index[0]
    dst = edge_index[1]
    e = edge_attr @ We_l + be_l            # edge_dim -> hidden_dim linear
    msg = jax.nn.relu(x[src] + e)          # GINE message
    agg = jax.ops.segment_sum(msg, dst, num_segments=x.shape[0])
    h = x + agg                            # (1 + eps) * x with eps = 0
    return _mlp(h, Wm_l, bm_l)

def reference(x, edge_index, edge_attr, We, be, Wm, bm, Wp1, bp1, Wp2, bp2):
    for l in range(L):
        x0 = x
        h = _gine_conv(x, edge_index, edge_attr, We[l], be[l], Wm[l], bm[l])
        x = jax.nn.relu(h) + x0
    x = x @ Wp1 + bp1
    x = jax.nn.relu(x)
    x = x @ Wp2 + bp2
    return x

if __name__ == "__main__":
    import jax
    _d = setup_inputs()
    print(jax.jit(kernel)(*tuple(_d.values())))

</pallas_src>

<mosaic_0001>
#map = affine_map<(d0, d1) -> (0)>
#map1 = affine_map<(d0, d1) -> (0, 0)>
#map2 = affine_map<(d0, d1) -> (0, 0, 0)>
module attributes {stable_mosaic.version = 14 : i64} {
  func.func @_sc_body(%arg0: i32, %arg1: i32, %arg2: memref<320000xi32, #tpu.memory_space<hbm>>, %arg3: memref<320000xi32, #tpu.memory_space<hbm>>, %arg4: memref<320000x128xf32, #tpu.memory_space<hbm>>, %arg5: memref<10000x128xf32, #tpu.memory_space<hbm>>, %arg6: memref<10000x128xf32, #tpu.memory_space<hbm>>, %arg7: memref<2x10000x128xf32, #tpu.memory_space<hbm>>, %arg8: memref<80xi32, #tpu.memory_space<vmem>>, %arg9: memref<80xi32, #tpu.memory_space<vmem>>, %arg10: memref<80xi32, #tpu.memory_space<vmem>>, %arg11: memref<80xi32, #tpu.memory_space<vmem>>, %arg12: memref<80xi32, #tpu.memory_space<vmem>>, %arg13: memref<80xi32, #tpu.memory_space<vmem>>, %arg14: memref<80xi32, #tpu.memory_space<vmem>>, %arg15: memref<80xi32, #tpu.memory_space<vmem>>, %arg16: memref<80x128xf32, #tpu.memory_space<vmem>>, %arg17: memref<80x128xf32, #tpu.memory_space<vmem>>, %arg18: memref<80x128xf32, #tpu.memory_space<vmem>>, %arg19: memref<80x128xf32, #tpu.memory_space<vmem>>, %arg20: memref<10000x128xf32, #tpu.memory_space<vmem_shared>>, %arg21: memref<!tpu.dma_semaphore, #tpu.memory_space<semaphore_mem>>, %arg22: memref<!tpu.dma_semaphore, #tpu.memory_space<semaphore_mem>>, %arg23: memref<!tpu.dma_semaphore, #tpu.memory_space<semaphore_mem>>, %arg24: memref<!tpu.dma_semaphore, #tpu.memory_space<semaphore_mem>>, %arg25: memref<!tpu.dma_semaphore, #tpu.memory_space<semaphore_mem>>, %arg26: memref<!tpu.dma_semaphore, #tpu.memory_space<semaphore_mem>>, %arg27: memref<!tpu.dma_semaphore, #tpu.memory_space<semaphore_mem>>, %arg28: memref<!tpu.dma_semaphore, #tpu.memory_space<semaphore_mem>>, %arg29: memref<!tpu.dma_semaphore, #tpu.memory_space<semaphore_mem>>, %arg30: memref<!tpu.dma_semaphore, #tpu.memory_space<semaphore_mem>>, %arg31: memref<!tpu.dma_semaphore, #tpu.memory_space<semaphore_mem>>, %arg32: memref<!tpu.dma_semaphore, #tpu.memory_space<semaphore_mem>>) attributes {dimension_semantics = [#tpu.dimension_semantics<core_parallel>, #tpu.dimension_semantics<subcore_parallel>], iteration_bounds = array<i64: 2, 16>, scalar_prefetch = 0 : i64, scratch_operands = 25 : i64, tpu.core_type = #tpu.core_type<sc_vector_subcore>, window_params = [{transform_indices = #map}, {transform_indices = #map}, {transform_indices = #map1}, {transform_indices = #map1}, {transform_indices = #map1}, {transform_indices = #map2}]} {
    %mul3A = arith.constant 2 : i32
    %mul3A_0 = arith.muli %arg1, %mul3A : i32
    %add3A = arith.addi %mul3A_0, %arg0 : i32
    %mul3A_1 = arith.constant 10000 : i32
    %mul3A_2 = arith.muli %add3A, %mul3A_1 : i32
    %mul3A_3 = arith.constant 624 : i32
    %mul3A_4 = arith.muli %arg1, %mul3A_3 : i32
    %mul3A_5 = arith.constant 624 : i32
    %mul3A_6 = arith.muli %arg1, %mul3A_5 : i32
    "tpu.region"() ({
      %run_scoped3A = tpu.sem_alloc : memref<!tpu.dma_semaphore, #tpu.memory_space<semaphore_mem>>
      %dma_start3A_55 = arith.constant 0 : i32
      %dma_start3A_56 = tpu.memref_slice %arg20[%mul3A_6, %dma_start3A_55] : memref<10000x128xf32, #tpu.memory_space<vmem_shared>> -> memref<624x128xf32, #tpu.memory_space<vmem_shared>>
      %dma_start3A_57 = arith.constant 0 : i32
      %dma_start3A_58 = tpu.memref_slice %arg5[%mul3A_4, %dma_start3A_57] : memref<10000x128xf32, #tpu.memory_space<hbm>> -> memref<624x128xf32, #tpu.memory_space<hbm>>
      tpu.enqueue_dma source(%dma_start3A_58 : memref<624x128xf32, #tpu.memory_space<hbm>>) target(%dma_start3A_56 : memref<624x128xf32, #tpu.memory_space<vmem_shared>>) target_semaphore(%run_scoped3A : memref<!tpu.dma_semaphore, #tpu.memory_space<semaphore_mem>>)
      %dma_wait3A_59 = arith.constant 0 : i32
      %dma_wait3A_60 = tpu.memref_slice %arg20[%mul3A_6, %dma_wait3A_59] : memref<10000x128xf32, #tpu.memory_space<vmem_shared>> -> memref<624x128xf32, #tpu.memory_space<vmem_shared>>
      %dma_wait3A_61 = arith.constant 0 : i32
      %dma_wait3A_62 = tpu.memref_slice %arg5[%mul3A_4, %dma_wait3A_61] : memref<10000x128xf32, #tpu.memory_space<hbm>> -> memref<624x128xf32, #tpu.memory_space<hbm>>
      tpu.wait_dma2 semaphore(%run_scoped3A : memref<!tpu.dma_semaphore, #tpu.memory_space<semaphore_mem>>) src(%dma_wait3A_62 : memref<624x128xf32, #tpu.memory_space<hbm>>) dst(%dma_wait3A_60 : memref<624x128xf32, #tpu.memory_space<vmem_shared>>)
      tpu.yield
    }) : () -> ()
    %eq3A = arith.constant 15 : i32
    %eq3A_7 = arith.cmpi eq, %arg1, %eq3A : i32
    %convert_element_type3A = arith.extui %eq3A_7 : i1 to i32
    %cond3A = arith.constant 0 : i32
    %cond3A_8 = arith.cmpi ne, %convert_element_type3A, %cond3A : i32
    scf.if %cond3A_8 {
      "tpu.region"() ({
        %run_scoped3A = tpu.sem_alloc : memref<!tpu.dma_semaphore, #tpu.memory_space<semaphore_mem>>
        %dma_start3A_55 = arith.constant 9984 : i32
        %dma_start3A_56 = arith.constant 0 : i32
        %dma_start3A_57 = tpu.memref_slice %arg20[%dma_start3A_55, %dma_start3A_56] : memref<10000x128xf32, #tpu.memory_space<vmem_shared>> -> memref<16x128xf32, #tpu.memory_space<vmem_shared>>
        %dma_start3A_58 = arith.constant 9984 : i32
        %dma_start3A_59 = arith.constant 0 : i32
        %dma_start3A_60 = tpu.memref_slice %arg5[%dma_start3A_58, %dma_start3A_59] : memref<10000x128xf32, #tpu.memory_space<hbm>> -> memref<16x128xf32, #tpu.memory_space<hbm>>
        tpu.enqueue_dma source(%dma_start3A_60 : memref<16x128xf32, #tpu.memory_space<hbm>>) target(%dma_start3A_57 : memref<16x128xf32, #tpu.memory_space<vmem_shared>>) target_semaphore(%run_scoped3A : memref<!tpu.dma_semaphore, #tpu.memory_space<semaphore_mem>>)
        %dma_wait3A_61 = arith.constant 9984 : i32
        %dma_wait3A_62 = arith.constant 0 : i32
        %dma_wait3A_63 = tpu.memref_slice %arg20[%dma_wait3A_61, %dma_wait3A_62] : memref<10000x128xf32, #tpu.memory_space<vmem_shared>> -> memref<16x128xf32, #tpu.memory_space<vmem_shared>>
        %dma_wait3A_64 = arith.constant 9984 : i32
        %dma_wait3A_65 = arith.constant 0 : i32
        %dma_wait3A_66 = tpu.memref_slice %arg5[%dma_wait3A_64, %dma_wait3A_65] : memref<10000x128xf32, #tpu.memory_space<hbm>> -> memref<16x128xf32, #tpu.memory_space<hbm>>
        tpu.wait_dma2 semaphore(%run_scoped3A : memref<!tpu.dma_semaphore, #tpu.memory_space<semaphore_mem>>) src(%dma_wait3A_66 : memref<16x128xf32, #tpu.memory_space<hbm>>) dst(%dma_wait3A_63 : memref<16x128xf32, #tpu.memory_space<vmem_shared>>)
        tpu.yield
      }) : () -> ()
    } else {
    }
    %barrier3A = arith.constant 0 : index
    tpu.barrier barrier_id(%barrier3A)
    %add3A_9 = arith.constant 0 : i32
    %add3A_10 = arith.addi %mul3A_2, %add3A_9 : i32
    %dma_start3A = tpu.memref_slice %arg2[%add3A_10] : memref<320000xi32, #tpu.memory_space<hbm>> -> memref<80xi32, #tpu.memory_space<hbm>>
    %dma_start3A_11 = tpu.memref_slice %arg2[%add3A_10] : memref<320000xi32, #tpu.memory_space<hbm>> -> memref<80xi32, #tpu.memory_space<hbm>>
    tpu.enqueue_dma source(%dma_start3A_11 : memref<80xi32, #tpu.memory_space<hbm>>) target(%arg8 : memref<80xi32, #tpu.memory_space<vmem>>) target_semaphore(%arg21 : memref<!tpu.dma_semaphore, #tpu.memory_space<semaphore_mem>>)
    %dma_start3A_12 = tpu.memref_slice %arg3[%add3A_10] : memref<320000xi32, #tpu.memory_space<hbm>> -> memref<80xi32, #tpu.memory_space<hbm>>
    %dma_start3A_13 = tpu.memref_slice %arg3[%add3A_10] : memref<320000xi32, #tpu.memory_space<hbm>> -> memref<80xi32, #tpu.memory_space<hbm>>
    tpu.enqueue_dma source(%dma_start3A_13 : memref<80xi32, #tpu.memory_space<hbm>>) target(%arg12 : memref<80xi32, #tpu.memory_space<vmem>>) target_semaphore(%arg21 : memref<!tpu.dma_semaphore, #tpu.memory_space<semaphore_mem>>)
    %dma_start3A_14 = arith.constant 0 : i32
    %dma_start3A_15 = tpu.memref_slice %arg4[%add3A_10, %dma_start3A_14] : memref<320000x128xf32, #tpu.memory_space<hbm>> -> memref<80x128xf32, #tpu.memory_space<hbm>>
    %dma_start3A_16 = arith.constant 0 : i32
    %dma_start3A_17 = tpu.memref_slice %arg4[%add3A_10, %dma_start3A_16] : memref<320000x128xf32, #tpu.memory_space<hbm>> -> memref<80x128xf32, #tpu.memory_space<hbm>>
    tpu.enqueue_dma source(%dma_start3A_17 : memref<80x128xf32, #tpu.memory_space<hbm>>) target(%arg16 : memref<80x128xf32, #tpu.memory_space<vmem>>) target_semaphore(%arg21 : memref<!tpu.dma_semaphore, #tpu.memory_space<semaphore_mem>>)
    %add3A_18 = arith.constant 80 : i32
    %add3A_19 = arith.addi %mul3A_2, %add3A_18 : i32
    %dma_start3A_20 = tpu.memref_slice %arg2[%add3A_19] : memref<320000xi32, #tpu.memory_space<hbm>> -> memref<80xi32, #tpu.memory_space<hbm>>
    %dma_start3A_21 = tpu.memref_slice %arg2[%add3A_19] : memref<320000xi32, #tpu.memory_space<hbm>> -> memref<80xi32, #tpu.memory_space<hbm>>
    tpu.enqueue_dma source(%dma_start3A_21 : memref<80xi32, #tpu.memory_space<hbm>>) target(%arg9 : memref<80xi32, #tpu.memory_space<vmem>>) target_semaphore(%arg22 : memref<!tpu.dma_semaphore, #tpu.memory_space<semaphore_mem>>)
    %dma_start3A_22 = tpu.memref_slice %arg3[%add3A_19] : memref<320000xi32, #tpu.memory_space<hbm>> -> memref<80xi32, #tpu.memory_space<hbm>>
    %dma_start3A_23 = tpu.memref_slice %arg3[%add3A_19] : memref<320000xi32, #tpu.memory_space<hbm>> -> memref<80xi32, #tpu.memory_space<hbm>>
    tpu.enqueue_dma source(%dma_start3A_23 : memref<80xi32, #tpu.memory_space<hbm>>) target(%arg13 : memref<80xi32, #tpu.memory_space<vmem>>) target_semaphore(%arg22 : memref<!tpu.dma_semaphore, #tpu.memory_space<semaphore_mem>>)
    %dma_start3A_24 = arith.constant 0 : i32
    %dma_start3A_25 = tpu.memref_slice %arg4[%add3A_19, %dma_start3A_24] : memref<320000x128xf32, #tpu.memory_space<hbm>> -> memref<80x128xf32, #tpu.memory_space<hbm>>
    %dma_start3A_26 = arith.constant 0 : i32
    %dma_start3A_27 = tpu.memref_slice %arg4[%add3A_19, %dma_start3A_26] : memref<320000x128xf32, #tpu.memory_space<hbm>> -> memref<80x128xf32, #tpu.memory_space<hbm>>
    tpu.enqueue_dma source(%dma_start3A_27 : memref<80x128xf32, #tpu.memory_space<hbm>>) target(%arg17 : memref<80x128xf32, #tpu.memory_space<vmem>>) target_semaphore(%arg22 : memref<!tpu.dma_semaphore, #tpu.memory_space<semaphore_mem>>)
    %add3A_28 = arith.constant 0 : i32
    %add3A_29 = arith.addi %mul3A_2, %add3A_28 : i32
    %dma_wait3A = tpu.memref_slice %arg2[%add3A_29] : memref<320000xi32, #tpu.memory_space<hbm>> -> memref<80xi32, #tpu.memory_space<hbm>>
    %dma_wait3A_30 = tpu.memref_slice %arg2[%add3A_29] : memref<320000xi32, #tpu.memory_space<hbm>> -> memref<80xi32, #tpu.memory_space<hbm>>
    tpu.wait_dma2 semaphore(%arg21 : memref<!tpu.dma_semaphore, #tpu.memory_space<semaphore_mem>>) src(%dma_wait3A_30 : memref<80xi32, #tpu.memory_space<hbm>>) dst(%arg8 : memref<80xi32, #tpu.memory_space<vmem>>)
    %dma_wait3A_31 = tpu.memref_slice %arg3[%add3A_29] : memref<320000xi32, #tpu.memory_space<hbm>> -> memref<80xi32, #tpu.memory_space<hbm>>
    %dma_wait3A_32 = tpu.memref_slice %arg3[%add3A_29] : memref<320000xi32, #tpu.memory_space<hbm>> -> memref<80xi32, #tpu.memory_space<hbm>>
    tpu.wait_dma2 semaphore(%arg21 : memref<!tpu.dma_semaphore, #tpu.memory_space<semaphore_mem>>) src(%dma_wait3A_32 : memref<80xi32, #tpu.memory_space<hbm>>) dst(%arg12 : memref<80xi32, #tpu.memory_space<vmem>>)
    %dma_wait3A_33 = arith.constant 0 : i32
    %dma_wait3A_34 = tpu.memref_slice %arg4[%add3A_29, %dma_wait3A_33] : memref<320000x128xf32, #tpu.memory_space<hbm>> -> memref<80x128xf32, #tpu.memory_space<hbm>>
    %dma_wait3A_35 = arith.constant 0 : i32
    %dma_wait3A_36 = tpu.memref_slice %arg4[%add3A_29, %dma_wait3A_35] : memref<320000x128xf32, #tpu.memory_space<hbm>> -> memref<80x128xf32, #tpu.memory_space<hbm>>
    tpu.wait_dma2 semaphore(%arg21 : memref<!tpu.dma_semaphore, #tpu.memory_space<semaphore_mem>>) src(%dma_wait3A_36 : memref<80x128xf32, #tpu.memory_space<hbm>>) dst(%arg16 : memref<80x128xf32, #tpu.memory_space<vmem>>)
    %dma_start3A_37 = arith.constant 0 : i32
    %dma_start3A_38 = arith.constant 0 : i32
    %dma_start3A_39 = tpu.memref_slice %arg6[%dma_start3A_37, %dma_start3A_38] : memref<10000x128xf32, #tpu.memory_space<hbm>> -> memref<10000x128xf32, #tpu.memory_space<hbm>>
    tpu.enqueue_indirect_dma source(%dma_start3A_39 : memref<10000x128xf32, #tpu.memory_space<hbm>>) target(%arg16 : memref<80x128xf32, #tpu.memory_space<vmem>>) offsets(%arg8 : memref<80xi32, #tpu.memory_space<vmem>>) semaphore(%arg25 : memref<!tpu.dma_semaphore, #tpu.memory_space<semaphore_mem>>) {add = true}
    %scan3A = arith.constant 0 : i32
    %scan3A_40 = arith.constant 0 : i32
    %scan3A_41 = arith.constant 32 : i32
    %scan3A_42 = arith.addi %scan3A_40, %scan3A_41 : i32
    %scan3A_43 = arith.constant 1 : i32
    scf.for %scan3A_55 = %scan3A_40 to %scan3A_42 step %scan3A_43  : i32 {
      %mul3A_56 = arith.constant 4 : i32
      %mul3A_57 = arith.muli %scan3A_55, %mul3A_56 : i32
      %add3A_58 = arith.constant 0 : i32
      %add3A_59 = arith.addi %mul3A_57, %add3A_58 : i32
      %le3A = arith.constant 124 : i32
      %le3A_60 = arith.cmpi sle, %add3A_59, %le3A : i32
      %convert_element_type3A_61 = arith.extui %le3A_60 : i1 to i32
      %cond3A_62 = arith.constant 0 : i32
      %cond3A_63 = arith.cmpi ne, %convert_element_type3A_61, %cond3A_62 : i32
      scf.if %cond3A_63 {
        %dma_wait3A_204 = arith.constant 0 : i32
        %dma_wait3A_205 = arith.constant 0 : i32
        %dma_wait3A_206 = tpu.memref_slice %arg6[%dma_wait3A_204, %dma_wait3A_205] : memref<10000x128xf32, #tpu.memory_space<hbm>> -> memref<10000x128xf32, #tpu.memory_space<hbm>>
        tpu.wait_indirect_dma semaphore(%arg25 : memref<!tpu.dma_semaphore, #tpu.memory_space<semaphore_mem>>) src(%dma_wait3A_206 : memref<10000x128xf32, #tpu.memory_space<hbm>>) dst(%arg16 : memref<80x128xf32, #tpu.memory_space<vmem>>)
      } else {
      }
      %ge3A = arith.constant 2 : i32
      %ge3A_64 = arith.cmpi sge, %add3A_59, %ge3A : i32
      %sub3A = arith.constant 2 : i32
      %sub3A_65 = arith.subi %add3A_59, %sub3A : i32
      %le3A_66 = arith.constant 124 : i32
      %le3A_67 = arith.cmpi sle, %sub3A_65, %le3A_66 : i32
      %and3A = arith.andi %ge3A_64, %le3A_67 : i1
      %convert_element_type3A_68 = arith.extui %and3A : i1 to i32
      %cond3A_69 = arith.constant 0 : i32
      %cond3A_70 = arith.cmpi ne, %convert_element_type3A_68, %cond3A_69 : i32
      scf.if %cond3A_70 {
        %dma_wait3A_204 = arith.constant 0 : i32
        %dma_wait3A_205 = arith.constant 0 : i32
        %dma_wait3A_206 = tpu.memref_slice %arg20[%dma_wait3A_204, %dma_wait3A_205] : memref<10000x128xf32, #tpu.memory_space<vmem_shared>> -> memref<10000x128xf32, #tpu.memory_space<vmem_shared>>
        tpu.wait_indirect_dma semaphore(%arg31 : memref<!tpu.dma_semaphore, #tpu.memory_space<semaphore_mem>>) src(%arg18 : memref<80x128xf32, #tpu.memory_space<vmem>>) dst(%dma_wait3A_206 : memref<10000x128xf32, #tpu.memory_space<vmem_shared>>)
      } else {
      }
      %add3A_71 = arith.constant 2 : i32
      %add3A_72 = arith.addi %add3A_59, %add3A_71 : i32
      %le3A_73 = arith.constant 124 : i32
      %le3A_74 = arith.cmpi sle, %add3A_72, %le3A_73 : i32
      %convert_element_type3A_75 = arith.extui %le3A_74 : i1 to i32
      %cond3A_76 = arith.constant 0 : i32
      %cond3A_77 = arith.cmpi ne, %convert_element_type3A_75, %cond3A_76 : i32
      scf.if %cond3A_77 {
        %add3A_204 = arith.constant 2 : i32
        %add3A_205 = arith.addi %add3A_59, %add3A_204 : i32
        %mul3A_206 = arith.constant 80 : i32
        %mul3A_207 = arith.muli %add3A_205, %mul3A_206 : i32
        %add3A_208 = arith.addi %mul3A_2, %mul3A_207 : i32
        %dma_start3A_209 = tpu.memref_slice %arg2[%add3A_208] : memref<320000xi32, #tpu.memory_space<hbm>> -> memref<80xi32, #tpu.memory_space<hbm>>
        %dma_start3A_210 = tpu.memref_slice %arg2[%add3A_208] : memref<320000xi32, #tpu.memory_space<hbm>> -> memref<80xi32, #tpu.memory_space<hbm>>
        tpu.enqueue_dma source(%dma_start3A_210 : memref<80xi32, #tpu.memory_space<hbm>>) target(%arg10 : memref<80xi32, #tpu.memory_space<vmem>>) target_semaphore(%arg23 : memref<!tpu.dma_semaphore, #tpu.memory_space<semaphore_mem>>)
        %dma_start3A_211 = tpu.memref_slice %arg3[%add3A_208] : memref<320000xi32, #tpu.memory_space<hbm>> -> memref<80xi32, #tpu.memory_space<hbm>>
        %dma_start3A_212 = tpu.memref_slice %arg3[%add3A_208] : memref<320000xi32, #tpu.memory_space<hbm>> -> memref<80xi32, #tpu.memory_space<hbm>>
        tpu.enqueue_dma source(%dma_start3A_212 : memref<80xi32, #tpu.memory_space<hbm>>) target(%arg14 : memref<80xi32, #tpu.memory_space<vmem>>) target_semaphore(%arg23 : memref<!tpu.dma_semaphore, #tpu.memory_space<semaphore_mem>>)
        %dma_start3A_213 = arith.constant 0 : i32
        %dma_start3A_214 = tpu.memref_slice %arg4[%add3A_208, %dma_start3A_213] : memref<320000x128xf32, #tpu.memory_space<hbm>> -> memref<80x128xf32, #tpu.memory_space<hbm>>
        %dma_start3A_215 = arith.constant 0 : i32
        %dma_start3A_216 = tpu.memref_slice %arg4[%add3A_208, %dma_start3A_215] : memref<320000x128xf32, #tpu.memory_space<hbm>> -> memref<80x128xf32, #tpu.memory_space<hbm>>
        tpu.enqueue_dma source(%dma_start3A_216 : memref<80x128xf32, #tpu.memory_space<hbm>>) target(%arg18 : memref<80x128xf32, #tpu.memory_space<vmem>>) target_semaphore(%arg23 : memref<!tpu.dma_semaphore, #tpu.memory_space<semaphore_mem>>)
      } else {
      }
      %add3A_78 = arith.constant 1 : i32
      %add3A_79 = arith.addi %add3A_59, %add3A_78 : i32
      %le3A_80 = arith.constant 124 : i32
      %le3A_81 = arith.cmpi sle, %add3A_79, %le3A_80 : i32
      %convert_element_type3A_82 = arith.extui %le3A_81 : i1 to i32
      %cond3A_83 = arith.constant 0 : i32
      %cond3A_84 = arith.cmpi ne, %convert_element_type3A_82, %cond3A_83 : i32
      scf.if %cond3A_84 {
        %add3A_204 = arith.constant 1 : i32
        %add3A_205 = arith.addi %add3A_59, %add3A_204 : i32
        %mul3A_206 = arith.constant 80 : i32
        %mul3A_207 = arith.muli %add3A_205, %mul3A_206 : i32
        %add3A_208 = arith.addi %mul3A_2, %mul3A_207 : i32
        %dma_wait3A_209 = tpu.memref_slice %arg2[%add3A_208] : memref<320000xi32, #tpu.memory_space<hbm>> -> memref<80xi32, #tpu.memory_space<hbm>>
        %dma_wait3A_210 = tpu.memref_slice %arg2[%add3A_208] : memref<320000xi32, #tpu.memory_space<hbm>> -> memref<80xi32, #tpu.memory_space<hbm>>
        tpu.wait_dma2 semaphore(%arg22 : memref<!tpu.dma_semaphore, #tpu.memory_space<semaphore_mem>>) src(%dma_wait3A_210 : memref<80xi32, #tpu.memory_space<hbm>>) dst(%arg9 : memref<80xi32, #tpu.memory_space<vmem>>)
        %dma_wait3A_211 = tpu.memref_slice %arg3[%add3A_208] : memref<320000xi32, #tpu.memory_space<hbm>> -> memref<80xi32, #tpu.memory_space<hbm>>
        %dma_wait3A_212 = tpu.memref_slice %arg3[%add3A_208] : memref<320000xi32, #tpu.memory_space<hbm>> -> memref<80xi32, #tpu.memory_space<hbm>>
        tpu.wait_dma2 semaphore(%arg22 : memref<!tpu.dma_semaphore, #tpu.memory_space<semaphore_mem>>) src(%dma_wait3A_212 : memref<80xi32, #tpu.memory_space<hbm>>) dst(%arg13 : memref<80xi32, #tpu.memory_space<vmem>>)
        %dma_wait3A_213 = arith.constant 0 : i32
        %dma_wait3A_214 = tpu.memref_slice %arg4[%add3A_208, %dma_wait3A_213] : memref<320000x128xf32, #tpu.memory_space<hbm>> -> memref<80x128xf32, #tpu.memory_space<hbm>>
        %dma_wait3A_215 = arith.constant 0 : i32
        %dma_wait3A_216 = tpu.memref_slice %arg4[%add3A_208, %dma_wait3A_215] : memref<320000x128xf32, #tpu.memory_space<hbm>> -> memref<80x128xf32, #tpu.memory_space<hbm>>
        tpu.wait_dma2 semaphore(%arg22 : memref<!tpu.dma_semaphore, #tpu.memory_space<semaphore_mem>>) src(%dma_wait3A_216 : memref<80x128xf32, #tpu.memory_space<hbm>>) dst(%arg17 : memref<80x128xf32, #tpu.memory_space<vmem>>)
        %dma_start3A_217 = arith.constant 0 : i32
        %dma_start3A_218 = arith.constant 0 : i32
        %dma_start3A_219 = tpu.memref_slice %arg6[%dma_start3A_217, %dma_start3A_218] : memref<10000x128xf32, #tpu.memory_space<hbm>> -> memref<10000x128xf32, #tpu.memory_space<hbm>>
        tpu.enqueue_indirect_dma source(%dma_start3A_219 : memref<10000x128xf32, #tpu.memory_space<hbm>>) target(%arg17 : memref<80x128xf32, #tpu.memory_space<vmem>>) offsets(%arg9 : memref<80xi32, #tpu.memory_space<vmem>>) semaphore(%arg26 : memref<!tpu.dma_semaphore, #tpu.memory_space<semaphore_mem>>) {add = true}
      } else {
      }
      %le3A_85 = arith.constant 124 : i32
      %le3A_86 = arith.cmpi sle, %add3A_59, %le3A_85 : i32
      %convert_element_type3A_87 = arith.extui %le3A_86 : i1 to i32
      %cond3A_88 = arith.constant 0 : i32
      %cond3A_89 = arith.cmpi ne, %convert_element_type3A_87, %cond3A_88 : i32
      scf.if %cond3A_89 {
        %parallel_loop3A = arith.constant 0 : i32
        %parallel_loop3A_204 = arith.constant 80 : i32
        %parallel_loop3A_205 = arith.constant 1 : i32
        scf.for %parallel_loop3A_209 = %parallel_loop3A to %parallel_loop3A_204 step %parallel_loop3A_205  : i32 {
          %parallel_loop3A_210 = arith.index_cast %parallel_loop3A_209 : i32 to index
          %parallel_loop3A_211 = arith.constant 0 : index
          %parallel_loop3A_212 = tpu.vector_load %arg16[%parallel_loop3A_210, %parallel_loop3A_211] {strides = array<i32>} : memref<80x128xf32, #tpu.memory_space<vmem>>, vector<1x16xf32>,
          %parallel_loop3A_213 = vector.shape_cast %parallel_loop3A_212 : vector<1x16xf32> to vector<16xf32>
          %parallel_loop3A_214 = arith.constant 0.000000e+00 : f32
          %parallel_loop3A_215 = vector.broadcast %parallel_loop3A_214 : f32 to vector<16xf32>
          %parallel_loop3A_216 = arith.maximumf %parallel_loop3A_213, %parallel_loop3A_215 : vector<16xf32>
          %parallel_loop3A_217 = arith.index_cast %parallel_loop3A_209 : i32 to index
          %parallel_loop3A_218 = arith.constant 0 : index
          %parallel_loop3A_219 = tpu.vector_load %arg16[%parallel_loop3A_217, %parallel_loop3A_218] {strides = array<i32>} : memref<80x128xf32, #tpu.memory_space<vmem>>, vector<1x16xf32>,
          %parallel_loop3A_220 = vector.shape_cast %parallel_loop3A_219 : vector<1x16xf32> to vector<16xf32>
          %parallel_loop3A_221 = vector.shape_cast %parallel_loop3A_216 : vector<16xf32> to vector<1x16xf32>
          tpu.vector_store %arg16[%parallel_loop3A_217, %parallel_loop3A_218], %parallel_loop3A_221 {strides = array<i32>} : memref<80x128xf32, #tpu.memory_space<vmem>>, vector<1x16xf32>,
          %parallel_loop3A_222 = arith.index_cast %parallel_loop3A_209 : i32 to index
          %parallel_loop3A_223 = arith.constant 16 : index
          %parallel_loop3A_224 = tpu.vector_load %arg16[%parallel_loop3A_222, %parallel_loop3A_223] {strides = array<i32>} : memref<80x128xf32, #tpu.memory_space<vmem>>, vector<1x16xf32>,
          %parallel_loop3A_225 = vector.shape_cast %parallel_loop3A_224 : vector<1x16xf32> to vector<16xf32>
          %parallel_loop3A_226 = arith.constant 0.000000e+00 : f32
          %parallel_loop3A_227 = vector.broadcast %parallel_loop3A_226 : f32 to vector<16xf32>
          %parallel_loop3A_228 = arith.maximumf %parallel_loop3A_225, %parallel_loop3A_227 : vector<16xf32>
          %parallel_loop3A_229 = arith.index_cast %parallel_loop3A_209 : i32 to index
          %parallel_loop3A_230 = arith.constant 16 : index
          %parallel_loop3A_231 = tpu.vector_load %arg16[%parallel_loop3A_229, %parallel_loop3A_230] {strides = array<i32>} : memref<80x128xf32, #tpu.memory_space<vmem>>, vector<1x16xf32>,
          %parallel_loop3A_232 = vector.shape_cast %parallel_loop3A_231 : vector<1x16xf32> to vector<16xf32>
          %parallel_loop3A_233 = vector.shape_cast %parallel_loop3A_228 : vector<16xf32> to vector<1x16xf32>
          tpu.vector_store %arg16[%parallel_loop3A_229, %parallel_loop3A_230], %parallel_loop3A_233 {strides = array<i32>} : memref<80x128xf32, #tpu.memory_space<vmem>>, vector<1x16xf32>,
          %parallel_loop3A_234 = arith.index_cast %parallel_loop3A_209 : i32 to index
          %parallel_loop3A_235 = arith.constant 32 : index
          %parallel_loop3A_236 = tpu.vector_load %arg16[%parallel_loop3A_234, %parallel_loop3A_235] {strides = array<i32>} : memref<80x128xf32, #tpu.memory_space<vmem>>, vector<1x16xf32>,
          %parallel_loop3A_237 = vector.shape_cast %parallel_loop3A_236 : vector<1x16xf32> to vector<16xf32>
          %parallel_loop3A_238 = arith.constant 0.000000e+00 : f32
          %parallel_loop3A_239 = vector.broadcast %parallel_loop3A_238 : f32 to vector<16xf32>
          %parallel_loop3A_240 = arith.maximumf %parallel_loop3A_237, %parallel_loop3A_239 : vector<16xf32>
          %parallel_loop3A_241 = arith.index_cast %parallel_loop3A_209 : i32 to index
          %parallel_loop3A_242 = arith.constant 32 : index
          %parallel_loop3A_243 = tpu.vector_load %arg16[%parallel_loop3A_241, %parallel_loop3A_242] {strides = array<i32>} : memref<80x128xf32, #tpu.memory_space<vmem>>, vector<1x16xf32>,
          %parallel_loop3A_244 = vector.shape_cast %parallel_loop3A_243 : vector<1x16xf32> to vector<16xf32>
          %parallel_loop3A_245 = vector.shape_cast %parallel_loop3A_240 : vector<16xf32> to vector<1x16xf32>
          tpu.vector_store %arg16[%parallel_loop3A_241, %parallel_loop3A_242], %parallel_loop3A_245 {strides = array<i32>} : memref<80x128xf32, #tpu.memory_space<vmem>>, vector<1x16xf32>,
          %parallel_loop3A_246 = arith.index_cast %parallel_loop3A_209 : i32 to index
          %parallel_loop3A_247 = arith.constant 48 : index
          %parallel_loop3A_248 = tpu.vector_load %arg16[%parallel_loop3A_246, %parallel_loop3A_247] {strides = array<i32>} : memref<80x128xf32, #tpu.memory_space<vmem>>, vector<1x16xf32>,
          %parallel_loop3A_249 = vector.shape_cast %parallel_loop3A_248 : vector<1x16xf32> to vector<16xf32>
          %parallel_loop3A_250 = arith.constant 0.000000e+00 : f32
          %parallel_loop3A_251 = vector.broadcast %parallel_loop3A_250 : f32 to vector<16xf32>
          %parallel_loop3A_252 = arith.maximumf %parallel_loop3A_249, %parallel_loop3A_251 : vector<16xf32>
          %parallel_loop3A_253 = arith.index_cast %parallel_loop3A_209 : i32 to index
          %parallel_loop3A_254 = arith.constant 48 : index
          %parallel_loop3A_255 = tpu.vector_load %arg16[%parallel_loop3A_253, %parallel_loop3A_254] {strides = array<i32>} : memref<80x128xf32, #tpu.memory_space<vmem>>, vector<1x16xf32>,
          %parallel_loop3A_256 = vector.shape_cast %parallel_loop3A_255 : vector<1x16xf32> to vector<16xf32>
          %parallel_loop3A_257 = vector.shape_cast %parallel_loop3A_252 : vector<16xf32> to vector<1x16xf32>
          tpu.vector_store %arg16[%parallel_loop3A_253, %parallel_loop3A_254], %parallel_loop3A_257 {strides = array<i32>} : memref<80x128xf32, #tpu.memory_space<vmem>>, vector<1x16xf32>,
          %parallel_loop3A_258 = arith.index_cast %parallel_loop3A_209 : i32 to index
          %parallel_loop3A_259 = arith.constant 64 : index
          %parallel_loop3A_260 = tpu.vector_load %arg16[%parallel_loop3A_258, %parallel_loop3A_259] {strides = array<i32>} : memref<80x128xf32, #tpu.memory_space<vmem>>, vector<1x16xf32>,
          %parallel_loop3A_261 = vector.shape_cast %parallel_loop3A_260 : vector<1x16xf32> to vector<16xf32>
          %parallel_loop3A_262 = arith.constant 0.000000e+00 : f32
          %parallel_loop3A_263 = vector.broadcast %parallel_loop3A_262 : f32 to vector<16xf32>
          %parallel_loop3A_264 = arith.maximumf %parallel_loop3A_261, %parallel_loop3A_263 : vector<16xf32>
          %parallel_loop3A_265 = arith.index_cast %parallel_loop3A_209 : i32 to index
          %parallel_loop3A_266 = arith.constant 64 : index
          %parallel_loop3A_267 = tpu.vector_load %arg16[%parallel_loop3A_265, %parallel_loop3A_266] {strides = array<i32>} : memref<80x128xf32, #tpu.memory_space<vmem>>, vector<1x16xf32>,
          %parallel_loop3A_268 = vector.shape_cast %parallel_loop3A_267 : vector<1x16xf32> to vector<16xf32>
          %parallel_loop3A_269 = vector.shape_cast %parallel_loop3A_264 : vector<16xf32> to vector<1x16xf32>
          tpu.vector_store %arg16[%parallel_loop3A_265, %parallel_loop3A_266], %parallel_loop3A_269 {strides = array<i32>} : memref<80x128xf32, #tpu.memory_space<vmem>>, vector<1x16xf32>,
          %parallel_loop3A_270 = arith.index_cast %parallel_loop3A_209 : i32 to index
          %parallel_loop3A_271 = arith.constant 80 : index
          %parallel_loop3A_272 = tpu.vector_load %arg16[%parallel_loop3A_270, %parallel_loop3A_271] {strides = array<i32>} : memref<80x128xf32, #tpu.memory_space<vmem>>, vector<1x16xf32>,
          %parallel_loop3A_273 = vector.shape_cast %parallel_loop3A_272 : vector<1x16xf32> to vector<16xf32>
          %parallel_loop3A_274 = arith.constant 0.000000e+00 : f32
          %parallel_loop3A_275 = vector.broadcast %parallel_loop3A_274 : f32 to vector<16xf32>
          %parallel_loop3A_276 = arith.maximumf %parallel_loop3A_273, %parallel_loop3A_275 : vector<16xf32>
          %parallel_loop3A_277 = arith.index_cast %parallel_loop3A_209 : i32 to index
          %parallel_loop3A_278 = arith.constant 80 : index
          %parallel_loop3A_279 = tpu.vector_load %arg16[%parallel_loop3A_277, %parallel_loop3A_278] {strides = array<i32>} : memref<80x128xf32, #tpu.memory_space<vmem>>, vector<1x16xf32>,
          %parallel_loop3A_280 = vector.shape_cast %parallel_loop3A_279 : vector<1x16xf32> to vector<16xf32>
          %parallel_loop3A_281 = vector.shape_cast %parallel_loop3A_276 : vector<16xf32> to vector<1x16xf32>
          tpu.vector_store %arg16[%parallel_loop3A_277, %parallel_loop3A_278], %parallel_loop3A_281 {strides = array<i32>} : memref<80x128xf32, #tpu.memory_space<vmem>>, vector<1x16xf32>,
          %parallel_loop3A_282 = arith.index_cast %parallel_loop3A_209 : i32 to index
          %parallel_loop3A_283 = arith.constant 96 : index
          %parallel_loop3A_284 = tpu.vector_load %arg16[%parallel_loop3A_282, %parallel_loop3A_283] {strides = array<i32>} : memref<80x128xf32, #tpu.memory_space<vmem>>, vector<1x16xf32>,
          %parallel_loop3A_285 = vector.shape_cast %parallel_loop3A_284 : vector<1x16xf32> to vector<16xf32>
          %parallel_loop3A_286 = arith.constant 0.000000e+00 : f32
          %parallel_loop3A_287 = vector.broadcast %parallel_loop3A_286 : f32 to vector<16xf32>
          %parallel_loop3A_288 = arith.maximumf %parallel_loop3A_285, %parallel_loop3A_287 : vector<16xf32>
          %parallel_loop3A_289 = arith.index_cast %parallel_loop3A_209 : i32 to index
          %parallel_loop3A_290 = arith.constant 96 : index
          %parallel_loop3A_291 = tpu.vector_load %arg16[%parallel_loop3A_289, %parallel_loop3A_290] {strides = array<i32>} : memref<80x128xf32, #tpu.memory_space<vmem>>, vector<1x16xf32>,
          %parallel_loop3A_292 = vector.shape_cast %parallel_loop3A_291 : vector<1x16xf32> to vector<16xf32>
          %parallel_loop3A_293 = vector.shape_cast %parallel_loop3A_288 : vector<16xf32> to vector<1x16xf32>
          tpu.vector_store %arg16[%parallel_loop3A_289, %parallel_loop3A_290], %parallel_loop3A_293 {strides = array<i32>} : memref<80x128xf32, #tpu.memory_space<vmem>>, vector<1x16xf32>,
          %parallel_loop3A_294 = arith.index_cast %parallel_loop3A_209 : i32 to index
          %parallel_loop3A_295 = arith.constant 112 : index
          %parallel_loop3A_296 = tpu.vector_load %arg16[%parallel_loop3A_294, %parallel_loop3A_295] {strides = array<i32>} : memref<80x128xf32, #tpu.memory_space<vmem>>, vector<1x16xf32>,
          %parallel_loop3A_297 = vector.shape_cast %parallel_loop3A_296 : vector<1x16xf32> to vector<16xf32>
          %parallel_loop3A_298 = arith.constant 0.000000e+00 : f32
          %parallel_loop3A_299 = vector.broadcast %parallel_loop3A_298 : f32 to vector<16xf32>
          %parallel_loop3A_300 = arith.maximumf %parallel_loop3A_297, %parallel_loop3A_299 : vector<16xf32>
          %parallel_loop3A_301 = arith.index_cast %parallel_loop3A_209 : i32 to index
          %parallel_loop3A_302 = arith.constant 112 : index
          %parallel_loop3A_303 = tpu.vector_load %arg16[%parallel_loop3A_301, %parallel_loop3A_302] {strides = array<i32>} : memref<80x128xf32, #tpu.memory_space<vmem>>, vector<1x16xf32>,
          %parallel_loop3A_304 = vector.shape_cast %parallel_loop3A_303 : vector<1x16xf32> to vector<16xf32>
          %parallel_loop3A_305 = vector.shape_cast %parallel_loop3A_300 : vector<16xf32> to vector<1x16xf32>
          tpu.vector_store %arg16[%parallel_loop3A_301, %parallel_loop3A_302], %parallel_loop3A_305 {strides = array<i32>} : memref<80x128xf32, #tpu.memory_space<vmem>>, vector<1x16xf32>,
        } {sc.loop_unroll_factor = 4 : i64, sc.parallel_access}
        %dma_start3A_206 = arith.constant 0 : i32
        %dma_start3A_207 = arith.constant 0 : i32
        %dma_start3A_208 = tpu.memref_slice %arg20[%dma_start3A_206, %dma_start3A_207] : memref<10000x128xf32, #tpu.memory_space<vmem_shared>> -> memref<10000x128xf32, #tpu.memory_space<vmem_shared>>
        tpu.enqueue_indirect_dma source(%arg16 : memref<80x128xf32, #tpu.memory_space<vmem>>) target(%dma_start3A_208 : memref<10000x128xf32, #tpu.memory_space<vmem_shared>>) offsets(%arg12 : memref<80xi32, #tpu.memory_space<vmem>>) semaphore(%arg29 : memref<!tpu.dma_semaphore, #tpu.memory_space<semaphore_mem>>) {add = true}
      } else {
      }
      %mul3A_90 = arith.constant 4 : i32
      %mul3A_91 = arith.muli %scan3A_55, %mul3A_90 : i32
      %add3A_92 = arith.constant 1 : i32
      %add3A_93 = arith.addi %mul3A_91, %add3A_92 : i32
      %le3A_94 = arith.constant 124 : i32
      %le3A_95 = arith.cmpi sle, %add3A_93, %le3A_94 : i32
      %convert_element_type3A_96 = arith.extui %le3A_95 : i1 to i32
      %cond3A_97 = arith.constant 0 : i32
      %cond3A_98 = arith.cmpi ne, %convert_element_type3A_96, %cond3A_97 : i32
      scf.if %cond3A_98 {
        %dma_wait3A_204 = arith.constant 0 : i32
        %dma_wait3A_205 = arith.constant 0 : i32
        %dma_wait3A_206 = tpu.memref_slice %arg6[%dma_wait3A_204, %dma_wait3A_205] : memref<10000x128xf32, #tpu.memory_space<hbm>> -> memref<10000x128xf32, #tpu.memory_space<hbm>>
        tpu.wait_indirect_dma semaphore(%arg26 : memref<!tpu.dma_semaphore, #tpu.memory_space<semaphore_mem>>) src(%dma_wait3A_206 : memref<10000x128xf32, #tpu.memory_space<hbm>>) dst(%arg17 : memref<80x128xf32, #tpu.memory_space<vmem>>)
      } else {
      }
      %ge3A_99 = arith.constant 2 : i32
      %ge3A_100 = arith.cmpi sge, %add3A_93, %ge3A_99 : i32
      %sub3A_101 = arith.constant 2 : i32
      %sub3A_102 = arith.subi %add3A_93, %sub3A_101 : i32
      %le3A_103 = arith.constant 124 : i32
      %le3A_104 = arith.cmpi sle, %sub3A_102, %le3A_103 : i32
      %and3A_105 = arith.andi %ge3A_100, %le3A_104 : i1
      %convert_element_type3A_106 = arith.extui %and3A_105 : i1 to i32
      %cond3A_107 = arith.constant 0 : i32
      %cond3A_108 = arith.cmpi ne, %convert_element_type3A_106, %cond3A_107 : i32
      scf.if %cond3A_108 {
        %dma_wait3A_204 = arith.constant 0 : i32
        %dma_wait3A_205 = arith.constant 0 : i32
        %dma_wait3A_206 = tpu.memref_slice %arg20[%dma_wait3A_204, %dma_wait3A_205] : memref<10000x128xf32, #tpu.memory_space<vmem_shared>> -> memref<10000x128xf32, #tpu.memory_space<vmem_shared>>
        tpu.wait_indirect_dma semaphore(%arg32 : memref<!tpu.dma_semaphore, #tpu.memory_space<semaphore_mem>>) src(%arg19 : memref<80x128xf32, #tpu.memory_space<vmem>>) dst(%dma_wait3A_206 : memref<10000x128xf32, #tpu.memory_space<vmem_shared>>)
      } else {
      }
      %add3A_109 = arith.constant 2 : i32
      %add3A_110 = arith.addi %add3A_93, %add3A_109 : i32
      %le3A_111 = arith.constant 124 : i32
      %le3A_112 = arith.cmpi sle, %add3A_110, %le3A_111 : i32
      %convert_element_type3A_113 = arith.extui %le3A_112 : i1 to i32
      %cond3A_114 = arith.constant 0 : i32
      %cond3A_115 = arith.cmpi ne, %convert_element_type3A_113, %cond3A_114 : i32
      scf.if %cond3A_115 {
        %add3A_204 = arith.constant 2 : i32
        %add3A_205 = arith.addi %add3A_93, %add3A_204 : i32
        %mul3A_206 = arith.constant 80 : i32
        %mul3A_207 = arith.muli %add3A_205, %mul3A_206 : i32
        %add3A_208 = arith.addi %mul3A_2, %mul3A_207 : i32
        %dma_start3A_209 = tpu.memref_slice %arg2[%add3A_208] : memref<320000xi32, #tpu.memory_space<hbm>> -> memref<80xi32, #tpu.memory_space<hbm>>
        %dma_start3A_210 = tpu.memref_slice %arg2[%add3A_208] : memref<320000xi32, #tpu.memory_space<hbm>> -> memref<80xi32, #tpu.memory_space<hbm>>
        tpu.enqueue_dma source(%dma_start3A_210 : memref<80xi32, #tpu.memory_space<hbm>>) target(%arg11 : memref<80xi32, #tpu.memory_space<vmem>>) target_semaphore(%arg24 : memref<!tpu.dma_semaphore, #tpu.memory_space<semaphore_mem>>)
        %dma_start3A_211 = tpu.memref_slice %arg3[%add3A_208] : memref<320000xi32, #tpu.memory_space<hbm>> -> memref<80xi32, #tpu.memory_space<hbm>>
        %dma_start3A_212 = tpu.memref_slice %arg3[%add3A_208] : memref<320000xi32, #tpu.memory_space<hbm>> -> memref<80xi32, #tpu.memory_space<hbm>>
        tpu.enqueue_dma source(%dma_start3A_212 : memref<80xi32, #tpu.memory_space<hbm>>) target(%arg15 : memref<80xi32, #tpu.memory_space<vmem>>) target_semaphore(%arg24 : memref<!tpu.dma_semaphore, #tpu.memory_space<semaphore_mem>>)
        %dma_start3A_213 = arith.constant 0 : i32
        %dma_start3A_214 = tpu.memref_slice %arg4[%add3A_208, %dma_start3A_213] : memref<320000x128xf32, #tpu.memory_space<hbm>> -> memref<80x128xf32, #tpu.memory_space<hbm>>
        %dma_start3A_215 = arith.constant 0 : i32
        %dma_start3A_216 = tpu.memref_slice %arg4[%add3A_208, %dma_start3A_215] : memref<320000x128xf32, #tpu.memory_space<hbm>> -> memref<80x128xf32, #tpu.memory_space<hbm>>
        tpu.enqueue_dma source(%dma_start3A_216 : memref<80x128xf32, #tpu.memory_space<hbm>>) target(%arg19 : memref<80x128xf32, #tpu.memory_space<vmem>>) target_semaphore(%arg24 : memref<!tpu.dma_semaphore, #tpu.memory_space<semaphore_mem>>)
      } else {
      }
      %add3A_116 = arith.constant 1 : i32
      %add3A_117 = arith.addi %add3A_93, %add3A_116 : i32
      %le3A_118 = arith.constant 124 : i32
      %le3A_119 = arith.cmpi sle, %add3A_117, %le3A_118 : i32
      %convert_element_type3A_120 = arith.extui %le3A_119 : i1 to i32
      %cond3A_121 = arith.constant 0 : i32
      %cond3A_122 = arith.cmpi ne, %convert_element_type3A_120, %cond3A_121 : i32
      scf.if %cond3A_122 {
        %add3A_204 = arith.constant 1 : i32
        %add3A_205 = arith.addi %add3A_93, %add3A_204 : i32
        %mul3A_206 = arith.constant 80 : i32
        %mul3A_207 = arith.muli %add3A_205, %mul3A_206 : i32
        %add3A_208 = arith.addi %mul3A_2, %mul3A_207 : i32
        %dma_wait3A_209 = tpu.memref_slice %arg2[%add3A_208] : memref<320000xi32, #tpu.memory_space<hbm>> -> memref<80xi32, #tpu.memory_space<hbm>>
        %dma_wait3A_210 = tpu.memref_slice %arg2[%add3A_208] : memref<320000xi32, #tpu.memory_space<hbm>> -> memref<80xi32, #tpu.memory_space<hbm>>
        tpu.wait_dma2 semaphore(%arg23 : memref<!tpu.dma_semaphore, #tpu.memory_space<semaphore_mem>>) src(%dma_wait3A_210 : memref<80xi32, #tpu.memory_space<hbm>>) dst(%arg10 : memref<80xi32, #tpu.memory_space<vmem>>)
        %dma_wait3A_211 = tpu.memref_slice %arg3[%add3A_208] : memref<320000xi32, #tpu.memory_space<hbm>> -> memref<80xi32, #tpu.memory_space<hbm>>
        %dma_wait3A_212 = tpu.memref_slice %arg3[%add3A_208] : memref<320000xi32, #tpu.memory_space<hbm>> -> memref<80xi32, #tpu.memory_space<hbm>>
        tpu.wait_dma2 semaphore(%arg23 : memref<!tpu.dma_semaphore, #tpu.memory_space<semaphore_mem>>) src(%dma_wait3A_212 : memref<80xi32, #tpu.memory_space<hbm>>) dst(%arg14 : memref<80xi32, #tpu.memory_space<vmem>>)
        %dma_wait3A_213 = arith.constant 0 : i32
        %dma_wait3A_214 = tpu.memref_slice %arg4[%add3A_208, %dma_wait3A_213] : memref<320000x128xf32, #tpu.memory_space<hbm>> -> memref<80x128xf32, #tpu.memory_space<hbm>>
        %dma_wait3A_215 = arith.constant 0 : i32
        %dma_wait3A_216 = tpu.memref_slice %arg4[%add3A_208, %dma_wait3A_215] : memref<320000x128xf32, #tpu.memory_space<hbm>> -> memref<80x128xf32, #tpu.memory_space<hbm>>
        tpu.wait_dma2 semaphore(%arg23 : memref<!tpu.dma_semaphore, #tpu.memory_space<semaphore_mem>>) src(%dma_wait3A_216 : memref<80x128xf32, #tpu.memory_space<hbm>>) dst(%arg18 : memref<80x128xf32, #tpu.memory_space<vmem>>)
        %dma_start3A_217 = arith.constant 0 : i32
        %dma_start3A_218 = arith.constant 0 : i32
        %dma_start3A_219 = tpu.memref_slice %arg6[%dma_start3A_217, %dma_start3A_218] : memref<10000x128xf32, #tpu.memory_space<hbm>> -> memref<10000x128xf32, #tpu.memory_space<hbm>>
        tpu.enqueue_indirect_dma source(%dma_start3A_219 : memref<10000x128xf32, #tpu.memory_space<hbm>>) target(%arg18 : memref<80x128xf32, #tpu.memory_space<vmem>>) offsets(%arg10 : memref<80xi32, #tpu.memory_space<vmem>>) semaphore(%arg27 : memref<!tpu.dma_semaphore, #tpu.memory_space<semaphore_mem>>) {add = true}
      } else {
      }
      %le3A_123 = arith.constant 124 : i32
      %le3A_124 = arith.cmpi sle, %add3A_93, %le3A_123 : i32
      %convert_element_type3A_125 = arith.extui %le3A_124 : i1 to i32
      %cond3A_126 = arith.constant 0 : i32
      %cond3A_127 = arith.cmpi ne, %convert_element_type3A_125, %cond3A_126 : i32
      scf.if %cond3A_127 {
        %parallel_loop3A = arith.constant 0 : i32
        %parallel_loop3A_204 = arith.constant 80 : i32
        %parallel_loop3A_205 = arith.constant 1 : i32
        scf.for %parallel_loop3A_209 = %parallel_loop3A to %parallel_loop3A_204 step %parallel_loop3A_205  : i32 {
          %parallel_loop3A_210 = arith.index_cast %parallel_loop3A_209 : i32 to index
          %parallel_loop3A_211 = arith.constant 0 : index
          %parallel_loop3A_212 = tpu.vector_load %arg17[%parallel_loop3A_210, %parallel_loop3A_211] {strides = array<i32>} : memref<80x128xf32, #tpu.memory_space<vmem>>, vector<1x16xf32>,
          %parallel_loop3A_213 = vector.shape_cast %parallel_loop3A_212 : vector<1x16xf32> to vector<16xf32>
          %parallel_loop3A_214 = arith.constant 0.000000e+00 : f32
          %parallel_loop3A_215 = vector.broadcast %parallel_loop3A_214 : f32 to vector<16xf32>
          %parallel_loop3A_216 = arith.maximumf %parallel_loop3A_213, %parallel_loop3A_215 : vector<16xf32>
          %parallel_loop3A_217 = arith.index_cast %parallel_loop3A_209 : i32 to index
          %parallel_loop3A_218 = arith.constant 0 : index
          %parallel_loop3A_219 = tpu.vector_load %arg17[%parallel_loop3A_217, %parallel_loop3A_218] {strides = array<i32>} : memref<80x128xf32, #tpu.memory_space<vmem>>, vector<1x16xf32>,
          %parallel_loop3A_220 = vector.shape_cast %parallel_loop3A_219 : vector<1x16xf32> to vector<16xf32>
          %parallel_loop3A_221 = vector.shape_cast %parallel_loop3A_216 : vector<16xf32> to vector<1x16xf32>
          tpu.vector_store %arg17[%parallel_loop3A_217, %parallel_loop3A_218], %parallel_loop3A_221 {strides = array<i32>} : memref<80x128xf32, #tpu.memory_space<vmem>>, vector<1x16xf32>,
          %parallel_loop3A_222 = arith.index_cast %parallel_loop3A_209 : i32 to index
          %parallel_loop3A_223 = arith.constant 16 : index
          %parallel_loop3A_224 = tpu.vector_load %arg17[%parallel_loop3A_222, %parallel_loop3A_223] {strides = array<i32>} : memref<80x128xf32, #tpu.memory_space<vmem>>, vector<1x16xf32>,
          %parallel_loop3A_225 = vector.shape_cast %parallel_loop3A_224 : vector<1x16xf32> to vector<16xf32>
          %parallel_loop3A_226 = arith.constant 0.000000e+00 : f32
          %parallel_loop3A_227 = vector.broadcast %parallel_loop3A_226 : f32 to vector<16xf32>
          %parallel_loop3A_228 = arith.maximumf %parallel_loop3A_225, %parallel_loop3A_227 : vector<16xf32>
          %parallel_loop3A_229 = arith.index_cast %parallel_loop3A_209 : i32 to index
          %parallel_loop3A_230 = arith.constant 16 : index
          %parallel_loop3A_231 = tpu.vector_load %arg17[%parallel_loop3A_229, %parallel_loop3A_230] {strides = array<i32>} : memref<80x128xf32, #tpu.memory_space<vmem>>, vector<1x16xf32>,
          %parallel_loop3A_232 = vector.shape_cast %parallel_loop3A_231 : vector<1x16xf32> to vector<16xf32>
          %parallel_loop3A_233 = vector.shape_cast %parallel_loop3A_228 : vector<16xf32> to vector<1x16xf32>
          tpu.vector_store %arg17[%parallel_loop3A_229, %parallel_loop3A_230], %parallel_loop3A_233 {strides = array<i32>} : memref<80x128xf32, #tpu.memory_space<vmem>>, vector<1x16xf32>,
          %parallel_loop3A_234 = arith.index_cast %parallel_loop3A_209 : i32 to index
          %parallel_loop3A_235 = arith.constant 32 : index
          %parallel_loop3A_236 = tpu.vector_load %arg17[%parallel_loop3A_234, %parallel_loop3A_235] {strides = array<i32>} : memref<80x128xf32, #tpu.memory_space<vmem>>, vector<1x16xf32>,
          %parallel_loop3A_237 = vector.shape_cast %parallel_loop3A_236 : vector<1x16xf32> to vector<16xf32>
          %parallel_loop3A_238 = arith.constant 0.000000e+00 : f32
          %parallel_loop3A_239 = vector.broadcast %parallel_loop3A_238 : f32 to vector<16xf32>
          %parallel_loop3A_240 = arith.maximumf %parallel_loop3A_237, %parallel_loop3A_239 : vector<16xf32>
          %parallel_loop3A_241 = arith.index_cast %parallel_loop3A_209 : i32 to index
          %parallel_loop3A_242 = arith.constant 32 : index
          %parallel_loop3A_243 = tpu.vector_load %arg17[%parallel_loop3A_241, %parallel_loop3A_242] {strides = array<i32>} : memref<80x128xf32, #tpu.memory_space<vmem>>, vector<1x16xf32>,
          %parallel_loop3A_244 = vector.shape_cast %parallel_loop3A_243 : vector<1x16xf32> to vector<16xf32>
          %parallel_loop3A_245 = vector.shape_cast %parallel_loop3A_240 : vector<16xf32> to vector<1x16xf32>
          tpu.vector_store %arg17[%parallel_loop3A_241, %parallel_loop3A_242], %parallel_loop3A_245 {strides = array<i32>} : memref<80x128xf32, #tpu.memory_space<vmem>>, vector<1x16xf32>,
          %parallel_loop3A_246 = arith.index_cast %parallel_loop3A_209 : i32 to index
          %parallel_loop3A_247 = arith.constant 48 : index
          %parallel_loop3A_248 = tpu.vector_load %arg17[%parallel_loop3A_246, %parallel_loop3A_247] {strides = array<i32>} : memref<80x128xf32, #tpu.memory_space<vmem>>, vector<1x16xf32>,
          %parallel_loop3A_249 = vector.shape_cast %parallel_loop3A_248 : vector<1x16xf32> to vector<16xf32>
          %parallel_loop3A_250 = arith.constant 0.000000e+00 : f32
          %parallel_loop3A_251 = vector.broadcast %parallel_loop3A_250 : f32 to vector<16xf32>
          %parallel_loop3A_252 = arith.maximumf %parallel_loop3A_249, %parallel_loop3A_251 : vector<16xf32>
          %parallel_loop3A_253 = arith.index_cast %parallel_loop3A_209 : i32 to index
          %parallel_loop3A_254 = arith.constant 48 : index
          %parallel_loop3A_255 = tpu.vector_load %arg17[%parallel_loop3A_253, %parallel_loop3A_254] {strides = array<i32>} : memref<80x128xf32, #tpu.memory_space<vmem>>, vector<1x16xf32>,
          %parallel_loop3A_256 = vector.shape_cast %parallel_loop3A_255 : vector<1x16xf32> to vector<16xf32>
          %parallel_loop3A_257 = vector.shape_cast %parallel_loop3A_252 : vector<16xf32> to vector<1x16xf32>
          tpu.vector_store %arg17[%parallel_loop3A_253, %parallel_loop3A_254], %parallel_loop3A_257 {strides = array<i32>} : memref<80x128xf32, #tpu.memory_space<vmem>>, vector<1x16xf32>,
          %parallel_loop3A_258 = arith.index_cast %parallel_loop3A_209 : i32 to index
          %parallel_loop3A_259 = arith.constant 64 : index
          %parallel_loop3A_260 = tpu.vector_load %arg17[%parallel_loop3A_258, %parallel_loop3A_259] {strides = array<i32>} : memref<80x128xf32, #tpu.memory_space<vmem>>, vector<1x16xf32>,
          %parallel_loop3A_261 = vector.shape_cast %parallel_loop3A_260 : vector<1x16xf32> to vector<16xf32>
          %parallel_loop3A_262 = arith.constant 0.000000e+00 : f32
          %parallel_loop3A_263 = vector.broadcast %parallel_loop3A_262 : f32 to vector<16xf32>
          %parallel_loop3A_264 = arith.maximumf %parallel_loop3A_261, %parallel_loop3A_263 : vector<16xf32>
          %parallel_loop3A_265 = arith.index_cast %parallel_loop3A_209 : i32 to index
          %parallel_loop3A_266 = arith.constant 64 : index
          %parallel_loop3A_267 = tpu.vector_load %arg17[%parallel_loop3A_265, %parallel_loop3A_266] {strides = array<i32>} : memref<80x128xf32, #tpu.memory_space<vmem>>, vector<1x16xf32>,
          %parallel_loop3A_268 = vector.shape_cast %parallel_loop3A_267 : vector<1x16xf32> to vector<16xf32>
          %parallel_loop3A_269 = vector.shape_cast %parallel_loop3A_264 : vector<16xf32> to vector<1x16xf32>
          tpu.vector_store %arg17[%parallel_loop3A_265, %parallel_loop3A_266], %parallel_loop3A_269 {strides = array<i32>} : memref<80x128xf32, #tpu.memory_space<vmem>>, vector<1x16xf32>,
          %parallel_loop3A_270 = arith.index_cast %parallel_loop3A_209 : i32 to index
          %parallel_loop3A_271 = arith.constant 80 : index
          %parallel_loop3A_272 = tpu.vector_load %arg17[%parallel_loop3A_270, %parallel_loop3A_271] {strides = array<i32>} : memref<80x128xf32, #tpu.memory_space<vmem>>, vector<1x16xf32>,
          %parallel_loop3A_273 = vector.shape_cast %parallel_loop3A_272 : vector<1x16xf32> to vector<16xf32>
          %parallel_loop3A_274 = arith.constant 0.000000e+00 : f32
          %parallel_loop3A_275 = vector.broadcast %parallel_loop3A_274 : f32 to vector<16xf32>
          %parallel_loop3A_276 = arith.maximumf %parallel_loop3A_273, %parallel_loop3A_275 : vector<16xf32>
          %parallel_loop3A_277 = arith.index_cast %parallel_loop3A_209 : i32 to index
          %parallel_loop3A_278 = arith.constant 80 : index
          %parallel_loop3A_279 = tpu.vector_load %arg17[%parallel_loop3A_277, %parallel_loop3A_278] {strides = array<i32>} : memref<80x128xf32, #tpu.memory_space<vmem>>, vector<1x16xf32>,
          %parallel_loop3A_280 = vector.shape_cast %parallel_loop3A_279 : vector<1x16xf32> to vector<16xf32>
          %parallel_loop3A_281 = vector.shape_cast %parallel_loop3A_276 : vector<16xf32> to vector<1x16xf32>
          tpu.vector_store %arg17[%parallel_loop3A_277, %parallel_loop3A_278], %parallel_loop3A_281 {strides = array<i32>} : memref<80x128xf32, #tpu.memory_space<vmem>>, vector<1x16xf32>,
          %parallel_loop3A_282 = arith.index_cast %parallel_loop3A_209 : i32 to index
          %parallel_loop3A_283 = arith.constant 96 : index
          %parallel_loop3A_284 = tpu.vector_load %arg17[%parallel_loop3A_282, %parallel_loop3A_283] {strides = array<i32>} : memref<80x128xf32, #tpu.memory_space<vmem>>, vector<1x16xf32>,
          %parallel_loop3A_285 = vector.shape_cast %parallel_loop3A_284 : vector<1x16xf32> to vector<16xf32>
          %parallel_loop3A_286 = arith.constant 0.000000e+00 : f32
          %parallel_loop3A_287 = vector.broadcast %parallel_loop3A_286 : f32 to vector<16xf32>
          %parallel_loop3A_288 = arith.maximumf %parallel_loop3A_285, %parallel_loop3A_287 : vector<16xf32>
          %parallel_loop3A_289 = arith.index_cast %parallel_loop3A_209 : i32 to index
          %parallel_loop3A_290 = arith.constant 96 : index
          %parallel_loop3A_291 = tpu.vector_load %arg17[%parallel_loop3A_289, %parallel_loop3A_290] {strides = array<i32>} : memref<80x128xf32, #tpu.memory_space<vmem>>, vector<1x16xf32>,
          %parallel_loop3A_292 = vector.shape_cast %parallel_loop3A_291 : vector<1x16xf32> to vector<16xf32>
          %parallel_loop3A_293 = vector.shape_cast %parallel_loop3A_288 : vector<16xf32> to vector<1x16xf32>
          tpu.vector_store %arg17[%parallel_loop3A_289, %parallel_loop3A_290], %parallel_loop3A_293 {strides = array<i32>} : memref<80x128xf32, #tpu.memory_space<vmem>>, vector<1x16xf32>,
          %parallel_loop3A_294 = arith.index_cast %parallel_loop3A_209 : i32 to index
          %parallel_loop3A_295 = arith.constant 112 : index
          %parallel_loop3A_296 = tpu.vector_load %arg17[%parallel_loop3A_294, %parallel_loop3A_295] {strides = array<i32>} : memref<80x128xf32, #tpu.memory_space<vmem>>, vector<1x16xf32>,
          %parallel_loop3A_297 = vector.shape_cast %parallel_loop3A_296 : vector<1x16xf32> to vector<16xf32>
          %parallel_loop3A_298 = arith.constant 0.000000e+00 : f32
          %parallel_loop3A_299 = vector.broadcast %parallel_loop3A_298 : f32 to vector<16xf32>
          %parallel_loop3A_300 = arith.maximumf %parallel_loop3A_297, %parallel_loop3A_299 : vector<16xf32>
          %parallel_loop3A_301 = arith.index_cast %parallel_loop3A_209 : i32 to index
          %parallel_loop3A_302 = arith.constant 112 : index
          %parallel_loop3A_303 = tpu.vector_load %arg17[%parallel_loop3A_301, %parallel_loop3A_302] {strides = array<i32>} : memref<80x128xf32, #tpu.memory_space<vmem>>, vector<1x16xf32>,
          %parallel_loop3A_304 = vector.shape_cast %parallel_loop3A_303 : vector<1x16xf32> to vector<16xf32>
          %parallel_loop3A_305 = vector.shape_cast %parallel_loop3A_300 : vector<16xf32> to vector<1x16xf32>
          tpu.vector_store %arg17[%parallel_loop3A_301, %parallel_loop3A_302], %parallel_loop3A_305 {strides = array<i32>} : memref<80x128xf32, #tpu.memory_space<vmem>>, vector<1x16xf32>,
        } {sc.loop_unroll_factor = 4 : i64, sc.parallel_access}
        %dma_start3A_206 = arith.constant 0 : i32
        %dma_start3A_207 = arith.constant 0 : i32
        %dma_start3A_208 = tpu.memref_slice %arg20[%dma_start3A_206, %dma_start3A_207] : memref<10000x128xf32, #tpu.memory_space<vmem_shared>> -> memref<10000x128xf32, #tpu.memory_space<vmem_shared>>
        tpu.enqueue_indirect_dma source(%arg17 : memref<80x128xf32, #tpu.memory_space<vmem>>) target(%dma_start3A_208 : memref<10000x128xf32, #tpu.memory_space<vmem_shared>>) offsets(%arg13 : memref<80xi32, #tpu.memory_space<vmem>>) semaphore(%arg30 : memref<!tpu.dma_semaphore, #tpu.memory_space<semaphore_mem>>) {add = true}
      } else {
      }
      %mul3A_128 = arith.constant 4 : i32
      %mul3A_129 = arith.muli %scan3A_55, %mul3A_128 : i32
      %add3A_130 = arith.constant 2 : i32
      %add3A_131 = arith.addi %mul3A_129, %add3A_130 : i32
      %le3A_132 = arith.constant 124 : i32
      %le3A_133 = arith.cmpi sle, %add3A_131, %le3A_132 : i32
      %convert_element_type3A_134 = arith.extui %le3A_133 : i1 to i32
      %cond3A_135 = arith.constant 0 : i32
      %cond3A_136 = arith.cmpi ne, %convert_element_type3A_134, %cond3A_135 : i32
      scf.if %cond3A_136 {
        %dma_wait3A_204 = arith.constant 0 : i32
        %dma_wait3A_205 = arith.constant 0 : i32
        %dma_wait3A_206 = tpu.memref_slice %arg6[%dma_wait3A_204, %dma_wait3A_205] : memref<10000x128xf32, #tpu.memory_space<hbm>> -> memref<10000x128xf32, #tpu.memory_space<hbm>>
        tpu.wait_indirect_dma semaphore(%arg27 : memref<!tpu.dma_semaphore, #tpu.memory_space<semaphore_mem>>) src(%dma_wait3A_206 : memref<10000x128xf32, #tpu.memory_space<hbm>>) dst(%arg18 : memref<80x128xf32, #tpu.memory_space<vmem>>)
      } else {
      }
      %ge3A_137 = arith.constant 2 : i32
      %ge3A_138 = arith.cmpi sge, %add3A_131, %ge3A_137 : i32
      %sub3A_139 = arith.constant 2 : i32
      %sub3A_140 = arith.subi %add3A_131, %sub3A_139 : i32
      %le3A_141 = arith.constant 124 : i32
      %le3A_142 = arith.cmpi sle, %sub3A_140, %le3A_141 : i32
      %and3A_143 = arith.andi %ge3A_138, %le3A_142 : i1
      %convert_element_type3A_144 = arith.extui %and3A_143 : i1 to i32
      %cond3A_145 = arith.constant 0 : i32
      %cond3A_146 = arith.cmpi ne, %convert_element_type3A_144, %cond3A_145 : i32
      scf.if %cond3A_146 {
        %dma_wait3A_204 = arith.constant 0 : i32
        %dma_wait3A_205 = arith.constant 0 : i32
        %dma_wait3A_206 = tpu.memref_slice %arg20[%dma_wait3A_204, %dma_wait3A_205] : memref<10000x128xf32, #tpu.memory_space<vmem_shared>> -> memref<10000x128xf32, #tpu.memory_space<vmem_shared>>
        tpu.wait_indirect_dma semaphore(%arg29 : memref<!tpu.dma_semaphore, #tpu.memory_space<semaphore_mem>>) src(%arg16 : memref<80x128xf32, #tpu.memory_space<vmem>>) dst(%dma_wait3A_206 : memref<10000x128xf32, #tpu.memory_space<vmem_shared>>)
      } else {
      }
      %add3A_147 = arith.constant 2 : i32
      %add3A_148 = arith.addi %add3A_131, %add3A_147 : i32
      %le3A_149 = arith.constant 124 : i32
      %le3A_150 = arith.cmpi sle, %add3A_148, %le3A_149 : i32
      %convert_element_type3A_151 = arith.extui %le3A_150 : i1 to i32
      %cond3A_152 = arith.constant 0 : i32
      %cond3A_153 = arith.cmpi ne, %convert_element_type3A_151, %cond3A_152 : i32
      scf.if %cond3A_153 {
        %add3A_204 = arith.constant 2 : i32
        %add3A_205 = arith.addi %add3A_131, %add3A_204 : i32
        %mul3A_206 = arith.constant 80 : i32
        %mul3A_207 = arith.muli %add3A_205, %mul3A_206 : i32
        %add3A_208 = arith.addi %mul3A_2, %mul3A_207 : i32
        %dma_start3A_209 = tpu.memref_slice %arg2[%add3A_208] : memref<320000xi32, #tpu.memory_space<hbm>> -> memref<80xi32, #tpu.memory_space<hbm>>
        %dma_start3A_210 = tpu.memref_slice %arg2[%add3A_208] : memref<320000xi32, #tpu.memory_space<hbm>> -> memref<80xi32, #tpu.memory_space<hbm>>
        tpu.enqueue_dma source(%dma_start3A_210 : memref<80xi32, #tpu.memory_space<hbm>>) target(%arg8 : memref<80xi32, #tpu.memory_space<vmem>>) target_semaphore(%arg21 : memref<!tpu.dma_semaphore, #tpu.memory_space<semaphore_mem>>)
        %dma_start3A_211 = tpu.memref_slice %arg3[%add3A_208] : memref<320000xi32, #tpu.memory_space<hbm>> -> memref<80xi32, #tpu.memory_space<hbm>>
        %dma_start3A_212 = tpu.memref_slice %arg3[%add3A_208] : memref<320000xi32, #tpu.memory_space<hbm>> -> memref<80xi32, #tpu.memory_space<hbm>>
        tpu.enqueue_dma source(%dma_start3A_212 : memref<80xi32, #tpu.memory_space<hbm>>) target(%arg12 : memref<80xi32, #tpu.memory_space<vmem>>) target_semaphore(%arg21 : memref<!tpu.dma_semaphore, #tpu.memory_space<semaphore_mem>>)
        %dma_start3A_213 = arith.constant 0 : i32
        %dma_start3A_214 = tpu.memref_slice %arg4[%add3A_208, %dma_start3A_213] : memref<320000x128xf32, #tpu.memory_space<hbm>> -> memref<80x128xf32, #tpu.memory_space<hbm>>
        %dma_start3A_215 = arith.constant 0 : i32
        %dma_start3A_216 = tpu.memref_slice %arg4[%add3A_208, %dma_start3A_215] : memref<320000x128xf32, #tpu.memory_space<hbm>> -> memref<80x128xf32, #tpu.memory_space<hbm>>
        tpu.enqueue_dma source(%dma_start3A_216 : memref<80x128xf32, #tpu.memory_space<hbm>>) target(%arg16 : memref<80x128xf32, #tpu.memory_space<vmem>>) target_semaphore(%arg21 : memref<!tpu.dma_semaphore, #tpu.memory_space<semaphore_mem>>)
      } else {
      }
      %add3A_154 = arith.constant 1 : i32
      %add3A_155 = arith.addi %add3A_131, %add3A_154 : i32
      %le3A_156 = arith.constant 124 : i32
      %le3A_157 = arith.cmpi sle, %add3A_155, %le3A_156 : i32
      %convert_element_type3A_158 = arith.extui %le3A_157 : i1 to i32
      %cond3A_159 = arith.constant 0 : i32
      %cond3A_160 = arith.cmpi ne, %convert_element_type3A_158, %cond3A_159 : i32
      scf.if %cond3A_160 {
        %add3A_204 = arith.constant 1 : i32
        %add3A_205 = arith.addi %add3A_131, %add3A_204 : i32
        %mul3A_206 = arith.constant 80 : i32
        %mul3A_207 = arith.muli %add3A_205, %mul3A_206 : i32
        %add3A_208 = arith.addi %mul3A_2, %mul3A_207 : i32
        %dma_wait3A_209 = tpu.memref_slice %arg2[%add3A_208] : memref<320000xi32, #tpu.memory_space<hbm>> -> memref<80xi32, #tpu.memory_space<hbm>>
        %dma_wait3A_210 = tpu.memref_slice %arg2[%add3A_208] : memref<320000xi32, #tpu.memory_space<hbm>> -> memref<80xi32, #tpu.memory_space<hbm>>
        tpu.wait_dma2 semaphore(%arg24 : memref<!tpu.dma_semaphore, #tpu.memory_space<semaphore_mem>>) src(%dma_wait3A_210 : memref<80xi32, #tpu.memory_space<hbm>>) dst(%arg11 : memref<80xi32, #tpu.memory_space<vmem>>)
        %dma_wait3A_211 = tpu.memref_slice %arg3[%add3A_208] : memref<320000xi32, #tpu.memory_space<hbm>> -> memref<80xi32, #tpu.memory_space<hbm>>
        %dma_wait3A_212 = tpu.memref_slice %arg3[%add3A_208] : memref<320000xi32, #tpu.memory_space<hbm>> -> memref<80xi32, #tpu.memory_space<hbm>>
        tpu.wait_dma2 semaphore(%arg24 : memref<!tpu.dma_semaphore, #tpu.memory_space<semaphore_mem>>) src(%dma_wait3A_212 : memref<80xi32, #tpu.memory_space<hbm>>) dst(%arg15 : memref<80xi32, #tpu.memory_space<vmem>>)
        %dma_wait3A_213 = arith.constant 0 : i32
        %dma_wait3A_214 = tpu.memref_slice %arg4[%add3A_208, %dma_wait3A_213] : memref<320000x128xf32, #tpu.memory_space<hbm>> -> memref<80x128xf32, #tpu.memory_space<hbm>>
        %dma_wait3A_215 = arith.constant 0 : i32
        %dma_wait3A_216 = tpu.memref_slice %arg4[%add3A_208, %dma_wait3A_215] : memref<320000x128xf32, #tpu.memory_space<hbm>> -> memref<80x128xf32, #tpu.memory_space<hbm>>
        tpu.wait_dma2 semaphore(%arg24 : memref<!tpu.dma_semaphore, #tpu.memory_space<semaphore_mem>>) src(%dma_wait3A_216 : memref<80x128xf32, #tpu.memory_space<hbm>>) dst(%arg19 : memref<80x128xf32, #tpu.memory_space<vmem>>)
        %dma_start3A_217 = arith.constant 0 : i32
        %dma_start3A_218 = arith.constant 0 : i32
        %dma_start3A_219 = tpu.memref_slice %arg6[%dma_start3A_217, %dma_start3A_218] : memref<10000x128xf32, #tpu.memory_space<hbm>> -> memref<10000x128xf32, #tpu.memory_space<hbm>>
        tpu.enqueue_indirect_dma source(%dma_start3A_219 : memref<10000x128xf32, #tpu.memory_space<hbm>>) target(%arg19 : memref<80x128xf32, #tpu.memory_space<vmem>>) offsets(%arg11 : memref<80xi32, #tpu.memory_space<vmem>>) semaphore(%arg28 : memref<!tpu.dma_semaphore, #tpu.memory_space<semaphore_mem>>) {add = true}
      } else {
      }
      %le3A_161 = arith.constant 124 : i32
      %le3A_162 = arith.cmpi sle, %add3A_131, %le3A_161 : i32
      %convert_element_type3A_163 = arith.extui %le3A_162 : i1 to i32
      %cond3A_164 = arith.constant 0 : i32
      %cond3A_165 = arith.cmpi ne, %convert_element_type3A_163, %cond3A_164 : i32
      scf.if %cond3A_165 {
        %parallel_loop3A = arith.constant 0 : i32
        %parallel_loop3A_204 = arith.constant 80 : i32
        %parallel_loop3A_205 = arith.constant 1 : i32
        scf.for %parallel_loop3A_209 = %parallel_loop3A to %parallel_loop3A_204 step %parallel_loop3A_205  : i32 {
          %parallel_loop3A_210 = arith.index_cast %parallel_loop3A_209 : i32 to index
          %parallel_loop3A_211 = arith.constant 0 : index
          %parallel_loop3A_212 = tpu.vector_load %arg18[%parallel_loop3A_210, %parallel_loop3A_211] {strides = array<i32>} : memref<80x128xf32, #tpu.memory_space<vmem>>, vector<1x16xf32>,
          %parallel_loop3A_213 = vector.shape_cast %parallel_loop3A_212 : vector<1x16xf32> to vector<16xf32>
          %parallel_loop3A_214 = arith.constant 0.000000e+00 : f32
          %parallel_loop3A_215 = vector.broadcast %parallel_loop3A_214 : f32 to vector<16xf32>
          %parallel_loop3A_216 = arith.maximumf %parallel_loop3A_213, %parallel_loop3A_215 : vector<16xf32>
          %parallel_loop3A_217 = arith.index_cast %parallel_loop3A_209 : i32 to index
          %parallel_loop3A_218 = arith.constant 0 : index
          %parallel_loop3A_219 = tpu.vector_load %arg18[%parallel_loop3A_217, %parallel_loop3A_218] {strides = array<i32>} : memref<80x128xf32, #tpu.memory_space<vmem>>, vector<1x16xf32>,
          %parallel_loop3A_220 = vector.shape_cast %parallel_loop3A_219 : vector<1x16xf32> to vector<16xf32>
          %parallel_loop3A_221 = vector.shape_cast %parallel_loop3A_216 : vector<16xf32> to vector<1x16xf32>
          tpu.vector_store %arg18[%parallel_loop3A_217, %parallel_loop3A_218], %parallel_loop3A_221 {strides = array<i32>} : memref<80x128xf32, #tpu.memory_space<vmem>>, vector<1x16xf32>,
          %parallel_loop3A_222 = arith.index_cast %parallel_loop3A_209 : i32 to index
          %parallel_loop3A_223 = arith.constant 16 : index
          %parallel_loop3A_224 = tpu.vector_load %arg18[%parallel_loop3A_222, %parallel_loop3A_223] {strides = array<i32>} : memref<80x128xf32, #tpu.memory_space<vmem>>, vector<1x16xf32>,
          %parallel_loop3A_225 = vector.shape_cast %parallel_loop3A_224 : vector<1x16xf32> to vector<16xf32>
          %parallel_loop3A_226 = arith.constant 0.000000e+00 : f32
          %parallel_loop3A_227 = vector.broadcast %parallel_loop3A_226 : f32 to vector<16xf32>
          %parallel_loop3A_228 = arith.maximumf %parallel_loop3A_225, %parallel_loop3A_227 : vector<16xf32>
          %parallel_loop3A_229 = arith.index_cast %parallel_loop3A_209 : i32 to index
          %parallel_loop3A_230 = arith.constant 16 : index
          %parallel_loop3A_231 = tpu.vector_load %arg18[%parallel_loop3A_229, %parallel_loop3A_230] {strides = array<i32>} : memref<80x128xf32, #tpu.memory_space<vmem>>, vector<1x16xf32>,
          %parallel_loop3A_232 = vector.shape_cast %parallel_loop3A_231 : vector<1x16xf32> to vector<16xf32>
          %parallel_loop3A_233 = vector.shape_cast %parallel_loop3A_228 : vector<16xf32> to vector<1x16xf32>
          tpu.vector_store %arg18[%parallel_loop3A_229, %parallel_loop3A_230], %parallel_loop3A_233 {strides = array<i32>} : memref<80x128xf32, #tpu.memory_space<vmem>>, vector<1x16xf32>,
          %parallel_loop3A_234 = arith.index_cast %parallel_loop3A_209 : i32 to index
          %parallel_loop3A_235 = arith.constant 32 : index
          %parallel_loop3A_236 = tpu.vector_load %arg18[%parallel_loop3A_234, %parallel_loop3A_235] {strides = array<i32>} : memref<80x128xf32, #tpu.memory_space<vmem>>, vector<1x16xf32>,
          %parallel_loop3A_237 = vector.shape_cast %parallel_loop3A_236 : vector<1x16xf32> to vector<16xf32>
          %parallel_loop3A_238 = arith.constant 0.000000e+00 : f32
          %parallel_loop3A_239 = vector.broadcast %parallel_loop3A_238 : f32 to vector<16xf32>
          %parallel_loop3A_240 = arith.maximumf %parallel_loop3A_237, %parallel_loop3A_239 : vector<16xf32>
          %parallel_loop3A_241 = arith.index_cast %parallel_loop3A_209 : i32 to index
          %parallel_loop3A_242 = arith.constant 32 : index
          %parallel_loop3A_243 = tpu.vector_load %arg18[%parallel_loop3A_241, %parallel_loop3A_242] {strides = array<i32>} : memref<80x128xf32, #tpu.memory_space<vmem>>, vector<1x16xf32>,
          %parallel_loop3A_244 = vector.shape_cast %parallel_loop3A_243 : vector<1x16xf32> to vector<16xf32>
          %parallel_loop3A_245 = vector.shape_cast %parallel_loop3A_240 : vector<16xf32> to vector<1x16xf32>
          tpu.vector_store %arg18[%parallel_loop3A_241, %parallel_loop3A_242], %parallel_loop3A_245 {strides = array<i32>} : memref<80x128xf32, #tpu.memory_space<vmem>>, vector<1x16xf32>,
          %parallel_loop3A_246 = arith.index_cast %parallel_loop3A_209 : i32 to index
          %parallel_loop3A_247 = arith.constant 48 : index
          %parallel_loop3A_248 = tpu.vector_load %arg18[%parallel_loop3A_246, %parallel_loop3A_247] {strides = array<i32>} : memref<80x128xf32, #tpu.memory_space<vmem>>, vector<1x16xf32>,
          %parallel_loop3A_249 = vector.shape_cast %parallel_loop3A_248 : vector<1x16xf32> to vector<16xf32>
          %parallel_loop3A_250 = arith.constant 0.000000e+00 : f32
          %parallel_loop3A_251 = vector.broadcast %parallel_loop3A_250 : f32 to vector<16xf32>
          %parallel_loop3A_252 = arith.maximumf %parallel_loop3A_249, %parallel_loop3A_251 : vector<16xf32>
          %parallel_loop3A_253 = arith.index_cast %parallel_loop3A_209 : i32 to index
          %parallel_loop3A_254 = arith.constant 48 : index
          %parallel_loop3A_255 = tpu.vector_load %arg18[%parallel_loop3A_253, %parallel_loop3A_254] {strides = array<i32>} : memref<80x128xf32, #tpu.memory_space<vmem>>, vector<1x16xf32>,
          %parallel_loop3A_256 = vector.shape_cast %parallel_loop3A_255 : vector<1x16xf32> to vector<16xf32>
          %parallel_loop3A_257 = vector.shape_cast %parallel_loop3A_252 : vector<16xf32> to vector<1x16xf32>
          tpu.vector_store %arg18[%parallel_loop3A_253, %parallel_loop3A_254], %parallel_loop3A_257 {strides = array<i32>} : memref<80x128xf32, #tpu.memory_space<vmem>>, vector<1x16xf32>,
          %parallel_loop3A_258 = arith.index_cast %parallel_loop3A_209 : i32 to index
          %parallel_loop3A_259 = arith.constant 64 : index
          %parallel_loop3A_260 = tpu.vector_load %arg18[%parallel_loop3A_258, %parallel_loop3A_259] {strides = array<i32>} : memref<80x128xf32, #tpu.memory_space<vmem>>, vector<1x16xf32>,
          %parallel_loop3A_261 = vector.shape_cast %parallel_loop3A_260 : vector<1x16xf32> to vector<16xf32>
          %parallel_loop3A_262 = arith.constant 0.000000e+00 : f32
          %parallel_loop3A_263 = vector.broadcast %parallel_loop3A_262 : f32 to vector<16xf32>
          %parallel_loop3A_264 = arith.maximumf %parallel_loop3A_261, %parallel_loop3A_263 : vector<16xf32>
          %parallel_loop3A_265 = arith.index_cast %parallel_loop3A_209 : i32 to index
          %parallel_loop3A_266 = arith.constant 64 : index
          %parallel_loop3A_267 = tpu.vector_load %arg18[%parallel_loop3A_265, %parallel_loop3A_266] {strides = array<i32>} : memref<80x128xf32, #tpu.memory_space<vmem>>, vector<1x16xf32>,
          %parallel_loop3A_268 = vector.shape_cast %parallel_loop3A_267 : vector<1x16xf32> to vector<16xf32>
          %parallel_loop3A_269 = vector.shape_cast %parallel_loop3A_264 : vector<16xf32> to vector<1x16xf32>
          tpu.vector_store %arg18[%parallel_loop3A_265, %parallel_loop3A_266], %parallel_loop3A_269 {strides = array<i32>} : memref<80x128xf32, #tpu.memory_space<vmem>>, vector<1x16xf32>,
          %parallel_loop3A_270 = arith.index_cast %parallel_loop3A_209 : i32 to index
          %parallel_loop3A_271 = arith.constant 80 : index
          %parallel_loop3A_272 = tpu.vector_load %arg18[%parallel_loop3A_270, %parallel_loop3A_271] {strides = array<i32>} : memref<80x128xf32, #tpu.memory_space<vmem>>, vector<1x16xf32>,
          %parallel_loop3A_273 = vector.shape_cast %parallel_loop3A_272 : vector<1x16xf32> to vector<16xf32>
          %parallel_loop3A_274 = arith.constant 0.000000e+00 : f32
          %parallel_loop3A_275 = vector.broadcast %parallel_loop3A_274 : f32 to vector<16xf32>
          %parallel_loop3A_276 = arith.maximumf %parallel_loop3A_273, %parallel_loop3A_275 : vector<16xf32>
          %parallel_loop3A_277 = arith.index_cast %parallel_loop3A_209 : i32 to index
          %parallel_loop3A_278 = arith.constant 80 : index
          %parallel_loop3A_279 = tpu.vector_load %arg18[%parallel_loop3A_277, %parallel_loop3A_278] {strides = array<i32>} : memref<80x128xf32, #tpu.memory_space<vmem>>, vector<1x16xf32>,
          %parallel_loop3A_280 = vector.shape_cast %parallel_loop3A_279 : vector<1x16xf32> to vector<16xf32>
          %parallel_loop3A_281 = vector.shape_cast %parallel_loop3A_276 : vector<16xf32> to vector<1x16xf32>
          tpu.vector_store %arg18[%parallel_loop3A_277, %parallel_loop3A_278], %parallel_loop3A_281 {strides = array<i32>} : memref<80x128xf32, #tpu.memory_space<vmem>>, vector<1x16xf32>,
          %parallel_loop3A_282 = arith.index_cast %parallel_loop3A_209 : i32 to index
          %parallel_loop3A_283 = arith.constant 96 : index
          %parallel_loop3A_284 = tpu.vector_load %arg18[%parallel_loop3A_282, %parallel_loop3A_283] {strides = array<i32>} : memref<80x128xf32, #tpu.memory_space<vmem>>, vector<1x16xf32>,
          %parallel_loop3A_285 = vector.shape_cast %parallel_loop3A_284 : vector<1x16xf32> to vector<16xf32>
          %parallel_loop3A_286 = arith.constant 0.000000e+00 : f32
          %parallel_loop3A_287 = vector.broadcast %parallel_loop3A_286 : f32 to vector<16xf32>
          %parallel_loop3A_288 = arith.maximumf %parallel_loop3A_285, %parallel_loop3A_287 : vector<16xf32>
          %parallel_loop3A_289 = arith.index_cast %parallel_loop3A_209 : i32 to index
          %parallel_loop3A_290 = arith.constant 96 : index
          %parallel_loop3A_291 = tpu.vector_load %arg18[%parallel_loop3A_289, %parallel_loop3A_290] {strides = array<i32>} : memref<80x128xf32, #tpu.memory_space<vmem>>, vector<1x16xf32>,
          %parallel_loop3A_292 = vector.shape_cast %parallel_loop3A_291 : vector<1x16xf32> to vector<16xf32>
          %parallel_loop3A_293 = vector.shape_cast %parallel_loop3A_288 : vector<16xf32> to vector<1x16xf32>
          tpu.vector_store %arg18[%parallel_loop3A_289, %parallel_loop3A_290], %parallel_loop3A_293 {strides = array<i32>} : memref<80x128xf32, #tpu.memory_space<vmem>>, vector<1x16xf32>,
          %parallel_loop3A_294 = arith.index_cast %parallel_loop3A_209 : i32 to index
          %parallel_loop3A_295 = arith.constant 112 : index
          %parallel_loop3A_296 = tpu.vector_load %arg18[%parallel_loop3A_294, %parallel_loop3A_295] {strides = array<i32>} : memref<80x128xf32, #tpu.memory_space<vmem>>, vector<1x16xf32>,
          %parallel_loop3A_297 = vector.shape_cast %parallel_loop3A_296 : vector<1x16xf32> to vector<16xf32>
          %parallel_loop3A_298 = arith.constant 0.000000e+00 : f32
          %parallel_loop3A_299 = vector.broadcast %parallel_loop3A_298 : f32 to vector<16xf32>
          %parallel_loop3A_300 = arith.maximumf %parallel_loop3A_297, %parallel_loop3A_299 : vector<16xf32>
          %parallel_loop3A_301 = arith.index_cast %parallel_loop3A_209 : i32 to index
          %parallel_loop3A_302 = arith.constant 112 : index
          %parallel_loop3A_303 = tpu.vector_load %arg18[%parallel_loop3A_301, %parallel_loop3A_302] {strides = array<i32>} : memref<80x128xf32, #tpu.memory_space<vmem>>, vector<1x16xf32>,
          %parallel_loop3A_304 = vector.shape_cast %parallel_loop3A_303 : vector<1x16xf32> to vector<16xf32>
          %parallel_loop3A_305 = vector.shape_cast %parallel_loop3A_300 : vector<16xf32> to vector<1x16xf32>
          tpu.vector_store %arg18[%parallel_loop3A_301, %parallel_loop3A_302], %parallel_loop3A_305 {strides = array<i32>} : memref<80x128xf32, #tpu.memory_space<vmem>>, vector<1x16xf32>,
        } {sc.loop_unroll_factor = 4 : i64, sc.parallel_access}
        %dma_start3A_206 = arith.constant 0 : i32
        %dma_start3A_207 = arith.constant 0 : i32
        %dma_start3A_208 = tpu.memref_slice %arg20[%dma_start3A_206, %dma_start3A_207] : memref<10000x128xf32, #tpu.memory_space<vmem_shared>> -> memref<10000x128xf32, #tpu.memory_space<vmem_shared>>
        tpu.enqueue_indirect_dma source(%arg18 : memref<80x128xf32, #tpu.memory_space<vmem>>) target(%dma_start3A_208 : memref<10000x128xf32, #tpu.memory_space<vmem_shared>>) offsets(%arg14 : memref<80xi32, #tpu.memory_space<vmem>>) semaphore(%arg31 : memref<!tpu.dma_semaphore, #tpu.memory_space<semaphore_mem>>) {add = true}
      } else {
      }
      %mul3A_166 = arith.constant 4 : i32
      %mul3A_167 = arith.muli %scan3A_55, %mul3A_166 : i32
      %add3A_168 = arith.constant 3 : i32
      %add3A_169 = arith.addi %mul3A_167, %add3A_168 : i32
      %le3A_170 = arith.constant 124 : i32
      %le3A_171 = arith.cmpi sle, %add3A_169, %le3A_170 : i32
      %convert_element_type3A_172 = arith.extui %le3A_171 : i1 to i32
      %cond3A_173 = arith.constant 0 : i32
      %cond3A_174 = arith.cmpi ne, %convert_element_type3A_172, %cond3A_173 : i32
      scf.if %cond3A_174 {
        %dma_wait3A_204 = arith.constant 0 : i32
        %dma_wait3A_205 = arith.constant 0 : i32
        %dma_wait3A_206 = tpu.memref_slice %arg6[%dma_wait3A_204, %dma_wait3A_205] : memref<10000x128xf32, #tpu.memory_space<hbm>> -> memref<10000x128xf32, #tpu.memory_space<hbm>>
        tpu.wait_indirect_dma semaphore(%arg28 : memref<!tpu.dma_semaphore, #tpu.memory_space<semaphore_mem>>) src(%dma_wait3A_206 : memref<10000x128xf32, #tpu.memory_space<hbm>>) dst(%arg19 : memref<80x128xf32, #tpu.memory_space<vmem>>)
      } else {
      }
      %ge3A_175 = arith.constant 2 : i32
      %ge3A_176 = arith.cmpi sge, %add3A_169, %ge3A_175 : i32
      %sub3A_177 = arith.constant 2 : i32
      %sub3A_178 = arith.subi %add3A_169, %sub3A_177 : i32
      %le3A_179 = arith.constant 124 : i32
      %le3A_180 = arith.cmpi sle, %sub3A_178, %le3A_179 : i32
      %and3A_181 = arith.andi %ge3A_176, %le3A_180 : i1
      %convert_element_type3A_182 = arith.extui %and3A_181 : i1 to i32
      %cond3A_183 = arith.constant 0 : i32
      %cond3A_184 = arith.cmpi ne, %convert_element_type3A_182, %cond3A_183 : i32
      scf.if %cond3A_184 {
        %dma_wait3A_204 = arith.constant 0 : i32
        %dma_wait3A_205 = arith.constant 0 : i32
        %dma_wait3A_206 = tpu.memref_slice %arg20[%dma_wait3A_204, %dma_wait3A_205] : memref<10000x128xf32, #tpu.memory_space<vmem_shared>> -> memref<10000x128xf32, #tpu.memory_space<vmem_shared>>
        tpu.wait_indirect_dma semaphore(%arg30 : memref<!tpu.dma_semaphore, #tpu.memory_space<semaphore_mem>>) src(%arg17 : memref<80x128xf32, #tpu.memory_space<vmem>>) dst(%dma_wait3A_206 : memref<10000x128xf32, #tpu.memory_space<vmem_shared>>)
      } else {
      }
      %add3A_185 = arith.constant 2 : i32
      %add3A_186 = arith.addi %add3A_169, %add3A_185 : i32
      %le3A_187 = arith.constant 124 : i32
      %le3A_188 = arith.cmpi sle, %add3A_186, %le3A_187 : i32
      %convert_element_type3A_189 = arith.extui %le3A_188 : i1 to i32
      %cond3A_190 = arith.constant 0 : i32
      %cond3A_191 = arith.cmpi ne, %convert_element_type3A_189, %cond3A_190 : i32
      scf.if %cond3A_191 {
        %add3A_204 = arith.constant 2 : i32
        %add3A_205 = arith.addi %add3A_169, %add3A_204 : i32
        %mul3A_206 = arith.constant 80 : i32
        %mul3A_207 = arith.muli %add3A_205, %mul3A_206 : i32
        %add3A_208 = arith.addi %mul3A_2, %mul3A_207 : i32
        %dma_start3A_209 = tpu.memref_slice %arg2[%add3A_208] : memref<320000xi32, #tpu.memory_space<hbm>> -> memref<80xi32, #tpu.memory_space<hbm>>
        %dma_start3A_210 = tpu.memref_slice %arg2[%add3A_208] : memref<320000xi32, #tpu.memory_space<hbm>> -> memref<80xi32, #tpu.memory_space<hbm>>
        tpu.enqueue_dma source(%dma_start3A_210 : memref<80xi32, #tpu.memory_space<hbm>>) target(%arg9 : memref<80xi32, #tpu.memory_space<vmem>>) target_semaphore(%arg22 : memref<!tpu.dma_semaphore, #tpu.memory_space<semaphore_mem>>)
        %dma_start3A_211 = tpu.memref_slice %arg3[%add3A_208] : memref<320000xi32, #tpu.memory_space<hbm>> -> memref<80xi32, #tpu.memory_space<hbm>>
        %dma_start3A_212 = tpu.memref_slice %arg3[%add3A_208] : memref<320000xi32, #tpu.memory_space<hbm>> -> memref<80xi32, #tpu.memory_space<hbm>>
        tpu.enqueue_dma source(%dma_start3A_212 : memref<80xi32, #tpu.memory_space<hbm>>) target(%arg13 : memref<80xi32, #tpu.memory_space<vmem>>) target_semaphore(%arg22 : memref<!tpu.dma_semaphore, #tpu.memory_space<semaphore_mem>>)
        %dma_start3A_213 = arith.constant 0 : i32
        %dma_start3A_214 = tpu.memref_slice %arg4[%add3A_208, %dma_start3A_213] : memref<320000x128xf32, #tpu.memory_space<hbm>> -> memref<80x128xf32, #tpu.memory_space<hbm>>
        %dma_start3A_215 = arith.constant 0 : i32
        %dma_start3A_216 = tpu.memref_slice %arg4[%add3A_208, %dma_start3A_215] : memref<320000x128xf32, #tpu.memory_space<hbm>> -> memref<80x128xf32, #tpu.memory_space<hbm>>
        tpu.enqueue_dma source(%dma_start3A_216 : memref<80x128xf32, #tpu.memory_space<hbm>>) target(%arg17 : memref<80x128xf32, #tpu.memory_space<vmem>>) target_semaphore(%arg22 : memref<!tpu.dma_semaphore, #tpu.memory_space<semaphore_mem>>)
      } else {
      }
      %add3A_192 = arith.constant 1 : i32
      %add3A_193 = arith.addi %add3A_169, %add3A_192 : i32
      %le3A_194 = arith.constant 124 : i32
      %le3A_195 = arith.cmpi sle, %add3A_193, %le3A_194 : i32
      %convert_element_type3A_196 = arith.extui %le3A_195 : i1 to i32
      %cond3A_197 = arith.constant 0 : i32
      %cond3A_198 = arith.cmpi ne, %convert_element_type3A_196, %cond3A_197 : i32
      scf.if %cond3A_198 {
        %add3A_204 = arith.constant 1 : i32
        %add3A_205 = arith.addi %add3A_169, %add3A_204 : i32
        %mul3A_206 = arith.constant 80 : i32
        %mul3A_207 = arith.muli %add3A_205, %mul3A_206 : i32
        %add3A_208 = arith.addi %mul3A_2, %mul3A_207 : i32
        %dma_wait3A_209 = tpu.memref_slice %arg2[%add3A_208] : memref<320000xi32, #tpu.memory_space<hbm>> -> memref<80xi32, #tpu.memory_space<hbm>>
        %dma_wait3A_210 = tpu.memref_slice %arg2[%add3A_208] : memref<320000xi32, #tpu.memory_space<hbm>> -> memref<80xi32, #tpu.memory_space<hbm>>
        tpu.wait_dma2 semaphore(%arg21 : memref<!tpu.dma_semaphore, #tpu.memory_space<semaphore_mem>>) src(%dma_wait3A_210 : memref<80xi32, #tpu.memory_space<hbm>>) dst(%arg8 : memref<80xi32, #tpu.memory_space<vmem>>)
        %dma_wait3A_211 = tpu.memref_slice %arg3[%add3A_208] : memref<320000xi32, #tpu.memory_space<hbm>> -> memref<80xi32, #tpu.memory_space<hbm>>
        %dma_wait3A_212 = tpu.memref_slice %arg3[%add3A_208] : memref<320000xi32, #tpu.memory_space<hbm>> -> memref<80xi32, #tpu.memory_space<hbm>>
        tpu.wait_dma2 semaphore(%arg21 : memref<!tpu.dma_semaphore, #tpu.memory_space<semaphore_mem>>) src(%dma_wait3A_212 : memref<80xi32, #tpu.memory_space<hbm>>) dst(%arg12 : memref<80xi32, #tpu.memory_space<vmem>>)
        %dma_wait3A_213 = arith.constant 0 : i32
        %dma_wait3A_214 = tpu.memref_slice %arg4[%add3A_208, %dma_wait3A_213] : memref<320000x128xf32, #tpu.memory_space<hbm>> -> memref<80x128xf32, #tpu.memory_space<hbm>>
        %dma_wait3A_215 = arith.constant 0 : i32
        %dma_wait3A_216 = tpu.memref_slice %arg4[%add3A_208, %dma_wait3A_215] : memref<320000x128xf32, #tpu.memory_space<hbm>> -> memref<80x128xf32, #tpu.memory_space<hbm>>
        tpu.wait_dma2 semaphore(%arg21 : memref<!tpu.dma_semaphore, #tpu.memory_space<semaphore_mem>>) src(%dma_wait3A_216 : memref<80x128xf32, #tpu.memory_space<hbm>>) dst(%arg16 : memref<80x128xf32, #tpu.memory_space<vmem>>)
        %dma_start3A_217 = arith.constant 0 : i32
        %dma_start3A_218 = arith.constant 0 : i32
        %dma_start3A_219 = tpu.memref_slice %arg6[%dma_start3A_217, %dma_start3A_218] : memref<10000x128xf32, #tpu.memory_space<hbm>> -> memref<10000x128xf32, #tpu.memory_space<hbm>>
        tpu.enqueue_indirect_dma source(%dma_start3A_219 : memref<10000x128xf32, #tpu.memory_space<hbm>>) target(%arg16 : memref<80x128xf32, #tpu.memory_space<vmem>>) offsets(%arg8 : memref<80xi32, #tpu.memory_space<vmem>>) semaphore(%arg25 : memref<!tpu.dma_semaphore, #tpu.memory_space<semaphore_mem>>) {add = true}
      } else {
      }
      %le3A_199 = arith.constant 124 : i32
      %le3A_200 = arith.cmpi sle, %add3A_169, %le3A_199 : i32
      %convert_element_type3A_201 = arith.extui %le3A_200 : i1 to i32
      %cond3A_202 = arith.constant 0 : i32
      %cond3A_203 = arith.cmpi ne, %convert_element_type3A_201, %cond3A_202 : i32
      scf.if %cond3A_203 {
        %parallel_loop3A = arith.constant 0 : i32
        %parallel_loop3A_204 = arith.constant 80 : i32
        %parallel_loop3A_205 = arith.constant 1 : i32
        scf.for %parallel_loop3A_209 = %parallel_loop3A to %parallel_loop3A_204 step %parallel_loop3A_205  : i32 {
          %parallel_loop3A_210 = arith.index_cast %parallel_loop3A_209 : i32 to index
          %parallel_loop3A_211 = arith.constant 0 : index
          %parallel_loop3A_212 = tpu.vector_load %arg19[%parallel_loop3A_210, %parallel_loop3A_211] {strides = array<i32>} : memref<80x128xf32, #tpu.memory_space<vmem>>, vector<1x16xf32>,
          %parallel_loop3A_213 = vector.shape_cast %parallel_loop3A_212 : vector<1x16xf32> to vector<16xf32>
          %parallel_loop3A_214 = arith.constant 0.000000e+00 : f32
          %parallel_loop3A_215 = vector.broadcast %parallel_loop3A_214 : f32 to vector<16xf32>
          %parallel_loop3A_216 = arith.maximumf %parallel_loop3A_213, %parallel_loop3A_215 : vector<16xf32>
          %parallel_loop3A_217 = arith.index_cast %parallel_loop3A_209 : i32 to index
          %parallel_loop3A_218 = arith.constant 0 : index
          %parallel_loop3A_219 = tpu.vector_load %arg19[%parallel_loop3A_217, %parallel_loop3A_218] {strides = array<i32>} : memref<80x128xf32, #tpu.memory_space<vmem>>, vector<1x16xf32>,
          %parallel_loop3A_220 = vector.shape_cast %parallel_loop3A_219 : vector<1x16xf32> to vector<16xf32>
          %parallel_loop3A_221 = vector.shape_cast %parallel_loop3A_216 : vector<16xf32> to vector<1x16xf32>
          tpu.vector_store %arg19[%parallel_loop3A_217, %parallel_loop3A_218], %parallel_loop3A_221 {strides = array<i32>} : memref<80x128xf32, #tpu.memory_space<vmem>>, vector<1x16xf32>,
          %parallel_loop3A_222 = arith.index_cast %parallel_loop3A_209 : i32 to index
          %parallel_loop3A_223 = arith.constant 16 : index
          %parallel_loop3A_224 = tpu.vector_load %arg19[%parallel_loop3A_222, %parallel_loop3A_223] {strides = array<i32>} : memref<80x128xf32, #tpu.memory_space<vmem>>, vector<1x16xf32>,
          %parallel_loop3A_225 = vector.shape_cast %parallel_loop3A_224 : vector<1x16xf32> to vector<16xf32>
          %parallel_loop3A_226 = arith.constant 0.000000e+00 : f32
          %parallel_loop3A_227 = vector.broadcast %parallel_loop3A_226 : f32 to vector<16xf32>
          %parallel_loop3A_228 = arith.maximumf %parallel_loop3A_225, %parallel_loop3A_227 : vector<16xf32>
          %parallel_loop3A_229 = arith.index_cast %parallel_loop3A_209 : i32 to index
          %parallel_loop3A_230 = arith.constant 16 : index
          %parallel_loop3A_231 = tpu.vector_load %arg19[%parallel_loop3A_229, %parallel_loop3A_230] {strides = array<i32>} : memref<80x128xf32, #tpu.memory_space<vmem>>, vector<1x16xf32>,
          %parallel_loop3A_232 = vector.shape_cast %parallel_loop3A_231 : vector<1x16xf32> to vector<16xf32>
          %parallel_loop3A_233 = vector.shape_cast %parallel_loop3A_228 : vector<16xf32> to vector<1x16xf32>
          tpu.vector_store %arg19[%parallel_loop3A_229, %parallel_loop3A_230], %parallel_loop3A_233 {strides = array<i32>} : memref<80x128xf32, #tpu.memory_space<vmem>>, vector<1x16xf32>,
          %parallel_loop3A_234 = arith.index_cast %parallel_loop3A_209 : i32 to index
          %parallel_loop3A_235 = arith.constant 32 : index
          %parallel_loop3A_236 = tpu.vector_load %arg19[%parallel_loop3A_234, %parallel_loop3A_235] {strides = array<i32>} : memref<80x128xf32, #tpu.memory_space<vmem>>, vector<1x16xf32>,
          %parallel_loop3A_237 = vector.shape_cast %parallel_loop3A_236 : vector<1x16xf32> to vector<16xf32>
          %parallel_loop3A_238 = arith.constant 0.000000e+00 : f32
          %parallel_loop3A_239 = vector.broadcast %parallel_loop3A_238 : f32 to vector<16xf32>
          %parallel_loop3A_240 = arith.maximumf %parallel_loop3A_237, %parallel_loop3A_239 : vector<16xf32>
          %parallel_loop3A_241 = arith.index_cast %parallel_loop3A_209 : i32 to index
          %parallel_loop3A_242 = arith.constant 32 : index
          %parallel_loop3A_243 = tpu.vector_load %arg19[%parallel_loop3A_241, %parallel_loop3A_242] {strides = array<i32>} : memref<80x128xf32, #tpu.memory_space<vmem>>, vector<1x16xf32>,
          %parallel_loop3A_244 = vector.shape_cast %parallel_loop3A_243 : vector<1x16xf32> to vector<16xf32>
          %parallel_loop3A_245 = vector.shape_cast %parallel_loop3A_240 : vector<16xf32> to vector<1x16xf32>
          tpu.vector_store %arg19[%parallel_loop3A_241, %parallel_loop3A_242], %parallel_loop3A_245 {strides = array<i32>} : memref<80x128xf32, #tpu.memory_space<vmem>>, vector<1x16xf32>,
          %parallel_loop3A_246 = arith.index_cast %parallel_loop3A_209 : i32 to index
          %parallel_loop3A_247 = arith.constant 48 : index
          %parallel_loop3A_248 = tpu.vector_load %arg19[%parallel_loop3A_246, %parallel_loop3A_247] {strides = array<i32>} : memref<80x128xf32, #tpu.memory_space<vmem>>, vector<1x16xf32>,
          %parallel_loop3A_249 = vector.shape_cast %parallel_loop3A_248 : vector<1x16xf32> to vector<16xf32>
          %parallel_loop3A_250 = arith.constant 0.000000e+00 : f32
          %parallel_loop3A_251 = vector.broadcast %parallel_loop3A_250 : f32 to vector<16xf32>
          %parallel_loop3A_252 = arith.maximumf %parallel_loop3A_249, %parallel_loop3A_251 : vector<16xf32>
          %parallel_loop3A_253 = arith.index_cast %parallel_loop3A_209 : i32 to index
          %parallel_loop3A_254 = arith.constant 48 : index
          %parallel_loop3A_255 = tpu.vector_load %arg19[%parallel_loop3A_253, %parallel_loop3A_254] {strides = array<i32>} : memref<80x128xf32, #tpu.memory_space<vmem>>, vector<1x16xf32>,
          %parallel_loop3A_256 = vector.shape_cast %parallel_loop3A_255 : vector<1x16xf32> to vector<16xf32>
          %parallel_loop3A_257 = vector.shape_cast %parallel_loop3A_252 : vector<16xf32> to vector<1x16xf32>
          tpu.vector_store %arg19[%parallel_loop3A_253, %parallel_loop3A_254], %parallel_loop3A_257 {strides = array<i32>} : memref<80x128xf32, #tpu.memory_space<vmem>>, vector<1x16xf32>,
          %parallel_loop3A_258 = arith.index_cast %parallel_loop3A_209 : i32 to index
          %parallel_loop3A_259 = arith.constant 64 : index
          %parallel_loop3A_260 = tpu.vector_load %arg19[%parallel_loop3A_258, %parallel_loop3A_259] {strides = array<i32>} : memref<80x128xf32, #tpu.memory_space<vmem>>, vector<1x16xf32>,
          %parallel_loop3A_261 = vector.shape_cast %parallel_loop3A_260 : vector<1x16xf32> to vector<16xf32>
          %parallel_loop3A_262 = arith.constant 0.000000e+00 : f32
          %parallel_loop3A_263 = vector.broadcast %parallel_loop3A_262 : f32 to vector<16xf32>
          %parallel_loop3A_264 = arith.maximumf %parallel_loop3A_261, %parallel_loop3A_263 : vector<16xf32>
          %parallel_loop3A_265 = arith.index_cast %parallel_loop3A_209 : i32 to index
          %parallel_loop3A_266 = arith.constant 64 : index
          %parallel_loop3A_267 = tpu.vector_load %arg19[%parallel_loop3A_265, %parallel_loop3A_266] {strides = array<i32>} : memref<80x128xf32, #tpu.memory_space<vmem>>, vector<1x16xf32>,
          %parallel_loop3A_268 = vector.shape_cast %parallel_loop3A_267 : vector<1x16xf32> to vector<16xf32>
          %parallel_loop3A_269 = vector.shape_cast %parallel_loop3A_264 : vector<16xf32> to vector<1x16xf32>
          tpu.vector_store %arg19[%parallel_loop3A_265, %parallel_loop3A_266], %parallel_loop3A_269 {strides = array<i32>} : memref<80x128xf32, #tpu.memory_space<vmem>>, vector<1x16xf32>,
          %parallel_loop3A_270 = arith.index_cast %parallel_loop3A_209 : i32 to index
          %parallel_loop3A_271 = arith.constant 80 : index
          %parallel_loop3A_272 = tpu.vector_load %arg19[%parallel_loop3A_270, %parallel_loop3A_271] {strides = array<i32>} : memref<80x128xf32, #tpu.memory_space<vmem>>, vector<1x16xf32>,
          %parallel_loop3A_273 = vector.shape_cast %parallel_loop3A_272 : vector<1x16xf32> to vector<16xf32>
          %parallel_loop3A_274 = arith.constant 0.000000e+00 : f32
          %parallel_loop3A_275 = vector.broadcast %parallel_loop3A_274 : f32 to vector<16xf32>
          %parallel_loop3A_276 = arith.maximumf %parallel_loop3A_273, %parallel_loop3A_275 : vector<16xf32>
          %parallel_loop3A_277 = arith.index_cast %parallel_loop3A_209 : i32 to index
          %parallel_loop3A_278 = arith.constant 80 : index
          %parallel_loop3A_279 = tpu.vector_load %arg19[%parallel_loop3A_277, %parallel_loop3A_278] {strides = array<i32>} : memref<80x128xf32, #tpu.memory_space<vmem>>, vector<1x16xf32>,
          %parallel_loop3A_280 = vector.shape_cast %parallel_loop3A_279 : vector<1x16xf32> to vector<16xf32>
          %parallel_loop3A_281 = vector.shape_cast %parallel_loop3A_276 : vector<16xf32> to vector<1x16xf32>
          tpu.vector_store %arg19[%parallel_loop3A_277, %parallel_loop3A_278], %parallel_loop3A_281 {strides = array<i32>} : memref<80x128xf32, #tpu.memory_space<vmem>>, vector<1x16xf32>,
          %parallel_loop3A_282 = arith.index_cast %parallel_loop3A_209 : i32 to index
          %parallel_loop3A_283 = arith.constant 96 : index
          %parallel_loop3A_284 = tpu.vector_load %arg19[%parallel_loop3A_282, %parallel_loop3A_283] {strides = array<i32>} : memref<80x128xf32, #tpu.memory_space<vmem>>, vector<1x16xf32>,
          %parallel_loop3A_285 = vector.shape_cast %parallel_loop3A_284 : vector<1x16xf32> to vector<16xf32>
          %parallel_loop3A_286 = arith.constant 0.000000e+00 : f32
          %parallel_loop3A_287 = vector.broadcast %parallel_loop3A_286 : f32 to vector<16xf32>
          %parallel_loop3A_288 = arith.maximumf %parallel_loop3A_285, %parallel_loop3A_287 : vector<16xf32>
          %parallel_loop3A_289 = arith.index_cast %parallel_loop3A_209 : i32 to index
          %parallel_loop3A_290 = arith.constant 96 : index
          %parallel_loop3A_291 = tpu.vector_load %arg19[%parallel_loop3A_289, %parallel_loop3A_290] {strides = array<i32>} : memref<80x128xf32, #tpu.memory_space<vmem>>, vector<1x16xf32>,
          %parallel_loop3A_292 = vector.shape_cast %parallel_loop3A_291 : vector<1x16xf32> to vector<16xf32>
          %parallel_loop3A_293 = vector.shape_cast %parallel_loop3A_288 : vector<16xf32> to vector<1x16xf32>
          tpu.vector_store %arg19[%parallel_loop3A_289, %parallel_loop3A_290], %parallel_loop3A_293 {strides = array<i32>} : memref<80x128xf32, #tpu.memory_space<vmem>>, vector<1x16xf32>,
          %parallel_loop3A_294 = arith.index_cast %parallel_loop3A_209 : i32 to index
          %parallel_loop3A_295 = arith.constant 112 : index
          %parallel_loop3A_296 = tpu.vector_load %arg19[%parallel_loop3A_294, %parallel_loop3A_295] {strides = array<i32>} : memref<80x128xf32, #tpu.memory_space<vmem>>, vector<1x16xf32>,
          %parallel_loop3A_297 = vector.shape_cast %parallel_loop3A_296 : vector<1x16xf32> to vector<16xf32>
          %parallel_loop3A_298 = arith.constant 0.000000e+00 : f32
          %parallel_loop3A_299 = vector.broadcast %parallel_loop3A_298 : f32 to vector<16xf32>
          %parallel_loop3A_300 = arith.maximumf %parallel_loop3A_297, %parallel_loop3A_299 : vector<16xf32>
          %parallel_loop3A_301 = arith.index_cast %parallel_loop3A_209 : i32 to index
          %parallel_loop3A_302 = arith.constant 112 : index
          %parallel_loop3A_303 = tpu.vector_load %arg19[%parallel_loop3A_301, %parallel_loop3A_302] {strides = array<i32>} : memref<80x128xf32, #tpu.memory_space<vmem>>, vector<1x16xf32>,
          %parallel_loop3A_304 = vector.shape_cast %parallel_loop3A_303 : vector<1x16xf32> to vector<16xf32>
          %parallel_loop3A_305 = vector.shape_cast %parallel_loop3A_300 : vector<16xf32> to vector<1x16xf32>
          tpu.vector_store %arg19[%parallel_loop3A_301, %parallel_loop3A_302], %parallel_loop3A_305 {strides = array<i32>} : memref<80x128xf32, #tpu.memory_space<vmem>>, vector<1x16xf32>,
        } {sc.loop_unroll_factor = 4 : i64, sc.parallel_access}
        %dma_start3A_206 = arith.constant 0 : i32
        %dma_start3A_207 = arith.constant 0 : i32
        %dma_start3A_208 = tpu.memref_slice %arg20[%dma_start3A_206, %dma_start3A_207] : memref<10000x128xf32, #tpu.memory_space<vmem_shared>> -> memref<10000x128xf32, #tpu.memory_space<vmem_shared>>
        tpu.enqueue_indirect_dma source(%arg19 : memref<80x128xf32, #tpu.memory_space<vmem>>) target(%dma_start3A_208 : memref<10000x128xf32, #tpu.memory_space<vmem_shared>>) offsets(%arg15 : memref<80xi32, #tpu.memory_space<vmem>>) semaphore(%arg32 : memref<!tpu.dma_semaphore, #tpu.memory_space<semaphore_mem>>) {add = true}
      } else {
      }
    }
    %scan3A_44 = arith.constant 32 : i32
    %barrier3A_45 = arith.constant 0 : index
    tpu.barrier barrier_id(%barrier3A_45)
    %mul3A_46 = arith.constant 624 : i32
    %mul3A_47 = arith.muli %arg1, %mul3A_46 : i32
    %mul3A_48 = arith.constant 624 : i32
    %mul3A_49 = arith.muli %arg1, %mul3A_48 : i32
    "tpu.region"() ({
      %run_scoped3A = tpu.sem_alloc : memref<!tpu.dma_semaphore, #tpu.memory_space<semaphore_mem>>
      %dma_start3A_55 = arith.constant 0 : i32
      %dma_start3A_56 = tpu.memref_slice %arg7[%arg0, %mul3A_49, %dma_start3A_55] : memref<2x10000x128xf32, #tpu.memory_space<hbm>> -> memref<1x624x128xf32, #tpu.memory_space<hbm>>
      %dma_start3A_57 = tpu.memref_squeeze %dma_start3A_56 : memref<1x624x128xf32, #tpu.memory_space<hbm>> -> memref<624x128xf32, #tpu.memory_space<hbm>>
      %dma_start3A_58 = arith.constant 0 : i32
      %dma_start3A_59 = tpu.memref_slice %arg20[%mul3A_47, %dma_start3A_58] : memref<10000x128xf32, #tpu.memory_space<vmem_shared>> -> memref<624x128xf32, #tpu.memory_space<vmem_shared>>
      tpu.enqueue_dma source(%dma_start3A_59 : memref<624x128xf32, #tpu.memory_space<vmem_shared>>) target(%dma_start3A_57 : memref<624x128xf32, #tpu.memory_space<hbm>>) target_semaphore(%run_scoped3A : memref<!tpu.dma_semaphore, #tpu.memory_space<semaphore_mem>>)
      %dma_wait3A_60 = arith.constant 0 : i32
      %dma_wait3A_61 = tpu.memref_slice %arg7[%arg0, %mul3A_49, %dma_wait3A_60] : memref<2x10000x128xf32, #tpu.memory_space<hbm>> -> memref<1x624x128xf32, #tpu.memory_space<hbm>>
      %dma_wait3A_62 = tpu.memref_squeeze %dma_wait3A_61 : memref<1x624x128xf32, #tpu.memory_space<hbm>> -> memref<624x128xf32, #tpu.memory_space<hbm>>
      %dma_wait3A_63 = arith.constant 0 : i32
      %dma_wait3A_64 = tpu.memref_slice %arg20[%mul3A_47, %dma_wait3A_63] : memref<10000x128xf32, #tpu.memory_space<vmem_shared>> -> memref<624x128xf32, #tpu.memory_space<vmem_shared>>
      tpu.wait_dma2 semaphore(%run_scoped3A : memref<!tpu.dma_semaphore, #tpu.memory_space<semaphore_mem>>) src(%dma_wait3A_64 : memref<624x128xf32, #tpu.memory_space<vmem_shared>>) dst(%dma_wait3A_62 : memref<624x128xf32, #tpu.memory_space<hbm>>)
      tpu.yield
    }) : () -> ()
    %eq3A_50 = arith.constant 15 : i32
    %eq3A_51 = arith.cmpi eq, %arg1, %eq3A_50 : i32
    %convert_element_type3A_52 = arith.extui %eq3A_51 : i1 to i32
    %cond3A_53 = arith.constant 0 : i32
    %cond3A_54 = arith.cmpi ne, %convert_element_type3A_52, %cond3A_53 : i32
    scf.if %cond3A_54 {
      "tpu.region"() ({
        %run_scoped3A = tpu.sem_alloc : memref<!tpu.dma_semaphore, #tpu.memory_space<semaphore_mem>>
        %dma_start3A_55 = arith.constant 9984 : i32
        %dma_start3A_56 = arith.constant 0 : i32
        %dma_start3A_57 = tpu.memref_slice %arg7[%arg0, %dma_start3A_55, %dma_start3A_56] : memref<2x10000x128xf32, #tpu.memory_space<hbm>> -> memref<1x16x128xf32, #tpu.memory_space<hbm>>
        %dma_start3A_58 = tpu.memref_squeeze %dma_start3A_57 : memref<1x16x128xf32, #tpu.memory_space<hbm>> -> memref<16x128xf32, #tpu.memory_space<hbm>>
        %dma_start3A_59 = arith.constant 9984 : i32
        %dma_start3A_60 = arith.constant 0 : i32
        %dma_start3A_61 = tpu.memref_slice %arg20[%dma_start3A_59, %dma_start3A_60] : memref<10000x128xf32, #tpu.memory_space<vmem_shared>> -> memref<16x128xf32, #tpu.memory_space<vmem_shared>>
        tpu.enqueue_dma source(%dma_start3A_61 : memref<16x128xf32, #tpu.memory_space<vmem_shared>>) target(%dma_start3A_58 : memref<16x128xf32, #tpu.memory_space<hbm>>) target_semaphore(%run_scoped3A : memref<!tpu.dma_semaphore, #tpu.memory_space<semaphore_mem>>)
        %dma_wait3A_62 = arith.constant 9984 : i32
        %dma_wait3A_63 = arith.constant 0 : i32
        %dma_wait3A_64 = tpu.memref_slice %arg7[%arg0, %dma_wait3A_62, %dma_wait3A_63] : memref<2x10000x128xf32, #tpu.memory_space<hbm>> -> memref<1x16x128xf32, #tpu.memory_space<hbm>>
        %dma_wait3A_65 = tpu.memref_squeeze %dma_wait3A_64 : memref<1x16x128xf32, #tpu.memory_space<hbm>> -> memref<16x128xf32, #tpu.memory_space<hbm>>
        %dma_wait3A_66 = arith.constant 9984 : i32
        %dma_wait3A_67 = arith.constant 0 : i32
        %dma_wait3A_68 = tpu.memref_slice %arg20[%dma_wait3A_66, %dma_wait3A_67] : memref<10000x128xf32, #tpu.memory_space<vmem_shared>> -> memref<16x128xf32, #tpu.memory_space<vmem_shared>>
        tpu.wait_dma2 semaphore(%run_scoped3A : memref<!tpu.dma_semaphore, #tpu.memory_space<semaphore_mem>>) src(%dma_wait3A_68 : memref<16x128xf32, #tpu.memory_space<vmem_shared>>) dst(%dma_wait3A_65 : memref<16x128xf32, #tpu.memory_space<hbm>>)
        tpu.yield
      }) : () -> ()
    } else {
    }
    return
  }
}

#map = affine_map<(d0, d1) -> (0)>
#map1 = affine_map<(d0, d1) -> (0, 0)>
#map2 = affine_map<(d0, d1) -> (0, 0, 0)>
module attributes {stable_mosaic.version = 14 : i64} {
  func.func @_sc_body(%arg0: i32, %arg1: i32, %arg2: memref<320000xi32, #tpu.memory_space<hbm>>, %arg3: memref<320000xi32, #tpu.memory_space<hbm>>, %arg4: memref<320000x128xf32, #tpu.memory_space<hbm>>, %arg5: memref<10000x128xf32, #tpu.memory_space<hbm>>, %arg6: memref<10000x128xf32, #tpu.memory_space<hbm>>, %arg7: memref<2x10000x128xf32, #tpu.memory_space<hbm>>, %arg8: memref<80xi32, #tpu.memory_space<vmem>>, %arg9: memref<80xi32, #tpu.memory_space<vmem>>, %arg10: memref<80xi32, #tpu.memory_space<vmem>>, %arg11: memref<80xi32, #tpu.memory_space<vmem>>, %arg12: memref<80xi32, #tpu.memory_space<vmem>>, %arg13: memref<80xi32, #tpu.memory_space<vmem>>, %arg14: memref<80xi32, #tpu.memory_space<vmem>>, %arg15: memref<80xi32, #tpu.memory_space<vmem>>, %arg16: memref<80x128xf32, #tpu.memory_space<vmem>>, %arg17: memref<80x128xf32, #tpu.memory_space<vmem>>, %arg18: memref<80x128xf32, #tpu.memory_space<vmem>>, %arg19: memref<80x128xf32, #tpu.memory_space<vmem>>, %arg20: memref<10000x128xf32, #tpu.memory_space<vmem_shared>>, %arg21: memref<!tpu.dma_semaphore, #tpu.memory_space<semaphore_mem>>, %arg22: memref<!tpu.dma_semaphore, #tpu.memory_space<semaphore_mem>>, %arg23: memref<!tpu.dma_semaphore, #tpu.memory_space<semaphore_mem>>, %arg24: memref<!tpu.dma_semaphore, #tpu.memory_space<semaphore_mem>>, %arg25: memref<!tpu.dma_semaphore, #tpu.memory_space<semaphore_mem>>, %arg26: memref<!tpu.dma_semaphore, #tpu.memory_space<semaphore_mem>>, %arg27: memref<!tpu.dma_semaphore, #tpu.memory_space<semaphore_mem>>, %arg28: memref<!tpu.dma_semaphore, #tpu.memory_space<semaphore_mem>>, %arg29: memref<!tpu.dma_semaphore, #tpu.memory_space<semaphore_mem>>, %arg30: memref<!tpu.dma_semaphore, #tpu.memory_space<semaphore_mem>>, %arg31: memref<!tpu.dma_semaphore, #tpu.memory_space<semaphore_mem>>, %arg32: memref<!tpu.dma_semaphore, #tpu.memory_space<semaphore_mem>>) attributes {dimension_semantics = [#tpu.dimension_semantics<core_parallel>, #tpu.dimension_semantics<subcore_parallel>], iteration_bounds = array<i64: 2, 16>, scalar_prefetch = 0 : i64, scratch_operands = 25 : i64, tpu.core_type = #tpu.core_type<sc_vector_subcore>, window_params = [{transform_indices = #map}, {transform_indices = #map}, {transform_indices = #map1}, {transform_indices = #map1}, {transform_indices = #map1}, {transform_indices = #map2}]} {
    %mul3A = arith.constant 2 : i32
    %mul3A_0 = arith.muli %arg1, %mul3A : i32
    %add3A = arith.addi %mul3A_0, %arg0 : i32
    %mul3A_1 = arith.constant 10000 : i32
    %mul3A_2 = arith.muli %add3A, %mul3A_1 : i32
    %mul3A_3 = arith.constant 624 : i32
    %mul3A_4 = arith.muli %arg1, %mul3A_3 : i32
    %mul3A_5 = arith.constant 624 : i32
    %mul3A_6 = arith.muli %arg1, %mul3A_5 : i32
    "tpu.region"() ({
      %run_scoped3A = tpu.sem_alloc : memref<!tpu.dma_semaphore, #tpu.memory_space<semaphore_mem>>
      %dma_start3A_55 = arith.constant 0 : i32
      %dma_start3A_56 = tpu.memref_slice %arg20[%mul3A_6, %dma_start3A_55] : memref<10000x128xf32, #tpu.memory_space<vmem_shared>> -> memref<624x128xf32, #tpu.memory_space<vmem_shared>>
      %dma_start3A_57 = arith.constant 0 : i32
      %dma_start3A_58 = tpu.memref_slice %arg5[%mul3A_4, %dma_start3A_57] : memref<10000x128xf32, #tpu.memory_space<hbm>> -> memref<624x128xf32, #tpu.memory_space<hbm>>
      tpu.enqueue_dma source(%dma_start3A_58 : memref<624x128xf32, #tpu.memory_space<hbm>>) target(%dma_start3A_56 : memref<624x128xf32, #tpu.memory_space<vmem_shared>>) target_semaphore(%run_scoped3A : memref<!tpu.dma_semaphore, #tpu.memory_space<semaphore_mem>>)
      %dma_wait3A_59 = arith.constant 0 : i32
      %dma_wait3A_60 = tpu.memref_slice %arg20[%mul3A_6, %dma_wait3A_59] : memref<10000x128xf32, #tpu.memory_space<vmem_shared>> -> memref<624x128xf32, #tpu.memory_space<vmem_shared>>
      %dma_wait3A_61 = arith.constant 0 : i32
      %dma_wait3A_62 = tpu.memref_slice %arg5[%mul3A_4, %dma_wait3A_61] : memref<10000x128xf32, #tpu.memory_space<hbm>> -> memref<624x128xf32, #tpu.memory_space<hbm>>
      tpu.wait_dma2 semaphore(%run_scoped3A : memref<!tpu.dma_semaphore, #tpu.memory_space<semaphore_mem>>) src(%dma_wait3A_62 : memref<624x128xf32, #tpu.memory_space<hbm>>) dst(%dma_wait3A_60 : memref<624x128xf32, #tpu.memory_space<vmem_shared>>)
      tpu.yield
    }) : () -> ()
    %eq3A = arith.constant 15 : i32
    %eq3A_7 = arith.cmpi eq, %arg1, %eq3A : i32
    %convert_element_type3A = arith.extui %eq3A_7 : i1 to i32
    %cond3A = arith.constant 0 : i32
    %cond3A_8 = arith.cmpi ne, %convert_element_type3A, %cond3A : i32
    scf.if %cond3A_8 {
      "tpu.region"() ({
        %run_scoped3A = tpu.sem_alloc : memref<!tpu.dma_semaphore, #tpu.memory_space<semaphore_mem>>
        %dma_start3A_55 = arith.constant 9984 : i32
        %dma_start3A_56 = arith.constant 0 : i32
        %dma_start3A_57 = tpu.memref_slice %arg20[%dma_start3A_55, %dma_start3A_56] : memref<10000x128xf32, #tpu.memory_space<vmem_shared>> -> memref<16x128xf32, #tpu.memory_space<vmem_shared>>
        %dma_start3A_58 = arith.constant 9984 : i32
        %dma_start3A_59 = arith.constant 0 : i32
        %dma_start3A_60 = tpu.memref_slice %arg5[%dma_start3A_58, %dma_start3A_59] : memref<10000x128xf32, #tpu.memory_space<hbm>> -> memref<16x128xf32, #tpu.memory_space<hbm>>
        tpu.enqueue_dma source(%dma_start3A_60 : memref<16x128xf32, #tpu.memory_space<hbm>>) target(%dma_start3A_57 : memref<16x128xf32, #tpu.memory_space<vmem_shared>>) target_semaphore(%run_scoped3A : memref<!tpu.dma_semaphore, #tpu.memory_space<semaphore_mem>>)
        %dma_wait3A_61 = arith.constant 9984 : i32
        %dma_wait3A_62 = arith.constant 0 : i32
        %dma_wait3A_63 = tpu.memref_slice %arg20[%dma_wait3A_61, %dma_wait3A_62] : memref<10000x128xf32, #tpu.memory_space<vmem_shared>> -> memref<16x128xf32, #tpu.memory_space<vmem_shared>>
        %dma_wait3A_64 = arith.constant 9984 : i32
        %dma_wait3A_65 = arith.constant 0 : i32
        %dma_wait3A_66 = tpu.memref_slice %arg5[%dma_wait3A_64, %dma_wait3A_65] : memref<10000x128xf32, #tpu.memory_space<hbm>> -> memref<16x128xf32, #tpu.memory_space<hbm>>
        tpu.wait_dma2 semaphore(%run_scoped3A : memref<!tpu.dma_semaphore, #tpu.memory_space<semaphore_mem>>) src(%dma_wait3A_66 : memref<16x128xf32, #tpu.memory_space<hbm>>) dst(%dma_wait3A_63 : memref<16x128xf32, #tpu.memory_space<vmem_shared>>)
        tpu.yield
      }) : () -> ()
    } else {
    }
    %barrier3A = arith.constant 0 : index
    tpu.barrier barrier_id(%barrier3A)
    %add3A_9 = arith.constant 0 : i32
    %add3A_10 = arith.addi %mul3A_2, %add3A_9 : i32
    %dma_start3A = tpu.memref_slice %arg2[%add3A_10] : memref<320000xi32, #tpu.memory_space<hbm>> -> memref<80xi32, #tpu.memory_space<hbm>>
    %dma_start3A_11 = tpu.memref_slice %arg2[%add3A_10] : memref<320000xi32, #tpu.memory_space<hbm>> -> memref<80xi32, #tpu.memory_space<hbm>>
    tpu.enqueue_dma source(%dma_start3A_11 : memref<80xi32, #tpu.memory_space<hbm>>) target(%arg8 : memref<80xi32, #tpu.memory_space<vmem>>) target_semaphore(%arg21 : memref<!tpu.dma_semaphore, #tpu.memory_space<semaphore_mem>>)
    %dma_start3A_12 = tpu.memref_slice %arg3[%add3A_10] : memref<320000xi32, #tpu.memory_space<hbm>> -> memref<80xi32, #tpu.memory_space<hbm>>
    %dma_start3A_13 = tpu.memref_slice %arg3[%add3A_10] : memref<320000xi32, #tpu.memory_space<hbm>> -> memref<80xi32, #tpu.memory_space<hbm>>
    tpu.enqueue_dma source(%dma_start3A_13 : memref<80xi32, #tpu.memory_space<hbm>>) target(%arg12 : memref<80xi32, #tpu.memory_space<vmem>>) target_semaphore(%arg21 : memref<!tpu.dma_semaphore, #tpu.memory_space<semaphore_mem>>)
    %dma_start3A_14 = arith.constant 0 : i32
    %dma_start3A_15 = tpu.memref_slice %arg4[%add3A_10, %dma_start3A_14] : memref<320000x128xf32, #tpu.memory_space<hbm>> -> memref<80x128xf32, #tpu.memory_space<hbm>>
    %dma_start3A_16 = arith.constant 0 : i32
    %dma_start3A_17 = tpu.memref_slice %arg4[%add3A_10, %dma_start3A_16] : memref<320000x128xf32, #tpu.memory_space<hbm>> -> memref<80x128xf32, #tpu.memory_space<hbm>>
    tpu.enqueue_dma source(%dma_start3A_17 : memref<80x128xf32, #tpu.memory_space<hbm>>) target(%arg16 : memref<80x128xf32, #tpu.memory_space<vmem>>) target_semaphore(%arg21 : memref<!tpu.dma_semaphore, #tpu.memory_space<semaphore_mem>>)
    %add3A_18 = arith.constant 80 : i32
    %add3A_19 = arith.addi %mul3A_2, %add3A_18 : i32
    %dma_start3A_20 = tpu.memref_slice %arg2[%add3A_19] : memref<320000xi32, #tpu.memory_space<hbm>> -> memref<80xi32, #tpu.memory_space<hbm>>
    %dma_start3A_21 = tpu.memref_slice %arg2[%add3A_19] : memref<320000xi32, #tpu.memory_space<hbm>> -> memref<80xi32, #tpu.memory_space<hbm>>
    tpu.enqueue_dma source(%dma_start3A_21 : memref<80xi32, #tpu.memory_space<hbm>>) target(%arg9 : memref<80xi32, #tpu.memory_space<vmem>>) target_semaphore(%arg22 : memref<!tpu.dma_semaphore, #tpu.memory_space<semaphore_mem>>)
    %dma_start3A_22 = tpu.memref_slice %arg3[%add3A_19] : memref<320000xi32, #tpu.memory_space<hbm>> -> memref<80xi32, #tpu.memory_space<hbm>>
    %dma_start3A_23 = tpu.memref_slice %arg3[%add3A_19] : memref<320000xi32, #tpu.memory_space<hbm>> -> memref<80xi32, #tpu.memory_space<hbm>>
    tpu.enqueue_dma source(%dma_start3A_23 : memref<80xi32, #tpu.memory_space<hbm>>) target(%arg13 : memref<80xi32, #tpu.memory_space<vmem>>) target_semaphore(%arg22 : memref<!tpu.dma_semaphore, #tpu.memory_space<semaphore_mem>>)
    %dma_start3A_24 = arith.constant 0 : i32
    %dma_start3A_25 = tpu.memref_slice %arg4[%add3A_19, %dma_start3A_24] : memref<320000x128xf32, #tpu.memory_space<hbm>> -> memref<80x128xf32, #tpu.memory_space<hbm>>
    %dma_start3A_26 = arith.constant 0 : i32
    %dma_start3A_27 = tpu.memref_slice %arg4[%add3A_19, %dma_start3A_26] : memref<320000x128xf32, #tpu.memory_space<hbm>> -> memref<80x128xf32, #tpu.memory_space<hbm>>
    tpu.enqueue_dma source(%dma_start3A_27 : memref<80x128xf32, #tpu.memory_space<hbm>>) target(%arg17 : memref<80x128xf32, #tpu.memory_space<vmem>>) target_semaphore(%arg22 : memref<!tpu.dma_semaphore, #tpu.memory_space<semaphore_mem>>)
    %add3A_28 = arith.constant 0 : i32
    %add3A_29 = arith.addi %mul3A_2, %add3A_28 : i32
    %dma_wait3A = tpu.memref_slice %arg2[%add3A_29] : memref<320000xi32, #tpu.memory_space<hbm>> -> memref<80xi32, #tpu.memory_space<hbm>>
    %dma_wait3A_30 = tpu.memref_slice %arg2[%add3A_29] : memref<320000xi32, #tpu.memory_space<hbm>> -> memref<80xi32, #tpu.memory_space<hbm>>
    tpu.wait_dma2 semaphore(%arg21 : memref<!tpu.dma_semaphore, #tpu.memory_space<semaphore_mem>>) src(%dma_wait3A_30 : memref<80xi32, #tpu.memory_space<hbm>>) dst(%arg8 : memref<80xi32, #tpu.memory_space<vmem>>)
    %dma_wait3A_31 = tpu.memref_slice %arg3[%add3A_29] : memref<320000xi32, #tpu.memory_space<hbm>> -> memref<80xi32, #tpu.memory_space<hbm>>
    %dma_wait3A_32 = tpu.memref_slice %arg3[%add3A_29] : memref<320000xi32, #tpu.memory_space<hbm>> -> memref<80xi32, #tpu.memory_space<hbm>>
    tpu.wait_dma2 semaphore(%arg21 : memref<!tpu.dma_semaphore, #tpu.memory_space<semaphore_mem>>) src(%dma_wait3A_32 : memref<80xi32, #tpu.memory_space<hbm>>) dst(%arg12 : memref<80xi32, #tpu.memory_space<vmem>>)
    %dma_wait3A_33 = arith.constant 0 : i32
    %dma_wait3A_34 = tpu.memref_slice %arg4[%add3A_29, %dma_wait3A_33] : memref<320000x128xf32, #tpu.memory_space<hbm>> -> memref<80x128xf32, #tpu.memory_space<hbm>>
    %dma_wait3A_35 = arith.constant 0 : i32
    %dma_wait3A_36 = tpu.memref_slice %arg4[%add3A_29, %dma_wait3A_35] : memref<320000x128xf32, #tpu.memory_space<hbm>> -> memref<80x128xf32, #tpu.memory_space<hbm>>
    tpu.wait_dma2 semaphore(%arg21 : memref<!tpu.dma_semaphore, #tpu.memory_space<semaphore_mem>>) src(%dma_wait3A_36 : memref<80x128xf32, #tpu.memory_space<hbm>>) dst(%arg16 : memref<80x128xf32, #tpu.memory_space<vmem>>)
    %dma_start3A_37 = arith.constant 0 : i32
    %dma_start3A_38 = arith.constant 0 : i32
    %dma_start3A_39 = tpu.memref_slice %arg6[%dma_start3A_37, %dma_start3A_38] : memref<10000x128xf32, #tpu.memory_space<hbm>> -> memref<10000x128xf32, #tpu.memory_space<hbm>>
    tpu.enqueue_indirect_dma source(%dma_start3A_39 : memref<10000x128xf32, #tpu.memory_space<hbm>>) target(%arg16 : memref<80x128xf32, #tpu.memory_space<vmem>>) offsets(%arg8 : memref<80xi32, #tpu.memory_space<vmem>>) semaphore(%arg25 : memref<!tpu.dma_semaphore, #tpu.memory_space<semaphore_mem>>) {add = true}
    %scan3A = arith.constant 0 : i32
    %scan3A_40 = arith.constant 0 : i32
    %scan3A_41 = arith.constant 32 : i32
    %scan3A_42 = arith.addi %scan3A_40, %scan3A_41 : i32
    %scan3A_43 = arith.constant 1 : i32
    scf.for %scan3A_55 = %scan3A_40 to %scan3A_42 step %scan3A_43  : i32 {
      %mul3A_56 = arith.constant 4 : i32
      %mul3A_57 = arith.muli %scan3A_55, %mul3A_56 : i32
      %add3A_58 = arith.constant 0 : i32
      %add3A_59 = arith.addi %mul3A_57, %add3A_58 : i32
      %le3A = arith.constant 124 : i32
      %le3A_60 = arith.cmpi sle, %add3A_59, %le3A : i32
      %convert_element_type3A_61 = arith.extui %le3A_60 : i1 to i32
      %cond3A_62 = arith.constant 0 : i32
      %cond3A_63 = arith.cmpi ne, %convert_element_type3A_61, %cond3A_62 : i32
      scf.if %cond3A_63 {
        %dma_wait3A_204 = arith.constant 0 : i32
        %dma_wait3A_205 = arith.constant 0 : i32
        %dma_wait3A_206 = tpu.memref_slice %arg6[%dma_wait3A_204, %dma_wait3A_205] : memref<10000x128xf32, #tpu.memory_space<hbm>> -> memref<10000x128xf32, #tpu.memory_space<hbm>>
        tpu.wait_indirect_dma semaphore(%arg25 : memref<!tpu.dma_semaphore, #tpu.memory_space<semaphore_mem>>) src(%dma_wait3A_206 : memref<10000x128xf32, #tpu.memory_space<hbm>>) dst(%arg16 : memref<80x128xf32, #tpu.memory_space<vmem>>)
      } else {
      }
      %ge3A = arith.constant 2 : i32
      %ge3A_64 = arith.cmpi sge, %add3A_59, %ge3A : i32
      %sub3A = arith.constant 2 : i32
      %sub3A_65 = arith.subi %add3A_59, %sub3A : i32
      %le3A_66 = arith.constant 124 : i32
      %le3A_67 = arith.cmpi sle, %sub3A_65, %le3A_66 : i32
      %and3A = arith.andi %ge3A_64, %le3A_67 : i1
      %convert_element_type3A_68 = arith.extui %and3A : i1 to i32
      %cond3A_69 = arith.constant 0 : i32
      %cond3A_70 = arith.cmpi ne, %convert_element_type3A_68, %cond3A_69 : i32
      scf.if %cond3A_70 {
        %dma_wait3A_204 = arith.constant 0 : i32
        %dma_wait3A_205 = arith.constant 0 : i32
        %dma_wait3A_206 = tpu.memref_slice %arg20[%dma_wait3A_204, %dma_wait3A_205] : memref<10000x128xf32, #tpu.memory_space<vmem_shared>> -> memref<10000x128xf32, #tpu.memory_space<vmem_shared>>
        tpu.wait_indirect_dma semaphore(%arg31 : memref<!tpu.dma_semaphore, #tpu.memory_space<semaphore_mem>>) src(%arg18 : memref<80x128xf32, #tpu.memory_space<vmem>>) dst(%dma_wait3A_206 : memref<10000x128xf32, #tpu.memory_space<vmem_shared>>)
      } else {
      }
      %add3A_71 = arith.constant 2 : i32
      %add3A_72 = arith.addi %add3A_59, %add3A_71 : i32
      %le3A_73 = arith.constant 124 : i32
      %le3A_74 = arith.cmpi sle, %add3A_72, %le3A_73 : i32
      %convert_element_type3A_75 = arith.extui %le3A_74 : i1 to i32
      %cond3A_76 = arith.constant 0 : i32
      %cond3A_77 = arith.cmpi ne, %convert_element_type3A_75, %cond3A_76 : i32
      scf.if %cond3A_77 {
        %add3A_204 = arith.constant 2 : i32
        %add3A_205 = arith.addi %add3A_59, %add3A_204 : i32
        %mul3A_206 = arith.constant 80 : i32
        %mul3A_207 = arith.muli %add3A_205, %mul3A_206 : i32
        %add3A_208 = arith.addi %mul3A_2, %mul3A_207 : i32
        %dma_start3A_209 = tpu.memref_slice %arg2[%add3A_208] : memref<320000xi32, #tpu.memory_space<hbm>> -> memref<80xi32, #tpu.memory_space<hbm>>
        %dma_start3A_210 = tpu.memref_slice %arg2[%add3A_208] : memref<320000xi32, #tpu.memory_space<hbm>> -> memref<80xi32, #tpu.memory_space<hbm>>
        tpu.enqueue_dma source(%dma_start3A_210 : memref<80xi32, #tpu.memory_space<hbm>>) target(%arg10 : memref<80xi32, #tpu.memory_space<vmem>>) target_semaphore(%arg23 : memref<!tpu.dma_semaphore, #tpu.memory_space<semaphore_mem>>)
        %dma_start3A_211 = tpu.memref_slice %arg3[%add3A_208] : memref<320000xi32, #tpu.memory_space<hbm>> -> memref<80xi32, #tpu.memory_space<hbm>>
        %dma_start3A_212 = tpu.memref_slice %arg3[%add3A_208] : memref<320000xi32, #tpu.memory_space<hbm>> -> memref<80xi32, #tpu.memory_space<hbm>>
        tpu.enqueue_dma source(%dma_start3A_212 : memref<80xi32, #tpu.memory_space<hbm>>) target(%arg14 : memref<80xi32, #tpu.memory_space<vmem>>) target_semaphore(%arg23 : memref<!tpu.dma_semaphore, #tpu.memory_space<semaphore_mem>>)
        %dma_start3A_213 = arith.constant 0 : i32
        %dma_start3A_214 = tpu.memref_slice %arg4[%add3A_208, %dma_start3A_213] : memref<320000x128xf32, #tpu.memory_space<hbm>> -> memref<80x128xf32, #tpu.memory_space<hbm>>
        %dma_start3A_215 = arith.constant 0 : i32
        %dma_start3A_216 = tpu.memref_slice %arg4[%add3A_208, %dma_start3A_215] : memref<320000x128xf32, #tpu.memory_space<hbm>> -> memref<80x128xf32, #tpu.memory_space<hbm>>
        tpu.enqueue_dma source(%dma_start3A_216 : memref<80x128xf32, #tpu.memory_space<hbm>>) target(%arg18 : memref<80x128xf32, #tpu.memory_space<vmem>>) target_semaphore(%arg23 : memref<!tpu.dma_semaphore, #tpu.memory_space<semaphore_mem>>)
      } else {
      }
      %add3A_78 = arith.constant 1 : i32
      %add3A_79 = arith.addi %add3A_59, %add3A_78 : i32
      %le3A_80 = arith.constant 124 : i32
      %le3A_81 = arith.cmpi sle, %add3A_79, %le3A_80 : i32
      %convert_element_type3A_82 = arith.extui %le3A_81 : i1 to i32
      %cond3A_83 = arith.constant 0 : i32
      %cond3A_84 = arith.cmpi ne, %convert_element_type3A_82, %cond3A_83 : i32
      scf.if %cond3A_84 {
        %add3A_204 = arith.constant 1 : i32
        %add3A_205 = arith.addi %add3A_59, %add3A_204 : i32
        %mul3A_206 = arith.constant 80 : i32
        %mul3A_207 = arith.muli %add3A_205, %mul3A_206 : i32
        %add3A_208 = arith.addi %mul3A_2, %mul3A_207 : i32
        %dma_wait3A_209 = tpu.memref_slice %arg2[%add3A_208] : memref<320000xi32, #tpu.memory_space<hbm>> -> memref<80xi32, #tpu.memory_space<hbm>>
        %dma_wait3A_210 = tpu.memref_slice %arg2[%add3A_208] : memref<320000xi32, #tpu.memory_space<hbm>> -> memref<80xi32, #tpu.memory_space<hbm>>
        tpu.wait_dma2 semaphore(%arg22 : memref<!tpu.dma_semaphore, #tpu.memory_space<semaphore_mem>>) src(%dma_wait3A_210 : memref<80xi32, #tpu.memory_space<hbm>>) dst(%arg9 : memref<80xi32, #tpu.memory_space<vmem>>)
        %dma_wait3A_211 = tpu.memref_slice %arg3[%add3A_208] : memref<320000xi32, #tpu.memory_space<hbm>> -> memref<80xi32, #tpu.memory_space<hbm>>
        %dma_wait3A_212 = tpu.memref_slice %arg3[%add3A_208] : memref<320000xi32, #tpu.memory_space<hbm>> -> memref<80xi32, #tpu.memory_space<hbm>>
        tpu.wait_dma2 semaphore(%arg22 : memref<!tpu.dma_semaphore, #tpu.memory_space<semaphore_mem>>) src(%dma_wait3A_212 : memref<80xi32, #tpu.memory_space<hbm>>) dst(%arg13 : memref<80xi32, #tpu.memory_space<vmem>>)
        %dma_wait3A_213 = arith.constant 0 : i32
        %dma_wait3A_214 = tpu.memref_slice %arg4[%add3A_208, %dma_wait3A_213] : memref<320000x128xf32, #tpu.memory_space<hbm>> -> memref<80x128xf32, #tpu.memory_space<hbm>>
        %dma_wait3A_215 = arith.constant 0 : i32
        %dma_wait3A_216 = tpu.memref_slice %arg4[%add3A_208, %dma_wait3A_215] : memref<320000x128xf32, #tpu.memory_space<hbm>> -> memref<80x128xf32, #tpu.memory_space<hbm>>
        tpu.wait_dma2 semaphore(%arg22 : memref<!tpu.dma_semaphore, #tpu.memory_space<semaphore_mem>>) src(%dma_wait3A_216 : memref<80x128xf32, #tpu.memory_space<hbm>>) dst(%arg17 : memref<80x128xf32, #tpu.memory_space<vmem>>)
        %dma_start3A_217 = arith.constant 0 : i32
        %dma_start3A_218 = arith.constant 0 : i32
        %dma_start3A_219 = tpu.memref_slice %arg6[%dma_start3A_217, %dma_start3A_218] : memref<10000x128xf32, #tpu.memory_space<hbm>> -> memref<10000x128xf32, #tpu.memory_space<hbm>>
        tpu.enqueue_indirect_dma source(%dma_start3A_219 : memref<10000x128xf32, #tpu.memory_space<hbm>>) target(%arg17 : memref<80x128xf32, #tpu.memory_space<vmem>>) offsets(%arg9 : memref<80xi32, #tpu.memory_space<vmem>>) semaphore(%arg26 : memref<!tpu.dma_semaphore, #tpu.memory_space<semaphore_mem>>) {add = true}
      } else {
      }
      %le3A_85 = arith.constant 124 : i32
      %le3A_86 = arith.cmpi sle, %add3A_59, %le3A_85 : i32
      %convert_element_type3A_87 = arith.extui %le3A_86 : i1 to i32
      %cond3A_88 = arith.constant 0 : i32
      %cond3A_89 = arith.cmpi ne, %convert_element_type3A_87, %cond3A_88 : i32
      scf.if %cond3A_89 {
        %parallel_loop3A = arith.constant 0 : i32
        %parallel_loop3A_204 = arith.constant 80 : i32
        %parallel_loop3A_205 = arith.constant 1 : i32
        scf.for %parallel_loop3A_209 = %parallel_loop3A to %parallel_loop3A_204 step %parallel_loop3A_205  : i32 {
          %parallel_loop3A_210 = arith.index_cast %parallel_loop3A_209 : i32 to index
          %parallel_loop3A_211 = arith.constant 0 : index
          %parallel_loop3A_212 = tpu.vector_load %arg16[%parallel_loop3A_210, %parallel_loop3A_211] {strides = array<i32>} : memref<80x128xf32, #tpu.memory_space<vmem>>, vector<1x16xf32>,
          %parallel_loop3A_213 = vector.shape_cast %parallel_loop3A_212 : vector<1x16xf32> to vector<16xf32>
          %parallel_loop3A_214 = arith.constant 0.000000e+00 : f32
          %parallel_loop3A_215 = vector.broadcast %parallel_loop3A_214 : f32 to vector<16xf32>
          %parallel_loop3A_216 = arith.maximumf %parallel_loop3A_213, %parallel_loop3A_215 : vector<16xf32>
          %parallel_loop3A_217 = arith.index_cast %parallel_loop3A_209 : i32 to index
          %parallel_loop3A_218 = arith.constant 0 : index
          %parallel_loop3A_219 = tpu.vector_load %arg16[%parallel_loop3A_217, %parallel_loop3A_218] {strides = array<i32>} : memref<80x128xf32, #tpu.memory_space<vmem>>, vector<1x16xf32>,
          %parallel_loop3A_220 = vector.shape_cast %parallel_loop3A_219 : vector<1x16xf32> to vector<16xf32>
          %parallel_loop3A_221 = vector.shape_cast %parallel_loop3A_216 : vector<16xf32> to vector<1x16xf32>
          tpu.vector_store %arg16[%parallel_loop3A_217, %parallel_loop3A_218], %parallel_loop3A_221 {strides = array<i32>} : memref<80x128xf32, #tpu.memory_space<vmem>>, vector<1x16xf32>,
          %parallel_loop3A_222 = arith.index_cast %parallel_loop3A_209 : i32 to index
          %parallel_loop3A_223 = arith.constant 16 : index
          %parallel_loop3A_224 = tpu.vector_load %arg16[%parallel_loop3A_222, %parallel_loop3A_223] {strides = array<i32>} : memref<80x128xf32, #tpu.memory_space<vmem>>, vector<1x16xf32>,
          %parallel_loop3A_225 = vector.shape_cast %parallel_loop3A_224 : vector<1x16xf32> to vector<16xf32>
          %parallel_loop3A_226 = arith.constant 0.000000e+00 : f32
          %parallel_loop3A_227 = vector.broadcast %parallel_loop3A_226 : f32 to vector<16xf32>
          %parallel_loop3A_228 = arith.maximumf %parallel_loop3A_225, %parallel_loop3A_227 : vector<16xf32>
          %parallel_loop3A_229 = arith.index_cast %parallel_loop3A_209 : i32 to index
          %parallel_loop3A_230 = arith.constant 16 : index
          %parallel_loop3A_231 = tpu.vector_load %arg16[%parallel_loop3A_229, %parallel_loop3A_230] {strides = array<i32>} : memref<80x128xf32, #tpu.memory_space<vmem>>, vector<1x16xf32>,
          %parallel_loop3A_232 = vector.shape_cast %parallel_loop3A_231 : vector<1x16xf32> to vector<16xf32>
          %parallel_loop3A_233 = vector.shape_cast %parallel_loop3A_228 : vector<16xf32> to vector<1x16xf32>
          tpu.vector_store %arg16[%parallel_loop3A_229, %parallel_loop3A_230], %parallel_loop3A_233 {strides = array<i32>} : memref<80x128xf32, #tpu.memory_space<vmem>>, vector<1x16xf32>,
          %parallel_loop3A_234 = arith.index_cast %parallel_loop3A_209 : i32 to index
          %parallel_loop3A_235 = arith.constant 32 : index
          %parallel_loop3A_236 = tpu.vector_load %arg16[%parallel_loop3A_234, %parallel_loop3A_235] {strides = array<i32>} : memref<80x128xf32, #tpu.memory_space<vmem>>, vector<1x16xf32>,
          %parallel_loop3A_237 = vector.shape_cast %parallel_loop3A_236 : vector<1x16xf32> to vector<16xf32>
          %parallel_loop3A_238 = arith.constant 0.000000e+00 : f32
          %parallel_loop3A_239 = vector.broadcast %parallel_loop3A_238 : f32 to vector<16xf32>
          %parallel_loop3A_240 = arith.maximumf %parallel_loop3A_237, %parallel_loop3A_239 : vector<16xf32>
          %parallel_loop3A_241 = arith.index_cast %parallel_loop3A_209 : i32 to index
          %parallel_loop3A_242 = arith.constant 32 : index
          %parallel_loop3A_243 = tpu.vector_load %arg16[%parallel_loop3A_241, %parallel_loop3A_242] {strides = array<i32>} : memref<80x128xf32, #tpu.memory_space<vmem>>, vector<1x16xf32>,
          %parallel_loop3A_244 = vector.shape_cast %parallel_loop3A_243 : vector<1x16xf32> to vector<16xf32>
          %parallel_loop3A_245 = vector.shape_cast %parallel_loop3A_240 : vector<16xf32> to vector<1x16xf32>
          tpu.vector_store %arg16[%parallel_loop3A_241, %parallel_loop3A_242], %parallel_loop3A_245 {strides = array<i32>} : memref<80x128xf32, #tpu.memory_space<vmem>>, vector<1x16xf32>,
          %parallel_loop3A_246 = arith.index_cast %parallel_loop3A_209 : i32 to index
          %parallel_loop3A_247 = arith.constant 48 : index
          %parallel_loop3A_248 = tpu.vector_load %arg16[%parallel_loop3A_246, %parallel_loop3A_247] {strides = array<i32>} : memref<80x128xf32, #tpu.memory_space<vmem>>, vector<1x16xf32>,
          %parallel_loop3A_249 = vector.shape_cast %parallel_loop3A_248 : vector<1x16xf32> to vector<16xf32>
          %parallel_loop3A_250 = arith.constant 0.000000e+00 : f32
          %parallel_loop3A_251 = vector.broadcast %parallel_loop3A_250 : f32 to vector<16xf32>
          %parallel_loop3A_252 = arith.maximumf %parallel_loop3A_249, %parallel_loop3A_251 : vector<16xf32>
          %parallel_loop3A_253 = arith.index_cast %parallel_loop3A_209 : i32 to index
          %parallel_loop3A_254 = arith.constant 48 : index
          %parallel_loop3A_255 = tpu.vector_load %arg16[%parallel_loop3A_253, %parallel_loop3A_254] {strides = array<i32>} : memref<80x128xf32, #tpu.memory_space<vmem>>, vector<1x16xf32>,
          %parallel_loop3A_256 = vector.shape_cast %parallel_loop3A_255 : vector<1x16xf32> to vector<16xf32>
          %parallel_loop3A_257 = vector.shape_cast %parallel_loop3A_252 : vector<16xf32> to vector<1x16xf32>
          tpu.vector_store %arg16[%parallel_loop3A_253, %parallel_loop3A_254], %parallel_loop3A_257 {strides = array<i32>} : memref<80x128xf32, #tpu.memory_space<vmem>>, vector<1x16xf32>,
          %parallel_loop3A_258 = arith.index_cast %parallel_loop3A_209 : i32 to index
          %parallel_loop3A_259 = arith.constant 64 : index
          %parallel_loop3A_260 = tpu.vector_load %arg16[%parallel_loop3A_258, %parallel_loop3A_259] {strides = array<i32>} : memref<80x128xf32, #tpu.memory_space<vmem>>, vector<1x16xf32>,
          %parallel_loop3A_261 = vector.shape_cast %parallel_loop3A_260 : vector<1x16xf32> to vector<16xf32>
          %parallel_loop3A_262 = arith.constant 0.000000e+00 : f32
          %parallel_loop3A_263 = vector.broadcast %parallel_loop3A_262 : f32 to vector<16xf32>
          %parallel_loop3A_264 = arith.maximumf %parallel_loop3A_261, %parallel_loop3A_263 : vector<16xf32>
          %parallel_loop3A_265 = arith.index_cast %parallel_loop3A_209 : i32 to index
          %parallel_loop3A_266 = arith.constant 64 : index
          %parallel_loop3A_267 = tpu.vector_load %arg16[%parallel_loop3A_265, %parallel_loop3A_266] {strides = array<i32>} : memref<80x128xf32, #tpu.memory_space<vmem>>, vector<1x16xf32>,
          %parallel_loop3A_268 = vector.shape_cast %parallel_loop3A_267 : vector<1x16xf32> to vector<16xf32>
          %parallel_loop3A_269 = vector.shape_cast %parallel_loop3A_264 : vector<16xf32> to vector<1x16xf32>
          tpu.vector_store %arg16[%parallel_loop3A_265, %parallel_loop3A_266], %parallel_loop3A_269 {strides = array<i32>} : memref<80x128xf32, #tpu.memory_space<vmem>>, vector<1x16xf32>,
          %parallel_loop3A_270 = arith.index_cast %parallel_loop3A_209 : i32 to index
          %parallel_loop3A_271 = arith.constant 80 : index
          %parallel_loop3A_272 = tpu.vector_load %arg16[%parallel_loop3A_270, %parallel_loop3A_271] {strides = array<i32>} : memref<80x128xf32, #tpu.memory_space<vmem>>, vector<1x16xf32>,
          %parallel_loop3A_273 = vector.shape_cast %parallel_loop3A_272 : vector<1x16xf32> to vector<16xf32>
          %parallel_loop3A_274 = arith.constant 0.000000e+00 : f32
          %parallel_loop3A_275 = vector.broadcast %parallel_loop3A_274 : f32 to vector<16xf32>
          %parallel_loop3A_276 = arith.maximumf %parallel_loop3A_273, %parallel_loop3A_275 : vector<16xf32>
          %parallel_loop3A_277 = arith.index_cast %parallel_loop3A_209 : i32 to index
          %parallel_loop3A_278 = arith.constant 80 : index
          %parallel_loop3A_279 = tpu.vector_load %arg16[%parallel_loop3A_277, %parallel_loop3A_278] {strides = array<i32>} : memref<80x128xf32, #tpu.memory_space<vmem>>, vector<1x16xf32>,
          %parallel_loop3A_280 = vector.shape_cast %parallel_loop3A_279 : vector<1x16xf32> to vector<16xf32>
          %parallel_loop3A_281 = vector.shape_cast %parallel_loop3A_276 : vector<16xf32> to vector<1x16xf32>
          tpu.vector_store %arg16[%parallel_loop3A_277, %parallel_loop3A_278], %parallel_loop3A_281 {strides = array<i32>} : memref<80x128xf32, #tpu.memory_space<vmem>>, vector<1x16xf32>,
          %parallel_loop3A_282 = arith.index_cast %parallel_loop3A_209 : i32 to index
          %parallel_loop3A_283 = arith.constant 96 : index
          %parallel_loop3A_284 = tpu.vector_load %arg16[%parallel_loop3A_282, %parallel_loop3A_283] {strides = array<i32>} : memref<80x128xf32, #tpu.memory_space<vmem>>, vector<1x16xf32>,
          %parallel_loop3A_285 = vector.shape_cast %parallel_loop3A_284 : vector<1x16xf32> to vector<16xf32>
          %parallel_loop3A_286 = arith.constant 0.000000e+00 : f32
          %parallel_loop3A_287 = vector.broadcast %parallel_loop3A_286 : f32 to vector<16xf32>
          %parallel_loop3A_288 = arith.maximumf %parallel_loop3A_285, %parallel_loop3A_287 : vector<16xf32>
          %parallel_loop3A_289 = arith.index_cast %parallel_loop3A_209 : i32 to index
          %parallel_loop3A_290 = arith.constant 96 : index
          %parallel_loop3A_291 = tpu.vector_load %arg16[%parallel_loop3A_289, %parallel_loop3A_290] {strides = array<i32>} : memref<80x128xf32, #tpu.memory_space<vmem>>, vector<1x16xf32>,
          %parallel_loop3A_292 = vector.shape_cast %parallel_loop3A_291 : vector<1x16xf32> to vector<16xf32>
          %parallel_loop3A_293 = vector.shape_cast %parallel_loop3A_288 : vector<16xf32> to vector<1x16xf32>
          tpu.vector_store %arg16[%parallel_loop3A_289, %parallel_loop3A_290], %parallel_loop3A_293 {strides = array<i32>} : memref<80x128xf32, #tpu.memory_space<vmem>>, vector<1x16xf32>,
          %parallel_loop3A_294 = arith.index_cast %parallel_loop3A_209 : i32 to index
          %parallel_loop3A_295 = arith.constant 112 : index
          %parallel_loop3A_296 = tpu.vector_load %arg16[%parallel_loop3A_294, %parallel_loop3A_295] {strides = array<i32>} : memref<80x128xf32, #tpu.memory_space<vmem>>, vector<1x16xf32>,
          %parallel_loop3A_297 = vector.shape_cast %parallel_loop3A_296 : vector<1x16xf32> to vector<16xf32>
          %parallel_loop3A_298 = arith.constant 0.000000e+00 : f32
          %parallel_loop3A_299 = vector.broadcast %parallel_loop3A_298 : f32 to vector<16xf32>
          %parallel_loop3A_300 = arith.maximumf %parallel_loop3A_297, %parallel_loop3A_299 : vector<16xf32>
          %parallel_loop3A_301 = arith.index_cast %parallel_loop3A_209 : i32 to index
          %parallel_loop3A_302 = arith.constant 112 : index
          %parallel_loop3A_303 = tpu.vector_load %arg16[%parallel_loop3A_301, %parallel_loop3A_302] {strides = array<i32>} : memref<80x128xf32, #tpu.memory_space<vmem>>, vector<1x16xf32>,
          %parallel_loop3A_304 = vector.shape_cast %parallel_loop3A_303 : vector<1x16xf32> to vector<16xf32>
          %parallel_loop3A_305 = vector.shape_cast %parallel_loop3A_300 : vector<16xf32> to vector<1x16xf32>
          tpu.vector_store %arg16[%parallel_loop3A_301, %parallel_loop3A_302], %parallel_loop3A_305 {strides = array<i32>} : memref<80x128xf32, #tpu.memory_space<vmem>>, vector<1x16xf32>,
        } {sc.loop_unroll_factor = 4 : i64, sc.parallel_access}
        %dma_start3A_206 = arith.constant 0 : i32
        %dma_start3A_207 = arith.constant 0 : i32
        %dma_start3A_208 = tpu.memref_slice %arg20[%dma_start3A_206, %dma_start3A_207] : memref<10000x128xf32, #tpu.memory_space<vmem_shared>> -> memref<10000x128xf32, #tpu.memory_space<vmem_shared>>
        tpu.enqueue_indirect_dma source(%arg16 : memref<80x128xf32, #tpu.memory_space<vmem>>) target(%dma_start3A_208 : memref<10000x128xf32, #tpu.memory_space<vmem_shared>>) offsets(%arg12 : memref<80xi32, #tpu.memory_space<vmem>>) semaphore(%arg29 : memref<!tpu.dma_semaphore, #tpu.memory_space<semaphore_mem>>) {add = true}
      } else {
      }
      %mul3A_90 = arith.constant 4 : i32
      %mul3A_91 = arith.muli %scan3A_55, %mul3A_90 : i32
      %add3A_92 = arith.constant 1 : i32
      %add3A_93 = arith.addi %mul3A_91, %add3A_92 : i32
      %le3A_94 = arith.constant 124 : i32
      %le3A_95 = arith.cmpi sle, %add3A_93, %le3A_94 : i32
      %convert_element_type3A_96 = arith.extui %le3A_95 : i1 to i32
      %cond3A_97 = arith.constant 0 : i32
      %cond3A_98 = arith.cmpi ne, %convert_element_type3A_96, %cond3A_97 : i32
      scf.if %cond3A_98 {
        %dma_wait3A_204 = arith.constant 0 : i32
        %dma_wait3A_205 = arith.constant 0 : i32
        %dma_wait3A_206 = tpu.memref_slice %arg6[%dma_wait3A_204, %dma_wait3A_205] : memref<10000x128xf32, #tpu.memory_space<hbm>> -> memref<10000x128xf32, #tpu.memory_space<hbm>>
        tpu.wait_indirect_dma semaphore(%arg26 : memref<!tpu.dma_semaphore, #tpu.memory_space<semaphore_mem>>) src(%dma_wait3A_206 : memref<10000x128xf32, #tpu.memory_space<hbm>>) dst(%arg17 : memref<80x128xf32, #tpu.memory_space<vmem>>)
      } else {
      }
      %ge3A_99 = arith.constant 2 : i32
      %ge3A_100 = arith.cmpi sge, %add3A_93, %ge3A_99 : i32
      %sub3A_101 = arith.constant 2 : i32
      %sub3A_102 = arith.subi %add3A_93, %sub3A_101 : i32
      %le3A_103 = arith.constant 124 : i32
      %le3A_104 = arith.cmpi sle, %sub3A_102, %le3A_103 : i32
      %and3A_105 = arith.andi %ge3A_100, %le3A_104 : i1
      %convert_element_type3A_106 = arith.extui %and3A_105 : i1 to i32
      %cond3A_107 = arith.constant 0 : i32
      %cond3A_108 = arith.cmpi ne, %convert_element_type3A_106, %cond3A_107 : i32
      scf.if %cond3A_108 {
        %dma_wait3A_204 = arith.constant 0 : i32
        %dma_wait3A_205 = arith.constant 0 : i32
        %dma_wait3A_206 = tpu.memref_slice %arg20[%dma_wait3A_204, %dma_wait3A_205] : memref<10000x128xf32, #tpu.memory_space<vmem_shared>> -> memref<10000x128xf32, #tpu.memory_space<vmem_shared>>
        tpu.wait_indirect_dma semaphore(%arg32 : memref<!tpu.dma_semaphore, #tpu.memory_space<semaphore_mem>>) src(%arg19 : memref<80x128xf32, #tpu.memory_space<vmem>>) dst(%dma_wait3A_206 : memref<10000x128xf32, #tpu.memory_space<vmem_shared>>)
      } else {
      }
      %add3A_109 = arith.constant 2 : i32
      %add3A_110 = arith.addi %add3A_93, %add3A_109 : i32
      %le3A_111 = arith.constant 124 : i32
      %le3A_112 = arith.cmpi sle, %add3A_110, %le3A_111 : i32
      %convert_element_type3A_113 = arith.extui %le3A_112 : i1 to i32
      %cond3A_114 = arith.constant 0 : i32
      %cond3A_115 = arith.cmpi ne, %convert_element_type3A_113, %cond3A_114 : i32
      scf.if %cond3A_115 {
        %add3A_204 = arith.constant 2 : i32
        %add3A_205 = arith.addi %add3A_93, %add3A_204 : i32
        %mul3A_206 = arith.constant 80 : i32
        %mul3A_207 = arith.muli %add3A_205, %mul3A_206 : i32
        %add3A_208 = arith.addi %mul3A_2, %mul3A_207 : i32
        %dma_start3A_209 = tpu.memref_slice %arg2[%add3A_208] : memref<320000xi32, #tpu.memory_space<hbm>> -> memref<80xi32, #tpu.memory_space<hbm>>
        %dma_start3A_210 = tpu.memref_slice %arg2[%add3A_208] : memref<320000xi32, #tpu.memory_space<hbm>> -> memref<80xi32, #tpu.memory_space<hbm>>
        tpu.enqueue_dma source(%dma_start3A_210 : memref<80xi32, #tpu.memory_space<hbm>>) target(%arg11 : memref<80xi32, #tpu.memory_space<vmem>>) target_semaphore(%arg24 : memref<!tpu.dma_semaphore, #tpu.memory_space<semaphore_mem>>)
        %dma_start3A_211 = tpu.memref_slice %arg3[%add3A_208] : memref<320000xi32, #tpu.memory_space<hbm>> -> memref<80xi32, #tpu.memory_space<hbm>>
        %dma_start3A_212 = tpu.memref_slice %arg3[%add3A_208] : memref<320000xi32, #tpu.memory_space<hbm>> -> memref<80xi32, #tpu.memory_space<hbm>>
        tpu.enqueue_dma source(%dma_start3A_212 : memref<80xi32, #tpu.memory_space<hbm>>) target(%arg15 : memref<80xi32, #tpu.memory_space<vmem>>) target_semaphore(%arg24 : memref<!tpu.dma_semaphore, #tpu.memory_space<semaphore_mem>>)
        %dma_start3A_213 = arith.constant 0 : i32
        %dma_start3A_214 = tpu.memref_slice %arg4[%add3A_208, %dma_start3A_213] : memref<320000x128xf32, #tpu.memory_space<hbm>> -> memref<80x128xf32, #tpu.memory_space<hbm>>
        %dma_start3A_215 = arith.constant 0 : i32
        %dma_start3A_216 = tpu.memref_slice %arg4[%add3A_208, %dma_start3A_215] : memref<320000x128xf32, #tpu.memory_space<hbm>> -> memref<80x128xf32, #tpu.memory_space<hbm>>
        tpu.enqueue_dma source(%dma_start3A_216 : memref<80x128xf32, #tpu.memory_space<hbm>>) target(%arg19 : memref<80x128xf32, #tpu.memory_space<vmem>>) target_semaphore(%arg24 : memref<!tpu.dma_semaphore, #tpu.memory_space<semaphore_mem>>)
      } else {
      }
      %add3A_116 = arith.constant 1 : i32
      %add3A_117 = arith.addi %add3A_93, %add3A_116 : i32
      %le3A_118 = arith.constant 124 : i32
      %le3A_119 = arith.cmpi sle, %add3A_117, %le3A_118 : i32
      %convert_element_type3A_120 = arith.extui %le3A_119 : i1 to i32
      %cond3A_121 = arith.constant 0 : i32
      %cond3A_122 = arith.cmpi ne, %convert_element_type3A_120, %cond3A_121 : i32
      scf.if %cond3A_122 {
        %add3A_204 = arith.constant 1 : i32
        %add3A_205 = arith.addi %add3A_93, %add3A_204 : i32
        %mul3A_206 = arith.constant 80 : i32
        %mul3A_207 = arith.muli %add3A_205, %mul3A_206 : i32
        %add3A_208 = arith.addi %mul3A_2, %mul3A_207 : i32
        %dma_wait3A_209 = tpu.memref_slice %arg2[%add3A_208] : memref<320000xi32, #tpu.memory_space<hbm>> -> memref<80xi32, #tpu.memory_space<hbm>>
        %dma_wait3A_210 = tpu.memref_slice %arg2[%add3A_208] : memref<320000xi32, #tpu.memory_space<hbm>> -> memref<80xi32, #tpu.memory_space<hbm>>
        tpu.wait_dma2 semaphore(%arg23 : memref<!tpu.dma_semaphore, #tpu.memory_space<semaphore_mem>>) src(%dma_wait3A_210 : memref<80xi32, #tpu.memory_space<hbm>>) dst(%arg10 : memref<80xi32, #tpu.memory_space<vmem>>)
        %dma_wait3A_211 = tpu.memref_slice %arg3[%add3A_208] : memref<320000xi32, #tpu.memory_space<hbm>> -> memref<80xi32, #tpu.memory_space<hbm>>
        %dma_wait3A_212 = tpu.memref_slice %arg3[%add3A_208] : memref<320000xi32, #tpu.memory_space<hbm>> -> memref<80xi32, #tpu.memory_space<hbm>>
        tpu.wait_dma2 semaphore(%arg23 : memref<!tpu.dma_semaphore, #tpu.memory_space<semaphore_mem>>) src(%dma_wait3A_212 : memref<80xi32, #tpu.memory_space<hbm>>) dst(%arg14 : memref<80xi32, #tpu.memory_space<vmem>>)
        %dma_wait3A_213 = arith.constant 0 : i32
        %dma_wait3A_214 = tpu.memref_slice %arg4[%add3A_208, %dma_wait3A_213] : memref<320000x128xf32, #tpu.memory_space<hbm>> -> memref<80x128xf32, #tpu.memory_space<hbm>>
        %dma_wait3A_215 = arith.constant 0 : i32
        %dma_wait3A_216 = tpu.memref_slice %arg4[%add3A_208, %dma_wait3A_215] : memref<320000x128xf32, #tpu.memory_space<hbm>> -> memref<80x128xf32, #tpu.memory_space<hbm>>
        tpu.wait_dma2 semaphore(%arg23 : memref<!tpu.dma_semaphore, #tpu.memory_space<semaphore_mem>>) src(%dma_wait3A_216 : memref<80x128xf32, #tpu.memory_space<hbm>>) dst(%arg18 : memref<80x128xf32, #tpu.memory_space<vmem>>)
        %dma_start3A_217 = arith.constant 0 : i32
        %dma_start3A_218 = arith.constant 0 : i32
        %dma_start3A_219 = tpu.memref_slice %arg6[%dma_start3A_217, %dma_start3A_218] : memref<10000x128xf32, #tpu.memory_space<hbm>> -> memref<10000x128xf32, #tpu.memory_space<hbm>>
        tpu.enqueue_indirect_dma source(%dma_start3A_219 : memref<10000x128xf32, #tpu.memory_space<hbm>>) target(%arg18 : memref<80x128xf32, #tpu.memory_space<vmem>>) offsets(%arg10 : memref<80xi32, #tpu.memory_space<vmem>>) semaphore(%arg27 : memref<!tpu.dma_semaphore, #tpu.memory_space<semaphore_mem>>) {add = true}
      } else {
      }
      %le3A_123 = arith.constant 124 : i32
      %le3A_124 = arith.cmpi sle, %add3A_93, %le3A_123 : i32
      %convert_element_type3A_125 = arith.extui %le3A_124 : i1 to i32
      %cond3A_126 = arith.constant 0 : i32
      %cond3A_127 = arith.cmpi ne, %convert_element_type3A_125, %cond3A_126 : i32
      scf.if %cond3A_127 {
        %parallel_loop3A = arith.constant 0 : i32
        %parallel_loop3A_204 = arith.constant 80 : i32
        %parallel_loop3A_205 = arith.constant 1 : i32
        scf.for %parallel_loop3A_209 = %parallel_loop3A to %parallel_loop3A_204 step %parallel_loop3A_205  : i32 {
          %parallel_loop3A_210 = arith.index_cast %parallel_loop3A_209 : i32 to index
          %parallel_loop3A_211 = arith.constant 0 : index
          %parallel_loop3A_212 = tpu.vector_load %arg17[%parallel_loop3A_210, %parallel_loop3A_211] {strides = array<i32>} : memref<80x128xf32, #tpu.memory_space<vmem>>, vector<1x16xf32>,
          %parallel_loop3A_213 = vector.shape_cast %parallel_loop3A_212 : vector<1x16xf32> to vector<16xf32>
          %parallel_loop3A_214 = arith.constant 0.000000e+00 : f32
          %parallel_loop3A_215 = vector.broadcast %parallel_loop3A_214 : f32 to vector<16xf32>
          %parallel_loop3A_216 = arith.maximumf %parallel_loop3A_213, %parallel_loop3A_215 : vector<16xf32>
          %parallel_loop3A_217 = arith.index_cast %parallel_loop3A_209 : i32 to index
          %parallel_loop3A_218 = arith.constant 0 : index
          %parallel_loop3A_219 = tpu.vector_load %arg17[%parallel_loop3A_217, %parallel_loop3A_218] {strides = array<i32>} : memref<80x128xf32, #tpu.memory_space<vmem>>, vector<1x16xf32>,
          %parallel_loop3A_220 = vector.shape_cast %parallel_loop3A_219 : vector<1x16xf32> to vector<16xf32>
          %parallel_loop3A_221 = vector.shape_cast %parallel_loop3A_216 : vector<16xf32> to vector<1x16xf32>
          tpu.vector_store %arg17[%parallel_loop3A_217, %parallel_loop3A_218], %parallel_loop3A_221 {strides = array<i32>} : memref<80x128xf32, #tpu.memory_space<vmem>>, vector<1x16xf32>,
          %parallel_loop3A_222 = arith.index_cast %parallel_loop3A_209 : i32 to index
          %parallel_loop3A_223 = arith.constant 16 : index
          %parallel_loop3A_224 = tpu.vector_load %arg17[%parallel_loop3A_222, %parallel_loop3A_223] {strides = array<i32>} : memref<80x128xf32, #tpu.memory_space<vmem>>, vector<1x16xf32>,
          %parallel_loop3A_225 = vector.shape_cast %parallel_loop3A_224 : vector<1x16xf32> to vector<16xf32>
          %parallel_loop3A_226 = arith.constant 0.000000e+00 : f32
          %parallel_loop3A_227 = vector.broadcast %parallel_loop3A_226 : f32 to vector<16xf32>
          %parallel_loop3A_228 = arith.maximumf %parallel_loop3A_225, %parallel_loop3A_227 : vector<16xf32>
          %parallel_loop3A_229 = arith.index_cast %parallel_loop3A_209 : i32 to index
          %parallel_loop3A_230 = arith.constant 16 : index
          %parallel_loop3A_231 = tpu.vector_load %arg17[%parallel_loop3A_229, %parallel_loop3A_230] {strides = array<i32>} : memref<80x128xf32, #tpu.memory_space<vmem>>, vector<1x16xf32>,
          %parallel_loop3A_232 = vector.shape_cast %parallel_loop3A_231 : vector<1x16xf32> to vector<16xf32>
          %parallel_loop3A_233 = vector.shape_cast %parallel_loop3A_228 : vector<16xf32> to vector<1x16xf32>
          tpu.vector_store %arg17[%parallel_loop3A_229, %parallel_loop3A_230], %parallel_loop3A_233 {strides = array<i32>} : memref<80x128xf32, #tpu.memory_space<vmem>>, vector<1x16xf32>,
          %parallel_loop3A_234 = arith.index_cast %parallel_loop3A_209 : i32 to index
          %parallel_loop3A_235 = arith.constant 32 : index
          %parallel_loop3A_236 = tpu.vector_load %arg17[%parallel_loop3A_234, %parallel_loop3A_235] {strides = array<i32>} : memref<80x128xf32, #tpu.memory_space<vmem>>, vector<1x16xf32>,
          %parallel_loop3A_237 = vector.shape_cast %parallel_loop3A_236 : vector<1x16xf32> to vector<16xf32>
          %parallel_loop3A_238 = arith.constant 0.000000e+00 : f32
          %parallel_loop3A_239 = vector.broadcast %parallel_loop3A_238 : f32 to vector<16xf32>
          %parallel_loop3A_240 = arith.maximumf %parallel_loop3A_237, %parallel_loop3A_239 : vector<16xf32>
          %parallel_loop3A_241 = arith.index_cast %parallel_loop3A_209 : i32 to index
          %parallel_loop3A_242 = arith.constant 32 : index
          %parallel_loop3A_243 = tpu.vector_load %arg17[%parallel_loop3A_241, %parallel_loop3A_242] {strides = array<i32>} : memref<80x128xf32, #tpu.memory_space<vmem>>, vector<1x16xf32>,
          %parallel_loop3A_244 = vector.shape_cast %parallel_loop3A_243 : vector<1x16xf32> to vector<16xf32>
          %parallel_loop3A_245 = vector.shape_cast %parallel_loop3A_240 : vector<16xf32> to vector<1x16xf32>
          tpu.vector_store %arg17[%parallel_loop3A_241, %parallel_loop3A_242], %parallel_loop3A_245 {strides = array<i32>} : memref<80x128xf32, #tpu.memory_space<vmem>>, vector<1x16xf32>,
          %parallel_loop3A_246 = arith.index_cast %parallel_loop3A_209 : i32 to index
          %parallel_loop3A_247 = arith.constant 48 : index
          %parallel_loop3A_248 = tpu.vector_load %arg17[%parallel_loop3A_246, %parallel_loop3A_247] {strides = array<i32>} : memref<80x128xf32, #tpu.memory_space<vmem>>, vector<1x16xf32>,
          %parallel_loop3A_249 = vector.shape_cast %parallel_loop3A_248 : vector<1x16xf32> to vector<16xf32>
          %parallel_loop3A_250 = arith.constant 0.000000e+00 : f32
          %parallel_loop3A_251 = vector.broadcast %parallel_loop3A_250 : f32 to vector<16xf32>
          %parallel_loop3A_252 = arith.maximumf %parallel_loop3A_249, %parallel_loop3A_251 : vector<16xf32>
          %parallel_loop3A_253 = arith.index_cast %parallel_loop3A_209 : i32 to index
          %parallel_loop3A_254 = arith.constant 48 : index
          %parallel_loop3A_255 = tpu.vector_load %arg17[%parallel_loop3A_253, %parallel_loop3A_254] {strides = array<i32>} : memref<80x128xf32, #tpu.memory_space<vmem>>, vector<1x16xf32>,
          %parallel_loop3A_256 = vector.shape_cast %parallel_loop3A_255 : vector<1x16xf32> to vector<16xf32>
          %parallel_loop3A_257 = vector.shape_cast %parallel_loop3A_252 : vector<16xf32> to vector<1x16xf32>
          tpu.vector_store %arg17[%parallel_loop3A_253, %parallel_loop3A_254], %parallel_loop3A_257 {strides = array<i32>} : memref<80x128xf32, #tpu.memory_space<vmem>>, vector<1x16xf32>,
          %parallel_loop3A_258 = arith.index_cast %parallel_loop3A_209 : i32 to index
          %parallel_loop3A_259 = arith.constant 64 : index
          %parallel_loop3A_260 = tpu.vector_load %arg17[%parallel_loop3A_258, %parallel_loop3A_259] {strides = array<i32>} : memref<80x128xf32, #tpu.memory_space<vmem>>, vector<1x16xf32>,
          %parallel_loop3A_261 = vector.shape_cast %parallel_loop3A_260 : vector<1x16xf32> to vector<16xf32>
          %parallel_loop3A_262 = arith.constant 0.000000e+00 : f32
          %parallel_loop3A_263 = vector.broadcast %parallel_loop3A_262 : f32 to vector<16xf32>
          %parallel_loop3A_264 = arith.maximumf %parallel_loop3A_261, %parallel_loop3A_263 : vector<16xf32>
          %parallel_loop3A_265 = arith.index_cast %parallel_loop3A_209 : i32 to index
          %parallel_loop3A_266 = arith.constant 64 : index
          %parallel_loop3A_267 = tpu.vector_load %arg17[%parallel_loop3A_265, %parallel_loop3A_266] {strides = array<i32>} : memref<80x128xf32, #tpu.memory_space<vmem>>, vector<1x16xf32>,
          %parallel_loop3A_268 = vector.shape_cast %parallel_loop3A_267 : vector<1x16xf32> to vector<16xf32>
          %parallel_loop3A_269 = vector.shape_cast %parallel_loop3A_264 : vector<16xf32> to vector<1x16xf32>
          tpu.vector_store %arg17[%parallel_loop3A_265, %parallel_loop3A_266], %parallel_loop3A_269 {strides = array<i32>} : memref<80x128xf32, #tpu.memory_space<vmem>>, vector<1x16xf32>,
          %parallel_loop3A_270 = arith.index_cast %parallel_loop3A_209 : i32 to index
          %parallel_loop3A_271 = arith.constant 80 : index
          %parallel_loop3A_272 = tpu.vector_load %arg17[%parallel_loop3A_270, %parallel_loop3A_271] {strides = array<i32>} : memref<80x128xf32, #tpu.memory_space<vmem>>, vector<1x16xf32>,
          %parallel_loop3A_273 = vector.shape_cast %parallel_loop3A_272 : vector<1x16xf32> to vector<16xf32>
          %parallel_loop3A_274 = arith.constant 0.000000e+00 : f32
          %parallel_loop3A_275 = vector.broadcast %parallel_loop3A_274 : f32 to vector<16xf32>
          %parallel_loop3A_276 = arith.maximumf %parallel_loop3A_273, %parallel_loop3A_275 : vector<16xf32>
          %parallel_loop3A_277 = arith.index_cast %parallel_loop3A_209 : i32 to index
          %parallel_loop3A_278 = arith.constant 80 : index
          %parallel_loop3A_279 = tpu.vector_load %arg17[%parallel_loop3A_277, %parallel_loop3A_278] {strides = array<i32>} : memref<80x128xf32, #tpu.memory_space<vmem>>, vector<1x16xf32>,
          %parallel_loop3A_280 = vector.shape_cast %parallel_loop3A_279 : vector<1x16xf32> to vector<16xf32>
          %parallel_loop3A_281 = vector.shape_cast %parallel_loop3A_276 : vector<16xf32> to vector<1x16xf32>
          tpu.vector_store %arg17[%parallel_loop3A_277, %parallel_loop3A_278], %parallel_loop3A_281 {strides = array<i32>} : memref<80x128xf32, #tpu.memory_space<vmem>>, vector<1x16xf32>,
          %parallel_loop3A_282 = arith.index_cast %parallel_loop3A_209 : i32 to index
          %parallel_loop3A_283 = arith.constant 96 : index
          %parallel_loop3A_284 = tpu.vector_load %arg17[%parallel_loop3A_282, %parallel_loop3A_283] {strides = array<i32>} : memref<80x128xf32, #tpu.memory_space<vmem>>, vector<1x16xf32>,
          %parallel_loop3A_285 = vector.shape_cast %parallel_loop3A_284 : vector<1x16xf32> to vector<16xf32>
          %parallel_loop3A_286 = arith.constant 0.000000e+00 : f32
          %parallel_loop3A_287 = vector.broadcast %parallel_loop3A_286 : f32 to vector<16xf32>
          %parallel_loop3A_288 = arith.maximumf %parallel_loop3A_285, %parallel_loop3A_287 : vector<16xf32>
          %parallel_loop3A_289 = arith.index_cast %parallel_loop3A_209 : i32 to index
          %parallel_loop3A_290 = arith.constant 96 : index
          %parallel_loop3A_291 = tpu.vector_load %arg17[%parallel_loop3A_289, %parallel_loop3A_290] {strides = array<i32>} : memref<80x128xf32, #tpu.memory_space<vmem>>, vector<1x16xf32>,
          %parallel_loop3A_292 = vector.shape_cast %parallel_loop3A_291 : vector<1x16xf32> to vector<16xf32>
          %parallel_loop3A_293 = vector.shape_cast %parallel_loop3A_288 : vector<16xf32> to vector<1x16xf32>
          tpu.vector_store %arg17[%parallel_loop3A_289, %parallel_loop3A_290], %parallel_loop3A_293 {strides = array<i32>} : memref<80x128xf32, #tpu.memory_space<vmem>>, vector<1x16xf32>,
          %parallel_loop3A_294 = arith.index_cast %parallel_loop3A_209 : i32 to index
          %parallel_loop3A_295 = arith.constant 112 : index
          %parallel_loop3A_296 = tpu.vector_load %arg17[%parallel_loop3A_294, %parallel_loop3A_295] {strides = array<i32>} : memref<80x128xf32, #tpu.memory_space<vmem>>, vector<1x16xf32>,
          %parallel_loop3A_297 = vector.shape_cast %parallel_loop3A_296 : vector<1x16xf32> to vector<16xf32>
          %parallel_loop3A_298 = arith.constant 0.000000e+00 : f32
          %parallel_loop3A_299 = vector.broadcast %parallel_loop3A_298 : f32 to vector<16xf32>
          %parallel_loop3A_300 = arith.maximumf %parallel_loop3A_297, %parallel_loop3A_299 : vector<16xf32>
          %parallel_loop3A_301 = arith.index_cast %parallel_loop3A_209 : i32 to index
          %parallel_loop3A_302 = arith.constant 112 : index
          %parallel_loop3A_303 = tpu.vector_load %arg17[%parallel_loop3A_301, %parallel_loop3A_302] {strides = array<i32>} : memref<80x128xf32, #tpu.memory_space<vmem>>, vector<1x16xf32>,
          %parallel_loop3A_304 = vector.shape_cast %parallel_loop3A_303 : vector<1x16xf32> to vector<16xf32>
          %parallel_loop3A_305 = vector.shape_cast %parallel_loop3A_300 : vector<16xf32> to vector<1x16xf32>
          tpu.vector_store %arg17[%parallel_loop3A_301, %parallel_loop3A_302], %parallel_loop3A_305 {strides = array<i32>} : memref<80x128xf32, #tpu.memory_space<vmem>>, vector<1x16xf32>,
        } {sc.loop_unroll_factor = 4 : i64, sc.parallel_access}
        %dma_start3A_206 = arith.constant 0 : i32
        %dma_start3A_207 = arith.constant 0 : i32
        %dma_start3A_208 = tpu.memref_slice %arg20[%dma_start3A_206, %dma_start3A_207] : memref<10000x128xf32, #tpu.memory_space<vmem_shared>> -> memref<10000x128xf32, #tpu.memory_space<vmem_shared>>
        tpu.enqueue_indirect_dma source(%arg17 : memref<80x128xf32, #tpu.memory_space<vmem>>) target(%dma_start3A_208 : memref<10000x128xf32, #tpu.memory_space<vmem_shared>>) offsets(%arg13 : memref<80xi32, #tpu.memory_space<vmem>>) semaphore(%arg30 : memref<!tpu.dma_semaphore, #tpu.memory_space<semaphore_mem>>) {add = true}
      } else {
      }
      %mul3A_128 = arith.constant 4 : i32
      %mul3A_129 = arith.muli %scan3A_55, %mul3A_128 : i32
      %add3A_130 = arith.constant 2 : i32
      %add3A_131 = arith.addi %mul3A_129, %add3A_130 : i32
      %le3A_132 = arith.constant 124 : i32
      %le3A_133 = arith.cmpi sle, %add3A_131, %le3A_132 : i32
      %convert_element_type3A_134 = arith.extui %le3A_133 : i1 to i32
      %cond3A_135 = arith.constant 0 : i32
      %cond3A_136 = arith.cmpi ne, %convert_element_type3A_134, %cond3A_135 : i32
      scf.if %cond3A_136 {
        %dma_wait3A_204 = arith.constant 0 : i32
        %dma_wait3A_205 = arith.constant 0 : i32
        %dma_wait3A_206 = tpu.memref_slice %arg6[%dma_wait3A_204, %dma_wait3A_205] : memref<10000x128xf32, #tpu.memory_space<hbm>> -> memref<10000x128xf32, #tpu.memory_space<hbm>>
        tpu.wait_indirect_dma semaphore(%arg27 : memref<!tpu.dma_semaphore, #tpu.memory_space<semaphore_mem>>) src(%dma_wait3A_206 : memref<10000x128xf32, #tpu.memory_space<hbm>>) dst(%arg18 : memref<80x128xf32, #tpu.memory_space<vmem>>)
      } else {
      }
      %ge3A_137 = arith.constant 2 : i32
      %ge3A_138 = arith.cmpi sge, %add3A_131, %ge3A_137 : i32
      %sub3A_139 = arith.constant 2 : i32
      %sub3A_140 = arith.subi %add3A_131, %sub3A_139 : i32
      %le3A_141 = arith.constant 124 : i32
      %le3A_142 = arith.cmpi sle, %sub3A_140, %le3A_141 : i32
      %and3A_143 = arith.andi %ge3A_138, %le3A_142 : i1
      %convert_element_type3A_144 = arith.extui %and3A_143 : i1 to i32
      %cond3A_145 = arith.constant 0 : i32
      %cond3A_146 = arith.cmpi ne, %convert_element_type3A_144, %cond3A_145 : i32
      scf.if %cond3A_146 {
        %dma_wait3A_204 = arith.constant 0 : i32
        %dma_wait3A_205 = arith.constant 0 : i32
        %dma_wait3A_206 = tpu.memref_slice %arg20[%dma_wait3A_204, %dma_wait3A_205] : memref<10000x128xf32, #tpu.memory_space<vmem_shared>> -> memref<10000x128xf32, #tpu.memory_space<vmem_shared>>
        tpu.wait_indirect_dma semaphore(%arg29 : memref<!tpu.dma_semaphore, #tpu.memory_space<semaphore_mem>>) src(%arg16 : memref<80x128xf32, #tpu.memory_space<vmem>>) dst(%dma_wait3A_206 : memref<10000x128xf32, #tpu.memory_space<vmem_shared>>)
      } else {
      }
      %add3A_147 = arith.constant 2 : i32
      %add3A_148 = arith.addi %add3A_131, %add3A_147 : i32
      %le3A_149 = arith.constant 124 : i32
      %le3A_150 = arith.cmpi sle, %add3A_148, %le3A_149 : i32
      %convert_element_type3A_151 = arith.extui %le3A_150 : i1 to i32
      %cond3A_152 = arith.constant 0 : i32
      %cond3A_153 = arith.cmpi ne, %convert_element_type3A_151, %cond3A_152 : i32
      scf.if %cond3A_153 {
        %add3A_204 = arith.constant 2 : i32
        %add3A_205 = arith.addi %add3A_131, %add3A_204 : i32
        %mul3A_206 = arith.constant 80 : i32
        %mul3A_207 = arith.muli %add3A_205, %mul3A_206 : i32
        %add3A_208 = arith.addi %mul3A_2, %mul3A_207 : i32
        %dma_start3A_209 = tpu.memref_slice %arg2[%add3A_208] : memref<320000xi32, #tpu.memory_space<hbm>> -> memref<80xi32, #tpu.memory_space<hbm>>
        %dma_start3A_210 = tpu.memref_slice %arg2[%add3A_208] : memref<320000xi32, #tpu.memory_space<hbm>> -> memref<80xi32, #tpu.memory_space<hbm>>
        tpu.enqueue_dma source(%dma_start3A_210 : memref<80xi32, #tpu.memory_space<hbm>>) target(%arg8 : memref<80xi32, #tpu.memory_space<vmem>>) target_semaphore(%arg21 : memref<!tpu.dma_semaphore, #tpu.memory_space<semaphore_mem>>)
        %dma_start3A_211 = tpu.memref_slice %arg3[%add3A_208] : memref<320000xi32, #tpu.memory_space<hbm>> -> memref<80xi32, #tpu.memory_space<hbm>>
        %dma_start3A_212 = tpu.memref_slice %arg3[%add3A_208] : memref<320000xi32, #tpu.memory_space<hbm>> -> memref<80xi32, #tpu.memory_space<hbm>>
        tpu.enqueue_dma source(%dma_start3A_212 : memref<80xi32, #tpu.memory_space<hbm>>) target(%arg12 : memref<80xi32, #tpu.memory_space<vmem>>) target_semaphore(%arg21 : memref<!tpu.dma_semaphore, #tpu.memory_space<semaphore_mem>>)
        %dma_start3A_213 = arith.constant 0 : i32
        %dma_start3A_214 = tpu.memref_slice %arg4[%add3A_208, %dma_start3A_213] : memref<320000x128xf32, #tpu.memory_space<hbm>> -> memref<80x128xf32, #tpu.memory_space<hbm>>
        %dma_start3A_215 = arith.constant 0 : i32
        %dma_start3A_216 = tpu.memref_slice %arg4[%add3A_208, %dma_start3A_215] : memref<320000x128xf32, #tpu.memory_space<hbm>> -> memref<80x128xf32, #tpu.memory_space<hbm>>
        tpu.enqueue_dma source(%dma_start3A_216 : memref<80x128xf32, #tpu.memory_space<hbm>>) target(%arg16 : memref<80x128xf32, #tpu.memory_space<vmem>>) target_semaphore(%arg21 : memref<!tpu.dma_semaphore, #tpu.memory_space<semaphore_mem>>)
      } else {
      }
      %add3A_154 = arith.constant 1 : i32
      %add3A_155 = arith.addi %add3A_131, %add3A_154 : i32
      %le3A_156 = arith.constant 124 : i32
      %le3A_157 = arith.cmpi sle, %add3A_155, %le3A_156 : i32
      %convert_element_type3A_158 = arith.extui %le3A_157 : i1 to i32
      %cond3A_159 = arith.constant 0 : i32
      %cond3A_160 = arith.cmpi ne, %convert_element_type3A_158, %cond3A_159 : i32
      scf.if %cond3A_160 {
        %add3A_204 = arith.constant 1 : i32
        %add3A_205 = arith.addi %add3A_131, %add3A_204 : i32
        %mul3A_206 = arith.constant 80 : i32
        %mul3A_207 = arith.muli %add3A_205, %mul3A_206 : i32
        %add3A_208 = arith.addi %mul3A_2, %mul3A_207 : i32
        %dma_wait3A_209 = tpu.memref_slice %arg2[%add3A_208] : memref<320000xi32, #tpu.memory_space<hbm>> -> memref<80xi32, #tpu.memory_space<hbm>>
        %dma_wait3A_210 = tpu.memref_slice %arg2[%add3A_208] : memref<320000xi32, #tpu.memory_space<hbm>> -> memref<80xi32, #tpu.memory_space<hbm>>
        tpu.wait_dma2 semaphore(%arg24 : memref<!tpu.dma_semaphore, #tpu.memory_space<semaphore_mem>>) src(%dma_wait3A_210 : memref<80xi32, #tpu.memory_space<hbm>>) dst(%arg11 : memref<80xi32, #tpu.memory_space<vmem>>)
        %dma_wait3A_211 = tpu.memref_slice %arg3[%add3A_208] : memref<320000xi32, #tpu.memory_space<hbm>> -> memref<80xi32, #tpu.memory_space<hbm>>
        %dma_wait3A_212 = tpu.memref_slice %arg3[%add3A_208] : memref<320000xi32, #tpu.memory_space<hbm>> -> memref<80xi32, #tpu.memory_space<hbm>>
        tpu.wait_dma2 semaphore(%arg24 : memref<!tpu.dma_semaphore, #tpu.memory_space<semaphore_mem>>) src(%dma_wait3A_212 : memref<80xi32, #tpu.memory_space<hbm>>) dst(%arg15 : memref<80xi32, #tpu.memory_space<vmem>>)
        %dma_wait3A_213 = arith.constant 0 : i32
        %dma_wait3A_214 = tpu.memref_slice %arg4[%add3A_208, %dma_wait3A_213] : memref<320000x128xf32, #tpu.memory_space<hbm>> -> memref<80x128xf32, #tpu.memory_space<hbm>>
        %dma_wait3A_215 = arith.constant 0 : i32
        %dma_wait3A_216 = tpu.memref_slice %arg4[%add3A_208, %dma_wait3A_215] : memref<320000x128xf32, #tpu.memory_space<hbm>> -> memref<80x128xf32, #tpu.memory_space<hbm>>
        tpu.wait_dma2 semaphore(%arg24 : memref<!tpu.dma_semaphore, #tpu.memory_space<semaphore_mem>>) src(%dma_wait3A_216 : memref<80x128xf32, #tpu.memory_space<hbm>>) dst(%arg19 : memref<80x128xf32, #tpu.memory_space<vmem>>)
        %dma_start3A_217 = arith.constant 0 : i32
        %dma_start3A_218 = arith.constant 0 : i32
        %dma_start3A_219 = tpu.memref_slice %arg6[%dma_start3A_217, %dma_start3A_218] : memref<10000x128xf32, #tpu.memory_space<hbm>> -> memref<10000x128xf32, #tpu.memory_space<hbm>>
        tpu.enqueue_indirect_dma source(%dma_start3A_219 : memref<10000x128xf32, #tpu.memory_space<hbm>>) target(%arg19 : memref<80x128xf32, #tpu.memory_space<vmem>>) offsets(%arg11 : memref<80xi32, #tpu.memory_space<vmem>>) semaphore(%arg28 : memref<!tpu.dma_semaphore, #tpu.memory_space<semaphore_mem>>) {add = true}
      } else {
      }
      %le3A_161 = arith.constant 124 : i32
      %le3A_162 = arith.cmpi sle, %add3A_131, %le3A_161 : i32
      %convert_element_type3A_163 = arith.extui %le3A_162 : i1 to i32
      %cond3A_164 = arith.constant 0 : i32
      %cond3A_165 = arith.cmpi ne, %convert_element_type3A_163, %cond3A_164 : i32
      scf.if %cond3A_165 {
        %parallel_loop3A = arith.constant 0 : i32
        %parallel_loop3A_204 = arith.constant 80 : i32
        %parallel_loop3A_205 = arith.constant 1 : i32
        scf.for %parallel_loop3A_209 = %parallel_loop3A to %parallel_loop3A_204 step %parallel_loop3A_205  : i32 {
          %parallel_loop3A_210 = arith.index_cast %parallel_loop3A_209 : i32 to index
          %parallel_loop3A_211 = arith.constant 0 : index
          %parallel_loop3A_212 = tpu.vector_load %arg18[%parallel_loop3A_210, %parallel_loop3A_211] {strides = array<i32>} : memref<80x128xf32, #tpu.memory_space<vmem>>, vector<1x16xf32>,
          %parallel_loop3A_213 = vector.shape_cast %parallel_loop3A_212 : vector<1x16xf32> to vector<16xf32>
          %parallel_loop3A_214 = arith.constant 0.000000e+00 : f32
          %parallel_loop3A_215 = vector.broadcast %parallel_loop3A_214 : f32 to vector<16xf32>
          %parallel_loop3A_216 = arith.maximumf %parallel_loop3A_213, %parallel_loop3A_215 : vector<16xf32>
          %parallel_loop3A_217 = arith.index_cast %parallel_loop3A_209 : i32 to index
          %parallel_loop3A_218 = arith.constant 0 : index
          %parallel_loop3A_219 = tpu.vector_load %arg18[%parallel_loop3A_217, %parallel_loop3A_218] {strides = array<i32>} : memref<80x128xf32, #tpu.memory_space<vmem>>, vector<1x16xf32>,
          %parallel_loop3A_220 = vector.shape_cast %parallel_loop3A_219 : vector<1x16xf32> to vector<16xf32>
          %parallel_loop3A_221 = vector.shape_cast %parallel_loop3A_216 : vector<16xf32> to vector<1x16xf32>
          tpu.vector_store %arg18[%parallel_loop3A_217, %parallel_loop3A_218], %parallel_loop3A_221 {strides = array<i32>} : memref<80x128xf32, #tpu.memory_space<vmem>>, vector<1x16xf32>,
          %parallel_loop3A_222 = arith.index_cast %parallel_loop3A_209 : i32 to index
          %parallel_loop3A_223 = arith.constant 16 : index
          %parallel_loop3A_224 = tpu.vector_load %arg18[%parallel_loop3A_222, %parallel_loop3A_223] {strides = array<i32>} : memref<80x128xf32, #tpu.memory_space<vmem>>, vector<1x16xf32>,
          %parallel_loop3A_225 = vector.shape_cast %parallel_loop3A_224 : vector<1x16xf32> to vector<16xf32>
          %parallel_loop3A_226 = arith.constant 0.000000e+00 : f32
          %parallel_loop3A_227 = vector.broadcast %parallel_loop3A_226 : f32 to vector<16xf32>
          %parallel_loop3A_228 = arith.maximumf %parallel_loop3A_225, %parallel_loop3A_227 : vector<16xf32>
          %parallel_loop3A_229 = arith.index_cast %parallel_loop3A_209 : i32 to index
          %parallel_loop3A_230 = arith.constant 16 : index
          %parallel_loop3A_231 = tpu.vector_load %arg18[%parallel_loop3A_229, %parallel_loop3A_230] {strides = array<i32>} : memref<80x128xf32, #tpu.memory_space<vmem>>, vector<1x16xf32>,
          %parallel_loop3A_232 = vector.shape_cast %parallel_loop3A_231 : vector<1x16xf32> to vector<16xf32>
          %parallel_loop3A_233 = vector.shape_cast %parallel_loop3A_228 : vector<16xf32> to vector<1x16xf32>
          tpu.vector_store %arg18[%parallel_loop3A_229, %parallel_loop3A_230], %parallel_loop3A_233 {strides = array<i32>} : memref<80x128xf32, #tpu.memory_space<vmem>>, vector<1x16xf32>,
          %parallel_loop3A_234 = arith.index_cast %parallel_loop3A_209 : i32 to index
          %parallel_loop3A_235 = arith.constant 32 : index
          %parallel_loop3A_236 = tpu.vector_load %arg18[%parallel_loop3A_234, %parallel_loop3A_235] {strides = array<i32>} : memref<80x128xf32, #tpu.memory_space<vmem>>, vector<1x16xf32>,
          %parallel_loop3A_237 = vector.shape_cast %parallel_loop3A_236 : vector<1x16xf32> to vector<16xf32>
          %parallel_loop3A_238 = arith.constant 0.000000e+00 : f32
          %parallel_loop3A_239 = vector.broadcast %parallel_loop3A_238 : f32 to vector<16xf32>
          %parallel_loop3A_240 = arith.maximumf %parallel_loop3A_237, %parallel_loop3A_239 : vector<16xf32>
          %parallel_loop3A_241 = arith.index_cast %parallel_loop3A_209 : i32 to index
          %parallel_loop3A_242 = arith.constant 32 : index
          %parallel_loop3A_243 = tpu.vector_load %arg18[%parallel_loop3A_241, %parallel_loop3A_242] {strides = array<i32>} : memref<80x128xf32, #tpu.memory_space<vmem>>, vector<1x16xf32>,
          %parallel_loop3A_244 = vector.shape_cast %parallel_loop3A_243 : vector<1x16xf32> to vector<16xf32>
          %parallel_loop3A_245 = vector.shape_cast %parallel_loop3A_240 : vector<16xf32> to vector<1x16xf32>
          tpu.vector_store %arg18[%parallel_loop3A_241, %parallel_loop3A_242], %parallel_loop3A_245 {strides = array<i32>} : memref<80x128xf32, #tpu.memory_space<vmem>>, vector<1x16xf32>,
          %parallel_loop3A_246 = arith.index_cast %parallel_loop3A_209 : i32 to index
          %parallel_loop3A_247 = arith.constant 48 : index
          %parallel_loop3A_248 = tpu.vector_load %arg18[%parallel_loop3A_246, %parallel_loop3A_247] {strides = array<i32>} : memref<80x128xf32, #tpu.memory_space<vmem>>, vector<1x16xf32>,
          %parallel_loop3A_249 = vector.shape_cast %parallel_loop3A_248 : vector<1x16xf32> to vector<16xf32>
          %parallel_loop3A_250 = arith.constant 0.000000e+00 : f32
          %parallel_loop3A_251 = vector.broadcast %parallel_loop3A_250 : f32 to vector<16xf32>
          %parallel_loop3A_252 = arith.maximumf %parallel_loop3A_249, %parallel_loop3A_251 : vector<16xf32>
          %parallel_loop3A_253 = arith.index_cast %parallel_loop3A_209 : i32 to index
          %parallel_loop3A_254 = arith.constant 48 : index
          %parallel_loop3A_255 = tpu.vector_load %arg18[%parallel_loop3A_253, %parallel_loop3A_254] {strides = array<i32>} : memref<80x128xf32, #tpu.memory_space<vmem>>, vector<1x16xf32>,
          %parallel_loop3A_256 = vector.shape_cast %parallel_loop3A_255 : vector<1x16xf32> to vector<16xf32>
          %parallel_loop3A_257 = vector.shape_cast %parallel_loop3A_252 : vector<16xf32> to vector<1x16xf32>
          tpu.vector_store %arg18[%parallel_loop3A_253, %parallel_loop3A_254], %parallel_loop3A_257 {strides = array<i32>} : memref<80x128xf32, #tpu.memory_space<vmem>>, vector<1x16xf32>,
          %parallel_loop3A_258 = arith.index_cast %parallel_loop3A_209 : i32 to index
          %parallel_loop3A_259 = arith.constant 64 : index
          %parallel_loop3A_260 = tpu.vector_load %arg18[%parallel_loop3A_258, %parallel_loop3A_259] {strides = array<i32>} : memref<80x128xf32, #tpu.memory_space<vmem>>, vector<1x16xf32>,
          %parallel_loop3A_261 = vector.shape_cast %parallel_loop3A_260 : vector<1x16xf32> to vector<16xf32>
          %parallel_loop3A_262 = arith.constant 0.000000e+00 : f32
          %parallel_loop3A_263 = vector.broadcast %parallel_loop3A_262 : f32 to vector<16xf32>
          %parallel_loop3A_264 = arith.maximumf %parallel_loop3A_261, %parallel_loop3A_263 : vector<16xf32>
          %parallel_loop3A_265 = arith.index_cast %parallel_loop3A_209 : i32 to index
          %parallel_loop3A_266 = arith.constant 64 : index
          %parallel_loop3A_267 = tpu.vector_load %arg18[%parallel_loop3A_265, %parallel_loop3A_266] {strides = array<i32>} : memref<80x128xf32, #tpu.memory_space<vmem>>, vector<1x16xf32>,
          %parallel_loop3A_268 = vector.shape_cast %parallel_loop3A_267 : vector<1x16xf32> to vector<16xf32>
          %parallel_loop3A_269 = vector.shape_cast %parallel_loop3A_264 : vector<16xf32> to vector<1x16xf32>
          tpu.vector_store %arg18[%parallel_loop3A_265, %parallel_loop3A_266], %parallel_loop3A_269 {strides = array<i32>} : memref<80x128xf32, #tpu.memory_space<vmem>>, vector<1x16xf32>,
          %parallel_loop3A_270 = arith.index_cast %parallel_loop3A_209 : i32 to index
          %parallel_loop3A_271 = arith.constant 80 : index
          %parallel_loop3A_272 = tpu.vector_load %arg18[%parallel_loop3A_270, %parallel_loop3A_271] {strides = array<i32>} : memref<80x128xf32, #tpu.memory_space<vmem>>, vector<1x16xf32>,
          %parallel_loop3A_273 = vector.shape_cast %parallel_loop3A_272 : vector<1x16xf32> to vector<16xf32>
          %parallel_loop3A_274 = arith.constant 0.000000e+00 : f32
          %parallel_loop3A_275 = vector.broadcast %parallel_loop3A_274 : f32 to vector<16xf32>
          %parallel_loop3A_276 = arith.maximumf %parallel_loop3A_273, %parallel_loop3A_275 : vector<16xf32>
          %parallel_loop3A_277 = arith.index_cast %parallel_loop3A_209 : i32 to index
          %parallel_loop3A_278 = arith.constant 80 : index
          %parallel_loop3A_279 = tpu.vector_load %arg18[%parallel_loop3A_277, %parallel_loop3A_278] {strides = array<i32>} : memref<80x128xf32, #tpu.memory_space<vmem>>, vector<1x16xf32>,
          %parallel_loop3A_280 = vector.shape_cast %parallel_loop3A_279 : vector<1x16xf32> to vector<16xf32>
          %parallel_loop3A_281 = vector.shape_cast %parallel_loop3A_276 : vector<16xf32> to vector<1x16xf32>
          tpu.vector_store %arg18[%parallel_loop3A_277, %parallel_loop3A_278], %parallel_loop3A_281 {strides = array<i32>} : memref<80x128xf32, #tpu.memory_space<vmem>>, vector<1x16xf32>,
          %parallel_loop3A_282 = arith.index_cast %parallel_loop3A_209 : i32 to index
          %parallel_loop3A_283 = arith.constant 96 : index
          %parallel_loop3A_284 = tpu.vector_load %arg18[%parallel_loop3A_282, %parallel_loop3A_283] {strides = array<i32>} : memref<80x128xf32, #tpu.memory_space<vmem>>, vector<1x16xf32>,
          %parallel_loop3A_285 = vector.shape_cast %parallel_loop3A_284 : vector<1x16xf32> to vector<16xf32>
          %parallel_loop3A_286 = arith.constant 0.000000e+00 : f32
          %parallel_loop3A_287 = vector.broadcast %parallel_loop3A_286 : f32 to vector<16xf32>
          %parallel_loop3A_288 = arith.maximumf %parallel_loop3A_285, %parallel_loop3A_287 : vector<16xf32>
          %parallel_loop3A_289 = arith.index_cast %parallel_loop3A_209 : i32 to index
          %parallel_loop3A_290 = arith.constant 96 : index
          %parallel_loop3A_291 = tpu.vector_load %arg18[%parallel_loop3A_289, %parallel_loop3A_290] {strides = array<i32>} : memref<80x128xf32, #tpu.memory_space<vmem>>, vector<1x16xf32>,
          %parallel_loop3A_292 = vector.shape_cast %parallel_loop3A_291 : vector<1x16xf32> to vector<16xf32>
          %parallel_loop3A_293 = vector.shape_cast %parallel_loop3A_288 : vector<16xf32> to vector<1x16xf32>
          tpu.vector_store %arg18[%parallel_loop3A_289, %parallel_loop3A_290], %parallel_loop3A_293 {strides = array<i32>} : memref<80x128xf32, #tpu.memory_space<vmem>>, vector<1x16xf32>,
          %parallel_loop3A_294 = arith.index_cast %parallel_loop3A_209 : i32 to index
          %parallel_loop3A_295 = arith.constant 112 : index
          %parallel_loop3A_296 = tpu.vector_load %arg18[%parallel_loop3A_294, %parallel_loop3A_295] {strides = array<i32>} : memref<80x128xf32, #tpu.memory_space<vmem>>, vector<1x16xf32>,
          %parallel_loop3A_297 = vector.shape_cast %parallel_loop3A_296 : vector<1x16xf32> to vector<16xf32>
          %parallel_loop3A_298 = arith.constant 0.000000e+00 : f32
          %parallel_loop3A_299 = vector.broadcast %parallel_loop3A_298 : f32 to vector<16xf32>
          %parallel_loop3A_300 = arith.maximumf %parallel_loop3A_297, %parallel_loop3A_299 : vector<16xf32>
          %parallel_loop3A_301 = arith.index_cast %parallel_loop3A_209 : i32 to index
          %parallel_loop3A_302 = arith.constant 112 : index
          %parallel_loop3A_303 = tpu.vector_load %arg18[%parallel_loop3A_301, %parallel_loop3A_302] {strides = array<i32>} : memref<80x128xf32, #tpu.memory_space<vmem>>, vector<1x16xf32>,
          %parallel_loop3A_304 = vector.shape_cast %parallel_loop3A_303 : vector<1x16xf32> to vector<16xf32>
          %parallel_loop3A_305 = vector.shape_cast %parallel_loop3A_300 : vector<16xf32> to vector<1x16xf32>
          tpu.vector_store %arg18[%parallel_loop3A_301, %parallel_loop3A_302], %parallel_loop3A_305 {strides = array<i32>} : memref<80x128xf32, #tpu.memory_space<vmem>>, vector<1x16xf32>,
        } {sc.loop_unroll_factor = 4 : i64, sc.parallel_access}
        %dma_start3A_206 = arith.constant 0 : i32
        %dma_start3A_207 = arith.constant 0 : i32
        %dma_start3A_208 = tpu.memref_slice %arg20[%dma_start3A_206, %dma_start3A_207] : memref<10000x128xf32, #tpu.memory_space<vmem_shared>> -> memref<10000x128xf32, #tpu.memory_space<vmem_shared>>
        tpu.enqueue_indirect_dma source(%arg18 : memref<80x128xf32, #tpu.memory_space<vmem>>) target(%dma_start3A_208 : memref<10000x128xf32, #tpu.memory_space<vmem_shared>>) offsets(%arg14 : memref<80xi32, #tpu.memory_space<vmem>>) semaphore(%arg31 : memref<!tpu.dma_semaphore, #tpu.memory_space<semaphore_mem>>) {add = true}
      } else {
      }
      %mul3A_166 = arith.constant 4 : i32
      %mul3A_167 = arith.muli %scan3A_55, %mul3A_166 : i32
      %add3A_168 = arith.constant 3 : i32
      %add3A_169 = arith.addi %mul3A_167, %add3A_168 : i32
      %le3A_170 = arith.constant 124 : i32
      %le3A_171 = arith.cmpi sle, %add3A_169, %le3A_170 : i32
      %convert_element_type3A_172 = arith.extui %le3A_171 : i1 to i32
      %cond3A_173 = arith.constant 0 : i32
      %cond3A_174 = arith.cmpi ne, %convert_element_type3A_172, %cond3A_173 : i32
      scf.if %cond3A_174 {
        %dma_wait3A_204 = arith.constant 0 : i32
        %dma_wait3A_205 = arith.constant 0 : i32
        %dma_wait3A_206 = tpu.memref_slice %arg6[%dma_wait3A_204, %dma_wait3A_205] : memref<10000x128xf32, #tpu.memory_space<hbm>> -> memref<10000x128xf32, #tpu.memory_space<hbm>>
        tpu.wait_indirect_dma semaphore(%arg28 : memref<!tpu.dma_semaphore, #tpu.memory_space<semaphore_mem>>) src(%dma_wait3A_206 : memref<10000x128xf32, #tpu.memory_space<hbm>>) dst(%arg19 : memref<80x128xf32, #tpu.memory_space<vmem>>)
      } else {
      }
      %ge3A_175 = arith.constant 2 : i32
      %ge3A_176 = arith.cmpi sge, %add3A_169, %ge3A_175 : i32
      %sub3A_177 = arith.constant 2 : i32
      %sub3A_178 = arith.subi %add3A_169, %sub3A_177 : i32
      %le3A_179 = arith.constant 124 : i32
      %le3A_180 = arith.cmpi sle, %sub3A_178, %le3A_179 : i32
      %and3A_181 = arith.andi %ge3A_176, %le3A_180 : i1
      %convert_element_type3A_182 = arith.extui %and3A_181 : i1 to i32
      %cond3A_183 = arith.constant 0 : i32
      %cond3A_184 = arith.cmpi ne, %convert_element_type3A_182, %cond3A_183 : i32
      scf.if %cond3A_184 {
        %dma_wait3A_204 = arith.constant 0 : i32
        %dma_wait3A_205 = arith.constant 0 : i32
        %dma_wait3A_206 = tpu.memref_slice %arg20[%dma_wait3A_204, %dma_wait3A_205] : memref<10000x128xf32, #tpu.memory_space<vmem_shared>> -> memref<10000x128xf32, #tpu.memory_space<vmem_shared>>
        tpu.wait_indirect_dma semaphore(%arg30 : memref<!tpu.dma_semaphore, #tpu.memory_space<semaphore_mem>>) src(%arg17 : memref<80x128xf32, #tpu.memory_space<vmem>>) dst(%dma_wait3A_206 : memref<10000x128xf32, #tpu.memory_space<vmem_shared>>)
      } else {
      }
      %add3A_185 = arith.constant 2 : i32
      %add3A_186 = arith.addi %add3A_169, %add3A_185 : i32
      %le3A_187 = arith.constant 124 : i32
      %le3A_188 = arith.cmpi sle, %add3A_186, %le3A_187 : i32
      %convert_element_type3A_189 = arith.extui %le3A_188 : i1 to i32
      %cond3A_190 = arith.constant 0 : i32
      %cond3A_191 = arith.cmpi ne, %convert_element_type3A_189, %cond3A_190 : i32
      scf.if %cond3A_191 {
        %add3A_204 = arith.constant 2 : i32
        %add3A_205 = arith.addi %add3A_169, %add3A_204 : i32
        %mul3A_206 = arith.constant 80 : i32
        %mul3A_207 = arith.muli %add3A_205, %mul3A_206 : i32
        %add3A_208 = arith.addi %mul3A_2, %mul3A_207 : i32
        %dma_start3A_209 = tpu.memref_slice %arg2[%add3A_208] : memref<320000xi32, #tpu.memory_space<hbm>> -> memref<80xi32, #tpu.memory_space<hbm>>
        %dma_start3A_210 = tpu.memref_slice %arg2[%add3A_208] : memref<320000xi32, #tpu.memory_space<hbm>> -> memref<80xi32, #tpu.memory_space<hbm>>
        tpu.enqueue_dma source(%dma_start3A_210 : memref<80xi32, #tpu.memory_space<hbm>>) target(%arg9 : memref<80xi32, #tpu.memory_space<vmem>>) target_semaphore(%arg22 : memref<!tpu.dma_semaphore, #tpu.memory_space<semaphore_mem>>)
        %dma_start3A_211 = tpu.memref_slice %arg3[%add3A_208] : memref<320000xi32, #tpu.memory_space<hbm>> -> memref<80xi32, #tpu.memory_space<hbm>>
        %dma_start3A_212 = tpu.memref_slice %arg3[%add3A_208] : memref<320000xi32, #tpu.memory_space<hbm>> -> memref<80xi32, #tpu.memory_space<hbm>>
        tpu.enqueue_dma source(%dma_start3A_212 : memref<80xi32, #tpu.memory_space<hbm>>) target(%arg13 : memref<80xi32, #tpu.memory_space<vmem>>) target_semaphore(%arg22 : memref<!tpu.dma_semaphore, #tpu.memory_space<semaphore_mem>>)
        %dma_start3A_213 = arith.constant 0 : i32
        %dma_start3A_214 = tpu.memref_slice %arg4[%add3A_208, %dma_start3A_213] : memref<320000x128xf32, #tpu.memory_space<hbm>> -> memref<80x128xf32, #tpu.memory_space<hbm>>
        %dma_start3A_215 = arith.constant 0 : i32
        %dma_start3A_216 = tpu.memref_slice %arg4[%add3A_208, %dma_start3A_215] : memref<320000x128xf32, #tpu.memory_space<hbm>> -> memref<80x128xf32, #tpu.memory_space<hbm>>
        tpu.enqueue_dma source(%dma_start3A_216 : memref<80x128xf32, #tpu.memory_space<hbm>>) target(%arg17 : memref<80x128xf32, #tpu.memory_space<vmem>>) target_semaphore(%arg22 : memref<!tpu.dma_semaphore, #tpu.memory_space<semaphore_mem>>)
      } else {
      }
      %add3A_192 = arith.constant 1 : i32
      %add3A_193 = arith.addi %add3A_169, %add3A_192 : i32
      %le3A_194 = arith.constant 124 : i32
      %le3A_195 = arith.cmpi sle, %add3A_193, %le3A_194 : i32
      %convert_element_type3A_196 = arith.extui %le3A_195 : i1 to i32
      %cond3A_197 = arith.constant 0 : i32
      %cond3A_198 = arith.cmpi ne, %convert_element_type3A_196, %cond3A_197 : i32
      scf.if %cond3A_198 {
        %add3A_204 = arith.constant 1 : i32
        %add3A_205 = arith.addi %add3A_169, %add3A_204 : i32
        %mul3A_206 = arith.constant 80 : i32
        %mul3A_207 = arith.muli %add3A_205, %mul3A_206 : i32
        %add3A_208 = arith.addi %mul3A_2, %mul3A_207 : i32
        %dma_wait3A_209 = tpu.memref_slice %arg2[%add3A_208] : memref<320000xi32, #tpu.memory_space<hbm>> -> memref<80xi32, #tpu.memory_space<hbm>>
        %dma_wait3A_210 = tpu.memref_slice %arg2[%add3A_208] : memref<320000xi32, #tpu.memory_space<hbm>> -> memref<80xi32, #tpu.memory_space<hbm>>
        tpu.wait_dma2 semaphore(%arg21 : memref<!tpu.dma_semaphore, #tpu.memory_space<semaphore_mem>>) src(%dma_wait3A_210 : memref<80xi32, #tpu.memory_space<hbm>>) dst(%arg8 : memref<80xi32, #tpu.memory_space<vmem>>)
        %dma_wait3A_211 = tpu.memref_slice %arg3[%add3A_208] : memref<320000xi32, #tpu.memory_space<hbm>> -> memref<80xi32, #tpu.memory_space<hbm>>
        %dma_wait3A_212 = tpu.memref_slice %arg3[%add3A_208] : memref<320000xi32, #tpu.memory_space<hbm>> -> memref<80xi32, #tpu.memory_space<hbm>>
        tpu.wait_dma2 semaphore(%arg21 : memref<!tpu.dma_semaphore, #tpu.memory_space<semaphore_mem>>) src(%dma_wait3A_212 : memref<80xi32, #tpu.memory_space<hbm>>) dst(%arg12 : memref<80xi32, #tpu.memory_space<vmem>>)
        %dma_wait3A_213 = arith.constant 0 : i32
        %dma_wait3A_214 = tpu.memref_slice %arg4[%add3A_208, %dma_wait3A_213] : memref<320000x128xf32, #tpu.memory_space<hbm>> -> memref<80x128xf32, #tpu.memory_space<hbm>>
        %dma_wait3A_215 = arith.constant 0 : i32
        %dma_wait3A_216 = tpu.memref_slice %arg4[%add3A_208, %dma_wait3A_215] : memref<320000x128xf32, #tpu.memory_space<hbm>> -> memref<80x128xf32, #tpu.memory_space<hbm>>
        tpu.wait_dma2 semaphore(%arg21 : memref<!tpu.dma_semaphore, #tpu.memory_space<semaphore_mem>>) src(%dma_wait3A_216 : memref<80x128xf32, #tpu.memory_space<hbm>>) dst(%arg16 : memref<80x128xf32, #tpu.memory_space<vmem>>)
        %dma_start3A_217 = arith.constant 0 : i32
        %dma_start3A_218 = arith.constant 0 : i32
        %dma_start3A_219 = tpu.memref_slice %arg6[%dma_start3A_217, %dma_start3A_218] : memref<10000x128xf32, #tpu.memory_space<hbm>> -> memref<10000x128xf32, #tpu.memory_space<hbm>>
        tpu.enqueue_indirect_dma source(%dma_start3A_219 : memref<10000x128xf32, #tpu.memory_space<hbm>>) target(%arg16 : memref<80x128xf32, #tpu.memory_space<vmem>>) offsets(%arg8 : memref<80xi32, #tpu.memory_space<vmem>>) semaphore(%arg25 : memref<!tpu.dma_semaphore, #tpu.memory_space<semaphore_mem>>) {add = true}
      } else {
      }
      %le3A_199 = arith.constant 124 : i32
      %le3A_200 = arith.cmpi sle, %add3A_169, %le3A_199 : i32
      %convert_element_type3A_201 = arith.extui %le3A_200 : i1 to i32
      %cond3A_202 = arith.constant 0 : i32
      %cond3A_203 = arith.cmpi ne, %convert_element_type3A_201, %cond3A_202 : i32
      scf.if %cond3A_203 {
        %parallel_loop3A = arith.constant 0 : i32
        %parallel_loop3A_204 = arith.constant 80 : i32
        %parallel_loop3A_205 = arith.constant 1 : i32
        scf.for %parallel_loop3A_209 = %parallel_loop3A to %parallel_loop3A_204 step %parallel_loop3A_205  : i32 {
          %parallel_loop3A_210 = arith.index_cast %parallel_loop3A_209 : i32 to index
          %parallel_loop3A_211 = arith.constant 0 : index
          %parallel_loop3A_212 = tpu.vector_load %arg19[%parallel_loop3A_210, %parallel_loop3A_211] {strides = array<i32>} : memref<80x128xf32, #tpu.memory_space<vmem>>, vector<1x16xf32>,
          %parallel_loop3A_213 = vector.shape_cast %parallel_loop3A_212 : vector<1x16xf32> to vector<16xf32>
          %parallel_loop3A_214 = arith.constant 0.000000e+00 : f32
          %parallel_loop3A_215 = vector.broadcast %parallel_loop3A_214 : f32 to vector<16xf32>
          %parallel_loop3A_216 = arith.maximumf %parallel_loop3A_213, %parallel_loop3A_215 : vector<16xf32>
          %parallel_loop3A_217 = arith.index_cast %parallel_loop3A_209 : i32 to index
          %parallel_loop3A_218 = arith.constant 0 : index
          %parallel_loop3A_219 = tpu.vector_load %arg19[%parallel_loop3A_217, %parallel_loop3A_218] {strides = array<i32>} : memref<80x128xf32, #tpu.memory_space<vmem>>, vector<1x16xf32>,
          %parallel_loop3A_220 = vector.shape_cast %parallel_loop3A_219 : vector<1x16xf32> to vector<16xf32>
          %parallel_loop3A_221 = vector.shape_cast %parallel_loop3A_216 : vector<16xf32> to vector<1x16xf32>
          tpu.vector_store %arg19[%parallel_loop3A_217, %parallel_loop3A_218], %parallel_loop3A_221 {strides = array<i32>} : memref<80x128xf32, #tpu.memory_space<vmem>>, vector<1x16xf32>,
          %parallel_loop3A_222 = arith.index_cast %parallel_loop3A_209 : i32 to index
          %parallel_loop3A_223 = arith.constant 16 : index
          %parallel_loop3A_224 = tpu.vector_load %arg19[%parallel_loop3A_222, %parallel_loop3A_223] {strides = array<i32>} : memref<80x128xf32, #tpu.memory_space<vmem>>, vector<1x16xf32>,
          %parallel_loop3A_225 = vector.shape_cast %parallel_loop3A_224 : vector<1x16xf32> to vector<16xf32>
          %parallel_loop3A_226 = arith.constant 0.000000e+00 : f32
          %parallel_loop3A_227 = vector.broadcast %parallel_loop3A_226 : f32 to vector<16xf32>
          %parallel_loop3A_228 = arith.maximumf %parallel_loop3A_225, %parallel_loop3A_227 : vector<16xf32>
          %parallel_loop3A_229 = arith.index_cast %parallel_loop3A_209 : i32 to index
          %parallel_loop3A_230 = arith.constant 16 : index
          %parallel_loop3A_231 = tpu.vector_load %arg19[%parallel_loop3A_229, %parallel_loop3A_230] {strides = array<i32>} : memref<80x128xf32, #tpu.memory_space<vmem>>, vector<1x16xf32>,
          %parallel_loop3A_232 = vector.shape_cast %parallel_loop3A_231 : vector<1x16xf32> to vector<16xf32>
          %parallel_loop3A_233 = vector.shape_cast %parallel_loop3A_228 : vector<16xf32> to vector<1x16xf32>
          tpu.vector_store %arg19[%parallel_loop3A_229, %parallel_loop3A_230], %parallel_loop3A_233 {strides = array<i32>} : memref<80x128xf32, #tpu.memory_space<vmem>>, vector<1x16xf32>,
          %parallel_loop3A_234 = arith.index_cast %parallel_loop3A_209 : i32 to index
          %parallel_loop3A_235 = arith.constant 32 : index
          %parallel_loop3A_236 = tpu.vector_load %arg19[%parallel_loop3A_234, %parallel_loop3A_235] {strides = array<i32>} : memref<80x128xf32, #tpu.memory_space<vmem>>, vector<1x16xf32>,
          %parallel_loop3A_237 = vector.shape_cast %parallel_loop3A_236 : vector<1x16xf32> to vector<16xf32>
          %parallel_loop3A_238 = arith.constant 0.000000e+00 : f32
          %parallel_loop3A_239 = vector.broadcast %parallel_loop3A_238 : f32 to vector<16xf32>
          %parallel_loop3A_240 = arith.maximumf %parallel_loop3A_237, %parallel_loop3A_239 : vector<16xf32>
          %parallel_loop3A_241 = arith.index_cast %parallel_loop3A_209 : i32 to index
          %parallel_loop3A_242 = arith.constant 32 : index
          %parallel_loop3A_243 = tpu.vector_load %arg19[%parallel_loop3A_241, %parallel_loop3A_242] {strides = array<i32>} : memref<80x128xf32, #tpu.memory_space<vmem>>, vector<1x16xf32>,
          %parallel_loop3A_244 = vector.shape_cast %parallel_loop3A_243 : vector<1x16xf32> to vector<16xf32>
          %parallel_loop3A_245 = vector.shape_cast %parallel_loop3A_240 : vector<16xf32> to vector<1x16xf32>
          tpu.vector_store %arg19[%parallel_loop3A_241, %parallel_loop3A_242], %parallel_loop3A_245 {strides = array<i32>} : memref<80x128xf32, #tpu.memory_space<vmem>>, vector<1x16xf32>,
          %parallel_loop3A_246 = arith.index_cast %parallel_loop3A_209 : i32 to index
          %parallel_loop3A_247 = arith.constant 48 : index
          %parallel_loop3A_248 = tpu.vector_load %arg19[%parallel_loop3A_246, %parallel_loop3A_247] {strides = array<i32>} : memref<80x128xf32, #tpu.memory_space<vmem>>, vector<1x16xf32>,
          %parallel_loop3A_249 = vector.shape_cast %parallel_loop3A_248 : vector<1x16xf32> to vector<16xf32>
          %parallel_loop3A_250 = arith.constant 0.000000e+00 : f32
          %parallel_loop3A_251 = vector.broadcast %parallel_loop3A_250 : f32 to vector<16xf32>
          %parallel_loop3A_252 = arith.maximumf %parallel_loop3A_249, %parallel_loop3A_251 : vector<16xf32>
          %parallel_loop3A_253 = arith.index_cast %parallel_loop3A_209 : i32 to index
          %parallel_loop3A_254 = arith.constant 48 : index
          %parallel_loop3A_255 = tpu.vector_load %arg19[%parallel_loop3A_253, %parallel_loop3A_254] {strides = array<i32>} : memref<80x128xf32, #tpu.memory_space<vmem>>, vector<1x16xf32>,
          %parallel_loop3A_256 = vector.shape_cast %parallel_loop3A_255 : vector<1x16xf32> to vector<16xf32>
          %parallel_loop3A_257 = vector.shape_cast %parallel_loop3A_252 : vector<16xf32> to vector<1x16xf32>
          tpu.vector_store %arg19[%parallel_loop3A_253, %parallel_loop3A_254], %parallel_loop3A_257 {strides = array<i32>} : memref<80x128xf32, #tpu.memory_space<vmem>>, vector<1x16xf32>,
          %parallel_loop3A_258 = arith.index_cast %parallel_loop3A_209 : i32 to index
          %parallel_loop3A_259 = arith.constant 64 : index
          %parallel_loop3A_260 = tpu.vector_load %arg19[%parallel_loop3A_258, %parallel_loop3A_259] {strides = array<i32>} : memref<80x128xf32, #tpu.memory_space<vmem>>, vector<1x16xf32>,
          %parallel_loop3A_261 = vector.shape_cast %parallel_loop3A_260 : vector<1x16xf32> to vector<16xf32>
          %parallel_loop3A_262 = arith.constant 0.000000e+00 : f32
          %parallel_loop3A_263 = vector.broadcast %parallel_loop3A_262 : f32 to vector<16xf32>
          %parallel_loop3A_264 = arith.maximumf %parallel_loop3A_261, %parallel_loop3A_263 : vector<16xf32>
          %parallel_loop3A_265 = arith.index_cast %parallel_loop3A_209 : i32 to index
          %parallel_loop3A_266 = arith.constant 64 : index
          %parallel_loop3A_267 = tpu.vector_load %arg19[%parallel_loop3A_265, %parallel_loop3A_266] {strides = array<i32>} : memref<80x128xf32, #tpu.memory_space<vmem>>, vector<1x16xf32>,
          %parallel_loop3A_268 = vector.shape_cast %parallel_loop3A_267 : vector<1x16xf32> to vector<16xf32>
          %parallel_loop3A_269 = vector.shape_cast %parallel_loop3A_264 : vector<16xf32> to vector<1x16xf32>
          tpu.vector_store %arg19[%parallel_loop3A_265, %parallel_loop3A_266], %parallel_loop3A_269 {strides = array<i32>} : memref<80x128xf32, #tpu.memory_space<vmem>>, vector<1x16xf32>,
          %parallel_loop3A_270 = arith.index_cast %parallel_loop3A_209 : i32 to index
          %parallel_loop3A_271 = arith.constant 80 : index
          %parallel_loop3A_272 = tpu.vector_load %arg19[%parallel_loop3A_270, %parallel_loop3A_271] {strides = array<i32>} : memref<80x128xf32, #tpu.memory_space<vmem>>, vector<1x16xf32>,
          %parallel_loop3A_273 = vector.shape_cast %parallel_loop3A_272 : vector<1x16xf32> to vector<16xf32>
          %parallel_loop3A_274 = arith.constant 0.000000e+00 : f32
          %parallel_loop3A_275 = vector.broadcast %parallel_loop3A_274 : f32 to vector<16xf32>
          %parallel_loop3A_276 = arith.maximumf %parallel_loop3A_273, %parallel_loop3A_275 : vector<16xf32>
          %parallel_loop3A_277 = arith.index_cast %parallel_loop3A_209 : i32 to index
          %parallel_loop3A_278 = arith.constant 80 : index
          %parallel_loop3A_279 = tpu.vector_load %arg19[%parallel_loop3A_277, %parallel_loop3A_278] {strides = array<i32>} : memref<80x128xf32, #tpu.memory_space<vmem>>, vector<1x16xf32>,
          %parallel_loop3A_280 = vector.shape_cast %parallel_loop3A_279 : vector<1x16xf32> to vector<16xf32>
          %parallel_loop3A_281 = vector.shape_cast %parallel_loop3A_276 : vector<16xf32> to vector<1x16xf32>
          tpu.vector_store %arg19[%parallel_loop3A_277, %parallel_loop3A_278], %parallel_loop3A_281 {strides = array<i32>} : memref<80x128xf32, #tpu.memory_space<vmem>>, vector<1x16xf32>,
          %parallel_loop3A_282 = arith.index_cast %parallel_loop3A_209 : i32 to index
          %parallel_loop3A_283 = arith.constant 96 : index
          %parallel_loop3A_284 = tpu.vector_load %arg19[%parallel_loop3A_282, %parallel_loop3A_283] {strides = array<i32>} : memref<80x128xf32, #tpu.memory_space<vmem>>, vector<1x16xf32>,
          %parallel_loop3A_285 = vector.shape_cast %parallel_loop3A_284 : vector<1x16xf32> to vector<16xf32>
          %parallel_loop3A_286 = arith.constant 0.000000e+00 : f32
          %parallel_loop3A_287 = vector.broadcast %parallel_loop3A_286 : f32 to vector<16xf32>
          %parallel_loop3A_288 = arith.maximumf %parallel_loop3A_285, %parallel_loop3A_287 : vector<16xf32>
          %parallel_loop3A_289 = arith.index_cast %parallel_loop3A_209 : i32 to index
          %parallel_loop3A_290 = arith.constant 96 : index
          %parallel_loop3A_291 = tpu.vector_load %arg19[%parallel_loop3A_289, %parallel_loop3A_290] {strides = array<i32>} : memref<80x128xf32, #tpu.memory_space<vmem>>, vector<1x16xf32>,
          %parallel_loop3A_292 = vector.shape_cast %parallel_loop3A_291 : vector<1x16xf32> to vector<16xf32>
          %parallel_loop3A_293 = vector.shape_cast %parallel_loop3A_288 : vector<16xf32> to vector<1x16xf32>
          tpu.vector_store %arg19[%parallel_loop3A_289, %parallel_loop3A_290], %parallel_loop3A_293 {strides = array<i32>} : memref<80x128xf32, #tpu.memory_space<vmem>>, vector<1x16xf32>,
          %parallel_loop3A_294 = arith.index_cast %parallel_loop3A_209 : i32 to index
          %parallel_loop3A_295 = arith.constant 112 : index
          %parallel_loop3A_296 = tpu.vector_load %arg19[%parallel_loop3A_294, %parallel_loop3A_295] {strides = array<i32>} : memref<80x128xf32, #tpu.memory_space<vmem>>, vector<1x16xf32>,
          %parallel_loop3A_297 = vector.shape_cast %parallel_loop3A_296 : vector<1x16xf32> to vector<16xf32>
          %parallel_loop3A_298 = arith.constant 0.000000e+00 : f32
          %parallel_loop3A_299 = vector.broadcast %parallel_loop3A_298 : f32 to vector<16xf32>
          %parallel_loop3A_300 = arith.maximumf %parallel_loop3A_297, %parallel_loop3A_299 : vector<16xf32>
          %parallel_loop3A_301 = arith.index_cast %parallel_loop3A_209 : i32 to index
          %parallel_loop3A_302 = arith.constant 112 : index
          %parallel_loop3A_303 = tpu.vector_load %arg19[%parallel_loop3A_301, %parallel_loop3A_302] {strides = array<i32>} : memref<80x128xf32, #tpu.memory_space<vmem>>, vector<1x16xf32>,
          %parallel_loop3A_304 = vector.shape_cast %parallel_loop3A_303 : vector<1x16xf32> to vector<16xf32>
          %parallel_loop3A_305 = vector.shape_cast %parallel_loop3A_300 : vector<16xf32> to vector<1x16xf32>
          tpu.vector_store %arg19[%parallel_loop3A_301, %parallel_loop3A_302], %parallel_loop3A_305 {strides = array<i32>} : memref<80x128xf32, #tpu.memory_space<vmem>>, vector<1x16xf32>,
        } {sc.loop_unroll_factor = 4 : i64, sc.parallel_access}
        %dma_start3A_206 = arith.constant 0 : i32
        %dma_start3A_207 = arith.constant 0 : i32
        %dma_start3A_208 = tpu.memref_slice %arg20[%dma_start3A_206, %dma_start3A_207] : memref<10000x128xf32, #tpu.memory_space<vmem_shared>> -> memref<10000x128xf32, #tpu.memory_space<vmem_shared>>
        tpu.enqueue_indirect_dma source(%arg19 : memref<80x128xf32, #tpu.memory_space<vmem>>) target(%dma_start3A_208 : memref<10000x128xf32, #tpu.memory_space<vmem_shared>>) offsets(%arg15 : memref<80xi32, #tpu.memory_space<vmem>>) semaphore(%arg32 : memref<!tpu.dma_semaphore, #tpu.memory_space<semaphore_mem>>) {add = true}
      } else {
      }
    }
    %scan3A_44 = arith.constant 32 : i32
    %barrier3A_45 = arith.constant 0 : index
    tpu.barrier barrier_id(%barrier3A_45)
    %mul3A_46 = arith.constant 624 : i32
    %mul3A_47 = arith.muli %arg1, %mul3A_46 : i32
    %mul3A_48 = arith.constant 624 : i32
    %mul3A_49 = arith.muli %arg1, %mul3A_48 : i32
    "tpu.region"() ({
      %run_scoped3A = tpu.sem_alloc : memref<!tpu.dma_semaphore, #tpu.memory_space<semaphore_mem>>
      %dma_start3A_55 = arith.constant 0 : i32
      %dma_start3A_56 = tpu.memref_slice %arg7[%arg0, %mul3A_49, %dma_start3A_55] : memref<2x10000x128xf32, #tpu.memory_space<hbm>> -> memref<1x624x128xf32, #tpu.memory_space<hbm>>
      %dma_start3A_57 = tpu.memref_squeeze %dma_start3A_56 : memref<1x624x128xf32, #tpu.memory_space<hbm>> -> memref<624x128xf32, #tpu.memory_space<hbm>>
      %dma_start3A_58 = arith.constant 0 : i32
      %dma_start3A_59 = tpu.memref_slice %arg20[%mul3A_47, %dma_start3A_58] : memref<10000x128xf32, #tpu.memory_space<vmem_shared>> -> memref<624x128xf32, #tpu.memory_space<vmem_shared>>
      tpu.enqueue_dma source(%dma_start3A_59 : memref<624x128xf32, #tpu.memory_space<vmem_shared>>) target(%dma_start3A_57 : memref<624x128xf32, #tpu.memory_space<hbm>>) target_semaphore(%run_scoped3A : memref<!tpu.dma_semaphore, #tpu.memory_space<semaphore_mem>>)
      %dma_wait3A_60 = arith.constant 0 : i32
      %dma_wait3A_61 = tpu.memref_slice %arg7[%arg0, %mul3A_49, %dma_wait3A_60] : memref<2x10000x128xf32, #tpu.memory_space<hbm>> -> memref<1x624x128xf32, #tpu.memory_space<hbm>>
      %dma_wait3A_62 = tpu.memref_squeeze %dma_wait3A_61 : memref<1x624x128xf32, #tpu.memory_space<hbm>> -> memref<624x128xf32, #tpu.memory_space<hbm>>
      %dma_wait3A_63 = arith.constant 0 : i32
      %dma_wait3A_64 = tpu.memref_slice %arg20[%mul3A_47, %dma_wait3A_63] : memref<10000x128xf32, #tpu.memory_space<vmem_shared>> -> memref<624x128xf32, #tpu.memory_space<vmem_shared>>
      tpu.wait_dma2 semaphore(%run_scoped3A : memref<!tpu.dma_semaphore, #tpu.memory_space<semaphore_mem>>) src(%dma_wait3A_64 : memref<624x128xf32, #tpu.memory_space<vmem_shared>>) dst(%dma_wait3A_62 : memref<624x128xf32, #tpu.memory_space<hbm>>)
      tpu.yield
    }) : () -> ()
    %eq3A_50 = arith.constant 15 : i32
    %eq3A_51 = arith.cmpi eq, %arg1, %eq3A_50 : i32
    %convert_element_type3A_52 = arith.extui %eq3A_51 : i1 to i32
    %cond3A_53 = arith.constant 0 : i32
    %cond3A_54 = arith.cmpi ne, %convert_element_type3A_52, %cond3A_53 : i32
    scf.if %cond3A_54 {
      "tpu.region"() ({
        %run_scoped3A = tpu.sem_alloc : memref<!tpu.dma_semaphore, #tpu.memory_space<semaphore_mem>>
        %dma_start3A_55 = arith.constant 9984 : i32
        %dma_start3A_56 = arith.constant 0 : i32
        %dma_start3A_57 = tpu.memref_slice %arg7[%arg0, %dma_start3A_55, %dma_start3A_56] : memref<2x10000x128xf32, #tpu.memory_space<hbm>> -> memref<1x16x128xf32, #tpu.memory_space<hbm>>
        %dma_start3A_58 = tpu.memref_squeeze %dma_start3A_57 : memref<1x16x128xf32, #tpu.memory_space<hbm>> -> memref<16x128xf32, #tpu.memory_space<hbm>>
        %dma_start3A_59 = arith.constant 9984 : i32
        %dma_start3A_60 = arith.constant 0 : i32
        %dma_start3A_61 = tpu.memref_slice %arg20[%dma_start3A_59, %dma_start3A_60] : memref<10000x128xf32, #tpu.memory_space<vmem_shared>> -> memref<16x128xf32, #tpu.memory_space<vmem_shared>>
        tpu.enqueue_dma source(%dma_start3A_61 : memref<16x128xf32, #tpu.memory_space<vmem_shared>>) target(%dma_start3A_58 : memref<16x128xf32, #tpu.memory_space<hbm>>) target_semaphore(%run_scoped3A : memref<!tpu.dma_semaphore, #tpu.memory_space<semaphore_mem>>)
        %dma_wait3A_62 = arith.constant 9984 : i32
        %dma_wait3A_63 = arith.constant 0 : i32
        %dma_wait3A_64 = tpu.memref_slice %arg7[%arg0, %dma_wait3A_62, %dma_wait3A_63] : memref<2x10000x128xf32, #tpu.memory_space<hbm>> -> memref<1x16x128xf32, #tpu.memory_space<hbm>>
        %dma_wait3A_65 = tpu.memref_squeeze %dma_wait3A_64 : memref<1x16x128xf32, #tpu.memory_space<hbm>> -> memref<16x128xf32, #tpu.memory_space<hbm>>
        %dma_wait3A_66 = arith.constant 9984 : i32
        %dma_wait3A_67 = arith.constant 0 : i32
        %dma_wait3A_68 = tpu.memref_slice %arg20[%dma_wait3A_66, %dma_wait3A_67] : memref<10000x128xf32, #tpu.memory_space<vmem_shared>> -> memref<16x128xf32, #tpu.memory_space<vmem_shared>>
        tpu.wait_dma2 semaphore(%run_scoped3A : memref<!tpu.dma_semaphore, #tpu.memory_space<semaphore_mem>>) src(%dma_wait3A_68 : memref<16x128xf32, #tpu.memory_space<vmem_shared>>) dst(%dma_wait3A_65 : memref<16x128xf32, #tpu.memory_space<hbm>>)
        tpu.yield
      }) : () -> ()
    } else {
    }
    return
  }
}

#map = affine_map<(d0, d1) -> (0)>
#map1 = affine_map<(d0, d1) -> (0, 0)>
#map2 = affine_map<(d0, d1) -> (0, 0, 0)>
module attributes {stable_mosaic.version = 14 : i64} {
  func.func @_sc_body(%arg0: i32, %arg1: i32, %arg2: memref<320000xi32, #tpu.memory_space<hbm>>, %arg3: memref<320000xi32, #tpu.memory_space<hbm>>, %arg4: memref<320000x128xf32, #tpu.memory_space<hbm>>, %arg5: memref<10000x128xf32, #tpu.memory_space<hbm>>, %arg6: memref<10000x128xf32, #tpu.memory_space<hbm>>, %arg7: memref<2x10000x128xf32, #tpu.memory_space<hbm>>, %arg8: memref<80xi32, #tpu.memory_space<vmem>>, %arg9: memref<80xi32, #tpu.memory_space<vmem>>, %arg10: memref<80xi32, #tpu.memory_space<vmem>>, %arg11: memref<80xi32, #tpu.memory_space<vmem>>, %arg12: memref<80xi32, #tpu.memory_space<vmem>>, %arg13: memref<80xi32, #tpu.memory_space<vmem>>, %arg14: memref<80xi32, #tpu.memory_space<vmem>>, %arg15: memref<80xi32, #tpu.memory_space<vmem>>, %arg16: memref<80x128xf32, #tpu.memory_space<vmem>>, %arg17: memref<80x128xf32, #tpu.memory_space<vmem>>, %arg18: memref<80x128xf32, #tpu.memory_space<vmem>>, %arg19: memref<80x128xf32, #tpu.memory_space<vmem>>, %arg20: memref<10000x128xf32, #tpu.memory_space<vmem_shared>>, %arg21: memref<!tpu.dma_semaphore, #tpu.memory_space<semaphore_mem>>, %arg22: memref<!tpu.dma_semaphore, #tpu.memory_space<semaphore_mem>>, %arg23: memref<!tpu.dma_semaphore, #tpu.memory_space<semaphore_mem>>, %arg24: memref<!tpu.dma_semaphore, #tpu.memory_space<semaphore_mem>>, %arg25: memref<!tpu.dma_semaphore, #tpu.memory_space<semaphore_mem>>, %arg26: memref<!tpu.dma_semaphore, #tpu.memory_space<semaphore_mem>>, %arg27: memref<!tpu.dma_semaphore, #tpu.memory_space<semaphore_mem>>, %arg28: memref<!tpu.dma_semaphore, #tpu.memory_space<semaphore_mem>>, %arg29: memref<!tpu.dma_semaphore, #tpu.memory_space<semaphore_mem>>, %arg30: memref<!tpu.dma_semaphore, #tpu.memory_space<semaphore_mem>>, %arg31: memref<!tpu.dma_semaphore, #tpu.memory_space<semaphore_mem>>, %arg32: memref<!tpu.dma_semaphore, #tpu.memory_space<semaphore_mem>>) attributes {dimension_semantics = [#tpu.dimension_semantics<core_parallel>, #tpu.dimension_semantics<subcore_parallel>], iteration_bounds = array<i64: 2, 16>, scalar_prefetch = 0 : i64, scratch_operands = 25 : i64, tpu.core_type = #tpu.core_type<sc_vector_subcore>, window_params = [{transform_indices = #map}, {transform_indices = #map}, {transform_indices = #map1}, {transform_indices = #map1}, {transform_indices = #map1}, {transform_indices = #map2}]} {
    %mul3A = arith.constant 2 : i32
    %mul3A_0 = arith.muli %arg1, %mul3A : i32
    %add3A = arith.addi %mul3A_0, %arg0 : i32
    %mul3A_1 = arith.constant 10000 : i32
    %mul3A_2 = arith.muli %add3A, %mul3A_1 : i32
    %mul3A_3 = arith.constant 624 : i32
    %mul3A_4 = arith.muli %arg1, %mul3A_3 : i32
    %mul3A_5 = arith.constant 624 : i32
    %mul3A_6 = arith.muli %arg1, %mul3A_5 : i32
    "tpu.region"() ({
      %run_scoped3A = tpu.sem_alloc : memref<!tpu.dma_semaphore, #tpu.memory_space<semaphore_mem>>
      %dma_start3A_55 = arith.constant 0 : i32
      %dma_start3A_56 = tpu.memref_slice %arg20[%mul3A_6, %dma_start3A_55] : memref<10000x128xf32, #tpu.memory_space<vmem_shared>> -> memref<624x128xf32, #tpu.memory_space<vmem_shared>>
      %dma_start3A_57 = arith.constant 0 : i32
      %dma_start3A_58 = tpu.memref_slice %arg5[%mul3A_4, %dma_start3A_57] : memref<10000x128xf32, #tpu.memory_space<hbm>> -> memref<624x128xf32, #tpu.memory_space<hbm>>
      tpu.enqueue_dma source(%dma_start3A_58 : memref<624x128xf32, #tpu.memory_space<hbm>>) target(%dma_start3A_56 : memref<624x128xf32, #tpu.memory_space<vmem_shared>>) target_semaphore(%run_scoped3A : memref<!tpu.dma_semaphore, #tpu.memory_space<semaphore_mem>>)
      %dma_wait3A_59 = arith.constant 0 : i32
      %dma_wait3A_60 = tpu.memref_slice %arg20[%mul3A_6, %dma_wait3A_59] : memref<10000x128xf32, #tpu.memory_space<vmem_shared>> -> memref<624x128xf32, #tpu.memory_space<vmem_shared>>
      %dma_wait3A_61 = arith.constant 0 : i32
      %dma_wait3A_62 = tpu.memref_slice %arg5[%mul3A_4, %dma_wait3A_61] : memref<10000x128xf32, #tpu.memory_space<hbm>> -> memref<624x128xf32, #tpu.memory_space<hbm>>
      tpu.wait_dma2 semaphore(%run_scoped3A : memref<!tpu.dma_semaphore, #tpu.memory_space<semaphore_mem>>) src(%dma_wait3A_62 : memref<624x128xf32, #tpu.memory_space<hbm>>) dst(%dma_wait3A_60 : memref<624x128xf32, #tpu.memory_space<vmem_shared>>)
      tpu.yield
    }) : () -> ()
    %eq3A = arith.constant 15 : i32
    %eq3A_7 = arith.cmpi eq, %arg1, %eq3A : i32
    %convert_element_type3A = arith.extui %eq3A_7 : i1 to i32
    %cond3A = arith.constant 0 : i32
    %cond3A_8 = arith.cmpi ne, %convert_element_type3A, %cond3A : i32
    scf.if %cond3A_8 {
      "tpu.region"() ({
        %run_scoped3A = tpu.sem_alloc : memref<!tpu.dma_semaphore, #tpu.memory_space<semaphore_mem>>
        %dma_start3A_55 = arith.constant 9984 : i32
        %dma_start3A_56 = arith.constant 0 : i32
        %dma_start3A_57 = tpu.memref_slice %arg20[%dma_start3A_55, %dma_start3A_56] : memref<10000x128xf32, #tpu.memory_space<vmem_shared>> -> memref<16x128xf32, #tpu.memory_space<vmem_shared>>
        %dma_start3A_58 = arith.constant 9984 : i32
        %dma_start3A_59 = arith.constant 0 : i32
        %dma_start3A_60 = tpu.memref_slice %arg5[%dma_start3A_58, %dma_start3A_59] : memref<10000x128xf32, #tpu.memory_space<hbm>> -> memref<16x128xf32, #tpu.memory_space<hbm>>
        tpu.enqueue_dma source(%dma_start3A_60 : memref<16x128xf32, #tpu.memory_space<hbm>>) target(%dma_start3A_57 : memref<16x128xf32, #tpu.memory_space<vmem_shared>>) target_semaphore(%run_scoped3A : memref<!tpu.dma_semaphore, #tpu.memory_space<semaphore_mem>>)
        %dma_wait3A_61 = arith.constant 9984 : i32
        %dma_wait3A_62 = arith.constant 0 : i32
        %dma_wait3A_63 = tpu.memref_slice %arg20[%dma_wait3A_61, %dma_wait3A_62] : memref<10000x128xf32, #tpu.memory_space<vmem_shared>> -> memref<16x128xf32, #tpu.memory_space<vmem_shared>>
        %dma_wait3A_64 = arith.constant 9984 : i32
        %dma_wait3A_65 = arith.constant 0 : i32
        %dma_wait3A_66 = tpu.memref_slice %arg5[%dma_wait3A_64, %dma_wait3A_65] : memref<10000x128xf32, #tpu.memory_space<hbm>> -> memref<16x128xf32, #tpu.memory_space<hbm>>
        tpu.wait_dma2 semaphore(%run_scoped3A : memref<!tpu.dma_semaphore, #tpu.memory_space<semaphore_mem>>) src(%dma_wait3A_66 : memref<16x128xf32, #tpu.memory_space<hbm>>) dst(%dma_wait3A_63 : memref<16x128xf32, #tpu.memory_space<vmem_shared>>)
        tpu.yield
      }) : () -> ()
    } else {
    }
    %barrier3A = arith.constant 0 : index
    tpu.barrier barrier_id(%barrier3A)
    %add3A_9 = arith.constant 0 : i32
    %add3A_10 = arith.addi %mul3A_2, %add3A_9 : i32
    %dma_start3A = tpu.memref_slice %arg2[%add3A_10] : memref<320000xi32, #tpu.memory_space<hbm>> -> memref<80xi32, #tpu.memory_space<hbm>>
    %dma_start3A_11 = tpu.memref_slice %arg2[%add3A_10] : memref<320000xi32, #tpu.memory_space<hbm>> -> memref<80xi32, #tpu.memory_space<hbm>>
    tpu.enqueue_dma source(%dma_start3A_11 : memref<80xi32, #tpu.memory_space<hbm>>) target(%arg8 : memref<80xi32, #tpu.memory_space<vmem>>) target_semaphore(%arg21 : memref<!tpu.dma_semaphore, #tpu.memory_space<semaphore_mem>>)
    %dma_start3A_12 = tpu.memref_slice %arg3[%add3A_10] : memref<320000xi32, #tpu.memory_space<hbm>> -> memref<80xi32, #tpu.memory_space<hbm>>
    %dma_start3A_13 = tpu.memref_slice %arg3[%add3A_10] : memref<320000xi32, #tpu.memory_space<hbm>> -> memref<80xi32, #tpu.memory_space<hbm>>
    tpu.enqueue_dma source(%dma_start3A_13 : memref<80xi32, #tpu.memory_space<hbm>>) target(%arg12 : memref<80xi32, #tpu.memory_space<vmem>>) target_semaphore(%arg21 : memref<!tpu.dma_semaphore, #tpu.memory_space<semaphore_mem>>)
    %dma_start3A_14 = arith.constant 0 : i32
    %dma_start3A_15 = tpu.memref_slice %arg4[%add3A_10, %dma_start3A_14] : memref<320000x128xf32, #tpu.memory_space<hbm>> -> memref<80x128xf32, #tpu.memory_space<hbm>>
    %dma_start3A_16 = arith.constant 0 : i32
    %dma_start3A_17 = tpu.memref_slice %arg4[%add3A_10, %dma_start3A_16] : memref<320000x128xf32, #tpu.memory_space<hbm>> -> memref<80x128xf32, #tpu.memory_space<hbm>>
    tpu.enqueue_dma source(%dma_start3A_17 : memref<80x128xf32, #tpu.memory_space<hbm>>) target(%arg16 : memref<80x128xf32, #tpu.memory_space<vmem>>) target_semaphore(%arg21 : memref<!tpu.dma_semaphore, #tpu.memory_space<semaphore_mem>>)
    %add3A_18 = arith.constant 80 : i32
    %add3A_19 = arith.addi %mul3A_2, %add3A_18 : i32
    %dma_start3A_20 = tpu.memref_slice %arg2[%add3A_19] : memref<320000xi32, #tpu.memory_space<hbm>> -> memref<80xi32, #tpu.memory_space<hbm>>
    %dma_start3A_21 = tpu.memref_slice %arg2[%add3A_19] : memref<320000xi32, #tpu.memory_space<hbm>> -> memref<80xi32, #tpu.memory_space<hbm>>
    tpu.enqueue_dma source(%dma_start3A_21 : memref<80xi32, #tpu.memory_space<hbm>>) target(%arg9 : memref<80xi32, #tpu.memory_space<vmem>>) target_semaphore(%arg22 : memref<!tpu.dma_semaphore, #tpu.memory_space<semaphore_mem>>)
    %dma_start3A_22 = tpu.memref_slice %arg3[%add3A_19] : memref<320000xi32, #tpu.memory_space<hbm>> -> memref<80xi32, #tpu.memory_space<hbm>>
    %dma_start3A_23 = tpu.memref_slice %arg3[%add3A_19] : memref<320000xi32, #tpu.memory_space<hbm>> -> memref<80xi32, #tpu.memory_space<hbm>>
    tpu.enqueue_dma source(%dma_start3A_23 : memref<80xi32, #tpu.memory_space<hbm>>) target(%arg13 : memref<80xi32, #tpu.memory_space<vmem>>) target_semaphore(%arg22 : memref<!tpu.dma_semaphore, #tpu.memory_space<semaphore_mem>>)
    %dma_start3A_24 = arith.constant 0 : i32
    %dma_start3A_25 = tpu.memref_slice %arg4[%add3A_19, %dma_start3A_24] : memref<320000x128xf32, #tpu.memory_space<hbm>> -> memref<80x128xf32, #tpu.memory_space<hbm>>
    %dma_start3A_26 = arith.constant 0 : i32
    %dma_start3A_27 = tpu.memref_slice %arg4[%add3A_19, %dma_start3A_26] : memref<320000x128xf32, #tpu.memory_space<hbm>> -> memref<80x128xf32, #tpu.memory_space<hbm>>
    tpu.enqueue_dma source(%dma_start3A_27 : memref<80x128xf32, #tpu.memory_space<hbm>>) target(%arg17 : memref<80x128xf32, #tpu.memory_space<vmem>>) target_semaphore(%arg22 : memref<!tpu.dma_semaphore, #tpu.memory_space<semaphore_mem>>)
    %add3A_28 = arith.constant 0 : i32
    %add3A_29 = arith.addi %mul3A_2, %add3A_28 : i32
    %dma_wait3A = tpu.memref_slice %arg2[%add3A_29] : memref<320000xi32, #tpu.memory_space<hbm>> -> memref<80xi32, #tpu.memory_space<hbm>>
    %dma_wait3A_30 = tpu.memref_slice %arg2[%add3A_29] : memref<320000xi32, #tpu.memory_space<hbm>> -> memref<80xi32, #tpu.memory_space<hbm>>
    tpu.wait_dma2 semaphore(%arg21 : memref<!tpu.dma_semaphore, #tpu.memory_space<semaphore_mem>>) src(%dma_wait3A_30 : memref<80xi32, #tpu.memory_space<hbm>>) dst(%arg8 : memref<80xi32, #tpu.memory_space<vmem>>)
    %dma_wait3A_31 = tpu.memref_slice %arg3[%add3A_29] : memref<320000xi32, #tpu.memory_space<hbm>> -> memref<80xi32, #tpu.memory_space<hbm>>
    %dma_wait3A_32 = tpu.memref_slice %arg3[%add3A_29] : memref<320000xi32, #tpu.memory_space<hbm>> -> memref<80xi32, #tpu.memory_space<hbm>>
    tpu.wait_dma2 semaphore(%arg21 : memref<!tpu.dma_semaphore, #tpu.memory_space<semaphore_mem>>) src(%dma_wait3A_32 : memref<80xi32, #tpu.memory_space<hbm>>) dst(%arg12 : memref<80xi32, #tpu.memory_space<vmem>>)
    %dma_wait3A_33 = arith.constant 0 : i32
    %dma_wait3A_34 = tpu.memref_slice %arg4[%add3A_29, %dma_wait3A_33] : memref<320000x128xf32, #tpu.memory_space<hbm>> -> memref<80x128xf32, #tpu.memory_space<hbm>>
    %dma_wait3A_35 = arith.constant 0 : i32
    %dma_wait3A_36 = tpu.memref_slice %arg4[%add3A_29, %dma_wait3A_35] : memref<320000x128xf32, #tpu.memory_space<hbm>> -> memref<80x128xf32, #tpu.memory_space<hbm>>
    tpu.wait_dma2 semaphore(%arg21 : memref<!tpu.dma_semaphore, #tpu.memory_space<semaphore_mem>>) src(%dma_wait3A_36 : memref<80x128xf32, #tpu.memory_space<hbm>>) dst(%arg16 : memref<80x128xf32, #tpu.memory_space<vmem>>)
    %dma_start3A_37 = arith.constant 0 : i32
    %dma_start3A_38 = arith.constant 0 : i32
    %dma_start3A_39 = tpu.memref_slice %arg6[%dma_start3A_37, %dma_start3A_38] : memref<10000x128xf32, #tpu.memory_space<hbm>> -> memref<10000x128xf32, #tpu.memory_space<hbm>>
    tpu.enqueue_indirect_dma source(%dma_start3A_39 : memref<10000x128xf32, #tpu.memory_space<hbm>>) target(%arg16 : memref<80x128xf32, #tpu.memory_space<vmem>>) offsets(%arg8 : memref<80xi32, #tpu.memory_space<vmem>>) semaphore(%arg25 : memref<!tpu.dma_semaphore, #tpu.memory_space<semaphore_mem>>) {add = true}
    %scan3A = arith.constant 0 : i32
    %scan3A_40 = arith.constant 0 : i32
    %scan3A_41 = arith.constant 32 : i32
    %scan3A_42 = arith.addi %scan3A_40, %scan3A_41 : i32
    %scan3A_43 = arith.constant 1 : i32
    scf.for %scan3A_55 = %scan3A_40 to %scan3A_42 step %scan3A_43  : i32 {
      %mul3A_56 = arith.constant 4 : i32
      %mul3A_57 = arith.muli %scan3A_55, %mul3A_56 : i32
      %add3A_58 = arith.constant 0 : i32
      %add3A_59 = arith.addi %mul3A_57, %add3A_58 : i32
      %le3A = arith.constant 124 : i32
      %le3A_60 = arith.cmpi sle, %add3A_59, %le3A : i32
      %convert_element_type3A_61 = arith.extui %le3A_60 : i1 to i32
      %cond3A_62 = arith.constant 0 : i32
      %cond3A_63 = arith.cmpi ne, %convert_element_type3A_61, %cond3A_62 : i32
      scf.if %cond3A_63 {
        %dma_wait3A_204 = arith.constant 0 : i32
        %dma_wait3A_205 = arith.constant 0 : i32
        %dma_wait3A_206 = tpu.memref_slice %arg6[%dma_wait3A_204, %dma_wait3A_205] : memref<10000x128xf32, #tpu.memory_space<hbm>> -> memref<10000x128xf32, #tpu.memory_space<hbm>>
        tpu.wait_indirect_dma semaphore(%arg25 : memref<!tpu.dma_semaphore, #tpu.memory_space<semaphore_mem>>) src(%dma_wait3A_206 : memref<10000x128xf32, #tpu.memory_space<hbm>>) dst(%arg16 : memref<80x128xf32, #tpu.memory_space<vmem>>)
      } else {
      }
      %ge3A = arith.constant 2 : i32
      %ge3A_64 = arith.cmpi sge, %add3A_59, %ge3A : i32
      %sub3A = arith.constant 2 : i32
      %sub3A_65 = arith.subi %add3A_59, %sub3A : i32
      %le3A_66 = arith.constant 124 : i32
      %le3A_67 = arith.cmpi sle, %sub3A_65, %le3A_66 : i32
      %and3A = arith.andi %ge3A_64, %le3A_67 : i1
      %convert_element_type3A_68 = arith.extui %and3A : i1 to i32
      %cond3A_69 = arith.constant 0 : i32
      %cond3A_70 = arith.cmpi ne, %convert_element_type3A_68, %cond3A_69 : i32
      scf.if %cond3A_70 {
        %dma_wait3A_204 = arith.constant 0 : i32
        %dma_wait3A_205 = arith.constant 0 : i32
        %dma_wait3A_206 = tpu.memref_slice %arg20[%dma_wait3A_204, %dma_wait3A_205] : memref<10000x128xf32, #tpu.memory_space<vmem_shared>> -> memref<10000x128xf32, #tpu.memory_space<vmem_shared>>
        tpu.wait_indirect_dma semaphore(%arg31 : memref<!tpu.dma_semaphore, #tpu.memory_space<semaphore_mem>>) src(%arg18 : memref<80x128xf32, #tpu.memory_space<vmem>>) dst(%dma_wait3A_206 : memref<10000x128xf32, #tpu.memory_space<vmem_shared>>)
      } else {
      }
      %add3A_71 = arith.constant 2 : i32
      %add3A_72 = arith.addi %add3A_59, %add3A_71 : i32
      %le3A_73 = arith.constant 124 : i32
      %le3A_74 = arith.cmpi sle, %add3A_72, %le3A_73 : i32
      %convert_element_type3A_75 = arith.extui %le3A_74 : i1 to i32
      %cond3A_76 = arith.constant 0 : i32
      %cond3A_77 = arith.cmpi ne, %convert_element_type3A_75, %cond3A_76 : i32
      scf.if %cond3A_77 {
        %add3A_204 = arith.constant 2 : i32
        %add3A_205 = arith.addi %add3A_59, %add3A_204 : i32
        %mul3A_206 = arith.constant 80 : i32
        %mul3A_207 = arith.muli %add3A_205, %mul3A_206 : i32
        %add3A_208 = arith.addi %mul3A_2, %mul3A_207 : i32
        %dma_start3A_209 = tpu.memref_slice %arg2[%add3A_208] : memref<320000xi32, #tpu.memory_space<hbm>> -> memref<80xi32, #tpu.memory_space<hbm>>
        %dma_start3A_210 = tpu.memref_slice %arg2[%add3A_208] : memref<320000xi32, #tpu.memory_space<hbm>> -> memref<80xi32, #tpu.memory_space<hbm>>
        tpu.enqueue_dma source(%dma_start3A_210 : memref<80xi32, #tpu.memory_space<hbm>>) target(%arg10 : memref<80xi32, #tpu.memory_space<vmem>>) target_semaphore(%arg23 : memref<!tpu.dma_semaphore, #tpu.memory_space<semaphore_mem>>)
        %dma_start3A_211 = tpu.memref_slice %arg3[%add3A_208] : memref<320000xi32, #tpu.memory_space<hbm>> -> memref<80xi32, #tpu.memory_space<hbm>>
        %dma_start3A_212 = tpu.memref_slice %arg3[%add3A_208] : memref<320000xi32, #tpu.memory_space<hbm>> -> memref<80xi32, #tpu.memory_space<hbm>>
        tpu.enqueue_dma source(%dma_start3A_212 : memref<80xi32, #tpu.memory_space<hbm>>) target(%arg14 : memref<80xi32, #tpu.memory_space<vmem>>) target_semaphore(%arg23 : memref<!tpu.dma_semaphore, #tpu.memory_space<semaphore_mem>>)
        %dma_start3A_213 = arith.constant 0 : i32
        %dma_start3A_214 = tpu.memref_slice %arg4[%add3A_208, %dma_start3A_213] : memref<320000x128xf32, #tpu.memory_space<hbm>> -> memref<80x128xf32, #tpu.memory_space<hbm>>
        %dma_start3A_215 = arith.constant 0 : i32
        %dma_start3A_216 = tpu.memref_slice %arg4[%add3A_208, %dma_start3A_215] : memref<320000x128xf32, #tpu.memory_space<hbm>> -> memref<80x128xf32, #tpu.memory_space<hbm>>
        tpu.enqueue_dma source(%dma_start3A_216 : memref<80x128xf32, #tpu.memory_space<hbm>>) target(%arg18 : memref<80x128xf32, #tpu.memory_space<vmem>>) target_semaphore(%arg23 : memref<!tpu.dma_semaphore, #tpu.memory_space<semaphore_mem>>)
      } else {
      }
      %add3A_78 = arith.constant 1 : i32
      %add3A_79 = arith.addi %add3A_59, %add3A_78 : i32
      %le3A_80 = arith.constant 124 : i32
      %le3A_81 = arith.cmpi sle, %add3A_79, %le3A_80 : i32
      %convert_element_type3A_82 = arith.extui %le3A_81 : i1 to i32
      %cond3A_83 = arith.constant 0 : i32
      %cond3A_84 = arith.cmpi ne, %convert_element_type3A_82, %cond3A_83 : i32
      scf.if %cond3A_84 {
        %add3A_204 = arith.constant 1 : i32
        %add3A_205 = arith.addi %add3A_59, %add3A_204 : i32
        %mul3A_206 = arith.constant 80 : i32
        %mul3A_207 = arith.muli %add3A_205, %mul3A_206 : i32
        %add3A_208 = arith.addi %mul3A_2, %mul3A_207 : i32
        %dma_wait3A_209 = tpu.memref_slice %arg2[%add3A_208] : memref<320000xi32, #tpu.memory_space<hbm>> -> memref<80xi32, #tpu.memory_space<hbm>>
        %dma_wait3A_210 = tpu.memref_slice %arg2[%add3A_208] : memref<320000xi32, #tpu.memory_space<hbm>> -> memref<80xi32, #tpu.memory_space<hbm>>
        tpu.wait_dma2 semaphore(%arg22 : memref<!tpu.dma_semaphore, #tpu.memory_space<semaphore_mem>>) src(%dma_wait3A_210 : memref<80xi32, #tpu.memory_space<hbm>>) dst(%arg9 : memref<80xi32, #tpu.memory_space<vmem>>)
        %dma_wait3A_211 = tpu.memref_slice %arg3[%add3A_208] : memref<320000xi32, #tpu.memory_space<hbm>> -> memref<80xi32, #tpu.memory_space<hbm>>
        %dma_wait3A_212 = tpu.memref_slice %arg3[%add3A_208] : memref<320000xi32, #tpu.memory_space<hbm>> -> memref<80xi32, #tpu.memory_space<hbm>>
        tpu.wait_dma2 semaphore(%arg22 : memref<!tpu.dma_semaphore, #tpu.memory_space<semaphore_mem>>) src(%dma_wait3A_212 : memref<80xi32, #tpu.memory_space<hbm>>) dst(%arg13 : memref<80xi32, #tpu.memory_space<vmem>>)
        %dma_wait3A_213 = arith.constant 0 : i32
        %dma_wait3A_214 = tpu.memref_slice %arg4[%add3A_208, %dma_wait3A_213] : memref<320000x128xf32, #tpu.memory_space<hbm>> -> memref<80x128xf32, #tpu.memory_space<hbm>>
        %dma_wait3A_215 = arith.constant 0 : i32
        %dma_wait3A_216 = tpu.memref_slice %arg4[%add3A_208, %dma_wait3A_215] : memref<320000x128xf32, #tpu.memory_space<hbm>> -> memref<80x128xf32, #tpu.memory_space<hbm>>
        tpu.wait_dma2 semaphore(%arg22 : memref<!tpu.dma_semaphore, #tpu.memory_space<semaphore_mem>>) src(%dma_wait3A_216 : memref<80x128xf32, #tpu.memory_space<hbm>>) dst(%arg17 : memref<80x128xf32, #tpu.memory_space<vmem>>)
        %dma_start3A_217 = arith.constant 0 : i32
        %dma_start3A_218 = arith.constant 0 : i32
        %dma_start3A_219 = tpu.memref_slice %arg6[%dma_start3A_217, %dma_start3A_218] : memref<10000x128xf32, #tpu.memory_space<hbm>> -> memref<10000x128xf32, #tpu.memory_space<hbm>>
        tpu.enqueue_indirect_dma source(%dma_start3A_219 : memref<10000x128xf32, #tpu.memory_space<hbm>>) target(%arg17 : memref<80x128xf32, #tpu.memory_space<vmem>>) offsets(%arg9 : memref<80xi32, #tpu.memory_space<vmem>>) semaphore(%arg26 : memref<!tpu.dma_semaphore, #tpu.memory_space<semaphore_mem>>) {add = true}
      } else {
      }
      %le3A_85 = arith.constant 124 : i32
      %le3A_86 = arith.cmpi sle, %add3A_59, %le3A_85 : i32
      %convert_element_type3A_87 = arith.extui %le3A_86 : i1 to i32
      %cond3A_88 = arith.constant 0 : i32
      %cond3A_89 = arith.cmpi ne, %convert_element_type3A_87, %cond3A_88 : i32
      scf.if %cond3A_89 {
        %parallel_loop3A = arith.constant 0 : i32
        %parallel_loop3A_204 = arith.constant 80 : i32
        %parallel_loop3A_205 = arith.constant 1 : i32
        scf.for %parallel_loop3A_209 = %parallel_loop3A to %parallel_loop3A_204 step %parallel_loop3A_205  : i32 {
          %parallel_loop3A_210 = arith.index_cast %parallel_loop3A_209 : i32 to index
          %parallel_loop3A_211 = arith.constant 0 : index
          %parallel_loop3A_212 = tpu.vector_load %arg16[%parallel_loop3A_210, %parallel_loop3A_211] {strides = array<i32>} : memref<80x128xf32, #tpu.memory_space<vmem>>, vector<1x16xf32>,
          %parallel_loop3A_213 = vector.shape_cast %parallel_loop3A_212 : vector<1x16xf32> to vector<16xf32>
          %parallel_loop3A_214 = arith.constant 0.000000e+00 : f32
          %parallel_loop3A_215 = vector.broadcast %parallel_loop3A_214 : f32 to vector<16xf32>
          %parallel_loop3A_216 = arith.maximumf %parallel_loop3A_213, %parallel_loop3A_215 : vector<16xf32>
          %parallel_loop3A_217 = arith.index_cast %parallel_loop3A_209 : i32 to index
          %parallel_loop3A_218 = arith.constant 0 : index
          %parallel_loop3A_219 = tpu.vector_load %arg16[%parallel_loop3A_217, %parallel_loop3A_218] {strides = array<i32>} : memref<80x128xf32, #tpu.memory_space<vmem>>, vector<1x16xf32>,
          %parallel_loop3A_220 = vector.shape_cast %parallel_loop3A_219 : vector<1x16xf32> to vector<16xf32>
          %parallel_loop3A_221 = vector.shape_cast %parallel_loop3A_216 : vector<16xf32> to vector<1x16xf32>
          tpu.vector_store %arg16[%parallel_loop3A_217, %parallel_loop3A_218], %parallel_loop3A_221 {strides = array<i32>} : memref<80x128xf32, #tpu.memory_space<vmem>>, vector<1x16xf32>,
          %parallel_loop3A_222 = arith.index_cast %parallel_loop3A_209 : i32 to index
          %parallel_loop3A_223 = arith.constant 16 : index
          %parallel_loop3A_224 = tpu.vector_load %arg16[%parallel_loop3A_222, %parallel_loop3A_223] {strides = array<i32>} : memref<80x128xf32, #tpu.memory_space<vmem>>, vector<1x16xf32>,
          %parallel_loop3A_225 = vector.shape_cast %parallel_loop3A_224 : vector<1x16xf32> to vector<16xf32>
          %parallel_loop3A_226 = arith.constant 0.000000e+00 : f32
          %parallel_loop3A_227 = vector.broadcast %parallel_loop3A_226 : f32 to vector<16xf32>
          %parallel_loop3A_228 = arith.maximumf %parallel_loop3A_225, %parallel_loop3A_227 : vector<16xf32>
          %parallel_loop3A_229 = arith.index_cast %parallel_loop3A_209 : i32 to index
          %parallel_loop3A_230 = arith.constant 16 : index
          %parallel_loop3A_231 = tpu.vector_load %arg16[%parallel_loop3A_229, %parallel_loop3A_230] {strides = array<i32>} : memref<80x128xf32, #tpu.memory_space<vmem>>, vector<1x16xf32>,
          %parallel_loop3A_232 = vector.shape_cast %parallel_loop3A_231 : vector<1x16xf32> to vector<16xf32>
          %parallel_loop3A_233 = vector.shape_cast %parallel_loop3A_228 : vector<16xf32> to vector<1x16xf32>
          tpu.vector_store %arg16[%parallel_loop3A_229, %parallel_loop3A_230], %parallel_loop3A_233 {strides = array<i32>} : memref<80x128xf32, #tpu.memory_space<vmem>>, vector<1x16xf32>,
          %parallel_loop3A_234 = arith.index_cast %parallel_loop3A_209 : i32 to index
          %parallel_loop3A_235 = arith.constant 32 : index
          %parallel_loop3A_236 = tpu.vector_load %arg16[%parallel_loop3A_234, %parallel_loop3A_235] {strides = array<i32>} : memref<80x128xf32, #tpu.memory_space<vmem>>, vector<1x16xf32>,
          %parallel_loop3A_237 = vector.shape_cast %parallel_loop3A_236 : vector<1x16xf32> to vector<16xf32>
          %parallel_loop3A_238 = arith.constant 0.000000e+00 : f32
          %parallel_loop3A_239 = vector.broadcast %parallel_loop3A_238 : f32 to vector<16xf32>
          %parallel_loop3A_240 = arith.maximumf %parallel_loop3A_237, %parallel_loop3A_239 : vector<16xf32>
          %parallel_loop3A_241 = arith.index_cast %parallel_loop3A_209 : i32 to index
          %parallel_loop3A_242 = arith.constant 32 : index
          %parallel_loop3A_243 = tpu.vector_load %arg16[%parallel_loop3A_241, %parallel_loop3A_242] {strides = array<i32>} : memref<80x128xf32, #tpu.memory_space<vmem>>, vector<1x16xf32>,
          %parallel_loop3A_244 = vector.shape_cast %parallel_loop3A_243 : vector<1x16xf32> to vector<16xf32>
          %parallel_loop3A_245 = vector.shape_cast %parallel_loop3A_240 : vector<16xf32> to vector<1x16xf32>
          tpu.vector_store %arg16[%parallel_loop3A_241, %parallel_loop3A_242], %parallel_loop3A_245 {strides = array<i32>} : memref<80x128xf32, #tpu.memory_space<vmem>>, vector<1x16xf32>,
          %parallel_loop3A_246 = arith.index_cast %parallel_loop3A_209 : i32 to index
          %parallel_loop3A_247 = arith.constant 48 : index
          %parallel_loop3A_248 = tpu.vector_load %arg16[%parallel_loop3A_246, %parallel_loop3A_247] {strides = array<i32>} : memref<80x128xf32, #tpu.memory_space<vmem>>, vector<1x16xf32>,
          %parallel_loop3A_249 = vector.shape_cast %parallel_loop3A_248 : vector<1x16xf32> to vector<16xf32>
          %parallel_loop3A_250 = arith.constant 0.000000e+00 : f32
          %parallel_loop3A_251 = vector.broadcast %parallel_loop3A_250 : f32 to vector<16xf32>
          %parallel_loop3A_252 = arith.maximumf %parallel_loop3A_249, %parallel_loop3A_251 : vector<16xf32>
          %parallel_loop3A_253 = arith.index_cast %parallel_loop3A_209 : i32 to index
          %parallel_loop3A_254 = arith.constant 48 : index
          %parallel_loop3A_255 = tpu.vector_load %arg16[%parallel_loop3A_253, %parallel_loop3A_254] {strides = array<i32>} : memref<80x128xf32, #tpu.memory_space<vmem>>, vector<1x16xf32>,
          %parallel_loop3A_256 = vector.shape_cast %parallel_loop3A_255 : vector<1x16xf32> to vector<16xf32>
          %parallel_loop3A_257 = vector.shape_cast %parallel_loop3A_252 : vector<16xf32> to vector<1x16xf32>
          tpu.vector_store %arg16[%parallel_loop3A_253, %parallel_loop3A_254], %parallel_loop3A_257 {strides = array<i32>} : memref<80x128xf32, #tpu.memory_space<vmem>>, vector<1x16xf32>,
          %parallel_loop3A_258 = arith.index_cast %parallel_loop3A_209 : i32 to index
          %parallel_loop3A_259 = arith.constant 64 : index
          %parallel_loop3A_260 = tpu.vector_load %arg16[%parallel_loop3A_258, %parallel_loop3A_259] {strides = array<i32>} : memref<80x128xf32, #tpu.memory_space<vmem>>, vector<1x16xf32>,
          %parallel_loop3A_261 = vector.shape_cast %parallel_loop3A_260 : vector<1x16xf32> to vector<16xf32>
          %parallel_loop3A_262 = arith.constant 0.000000e+00 : f32
          %parallel_loop3A_263 = vector.broadcast %parallel_loop3A_262 : f32 to vector<16xf32>
          %parallel_loop3A_264 = arith.maximumf %parallel_loop3A_261, %parallel_loop3A_263 : vector<16xf32>
          %parallel_loop3A_265 = arith.index_cast %parallel_loop3A_209 : i32 to index
          %parallel_loop3A_266 = arith.constant 64 : index
          %parallel_loop3A_267 = tpu.vector_load %arg16[%parallel_loop3A_265, %parallel_loop3A_266] {strides = array<i32>} : memref<80x128xf32, #tpu.memory_space<vmem>>, vector<1x16xf32>,
          %parallel_loop3A_268 = vector.shape_cast %parallel_loop3A_267 : vector<1x16xf32> to vector<16xf32>
          %parallel_loop3A_269 = vector.shape_cast %parallel_loop3A_264 : vector<16xf32> to vector<1x16xf32>
          tpu.vector_store %arg16[%parallel_loop3A_265, %parallel_loop3A_266], %parallel_loop3A_269 {strides = array<i32>} : memref<80x128xf32, #tpu.memory_space<vmem>>, vector<1x16xf32>,
          %parallel_loop3A_270 = arith.index_cast %parallel_loop3A_209 : i32 to index
          %parallel_loop3A_271 = arith.constant 80 : index
          %parallel_loop3A_272 = tpu.vector_load %arg16[%parallel_loop3A_270, %parallel_loop3A_271] {strides = array<i32>} : memref<80x128xf32, #tpu.memory_space<vmem>>, vector<1x16xf32>,
          %parallel_loop3A_273 = vector.shape_cast %parallel_loop3A_272 : vector<1x16xf32> to vector<16xf32>
          %parallel_loop3A_274 = arith.constant 0.000000e+00 : f32
          %parallel_loop3A_275 = vector.broadcast %parallel_loop3A_274 : f32 to vector<16xf32>
          %parallel_loop3A_276 = arith.maximumf %parallel_loop3A_273, %parallel_loop3A_275 : vector<16xf32>
          %parallel_loop3A_277 = arith.index_cast %parallel_loop3A_209 : i32 to index
          %parallel_loop3A_278 = arith.constant 80 : index
          %parallel_loop3A_279 = tpu.vector_load %arg16[%parallel_loop3A_277, %parallel_loop3A_278] {strides = array<i32>} : memref<80x128xf32, #tpu.memory_space<vmem>>, vector<1x16xf32>,
          %parallel_loop3A_280 = vector.shape_cast %parallel_loop3A_279 : vector<1x16xf32> to vector<16xf32>
          %parallel_loop3A_281 = vector.shape_cast %parallel_loop3A_276 : vector<16xf32> to vector<1x16xf32>
          tpu.vector_store %arg16[%parallel_loop3A_277, %parallel_loop3A_278], %parallel_loop3A_281 {strides = array<i32>} : memref<80x128xf32, #tpu.memory_space<vmem>>, vector<1x16xf32>,
          %parallel_loop3A_282 = arith.index_cast %parallel_loop3A_209 : i32 to index
          %parallel_loop3A_283 = arith.constant 96 : index
          %parallel_loop3A_284 = tpu.vector_load %arg16[%parallel_loop3A_282, %parallel_loop3A_283] {strides = array<i32>} : memref<80x128xf32, #tpu.memory_space<vmem>>, vector<1x16xf32>,
          %parallel_loop3A_285 = vector.shape_cast %parallel_loop3A_284 : vector<1x16xf32> to vector<16xf32>
          %parallel_loop3A_286 = arith.constant 0.000000e+00 : f32
          %parallel_loop3A_287 = vector.broadcast %parallel_loop3A_286 : f32 to vector<16xf32>
          %parallel_loop3A_288 = arith.maximumf %parallel_loop3A_285, %parallel_loop3A_287 : vector<16xf32>
          %parallel_loop3A_289 = arith.index_cast %parallel_loop3A_209 : i32 to index
          %parallel_loop3A_290 = arith.constant 96 : index
          %parallel_loop3A_291 = tpu.vector_load %arg16[%parallel_loop3A_289, %parallel_loop3A_290] {strides = array<i32>} : memref<80x128xf32, #tpu.memory_space<vmem>>, vector<1x16xf32>,
          %parallel_loop3A_292 = vector.shape_cast %parallel_loop3A_291 : vector<1x16xf32> to vector<16xf32>
          %parallel_loop3A_293 = vector.shape_cast %parallel_loop3A_288 : vector<16xf32> to vector<1x16xf32>
          tpu.vector_store %arg16[%parallel_loop3A_289, %parallel_loop3A_290], %parallel_loop3A_293 {strides = array<i32>} : memref<80x128xf32, #tpu.memory_space<vmem>>, vector<1x16xf32>,
          %parallel_loop3A_294 = arith.index_cast %parallel_loop3A_209 : i32 to index
          %parallel_loop3A_295 = arith.constant 112 : index
          %parallel_loop3A_296 = tpu.vector_load %arg16[%parallel_loop3A_294, %parallel_loop3A_295] {strides = array<i32>} : memref<80x128xf32, #tpu.memory_space<vmem>>, vector<1x16xf32>,
          %parallel_loop3A_297 = vector.shape_cast %parallel_loop3A_296 : vector<1x16xf32> to vector<16xf32>
          %parallel_loop3A_298 = arith.constant 0.000000e+00 : f32
          %parallel_loop3A_299 = vector.broadcast %parallel_loop3A_298 : f32 to vector<16xf32>
          %parallel_loop3A_300 = arith.maximumf %parallel_loop3A_297, %parallel_loop3A_299 : vector<16xf32>
          %parallel_loop3A_301 = arith.index_cast %parallel_loop3A_209 : i32 to index
          %parallel_loop3A_302 = arith.constant 112 : index
          %parallel_loop3A_303 = tpu.vector_load %arg16[%parallel_loop3A_301, %parallel_loop3A_302] {strides = array<i32>} : memref<80x128xf32, #tpu.memory_space<vmem>>, vector<1x16xf32>,
          %parallel_loop3A_304 = vector.shape_cast %parallel_loop3A_303 : vector<1x16xf32> to vector<16xf32>
          %parallel_loop3A_305 = vector.shape_cast %parallel_loop3A_300 : vector<16xf32> to vector<1x16xf32>
          tpu.vector_store %arg16[%parallel_loop3A_301, %parallel_loop3A_302], %parallel_loop3A_305 {strides = array<i32>} : memref<80x128xf32, #tpu.memory_space<vmem>>, vector<1x16xf32>,
        } {sc.loop_unroll_factor = 4 : i64, sc.parallel_access}
        %dma_start3A_206 = arith.constant 0 : i32
        %dma_start3A_207 = arith.constant 0 : i32
        %dma_start3A_208 = tpu.memref_slice %arg20[%dma_start3A_206, %dma_start3A_207] : memref<10000x128xf32, #tpu.memory_space<vmem_shared>> -> memref<10000x128xf32, #tpu.memory_space<vmem_shared>>
        tpu.enqueue_indirect_dma source(%arg16 : memref<80x128xf32, #tpu.memory_space<vmem>>) target(%dma_start3A_208 : memref<10000x128xf32, #tpu.memory_space<vmem_shared>>) offsets(%arg12 : memref<80xi32, #tpu.memory_space<vmem>>) semaphore(%arg29 : memref<!tpu.dma_semaphore, #tpu.memory_space<semaphore_mem>>) {add = true}
      } else {
      }
      %mul3A_90 = arith.constant 4 : i32
      %mul3A_91 = arith.muli %scan3A_55, %mul3A_90 : i32
      %add3A_92 = arith.constant 1 : i32
      %add3A_93 = arith.addi %mul3A_91, %add3A_92 : i32
      %le3A_94 = arith.constant 124 : i32
      %le3A_95 = arith.cmpi sle, %add3A_93, %le3A_94 : i32
      %convert_element_type3A_96 = arith.extui %le3A_95 : i1 to i32
      %cond3A_97 = arith.constant 0 : i32
      %cond3A_98 = arith.cmpi ne, %convert_element_type3A_96, %cond3A_97 : i32
      scf.if %cond3A_98 {
        %dma_wait3A_204 = arith.constant 0 : i32
        %dma_wait3A_205 = arith.constant 0 : i32
        %dma_wait3A_206 = tpu.memref_slice %arg6[%dma_wait3A_204, %dma_wait3A_205] : memref<10000x128xf32, #tpu.memory_space<hbm>> -> memref<10000x128xf32, #tpu.memory_space<hbm>>
        tpu.wait_indirect_dma semaphore(%arg26 : memref<!tpu.dma_semaphore, #tpu.memory_space<semaphore_mem>>) src(%dma_wait3A_206 : memref<10000x128xf32, #tpu.memory_space<hbm>>) dst(%arg17 : memref<80x128xf32, #tpu.memory_space<vmem>>)
      } else {
      }
      %ge3A_99 = arith.constant 2 : i32
      %ge3A_100 = arith.cmpi sge, %add3A_93, %ge3A_99 : i32
      %sub3A_101 = arith.constant 2 : i32
      %sub3A_102 = arith.subi %add3A_93, %sub3A_101 : i32
      %le3A_103 = arith.constant 124 : i32
      %le3A_104 = arith.cmpi sle, %sub3A_102, %le3A_103 : i32
      %and3A_105 = arith.andi %ge3A_100, %le3A_104 : i1
      %convert_element_type3A_106 = arith.extui %and3A_105 : i1 to i32
      %cond3A_107 = arith.constant 0 : i32
      %cond3A_108 = arith.cmpi ne, %convert_element_type3A_106, %cond3A_107 : i32
      scf.if %cond3A_108 {
        %dma_wait3A_204 = arith.constant 0 : i32
        %dma_wait3A_205 = arith.constant 0 : i32
        %dma_wait3A_206 = tpu.memref_slice %arg20[%dma_wait3A_204, %dma_wait3A_205] : memref<10000x128xf32, #tpu.memory_space<vmem_shared>> -> memref<10000x128xf32, #tpu.memory_space<vmem_shared>>
        tpu.wait_indirect_dma semaphore(%arg32 : memref<!tpu.dma_semaphore, #tpu.memory_space<semaphore_mem>>) src(%arg19 : memref<80x128xf32, #tpu.memory_space<vmem>>) dst(%dma_wait3A_206 : memref<10000x128xf32, #tpu.memory_space<vmem_shared>>)
      } else {
      }
      %add3A_109 = arith.constant 2 : i32
      %add3A_110 = arith.addi %add3A_93, %add3A_109 : i32
      %le3A_111 = arith.constant 124 : i32
      %le3A_112 = arith.cmpi sle, %add3A_110, %le3A_111 : i32
      %convert_element_type3A_113 = arith.extui %le3A_112 : i1 to i32
      %cond3A_114 = arith.constant 0 : i32
      %cond3A_115 = arith.cmpi ne, %convert_element_type3A_113, %cond3A_114 : i32
      scf.if %cond3A_115 {
        %add3A_204 = arith.constant 2 : i32
        %add3A_205 = arith.addi %add3A_93, %add3A_204 : i32
        %mul3A_206 = arith.constant 80 : i32
        %mul3A_207 = arith.muli %add3A_205, %mul3A_206 : i32
        %add3A_208 = arith.addi %mul3A_2, %mul3A_207 : i32
        %dma_start3A_209 = tpu.memref_slice %arg2[%add3A_208] : memref<320000xi32, #tpu.memory_space<hbm>> -> memref<80xi32, #tpu.memory_space<hbm>>
        %dma_start3A_210 = tpu.memref_slice %arg2[%add3A_208] : memref<320000xi32, #tpu.memory_space<hbm>> -> memref<80xi32, #tpu.memory_space<hbm>>
        tpu.enqueue_dma source(%dma_start3A_210 : memref<80xi32, #tpu.memory_space<hbm>>) target(%arg11 : memref<80xi32, #tpu.memory_space<vmem>>) target_semaphore(%arg24 : memref<!tpu.dma_semaphore, #tpu.memory_space<semaphore_mem>>)
        %dma_start3A_211 = tpu.memref_slice %arg3[%add3A_208] : memref<320000xi32, #tpu.memory_space<hbm>> -> memref<80xi32, #tpu.memory_space<hbm>>
        %dma_start3A_212 = tpu.memref_slice %arg3[%add3A_208] : memref<320000xi32, #tpu.memory_space<hbm>> -> memref<80xi32, #tpu.memory_space<hbm>>
        tpu.enqueue_dma source(%dma_start3A_212 : memref<80xi32, #tpu.memory_space<hbm>>) target(%arg15 : memref<80xi32, #tpu.memory_space<vmem>>) target_semaphore(%arg24 : memref<!tpu.dma_semaphore, #tpu.memory_space<semaphore_mem>>)
        %dma_start3A_213 = arith.constant 0 : i32
        %dma_start3A_214 = tpu.memref_slice %arg4[%add3A_208, %dma_start3A_213] : memref<320000x128xf32, #tpu.memory_space<hbm>> -> memref<80x128xf32, #tpu.memory_space<hbm>>
        %dma_start3A_215 = arith.constant 0 : i32
        %dma_start3A_216 = tpu.memref_slice %arg4[%add3A_208, %dma_start3A_215] : memref<320000x128xf32, #tpu.memory_space<hbm>> -> memref<80x128xf32, #tpu.memory_space<hbm>>
        tpu.enqueue_dma source(%dma_start3A_216 : memref<80x128xf32, #tpu.memory_space<hbm>>) target(%arg19 : memref<80x128xf32, #tpu.memory_space<vmem>>) target_semaphore(%arg24 : memref<!tpu.dma_semaphore, #tpu.memory_space<semaphore_mem>>)
      } else {
      }
      %add3A_116 = arith.constant 1 : i32
      %add3A_117 = arith.addi %add3A_93, %add3A_116 : i32
      %le3A_118 = arith.constant 124 : i32
      %le3A_119 = arith.cmpi sle, %add3A_117, %le3A_118 : i32
      %convert_element_type3A_120 = arith.extui %le3A_119 : i1 to i32
      %cond3A_121 = arith.constant 0 : i32
      %cond3A_122 = arith.cmpi ne, %convert_element_type3A_120, %cond3A_121 : i32
      scf.if %cond3A_122 {
        %add3A_204 = arith.constant 1 : i32
        %add3A_205 = arith.addi %add3A_93, %add3A_204 : i32
        %mul3A_206 = arith.constant 80 : i32
        %mul3A_207 = arith.muli %add3A_205, %mul3A_206 : i32
        %add3A_208 = arith.addi %mul3A_2, %mul3A_207 : i32
        %dma_wait3A_209 = tpu.memref_slice %arg2[%add3A_208] : memref<320000xi32, #tpu.memory_space<hbm>> -> memref<80xi32, #tpu.memory_space<hbm>>
        %dma_wait3A_210 = tpu.memref_slice %arg2[%add3A_208] : memref<320000xi32, #tpu.memory_space<hbm>> -> memref<80xi32, #tpu.memory_space<hbm>>
        tpu.wait_dma2 semaphore(%arg23 : memref<!tpu.dma_semaphore, #tpu.memory_space<semaphore_mem>>) src(%dma_wait3A_210 : memref<80xi32, #tpu.memory_space<hbm>>) dst(%arg10 : memref<80xi32, #tpu.memory_space<vmem>>)
        %dma_wait3A_211 = tpu.memref_slice %arg3[%add3A_208] : memref<320000xi32, #tpu.memory_space<hbm>> -> memref<80xi32, #tpu.memory_space<hbm>>
        %dma_wait3A_212 = tpu.memref_slice %arg3[%add3A_208] : memref<320000xi32, #tpu.memory_space<hbm>> -> memref<80xi32, #tpu.memory_space<hbm>>
        tpu.wait_dma2 semaphore(%arg23 : memref<!tpu.dma_semaphore, #tpu.memory_space<semaphore_mem>>) src(%dma_wait3A_212 : memref<80xi32, #tpu.memory_space<hbm>>) dst(%arg14 : memref<80xi32, #tpu.memory_space<vmem>>)
        %dma_wait3A_213 = arith.constant 0 : i32
        %dma_wait3A_214 = tpu.memref_slice %arg4[%add3A_208, %dma_wait3A_213] : memref<320000x128xf32, #tpu.memory_space<hbm>> -> memref<80x128xf32, #tpu.memory_space<hbm>>
        %dma_wait3A_215 = arith.constant 0 : i32
        %dma_wait3A_216 = tpu.memref_slice %arg4[%add3A_208, %dma_wait3A_215] : memref<320000x128xf32, #tpu.memory_space<hbm>> -> memref<80x128xf32, #tpu.memory_space<hbm>>
        tpu.wait_dma2 semaphore(%arg23 : memref<!tpu.dma_semaphore, #tpu.memory_space<semaphore_mem>>) src(%dma_wait3A_216 : memref<80x128xf32, #tpu.memory_space<hbm>>) dst(%arg18 : memref<80x128xf32, #tpu.memory_space<vmem>>)
        %dma_start3A_217 = arith.constant 0 : i32
        %dma_start3A_218 = arith.constant 0 : i32
        %dma_start3A_219 = tpu.memref_slice %arg6[%dma_start3A_217, %dma_start3A_218] : memref<10000x128xf32, #tpu.memory_space<hbm>> -> memref<10000x128xf32, #tpu.memory_space<hbm>>
        tpu.enqueue_indirect_dma source(%dma_start3A_219 : memref<10000x128xf32, #tpu.memory_space<hbm>>) target(%arg18 : memref<80x128xf32, #tpu.memory_space<vmem>>) offsets(%arg10 : memref<80xi32, #tpu.memory_space<vmem>>) semaphore(%arg27 : memref<!tpu.dma_semaphore, #tpu.memory_space<semaphore_mem>>) {add = true}
      } else {
      }
      %le3A_123 = arith.constant 124 : i32
      %le3A_124 = arith.cmpi sle, %add3A_93, %le3A_123 : i32
      %convert_element_type3A_125 = arith.extui %le3A_124 : i1 to i32
      %cond3A_126 = arith.constant 0 : i32
      %cond3A_127 = arith.cmpi ne, %convert_element_type3A_125, %cond3A_126 : i32
      scf.if %cond3A_127 {
        %parallel_loop3A = arith.constant 0 : i32
        %parallel_loop3A_204 = arith.constant 80 : i32
        %parallel_loop3A_205 = arith.constant 1 : i32
        scf.for %parallel_loop3A_209 = %parallel_loop3A to %parallel_loop3A_204 step %parallel_loop3A_205  : i32 {
          %parallel_loop3A_210 = arith.index_cast %parallel_loop3A_209 : i32 to index
          %parallel_loop3A_211 = arith.constant 0 : index
          %parallel_loop3A_212 = tpu.vector_load %arg17[%parallel_loop3A_210, %parallel_loop3A_211] {strides = array<i32>} : memref<80x128xf32, #tpu.memory_space<vmem>>, vector<1x16xf32>,
          %parallel_loop3A_213 = vector.shape_cast %parallel_loop3A_212 : vector<1x16xf32> to vector<16xf32>
          %parallel_loop3A_214 = arith.constant 0.000000e+00 : f32
          %parallel_loop3A_215 = vector.broadcast %parallel_loop3A_214 : f32 to vector<16xf32>
          %parallel_loop3A_216 = arith.maximumf %parallel_loop3A_213, %parallel_loop3A_215 : vector<16xf32>
          %parallel_loop3A_217 = arith.index_cast %parallel_loop3A_209 : i32 to index
          %parallel_loop3A_218 = arith.constant 0 : index
          %parallel_loop3A_219 = tpu.vector_load %arg17[%parallel_loop3A_217, %parallel_loop3A_218] {strides = array<i32>} : memref<80x128xf32, #tpu.memory_space<vmem>>, vector<1x16xf32>,
          %parallel_loop3A_220 = vector.shape_cast %parallel_loop3A_219 : vector<1x16xf32> to vector<16xf32>
          %parallel_loop3A_221 = vector.shape_cast %parallel_loop3A_216 : vector<16xf32> to vector<1x16xf32>
          tpu.vector_store %arg17[%parallel_loop3A_217, %parallel_loop3A_218], %parallel_loop3A_221 {strides = array<i32>} : memref<80x128xf32, #tpu.memory_space<vmem>>, vector<1x16xf32>,
          %parallel_loop3A_222 = arith.index_cast %parallel_loop3A_209 : i32 to index
          %parallel_loop3A_223 = arith.constant 16 : index
          %parallel_loop3A_224 = tpu.vector_load %arg17[%parallel_loop3A_222, %parallel_loop3A_223] {strides = array<i32>} : memref<80x128xf32, #tpu.memory_space<vmem>>, vector<1x16xf32>,
          %parallel_loop3A_225 = vector.shape_cast %parallel_loop3A_224 : vector<1x16xf32> to vector<16xf32>
          %parallel_loop3A_226 = arith.constant 0.000000e+00 : f32
          %parallel_loop3A_227 = vector.broadcast %parallel_loop3A_226 : f32 to vector<16xf32>
          %parallel_loop3A_228 = arith.maximumf %parallel_loop3A_225, %parallel_loop3A_227 : vector<16xf32>
          %parallel_loop3A_229 = arith.index_cast %parallel_loop3A_209 : i32 to index
          %parallel_loop3A_230 = arith.constant 16 : index
          %parallel_loop3A_231 = tpu.vector_load %arg17[%parallel_loop3A_229, %parallel_loop3A_230] {strides = array<i32>} : memref<80x128xf32, #tpu.memory_space<vmem>>, vector<1x16xf32>,
          %parallel_loop3A_232 = vector.shape_cast %parallel_loop3A_231 : vector<1x16xf32> to vector<16xf32>
          %parallel_loop3A_233 = vector.shape_cast %parallel_loop3A_228 : vector<16xf32> to vector<1x16xf32>
          tpu.vector_store %arg17[%parallel_loop3A_229, %parallel_loop3A_230], %parallel_loop3A_233 {strides = array<i32>} : memref<80x128xf32, #tpu.memory_space<vmem>>, vector<1x16xf32>,
          %parallel_loop3A_234 = arith.index_cast %parallel_loop3A_209 : i32 to index
          %parallel_loop3A_235 = arith.constant 32 : index
          %parallel_loop3A_236 = tpu.vector_load %arg17[%parallel_loop3A_234, %parallel_loop3A_235] {strides = array<i32>} : memref<80x128xf32, #tpu.memory_space<vmem>>, vector<1x16xf32>,
          %parallel_loop3A_237 = vector.shape_cast %parallel_loop3A_236 : vector<1x16xf32> to vector<16xf32>
          %parallel_loop3A_238 = arith.constant 0.000000e+00 : f32
          %parallel_loop3A_239 = vector.broadcast %parallel_loop3A_238 : f32 to vector<16xf32>
          %parallel_loop3A_240 = arith.maximumf %parallel_loop3A_237, %parallel_loop3A_239 : vector<16xf32>
          %parallel_loop3A_241 = arith.index_cast %parallel_loop3A_209 : i32 to index
          %parallel_loop3A_242 = arith.constant 32 : index
          %parallel_loop3A_243 = tpu.vector_load %arg17[%parallel_loop3A_241, %parallel_loop3A_242] {strides = array<i32>} : memref<80x128xf32, #tpu.memory_space<vmem>>, vector<1x16xf32>,
          %parallel_loop3A_244 = vector.shape_cast %parallel_loop3A_243 : vector<1x16xf32> to vector<16xf32>
          %parallel_loop3A_245 = vector.shape_cast %parallel_loop3A_240 : vector<16xf32> to vector<1x16xf32>
          tpu.vector_store %arg17[%parallel_loop3A_241, %parallel_loop3A_242], %parallel_loop3A_245 {strides = array<i32>} : memref<80x128xf32, #tpu.memory_space<vmem>>, vector<1x16xf32>,
          %parallel_loop3A_246 = arith.index_cast %parallel_loop3A_209 : i32 to index
          %parallel_loop3A_247 = arith.constant 48 : index
          %parallel_loop3A_248 = tpu.vector_load %arg17[%parallel_loop3A_246, %parallel_loop3A_247] {strides = array<i32>} : memref<80x128xf32, #tpu.memory_space<vmem>>, vector<1x16xf32>,
          %parallel_loop3A_249 = vector.shape_cast %parallel_loop3A_248 : vector<1x16xf32> to vector<16xf32>
          %parallel_loop3A_250 = arith.constant 0.000000e+00 : f32
          %parallel_loop3A_251 = vector.broadcast %parallel_loop3A_250 : f32 to vector<16xf32>
          %parallel_loop3A_252 = arith.maximumf %parallel_loop3A_249, %parallel_loop3A_251 : vector<16xf32>
          %parallel_loop3A_253 = arith.index_cast %parallel_loop3A_209 : i32 to index
          %parallel_loop3A_254 = arith.constant 48 : index
          %parallel_loop3A_255 = tpu.vector_load %arg17[%parallel_loop3A_253, %parallel_loop3A_254] {strides = array<i32>} : memref<80x128xf32, #tpu.memory_space<vmem>>, vector<1x16xf32>,
          %parallel_loop3A_256 = vector.shape_cast %parallel_loop3A_255 : vector<1x16xf32> to vector<16xf32>
          %parallel_loop3A_257 = vector.shape_cast %parallel_loop3A_252 : vector<16xf32> to vector<1x16xf32>
          tpu.vector_store %arg17[%parallel_loop3A_253, %parallel_loop3A_254], %parallel_loop3A_257 {strides = array<i32>} : memref<80x128xf32, #tpu.memory_space<vmem>>, vector<1x16xf32>,
          %parallel_loop3A_258 = arith.index_cast %parallel_loop3A_209 : i32 to index
          %parallel_loop3A_259 = arith.constant 64 : index
          %parallel_loop3A_260 = tpu.vector_load %arg17[%parallel_loop3A_258, %parallel_loop3A_259] {strides = array<i32>} : memref<80x128xf32, #tpu.memory_space<vmem>>, vector<1x16xf32>,
          %parallel_loop3A_261 = vector.shape_cast %parallel_loop3A_260 : vector<1x16xf32> to vector<16xf32>
          %parallel_loop3A_262 = arith.constant 0.000000e+00 : f32
          %parallel_loop3A_263 = vector.broadcast %parallel_loop3A_262 : f32 to vector<16xf32>
          %parallel_loop3A_264 = arith.maximumf %parallel_loop3A_261, %parallel_loop3A_263 : vector<16xf32>
          %parallel_loop3A_265 = arith.index_cast %parallel_loop3A_209 : i32 to index
          %parallel_loop3A_266 = arith.constant 64 : index
          %parallel_loop3A_267 = tpu.vector_load %arg17[%parallel_loop3A_265, %parallel_loop3A_266] {strides = array<i32>} : memref<80x128xf32, #tpu.memory_space<vmem>>, vector<1x16xf32>,
          %parallel_loop3A_268 = vector.shape_cast %parallel_loop3A_267 : vector<1x16xf32> to vector<16xf32>
          %parallel_loop3A_269 = vector.shape_cast %parallel_loop3A_264 : vector<16xf32> to vector<1x16xf32>
          tpu.vector_store %arg17[%parallel_loop3A_265, %parallel_loop3A_266], %parallel_loop3A_269 {strides = array<i32>} : memref<80x128xf32, #tpu.memory_space<vmem>>, vector<1x16xf32>,
          %parallel_loop3A_270 = arith.index_cast %parallel_loop3A_209 : i32 to index
          %parallel_loop3A_271 = arith.constant 80 : index
          %parallel_loop3A_272 = tpu.vector_load %arg17[%parallel_loop3A_270, %parallel_loop3A_271] {strides = array<i32>} : memref<80x128xf32, #tpu.memory_space<vmem>>, vector<1x16xf32>,
          %parallel_loop3A_273 = vector.shape_cast %parallel_loop3A_272 : vector<1x16xf32> to vector<16xf32>
          %parallel_loop3A_274 = arith.constant 0.000000e+00 : f32
          %parallel_loop3A_275 = vector.broadcast %parallel_loop3A_274 : f32 to vector<16xf32>
          %parallel_loop3A_276 = arith.maximumf %parallel_loop3A_273, %parallel_loop3A_275 : vector<16xf32>
          %parallel_loop3A_277 = arith.index_cast %parallel_loop3A_209 : i32 to index
          %parallel_loop3A_278 = arith.constant 80 : index
          %parallel_loop3A_279 = tpu.vector_load %arg17[%parallel_loop3A_277, %parallel_loop3A_278] {strides = array<i32>} : memref<80x128xf32, #tpu.memory_space<vmem>>, vector<1x16xf32>,
          %parallel_loop3A_280 = vector.shape_cast %parallel_loop3A_279 : vector<1x16xf32> to vector<16xf32>
          %parallel_loop3A_281 = vector.shape_cast %parallel_loop3A_276 : vector<16xf32> to vector<1x16xf32>
          tpu.vector_store %arg17[%parallel_loop3A_277, %parallel_loop3A_278], %parallel_loop3A_281 {strides = array<i32>} : memref<80x128xf32, #tpu.memory_space<vmem>>, vector<1x16xf32>,
          %parallel_loop3A_282 = arith.index_cast %parallel_loop3A_209 : i32 to index
          %parallel_loop3A_283 = arith.constant 96 : index
          %parallel_loop3A_284 = tpu.vector_load %arg17[%parallel_loop3A_282, %parallel_loop3A_283] {strides = array<i32>} : memref<80x128xf32, #tpu.memory_space<vmem>>, vector<1x16xf32>,
          %parallel_loop3A_285 = vector.shape_cast %parallel_loop3A_284 : vector<1x16xf32> to vector<16xf32>
          %parallel_loop3A_286 = arith.constant 0.000000e+00 : f32
          %parallel_loop3A_287 = vector.broadcast %parallel_loop3A_286 : f32 to vector<16xf32>
          %parallel_loop3A_288 = arith.maximumf %parallel_loop3A_285, %parallel_loop3A_287 : vector<16xf32>
          %parallel_loop3A_289 = arith.index_cast %parallel_loop3A_209 : i32 to index
          %parallel_loop3A_290 = arith.constant 96 : index
          %parallel_loop3A_291 = tpu.vector_load %arg17[%parallel_loop3A_289, %parallel_loop3A_290] {strides = array<i32>} : memref<80x128xf32, #tpu.memory_space<vmem>>, vector<1x16xf32>,
          %parallel_loop3A_292 = vector.shape_cast %parallel_loop3A_291 : vector<1x16xf32> to vector<16xf32>
          %parallel_loop3A_293 = vector.shape_cast %parallel_loop3A_288 : vector<16xf32> to vector<1x16xf32>
          tpu.vector_store %arg17[%parallel_loop3A_289, %parallel_loop3A_290], %parallel_loop3A_293 {strides = array<i32>} : memref<80x128xf32, #tpu.memory_space<vmem>>, vector<1x16xf32>,
          %parallel_loop3A_294 = arith.index_cast %parallel_loop3A_209 : i32 to index
          %parallel_loop3A_295 = arith.constant 112 : index
          %parallel_loop3A_296 = tpu.vector_load %arg17[%parallel_loop3A_294, %parallel_loop3A_295] {strides = array<i32>} : memref<80x128xf32, #tpu.memory_space<vmem>>, vector<1x16xf32>,
          %parallel_loop3A_297 = vector.shape_cast %parallel_loop3A_296 : vector<1x16xf32> to vector<16xf32>
          %parallel_loop3A_298 = arith.constant 0.000000e+00 : f32
          %parallel_loop3A_299 = vector.broadcast %parallel_loop3A_298 : f32 to vector<16xf32>
          %parallel_loop3A_300 = arith.maximumf %parallel_loop3A_297, %parallel_loop3A_299 : vector<16xf32>
          %parallel_loop3A_301 = arith.index_cast %parallel_loop3A_209 : i32 to index
          %parallel_loop3A_302 = arith.constant 112 : index
          %parallel_loop3A_303 = tpu.vector_load %arg17[%parallel_loop3A_301, %parallel_loop3A_302] {strides = array<i32>} : memref<80x128xf32, #tpu.memory_space<vmem>>, vector<1x16xf32>,
          %parallel_loop3A_304 = vector.shape_cast %parallel_loop3A_303 : vector<1x16xf32> to vector<16xf32>
          %parallel_loop3A_305 = vector.shape_cast %parallel_loop3A_300 : vector<16xf32> to vector<1x16xf32>
          tpu.vector_store %arg17[%parallel_loop3A_301, %parallel_loop3A_302], %parallel_loop3A_305 {strides = array<i32>} : memref<80x128xf32, #tpu.memory_space<vmem>>, vector<1x16xf32>,
        } {sc.loop_unroll_factor = 4 : i64, sc.parallel_access}
        %dma_start3A_206 = arith.constant 0 : i32
        %dma_start3A_207 = arith.constant 0 : i32
        %dma_start3A_208 = tpu.memref_slice %arg20[%dma_start3A_206, %dma_start3A_207] : memref<10000x128xf32, #tpu.memory_space<vmem_shared>> -> memref<10000x128xf32, #tpu.memory_space<vmem_shared>>
        tpu.enqueue_indirect_dma source(%arg17 : memref<80x128xf32, #tpu.memory_space<vmem>>) target(%dma_start3A_208 : memref<10000x128xf32, #tpu.memory_space<vmem_shared>>) offsets(%arg13 : memref<80xi32, #tpu.memory_space<vmem>>) semaphore(%arg30 : memref<!tpu.dma_semaphore, #tpu.memory_space<semaphore_mem>>) {add = true}
      } else {
      }
      %mul3A_128 = arith.constant 4 : i32
      %mul3A_129 = arith.muli %scan3A_55, %mul3A_128 : i32
      %add3A_130 = arith.constant 2 : i32
      %add3A_131 = arith.addi %mul3A_129, %add3A_130 : i32
      %le3A_132 = arith.constant 124 : i32
      %le3A_133 = arith.cmpi sle, %add3A_131, %le3A_132 : i32
      %convert_element_type3A_134 = arith.extui %le3A_133 : i1 to i32
      %cond3A_135 = arith.constant 0 : i32
      %cond3A_136 = arith.cmpi ne, %convert_element_type3A_134, %cond3A_135 : i32
      scf.if %cond3A_136 {
        %dma_wait3A_204 = arith.constant 0 : i32
        %dma_wait3A_205 = arith.constant 0 : i32
        %dma_wait3A_206 = tpu.memref_slice %arg6[%dma_wait3A_204, %dma_wait3A_205] : memref<10000x128xf32, #tpu.memory_space<hbm>> -> memref<10000x128xf32, #tpu.memory_space<hbm>>
        tpu.wait_indirect_dma semaphore(%arg27 : memref<!tpu.dma_semaphore, #tpu.memory_space<semaphore_mem>>) src(%dma_wait3A_206 : memref<10000x128xf32, #tpu.memory_space<hbm>>) dst(%arg18 : memref<80x128xf32, #tpu.memory_space<vmem>>)
      } else {
      }
      %ge3A_137 = arith.constant 2 : i32
      %ge3A_138 = arith.cmpi sge, %add3A_131, %ge3A_137 : i32
      %sub3A_139 = arith.constant 2 : i32
      %sub3A_140 = arith.subi %add3A_131, %sub3A_139 : i32
      %le3A_141 = arith.constant 124 : i32
      %le3A_142 = arith.cmpi sle, %sub3A_140, %le3A_141 : i32
      %and3A_143 = arith.andi %ge3A_138, %le3A_142 : i1
      %convert_element_type3A_144 = arith.extui %and3A_143 : i1 to i32
      %cond3A_145 = arith.constant 0 : i32
      %cond3A_146 = arith.cmpi ne, %convert_element_type3A_144, %cond3A_145 : i32
      scf.if %cond3A_146 {
        %dma_wait3A_204 = arith.constant 0 : i32
        %dma_wait3A_205 = arith.constant 0 : i32
        %dma_wait3A_206 = tpu.memref_slice %arg20[%dma_wait3A_204, %dma_wait3A_205] : memref<10000x128xf32, #tpu.memory_space<vmem_shared>> -> memref<10000x128xf32, #tpu.memory_space<vmem_shared>>
        tpu.wait_indirect_dma semaphore(%arg29 : memref<!tpu.dma_semaphore, #tpu.memory_space<semaphore_mem>>) src(%arg16 : memref<80x128xf32, #tpu.memory_space<vmem>>) dst(%dma_wait3A_206 : memref<10000x128xf32, #tpu.memory_space<vmem_shared>>)
      } else {
      }
      %add3A_147 = arith.constant 2 : i32
      %add3A_148 = arith.addi %add3A_131, %add3A_147 : i32
      %le3A_149 = arith.constant 124 : i32
      %le3A_150 = arith.cmpi sle, %add3A_148, %le3A_149 : i32
      %convert_element_type3A_151 = arith.extui %le3A_150 : i1 to i32
      %cond3A_152 = arith.constant 0 : i32
      %cond3A_153 = arith.cmpi ne, %convert_element_type3A_151, %cond3A_152 : i32
      scf.if %cond3A_153 {
        %add3A_204 = arith.constant 2 : i32
        %add3A_205 = arith.addi %add3A_131, %add3A_204 : i32
        %mul3A_206 = arith.constant 80 : i32
        %mul3A_207 = arith.muli %add3A_205, %mul3A_206 : i32
        %add3A_208 = arith.addi %mul3A_2, %mul3A_207 : i32
        %dma_start3A_209 = tpu.memref_slice %arg2[%add3A_208] : memref<320000xi32, #tpu.memory_space<hbm>> -> memref<80xi32, #tpu.memory_space<hbm>>
        %dma_start3A_210 = tpu.memref_slice %arg2[%add3A_208] : memref<320000xi32, #tpu.memory_space<hbm>> -> memref<80xi32, #tpu.memory_space<hbm>>
        tpu.enqueue_dma source(%dma_start3A_210 : memref<80xi32, #tpu.memory_space<hbm>>) target(%arg8 : memref<80xi32, #tpu.memory_space<vmem>>) target_semaphore(%arg21 : memref<!tpu.dma_semaphore, #tpu.memory_space<semaphore_mem>>)
        %dma_start3A_211 = tpu.memref_slice %arg3[%add3A_208] : memref<320000xi32, #tpu.memory_space<hbm>> -> memref<80xi32, #tpu.memory_space<hbm>>
        %dma_start3A_212 = tpu.memref_slice %arg3[%add3A_208] : memref<320000xi32, #tpu.memory_space<hbm>> -> memref<80xi32, #tpu.memory_space<hbm>>
        tpu.enqueue_dma source(%dma_start3A_212 : memref<80xi32, #tpu.memory_space<hbm>>) target(%arg12 : memref<80xi32, #tpu.memory_space<vmem>>) target_semaphore(%arg21 : memref<!tpu.dma_semaphore, #tpu.memory_space<semaphore_mem>>)
        %dma_start3A_213 = arith.constant 0 : i32
        %dma_start3A_214 = tpu.memref_slice %arg4[%add3A_208, %dma_start3A_213] : memref<320000x128xf32, #tpu.memory_space<hbm>> -> memref<80x128xf32, #tpu.memory_space<hbm>>
        %dma_start3A_215 = arith.constant 0 : i32
        %dma_start3A_216 = tpu.memref_slice %arg4[%add3A_208, %dma_start3A_215] : memref<320000x128xf32, #tpu.memory_space<hbm>> -> memref<80x128xf32, #tpu.memory_space<hbm>>
        tpu.enqueue_dma source(%dma_start3A_216 : memref<80x128xf32, #tpu.memory_space<hbm>>) target(%arg16 : memref<80x128xf32, #tpu.memory_space<vmem>>) target_semaphore(%arg21 : memref<!tpu.dma_semaphore, #tpu.memory_space<semaphore_mem>>)
      } else {
      }
      %add3A_154 = arith.constant 1 : i32
      %add3A_155 = arith.addi %add3A_131, %add3A_154 : i32
      %le3A_156 = arith.constant 124 : i32
      %le3A_157 = arith.cmpi sle, %add3A_155, %le3A_156 : i32
      %convert_element_type3A_158 = arith.extui %le3A_157 : i1 to i32
      %cond3A_159 = arith.constant 0 : i32
      %cond3A_160 = arith.cmpi ne, %convert_element_type3A_158, %cond3A_159 : i32
      scf.if %cond3A_160 {
        %add3A_204 = arith.constant 1 : i32
        %add3A_205 = arith.addi %add3A_131, %add3A_204 : i32
        %mul3A_206 = arith.constant 80 : i32
        %mul3A_207 = arith.muli %add3A_205, %mul3A_206 : i32
        %add3A_208 = arith.addi %mul3A_2, %mul3A_207 : i32
        %dma_wait3A_209 = tpu.memref_slice %arg2[%add3A_208] : memref<320000xi32, #tpu.memory_space<hbm>> -> memref<80xi32, #tpu.memory_space<hbm>>
        %dma_wait3A_210 = tpu.memref_slice %arg2[%add3A_208] : memref<320000xi32, #tpu.memory_space<hbm>> -> memref<80xi32, #tpu.memory_space<hbm>>
        tpu.wait_dma2 semaphore(%arg24 : memref<!tpu.dma_semaphore, #tpu.memory_space<semaphore_mem>>) src(%dma_wait3A_210 : memref<80xi32, #tpu.memory_space<hbm>>) dst(%arg11 : memref<80xi32, #tpu.memory_space<vmem>>)
        %dma_wait3A_211 = tpu.memref_slice %arg3[%add3A_208] : memref<320000xi32, #tpu.memory_space<hbm>> -> memref<80xi32, #tpu.memory_space<hbm>>
        %dma_wait3A_212 = tpu.memref_slice %arg3[%add3A_208] : memref<320000xi32, #tpu.memory_space<hbm>> -> memref<80xi32, #tpu.memory_space<hbm>>
        tpu.wait_dma2 semaphore(%arg24 : memref<!tpu.dma_semaphore, #tpu.memory_space<semaphore_mem>>) src(%dma_wait3A_212 : memref<80xi32, #tpu.memory_space<hbm>>) dst(%arg15 : memref<80xi32, #tpu.memory_space<vmem>>)
        %dma_wait3A_213 = arith.constant 0 : i32
        %dma_wait3A_214 = tpu.memref_slice %arg4[%add3A_208, %dma_wait3A_213] : memref<320000x128xf32, #tpu.memory_space<hbm>> -> memref<80x128xf32, #tpu.memory_space<hbm>>
        %dma_wait3A_215 = arith.constant 0 : i32
        %dma_wait3A_216 = tpu.memref_slice %arg4[%add3A_208, %dma_wait3A_215] : memref<320000x128xf32, #tpu.memory_space<hbm>> -> memref<80x128xf32, #tpu.memory_space<hbm>>
        tpu.wait_dma2 semaphore(%arg24 : memref<!tpu.dma_semaphore, #tpu.memory_space<semaphore_mem>>) src(%dma_wait3A_216 : memref<80x128xf32, #tpu.memory_space<hbm>>) dst(%arg19 : memref<80x128xf32, #tpu.memory_space<vmem>>)
        %dma_start3A_217 = arith.constant 0 : i32
        %dma_start3A_218 = arith.constant 0 : i32
        %dma_start3A_219 = tpu.memref_slice %arg6[%dma_start3A_217, %dma_start3A_218] : memref<10000x128xf32, #tpu.memory_space<hbm>> -> memref<10000x128xf32, #tpu.memory_space<hbm>>
        tpu.enqueue_indirect_dma source(%dma_start3A_219 : memref<10000x128xf32, #tpu.memory_space<hbm>>) target(%arg19 : memref<80x128xf32, #tpu.memory_space<vmem>>) offsets(%arg11 : memref<80xi32, #tpu.memory_space<vmem>>) semaphore(%arg28 : memref<!tpu.dma_semaphore, #tpu.memory_space<semaphore_mem>>) {add = true}
      } else {
      }
      %le3A_161 = arith.constant 124 : i32
      %le3A_162 = arith.cmpi sle, %add3A_131, %le3A_161 : i32
      %convert_element_type3A_163 = arith.extui %le3A_162 : i1 to i32
      %cond3A_164 = arith.constant 0 : i32
      %cond3A_165 = arith.cmpi ne, %convert_element_type3A_163, %cond3A_164 : i32
      scf.if %cond3A_165 {
        %parallel_loop3A = arith.constant 0 : i32
        %parallel_loop3A_204 = arith.constant 80 : i32
        %parallel_loop3A_205 = arith.constant 1 : i32
        scf.for %parallel_loop3A_209 = %parallel_loop3A to %parallel_loop3A_204 step %parallel_loop3A_205  : i32 {
          %parallel_loop3A_210 = arith.index_cast %parallel_loop3A_209 : i32 to index
          %parallel_loop3A_211 = arith.constant 0 : index
          %parallel_loop3A_212 = tpu.vector_load %arg18[%parallel_loop3A_210, %parallel_loop3A_211] {strides = array<i32>} : memref<80x128xf32, #tpu.memory_space<vmem>>, vector<1x16xf32>,
          %parallel_loop3A_213 = vector.shape_cast %parallel_loop3A_212 : vector<1x16xf32> to vector<16xf32>
          %parallel_loop3A_214 = arith.constant 0.000000e+00 : f32
          %parallel_loop3A_215 = vector.broadcast %parallel_loop3A_214 : f32 to vector<16xf32>
          %parallel_loop3A_216 = arith.maximumf %parallel_loop3A_213, %parallel_loop3A_215 : vector<16xf32>
          %parallel_loop3A_217 = arith.index_cast %parallel_loop3A_209 : i32 to index
          %parallel_loop3A_218 = arith.constant 0 : index
          %parallel_loop3A_219 = tpu.vector_load %arg18[%parallel_loop3A_217, %parallel_loop3A_218] {strides = array<i32>} : memref<80x128xf32, #tpu.memory_space<vmem>>, vector<1x16xf32>,
          %parallel_loop3A_220 = vector.shape_cast %parallel_loop3A_219 : vector<1x16xf32> to vector<16xf32>
          %parallel_loop3A_221 = vector.shape_cast %parallel_loop3A_216 : vector<16xf32> to vector<1x16xf32>
          tpu.vector_store %arg18[%parallel_loop3A_217, %parallel_loop3A_218], %parallel_loop3A_221 {strides = array<i32>} : memref<80x128xf32, #tpu.memory_space<vmem>>, vector<1x16xf32>,
          %parallel_loop3A_222 = arith.index_cast %parallel_loop3A_209 : i32 to index
          %parallel_loop3A_223 = arith.constant 16 : index
          %parallel_loop3A_224 = tpu.vector_load %arg18[%parallel_loop3A_222, %parallel_loop3A_223] {strides = array<i32>} : memref<80x128xf32, #tpu.memory_space<vmem>>, vector<1x16xf32>,
          %parallel_loop3A_225 = vector.shape_cast %parallel_loop3A_224 : vector<1x16xf32> to vector<16xf32>
          %parallel_loop3A_226 = arith.constant 0.000000e+00 : f32
          %parallel_loop3A_227 = vector.broadcast %parallel_loop3A_226 : f32 to vector<16xf32>
          %parallel_loop3A_228 = arith.maximumf %parallel_loop3A_225, %parallel_loop3A_227 : vector<16xf32>
          %parallel_loop3A_229 = arith.index_cast %parallel_loop3A_209 : i32 to index
          %parallel_loop3A_230 = arith.constant 16 : index
          %parallel_loop3A_231 = tpu.vector_load %arg18[%parallel_loop3A_229, %parallel_loop3A_230] {strides = array<i32>} : memref<80x128xf32, #tpu.memory_space<vmem>>, vector<1x16xf32>,
          %parallel_loop3A_232 = vector.shape_cast %parallel_loop3A_231 : vector<1x16xf32> to vector<16xf32>
          %parallel_loop3A_233 = vector.shape_cast %parallel_loop3A_228 : vector<16xf32> to vector<1x16xf32>
          tpu.vector_store %arg18[%parallel_loop3A_229, %parallel_loop3A_230], %parallel_loop3A_233 {strides = array<i32>} : memref<80x128xf32, #tpu.memory_space<vmem>>, vector<1x16xf32>,
          %parallel_loop3A_234 = arith.index_cast %parallel_loop3A_209 : i32 to index
          %parallel_loop3A_235 = arith.constant 32 : index
          %parallel_loop3A_236 = tpu.vector_load %arg18[%parallel_loop3A_234, %parallel_loop3A_235] {strides = array<i32>} : memref<80x128xf32, #tpu.memory_space<vmem>>, vector<1x16xf32>,
          %parallel_loop3A_237 = vector.shape_cast %parallel_loop3A_236 : vector<1x16xf32> to vector<16xf32>
          %parallel_loop3A_238 = arith.constant 0.000000e+00 : f32
          %parallel_loop3A_239 = vector.broadcast %parallel_loop3A_238 : f32 to vector<16xf32>
          %parallel_loop3A_240 = arith.maximumf %parallel_loop3A_237, %parallel_loop3A_239 : vector<16xf32>
          %parallel_loop3A_241 = arith.index_cast %parallel_loop3A_209 : i32 to index
          %parallel_loop3A_242 = arith.constant 32 : index
          %parallel_loop3A_243 = tpu.vector_load %arg18[%parallel_loop3A_241, %parallel_loop3A_242] {strides = array<i32>} : memref<80x128xf32, #tpu.memory_space<vmem>>, vector<1x16xf32>,
          %parallel_loop3A_244 = vector.shape_cast %parallel_loop3A_243 : vector<1x16xf32> to vector<16xf32>
          %parallel_loop3A_245 = vector.shape_cast %parallel_loop3A_240 : vector<16xf32> to vector<1x16xf32>
          tpu.vector_store %arg18[%parallel_loop3A_241, %parallel_loop3A_242], %parallel_loop3A_245 {strides = array<i32>} : memref<80x128xf32, #tpu.memory_space<vmem>>, vector<1x16xf32>,
          %parallel_loop3A_246 = arith.index_cast %parallel_loop3A_209 : i32 to index
          %parallel_loop3A_247 = arith.constant 48 : index
          %parallel_loop3A_248 = tpu.vector_load %arg18[%parallel_loop3A_246, %parallel_loop3A_247] {strides = array<i32>} : memref<80x128xf32, #tpu.memory_space<vmem>>, vector<1x16xf32>,
          %parallel_loop3A_249 = vector.shape_cast %parallel_loop3A_248 : vector<1x16xf32> to vector<16xf32>
          %parallel_loop3A_250 = arith.constant 0.000000e+00 : f32
          %parallel_loop3A_251 = vector.broadcast %parallel_loop3A_250 : f32 to vector<16xf32>
          %parallel_loop3A_252 = arith.maximumf %parallel_loop3A_249, %parallel_loop3A_251 : vector<16xf32>
          %parallel_loop3A_253 = arith.index_cast %parallel_loop3A_209 : i32 to index
          %parallel_loop3A_254 = arith.constant 48 : index
          %parallel_loop3A_255 = tpu.vector_load %arg18[%parallel_loop3A_253, %parallel_loop3A_254] {strides = array<i32>} : memref<80x128xf32, #tpu.memory_space<vmem>>, vector<1x16xf32>,
          %parallel_loop3A_256 = vector.shape_cast %parallel_loop3A_255 : vector<1x16xf32> to vector<16xf32>
          %parallel_loop3A_257 = vector.shape_cast %parallel_loop3A_252 : vector<16xf32> to vector<1x16xf32>
          tpu.vector_store %arg18[%parallel_loop3A_253, %parallel_loop3A_254], %parallel_loop3A_257 {strides = array<i32>} : memref<80x128xf32, #tpu.memory_space<vmem>>, vector<1x16xf32>,
          %parallel_loop3A_258 = arith.index_cast %parallel_loop3A_209 : i32 to index
          %parallel_loop3A_259 = arith.constant 64 : index
          %parallel_loop3A_260 = tpu.vector_load %arg18[%parallel_loop3A_258, %parallel_loop3A_259] {strides = array<i32>} : memref<80x128xf32, #tpu.memory_space<vmem>>, vector<1x16xf32>,
          %parallel_loop3A_261 = vector.shape_cast %parallel_loop3A_260 : vector<1x16xf32> to vector<16xf32>
          %parallel_loop3A_262 = arith.constant 0.000000e+00 : f32
          %parallel_loop3A_263 = vector.broadcast %parallel_loop3A_262 : f32 to vector<16xf32>
          %parallel_loop3A_264 = arith.maximumf %parallel_loop3A_261, %parallel_loop3A_263 : vector<16xf32>
          %parallel_loop3A_265 = arith.index_cast %parallel_loop3A_209 : i32 to index
          %parallel_loop3A_266 = arith.constant 64 : index
          %parallel_loop3A_267 = tpu.vector_load %arg18[%parallel_loop3A_265, %parallel_loop3A_266] {strides = array<i32>} : memref<80x128xf32, #tpu.memory_space<vmem>>, vector<1x16xf32>,
          %parallel_loop3A_268 = vector.shape_cast %parallel_loop3A_267 : vector<1x16xf32> to vector<16xf32>
          %parallel_loop3A_269 = vector.shape_cast %parallel_loop3A_264 : vector<16xf32> to vector<1x16xf32>
          tpu.vector_store %arg18[%parallel_loop3A_265, %parallel_loop3A_266], %parallel_loop3A_269 {strides = array<i32>} : memref<80x128xf32, #tpu.memory_space<vmem>>, vector<1x16xf32>,
          %parallel_loop3A_270 = arith.index_cast %parallel_loop3A_209 : i32 to index
          %parallel_loop3A_271 = arith.constant 80 : index
          %parallel_loop3A_272 = tpu.vector_load %arg18[%parallel_loop3A_270, %parallel_loop3A_271] {strides = array<i32>} : memref<80x128xf32, #tpu.memory_space<vmem>>, vector<1x16xf32>,
          %parallel_loop3A_273 = vector.shape_cast %parallel_loop3A_272 : vector<1x16xf32> to vector<16xf32>
          %parallel_loop3A_274 = arith.constant 0.000000e+00 : f32
          %parallel_loop3A_275 = vector.broadcast %parallel_loop3A_274 : f32 to vector<16xf32>
          %parallel_loop3A_276 = arith.maximumf %parallel_loop3A_273, %parallel_loop3A_275 : vector<16xf32>
          %parallel_loop3A_277 = arith.index_cast %parallel_loop3A_209 : i32 to index
          %parallel_loop3A_278 = arith.constant 80 : index
          %parallel_loop3A_279 = tpu.vector_load %arg18[%parallel_loop3A_277, %parallel_loop3A_278] {strides = array<i32>} : memref<80x128xf32, #tpu.memory_space<vmem>>, vector<1x16xf32>,
          %parallel_loop3A_280 = vector.shape_cast %parallel_loop3A_279 : vector<1x16xf32> to vector<16xf32>
          %parallel_loop3A_281 = vector.shape_cast %parallel_loop3A_276 : vector<16xf32> to vector<1x16xf32>
          tpu.vector_store %arg18[%parallel_loop3A_277, %parallel_loop3A_278], %parallel_loop3A_281 {strides = array<i32>} : memref<80x128xf32, #tpu.memory_space<vmem>>, vector<1x16xf32>,
          %parallel_loop3A_282 = arith.index_cast %parallel_loop3A_209 : i32 to index
          %parallel_loop3A_283 = arith.constant 96 : index
          %parallel_loop3A_284 = tpu.vector_load %arg18[%parallel_loop3A_282, %parallel_loop3A_283] {strides = array<i32>} : memref<80x128xf32, #tpu.memory_space<vmem>>, vector<1x16xf32>,
          %parallel_loop3A_285 = vector.shape_cast %parallel_loop3A_284 : vector<1x16xf32> to vector<16xf32>
          %parallel_loop3A_286 = arith.constant 0.000000e+00 : f32
          %parallel_loop3A_287 = vector.broadcast %parallel_loop3A_286 : f32 to vector<16xf32>
          %parallel_loop3A_288 = arith.maximumf %parallel_loop3A_285, %parallel_loop3A_287 : vector<16xf32>
          %parallel_loop3A_289 = arith.index_cast %parallel_loop3A_209 : i32 to index
          %parallel_loop3A_290 = arith.constant 96 : index
          %parallel_loop3A_291 = tpu.vector_load %arg18[%parallel_loop3A_289, %parallel_loop3A_290] {strides = array<i32>} : memref<80x128xf32, #tpu.memory_space<vmem>>, vector<1x16xf32>,
          %parallel_loop3A_292 = vector.shape_cast %parallel_loop3A_291 : vector<1x16xf32> to vector<16xf32>
          %parallel_loop3A_293 = vector.shape_cast %parallel_loop3A_288 : vector<16xf32> to vector<1x16xf32>
          tpu.vector_store %arg18[%parallel_loop3A_289, %parallel_loop3A_290], %parallel_loop3A_293 {strides = array<i32>} : memref<80x128xf32, #tpu.memory_space<vmem>>, vector<1x16xf32>,
          %parallel_loop3A_294 = arith.index_cast %parallel_loop3A_209 : i32 to index
          %parallel_loop3A_295 = arith.constant 112 : index
          %parallel_loop3A_296 = tpu.vector_load %arg18[%parallel_loop3A_294, %parallel_loop3A_295] {strides = array<i32>} : memref<80x128xf32, #tpu.memory_space<vmem>>, vector<1x16xf32>,
          %parallel_loop3A_297 = vector.shape_cast %parallel_loop3A_296 : vector<1x16xf32> to vector<16xf32>
          %parallel_loop3A_298 = arith.constant 0.000000e+00 : f32
          %parallel_loop3A_299 = vector.broadcast %parallel_loop3A_298 : f32 to vector<16xf32>
          %parallel_loop3A_300 = arith.maximumf %parallel_loop3A_297, %parallel_loop3A_299 : vector<16xf32>
          %parallel_loop3A_301 = arith.index_cast %parallel_loop3A_209 : i32 to index
          %parallel_loop3A_302 = arith.constant 112 : index
          %parallel_loop3A_303 = tpu.vector_load %arg18[%parallel_loop3A_301, %parallel_loop3A_302] {strides = array<i32>} : memref<80x128xf32, #tpu.memory_space<vmem>>, vector<1x16xf32>,
          %parallel_loop3A_304 = vector.shape_cast %parallel_loop3A_303 : vector<1x16xf32> to vector<16xf32>
          %parallel_loop3A_305 = vector.shape_cast %parallel_loop3A_300 : vector<16xf32> to vector<1x16xf32>
          tpu.vector_store %arg18[%parallel_loop3A_301, %parallel_loop3A_302], %parallel_loop3A_305 {strides = array<i32>} : memref<80x128xf32, #tpu.memory_space<vmem>>, vector<1x16xf32>,
        } {sc.loop_unroll_factor = 4 : i64, sc.parallel_access}
        %dma_start3A_206 = arith.constant 0 : i32
        %dma_start3A_207 = arith.constant 0 : i32
        %dma_start3A_208 = tpu.memref_slice %arg20[%dma_start3A_206, %dma_start3A_207] : memref<10000x128xf32, #tpu.memory_space<vmem_shared>> -> memref<10000x128xf32, #tpu.memory_space<vmem_shared>>
        tpu.enqueue_indirect_dma source(%arg18 : memref<80x128xf32, #tpu.memory_space<vmem>>) target(%dma_start3A_208 : memref<10000x128xf32, #tpu.memory_space<vmem_shared>>) offsets(%arg14 : memref<80xi32, #tpu.memory_space<vmem>>) semaphore(%arg31 : memref<!tpu.dma_semaphore, #tpu.memory_space<semaphore_mem>>) {add = true}
      } else {
      }
      %mul3A_166 = arith.constant 4 : i32
      %mul3A_167 = arith.muli %scan3A_55, %mul3A_166 : i32
      %add3A_168 = arith.constant 3 : i32
      %add3A_169 = arith.addi %mul3A_167, %add3A_168 : i32
      %le3A_170 = arith.constant 124 : i32
      %le3A_171 = arith.cmpi sle, %add3A_169, %le3A_170 : i32
      %convert_element_type3A_172 = arith.extui %le3A_171 : i1 to i32
      %cond3A_173 = arith.constant 0 : i32
      %cond3A_174 = arith.cmpi ne, %convert_element_type3A_172, %cond3A_173 : i32
      scf.if %cond3A_174 {
        %dma_wait3A_204 = arith.constant 0 : i32
        %dma_wait3A_205 = arith.constant 0 : i32
        %dma_wait3A_206 = tpu.memref_slice %arg6[%dma_wait3A_204, %dma_wait3A_205] : memref<10000x128xf32, #tpu.memory_space<hbm>> -> memref<10000x128xf32, #tpu.memory_space<hbm>>
        tpu.wait_indirect_dma semaphore(%arg28 : memref<!tpu.dma_semaphore, #tpu.memory_space<semaphore_mem>>) src(%dma_wait3A_206 : memref<10000x128xf32, #tpu.memory_space<hbm>>) dst(%arg19 : memref<80x128xf32, #tpu.memory_space<vmem>>)
      } else {
      }
      %ge3A_175 = arith.constant 2 : i32
      %ge3A_176 = arith.cmpi sge, %add3A_169, %ge3A_175 : i32
      %sub3A_177 = arith.constant 2 : i32
      %sub3A_178 = arith.subi %add3A_169, %sub3A_177 : i32
      %le3A_179 = arith.constant 124 : i32
      %le3A_180 = arith.cmpi sle, %sub3A_178, %le3A_179 : i32
      %and3A_181 = arith.andi %ge3A_176, %le3A_180 : i1
      %convert_element_type3A_182 = arith.extui %and3A_181 : i1 to i32
      %cond3A_183 = arith.constant 0 : i32
      %cond3A_184 = arith.cmpi ne, %convert_element_type3A_182, %cond3A_183 : i32
      scf.if %cond3A_184 {
        %dma_wait3A_204 = arith.constant 0 : i32
        %dma_wait3A_205 = arith.constant 0 : i32
        %dma_wait3A_206 = tpu.memref_slice %arg20[%dma_wait3A_204, %dma_wait3A_205] : memref<10000x128xf32, #tpu.memory_space<vmem_shared>> -> memref<10000x128xf32, #tpu.memory_space<vmem_shared>>
        tpu.wait_indirect_dma semaphore(%arg30 : memref<!tpu.dma_semaphore, #tpu.memory_space<semaphore_mem>>) src(%arg17 : memref<80x128xf32, #tpu.memory_space<vmem>>) dst(%dma_wait3A_206 : memref<10000x128xf32, #tpu.memory_space<vmem_shared>>)
      } else {
      }
      %add3A_185 = arith.constant 2 : i32
      %add3A_186 = arith.addi %add3A_169, %add3A_185 : i32
      %le3A_187 = arith.constant 124 : i32
      %le3A_188 = arith.cmpi sle, %add3A_186, %le3A_187 : i32
      %convert_element_type3A_189 = arith.extui %le3A_188 : i1 to i32
      %cond3A_190 = arith.constant 0 : i32
      %cond3A_191 = arith.cmpi ne, %convert_element_type3A_189, %cond3A_190 : i32
      scf.if %cond3A_191 {
        %add3A_204 = arith.constant 2 : i32
        %add3A_205 = arith.addi %add3A_169, %add3A_204 : i32
        %mul3A_206 = arith.constant 80 : i32
        %mul3A_207 = arith.muli %add3A_205, %mul3A_206 : i32
        %add3A_208 = arith.addi %mul3A_2, %mul3A_207 : i32
        %dma_start3A_209 = tpu.memref_slice %arg2[%add3A_208] : memref<320000xi32, #tpu.memory_space<hbm>> -> memref<80xi32, #tpu.memory_space<hbm>>
        %dma_start3A_210 = tpu.memref_slice %arg2[%add3A_208] : memref<320000xi32, #tpu.memory_space<hbm>> -> memref<80xi32, #tpu.memory_space<hbm>>
        tpu.enqueue_dma source(%dma_start3A_210 : memref<80xi32, #tpu.memory_space<hbm>>) target(%arg9 : memref<80xi32, #tpu.memory_space<vmem>>) target_semaphore(%arg22 : memref<!tpu.dma_semaphore, #tpu.memory_space<semaphore_mem>>)
        %dma_start3A_211 = tpu.memref_slice %arg3[%add3A_208] : memref<320000xi32, #tpu.memory_space<hbm>> -> memref<80xi32, #tpu.memory_space<hbm>>
        %dma_start3A_212 = tpu.memref_slice %arg3[%add3A_208] : memref<320000xi32, #tpu.memory_space<hbm>> -> memref<80xi32, #tpu.memory_space<hbm>>
        tpu.enqueue_dma source(%dma_start3A_212 : memref<80xi32, #tpu.memory_space<hbm>>) target(%arg13 : memref<80xi32, #tpu.memory_space<vmem>>) target_semaphore(%arg22 : memref<!tpu.dma_semaphore, #tpu.memory_space<semaphore_mem>>)
        %dma_start3A_213 = arith.constant 0 : i32
        %dma_start3A_214 = tpu.memref_slice %arg4[%add3A_208, %dma_start3A_213] : memref<320000x128xf32, #tpu.memory_space<hbm>> -> memref<80x128xf32, #tpu.memory_space<hbm>>
        %dma_start3A_215 = arith.constant 0 : i32
        %dma_start3A_216 = tpu.memref_slice %arg4[%add3A_208, %dma_start3A_215] : memref<320000x128xf32, #tpu.memory_space<hbm>> -> memref<80x128xf32, #tpu.memory_space<hbm>>
        tpu.enqueue_dma source(%dma_start3A_216 : memref<80x128xf32, #tpu.memory_space<hbm>>) target(%arg17 : memref<80x128xf32, #tpu.memory_space<vmem>>) target_semaphore(%arg22 : memref<!tpu.dma_semaphore, #tpu.memory_space<semaphore_mem>>)
      } else {
      }
      %add3A_192 = arith.constant 1 : i32
      %add3A_193 = arith.addi %add3A_169, %add3A_192 : i32
      %le3A_194 = arith.constant 124 : i32
      %le3A_195 = arith.cmpi sle, %add3A_193, %le3A_194 : i32
      %convert_element_type3A_196 = arith.extui %le3A_195 : i1 to i32
      %cond3A_197 = arith.constant 0 : i32
      %cond3A_198 = arith.cmpi ne, %convert_element_type3A_196, %cond3A_197 : i32
      scf.if %cond3A_198 {
        %add3A_204 = arith.constant 1 : i32
        %add3A_205 = arith.addi %add3A_169, %add3A_204 : i32
        %mul3A_206 = arith.constant 80 : i32
        %mul3A_207 = arith.muli %add3A_205, %mul3A_206 : i32
        %add3A_208 = arith.addi %mul3A_2, %mul3A_207 : i32
        %dma_wait3A_209 = tpu.memref_slice %arg2[%add3A_208] : memref<320000xi32, #tpu.memory_space<hbm>> -> memref<80xi32, #tpu.memory_space<hbm>>
        %dma_wait3A_210 = tpu.memref_slice %arg2[%add3A_208] : memref<320000xi32, #tpu.memory_space<hbm>> -> memref<80xi32, #tpu.memory_space<hbm>>
        tpu.wait_dma2 semaphore(%arg21 : memref<!tpu.dma_semaphore, #tpu.memory_space<semaphore_mem>>) src(%dma_wait3A_210 : memref<80xi32, #tpu.memory_space<hbm>>) dst(%arg8 : memref<80xi32, #tpu.memory_space<vmem>>)
        %dma_wait3A_211 = tpu.memref_slice %arg3[%add3A_208] : memref<320000xi32, #tpu.memory_space<hbm>> -> memref<80xi32, #tpu.memory_space<hbm>>
        %dma_wait3A_212 = tpu.memref_slice %arg3[%add3A_208] : memref<320000xi32, #tpu.memory_space<hbm>> -> memref<80xi32, #tpu.memory_space<hbm>>
        tpu.wait_dma2 semaphore(%arg21 : memref<!tpu.dma_semaphore, #tpu.memory_space<semaphore_mem>>) src(%dma_wait3A_212 : memref<80xi32, #tpu.memory_space<hbm>>) dst(%arg12 : memref<80xi32, #tpu.memory_space<vmem>>)
        %dma_wait3A_213 = arith.constant 0 : i32
        %dma_wait3A_214 = tpu.memref_slice %arg4[%add3A_208, %dma_wait3A_213] : memref<320000x128xf32, #tpu.memory_space<hbm>> -> memref<80x128xf32, #tpu.memory_space<hbm>>
        %dma_wait3A_215 = arith.constant 0 : i32
        %dma_wait3A_216 = tpu.memref_slice %arg4[%add3A_208, %dma_wait3A_215] : memref<320000x128xf32, #tpu.memory_space<hbm>> -> memref<80x128xf32, #tpu.memory_space<hbm>>
        tpu.wait_dma2 semaphore(%arg21 : memref<!tpu.dma_semaphore, #tpu.memory_space<semaphore_mem>>) src(%dma_wait3A_216 : memref<80x128xf32, #tpu.memory_space<hbm>>) dst(%arg16 : memref<80x128xf32, #tpu.memory_space<vmem>>)
        %dma_start3A_217 = arith.constant 0 : i32
        %dma_start3A_218 = arith.constant 0 : i32
        %dma_start3A_219 = tpu.memref_slice %arg6[%dma_start3A_217, %dma_start3A_218] : memref<10000x128xf32, #tpu.memory_space<hbm>> -> memref<10000x128xf32, #tpu.memory_space<hbm>>
        tpu.enqueue_indirect_dma source(%dma_start3A_219 : memref<10000x128xf32, #tpu.memory_space<hbm>>) target(%arg16 : memref<80x128xf32, #tpu.memory_space<vmem>>) offsets(%arg8 : memref<80xi32, #tpu.memory_space<vmem>>) semaphore(%arg25 : memref<!tpu.dma_semaphore, #tpu.memory_space<semaphore_mem>>) {add = true}
      } else {
      }
      %le3A_199 = arith.constant 124 : i32
      %le3A_200 = arith.cmpi sle, %add3A_169, %le3A_199 : i32
      %convert_element_type3A_201 = arith.extui %le3A_200 : i1 to i32
      %cond3A_202 = arith.constant 0 : i32
      %cond3A_203 = arith.cmpi ne, %convert_element_type3A_201, %cond3A_202 : i32
      scf.if %cond3A_203 {
        %parallel_loop3A = arith.constant 0 : i32
        %parallel_loop3A_204 = arith.constant 80 : i32
        %parallel_loop3A_205 = arith.constant 1 : i32
        scf.for %parallel_loop3A_209 = %parallel_loop3A to %parallel_loop3A_204 step %parallel_loop3A_205  : i32 {
          %parallel_loop3A_210 = arith.index_cast %parallel_loop3A_209 : i32 to index
          %parallel_loop3A_211 = arith.constant 0 : index
          %parallel_loop3A_212 = tpu.vector_load %arg19[%parallel_loop3A_210, %parallel_loop3A_211] {strides = array<i32>} : memref<80x128xf32, #tpu.memory_space<vmem>>, vector<1x16xf32>,
          %parallel_loop3A_213 = vector.shape_cast %parallel_loop3A_212 : vector<1x16xf32> to vector<16xf32>
          %parallel_loop3A_214 = arith.constant 0.000000e+00 : f32
          %parallel_loop3A_215 = vector.broadcast %parallel_loop3A_214 : f32 to vector<16xf32>
          %parallel_loop3A_216 = arith.maximumf %parallel_loop3A_213, %parallel_loop3A_215 : vector<16xf32>
          %parallel_loop3A_217 = arith.index_cast %parallel_loop3A_209 : i32 to index
          %parallel_loop3A_218 = arith.constant 0 : index
          %parallel_loop3A_219 = tpu.vector_load %arg19[%parallel_loop3A_217, %parallel_loop3A_218] {strides = array<i32>} : memref<80x128xf32, #tpu.memory_space<vmem>>, vector<1x16xf32>,
          %parallel_loop3A_220 = vector.shape_cast %parallel_loop3A_219 : vector<1x16xf32> to vector<16xf32>
          %parallel_loop3A_221 = vector.shape_cast %parallel_loop3A_216 : vector<16xf32> to vector<1x16xf32>
          tpu.vector_store %arg19[%parallel_loop3A_217, %parallel_loop3A_218], %parallel_loop3A_221 {strides = array<i32>} : memref<80x128xf32, #tpu.memory_space<vmem>>, vector<1x16xf32>,
          %parallel_loop3A_222 = arith.index_cast %parallel_loop3A_209 : i32 to index
          %parallel_loop3A_223 = arith.constant 16 : index
          %parallel_loop3A_224 = tpu.vector_load %arg19[%parallel_loop3A_222, %parallel_loop3A_223] {strides = array<i32>} : memref<80x128xf32, #tpu.memory_space<vmem>>, vector<1x16xf32>,
          %parallel_loop3A_225 = vector.shape_cast %parallel_loop3A_224 : vector<1x16xf32> to vector<16xf32>
          %parallel_loop3A_226 = arith.constant 0.000000e+00 : f32
          %parallel_loop3A_227 = vector.broadcast %parallel_loop3A_226 : f32 to vector<16xf32>
          %parallel_loop3A_228 = arith.maximumf %parallel_loop3A_225, %parallel_loop3A_227 : vector<16xf32>
          %parallel_loop3A_229 = arith.index_cast %parallel_loop3A_209 : i32 to index
          %parallel_loop3A_230 = arith.constant 16 : index
          %parallel_loop3A_231 = tpu.vector_load %arg19[%parallel_loop3A_229, %parallel_loop3A_230] {strides = array<i32>} : memref<80x128xf32, #tpu.memory_space<vmem>>, vector<1x16xf32>,
          %parallel_loop3A_232 = vector.shape_cast %parallel_loop3A_231 : vector<1x16xf32> to vector<16xf32>
          %parallel_loop3A_233 = vector.shape_cast %parallel_loop3A_228 : vector<16xf32> to vector<1x16xf32>
          tpu.vector_store %arg19[%parallel_loop3A_229, %parallel_loop3A_230], %parallel_loop3A_233 {strides = array<i32>} : memref<80x128xf32, #tpu.memory_space<vmem>>, vector<1x16xf32>,
          %parallel_loop3A_234 = arith.index_cast %parallel_loop3A_209 : i32 to index
          %parallel_loop3A_235 = arith.constant 32 : index
          %parallel_loop3A_236 = tpu.vector_load %arg19[%parallel_loop3A_234, %parallel_loop3A_235] {strides = array<i32>} : memref<80x128xf32, #tpu.memory_space<vmem>>, vector<1x16xf32>,
          %parallel_loop3A_237 = vector.shape_cast %parallel_loop3A_236 : vector<1x16xf32> to vector<16xf32>
          %parallel_loop3A_238 = arith.constant 0.000000e+00 : f32
          %parallel_loop3A_239 = vector.broadcast %parallel_loop3A_238 : f32 to vector<16xf32>
          %parallel_loop3A_240 = arith.maximumf %parallel_loop3A_237, %parallel_loop3A_239 : vector<16xf32>
          %parallel_loop3A_241 = arith.index_cast %parallel_loop3A_209 : i32 to index
          %parallel_loop3A_242 = arith.constant 32 : index
          %parallel_loop3A_243 = tpu.vector_load %arg19[%parallel_loop3A_241, %parallel_loop3A_242] {strides = array<i32>} : memref<80x128xf32, #tpu.memory_space<vmem>>, vector<1x16xf32>,
          %parallel_loop3A_244 = vector.shape_cast %parallel_loop3A_243 : vector<1x16xf32> to vector<16xf32>
          %parallel_loop3A_245 = vector.shape_cast %parallel_loop3A_240 : vector<16xf32> to vector<1x16xf32>
          tpu.vector_store %arg19[%parallel_loop3A_241, %parallel_loop3A_242], %parallel_loop3A_245 {strides = array<i32>} : memref<80x128xf32, #tpu.memory_space<vmem>>, vector<1x16xf32>,
          %parallel_loop3A_246 = arith.index_cast %parallel_loop3A_209 : i32 to index
          %parallel_loop3A_247 = arith.constant 48 : index
          %parallel_loop3A_248 = tpu.vector_load %arg19[%parallel_loop3A_246, %parallel_loop3A_247] {strides = array<i32>} : memref<80x128xf32, #tpu.memory_space<vmem>>, vector<1x16xf32>,
          %parallel_loop3A_249 = vector.shape_cast %parallel_loop3A_248 : vector<1x16xf32> to vector<16xf32>
          %parallel_loop3A_250 = arith.constant 0.000000e+00 : f32
          %parallel_loop3A_251 = vector.broadcast %parallel_loop3A_250 : f32 to vector<16xf32>
          %parallel_loop3A_252 = arith.maximumf %parallel_loop3A_249, %parallel_loop3A_251 : vector<16xf32>
          %parallel_loop3A_253 = arith.index_cast %parallel_loop3A_209 : i32 to index
          %parallel_loop3A_254 = arith.constant 48 : index
          %parallel_loop3A_255 = tpu.vector_load %arg19[%parallel_loop3A_253, %parallel_loop3A_254] {strides = array<i32>} : memref<80x128xf32, #tpu.memory_space<vmem>>, vector<1x16xf32>,
          %parallel_loop3A_256 = vector.shape_cast %parallel_loop3A_255 : vector<1x16xf32> to vector<16xf32>
          %parallel_loop3A_257 = vector.shape_cast %parallel_loop3A_252 : vector<16xf32> to vector<1x16xf32>
          tpu.vector_store %arg19[%parallel_loop3A_253, %parallel_loop3A_254], %parallel_loop3A_257 {strides = array<i32>} : memref<80x128xf32, #tpu.memory_space<vmem>>, vector<1x16xf32>,
          %parallel_loop3A_258 = arith.index_cast %parallel_loop3A_209 : i32 to index
          %parallel_loop3A_259 = arith.constant 64 : index
          %parallel_loop3A_260 = tpu.vector_load %arg19[%parallel_loop3A_258, %parallel_loop3A_259] {strides = array<i32>} : memref<80x128xf32, #tpu.memory_space<vmem>>, vector<1x16xf32>,
          %parallel_loop3A_261 = vector.shape_cast %parallel_loop3A_260 : vector<1x16xf32> to vector<16xf32>
          %parallel_loop3A_262 = arith.constant 0.000000e+00 : f32
          %parallel_loop3A_263 = vector.broadcast %parallel_loop3A_262 : f32 to vector<16xf32>
          %parallel_loop3A_264 = arith.maximumf %parallel_loop3A_261, %parallel_loop3A_263 : vector<16xf32>
          %parallel_loop3A_265 = arith.index_cast %parallel_loop3A_209 : i32 to index
          %parallel_loop3A_266 = arith.constant 64 : index
          %parallel_loop3A_267 = tpu.vector_load %arg19[%parallel_loop3A_265, %parallel_loop3A_266] {strides = array<i32>} : memref<80x128xf32, #tpu.memory_space<vmem>>, vector<1x16xf32>,
          %parallel_loop3A_268 = vector.shape_cast %parallel_loop3A_267 : vector<1x16xf32> to vector<16xf32>
          %parallel_loop3A_269 = vector.shape_cast %parallel_loop3A_264 : vector<16xf32> to vector<1x16xf32>
          tpu.vector_store %arg19[%parallel_loop3A_265, %parallel_loop3A_266], %parallel_loop3A_269 {strides = array<i32>} : memref<80x128xf32, #tpu.memory_space<vmem>>, vector<1x16xf32>,
          %parallel_loop3A_270 = arith.index_cast %parallel_loop3A_209 : i32 to index
          %parallel_loop3A_271 = arith.constant 80 : index
          %parallel_loop3A_272 = tpu.vector_load %arg19[%parallel_loop3A_270, %parallel_loop3A_271] {strides = array<i32>} : memref<80x128xf32, #tpu.memory_space<vmem>>, vector<1x16xf32>,
          %parallel_loop3A_273 = vector.shape_cast %parallel_loop3A_272 : vector<1x16xf32> to vector<16xf32>
          %parallel_loop3A_274 = arith.constant 0.000000e+00 : f32
          %parallel_loop3A_275 = vector.broadcast %parallel_loop3A_274 : f32 to vector<16xf32>
          %parallel_loop3A_276 = arith.maximumf %parallel_loop3A_273, %parallel_loop3A_275 : vector<16xf32>
          %parallel_loop3A_277 = arith.index_cast %parallel_loop3A_209 : i32 to index
          %parallel_loop3A_278 = arith.constant 80 : index
          %parallel_loop3A_279 = tpu.vector_load %arg19[%parallel_loop3A_277, %parallel_loop3A_278] {strides = array<i32>} : memref<80x128xf32, #tpu.memory_space<vmem>>, vector<1x16xf32>,
          %parallel_loop3A_280 = vector.shape_cast %parallel_loop3A_279 : vector<1x16xf32> to vector<16xf32>
          %parallel_loop3A_281 = vector.shape_cast %parallel_loop3A_276 : vector<16xf32> to vector<1x16xf32>
          tpu.vector_store %arg19[%parallel_loop3A_277, %parallel_loop3A_278], %parallel_loop3A_281 {strides = array<i32>} : memref<80x128xf32, #tpu.memory_space<vmem>>, vector<1x16xf32>,
          %parallel_loop3A_282 = arith.index_cast %parallel_loop3A_209 : i32 to index
          %parallel_loop3A_283 = arith.constant 96 : index
          %parallel_loop3A_284 = tpu.vector_load %arg19[%parallel_loop3A_282, %parallel_loop3A_283] {strides = array<i32>} : memref<80x128xf32, #tpu.memory_space<vmem>>, vector<1x16xf32>,
          %parallel_loop3A_285 = vector.shape_cast %parallel_loop3A_284 : vector<1x16xf32> to vector<16xf32>
          %parallel_loop3A_286 = arith.constant 0.000000e+00 : f32
          %parallel_loop3A_287 = vector.broadcast %parallel_loop3A_286 : f32 to vector<16xf32>
          %parallel_loop3A_288 = arith.maximumf %parallel_loop3A_285, %parallel_loop3A_287 : vector<16xf32>
          %parallel_loop3A_289 = arith.index_cast %parallel_loop3A_209 : i32 to index
          %parallel_loop3A_290 = arith.constant 96 : index
          %parallel_loop3A_291 = tpu.vector_load %arg19[%parallel_loop3A_289, %parallel_loop3A_290] {strides = array<i32>} : memref<80x128xf32, #tpu.memory_space<vmem>>, vector<1x16xf32>,
          %parallel_loop3A_292 = vector.shape_cast %parallel_loop3A_291 : vector<1x16xf32> to vector<16xf32>
          %parallel_loop3A_293 = vector.shape_cast %parallel_loop3A_288 : vector<16xf32> to vector<1x16xf32>
          tpu.vector_store %arg19[%parallel_loop3A_289, %parallel_loop3A_290], %parallel_loop3A_293 {strides = array<i32>} : memref<80x128xf32, #tpu.memory_space<vmem>>, vector<1x16xf32>,
          %parallel_loop3A_294 = arith.index_cast %parallel_loop3A_209 : i32 to index
          %parallel_loop3A_295 = arith.constant 112 : index
          %parallel_loop3A_296 = tpu.vector_load %arg19[%parallel_loop3A_294, %parallel_loop3A_295] {strides = array<i32>} : memref<80x128xf32, #tpu.memory_space<vmem>>, vector<1x16xf32>,
          %parallel_loop3A_297 = vector.shape_cast %parallel_loop3A_296 : vector<1x16xf32> to vector<16xf32>
          %parallel_loop3A_298 = arith.constant 0.000000e+00 : f32
          %parallel_loop3A_299 = vector.broadcast %parallel_loop3A_298 : f32 to vector<16xf32>
          %parallel_loop3A_300 = arith.maximumf %parallel_loop3A_297, %parallel_loop3A_299 : vector<16xf32>
          %parallel_loop3A_301 = arith.index_cast %parallel_loop3A_209 : i32 to index
          %parallel_loop3A_302 = arith.constant 112 : index
          %parallel_loop3A_303 = tpu.vector_load %arg19[%parallel_loop3A_301, %parallel_loop3A_302] {strides = array<i32>} : memref<80x128xf32, #tpu.memory_space<vmem>>, vector<1x16xf32>,
          %parallel_loop3A_304 = vector.shape_cast %parallel_loop3A_303 : vector<1x16xf32> to vector<16xf32>
          %parallel_loop3A_305 = vector.shape_cast %parallel_loop3A_300 : vector<16xf32> to vector<1x16xf32>
          tpu.vector_store %arg19[%parallel_loop3A_301, %parallel_loop3A_302], %parallel_loop3A_305 {strides = array<i32>} : memref<80x128xf32, #tpu.memory_space<vmem>>, vector<1x16xf32>,
        } {sc.loop_unroll_factor = 4 : i64, sc.parallel_access}
        %dma_start3A_206 = arith.constant 0 : i32
        %dma_start3A_207 = arith.constant 0 : i32
        %dma_start3A_208 = tpu.memref_slice %arg20[%dma_start3A_206, %dma_start3A_207] : memref<10000x128xf32, #tpu.memory_space<vmem_shared>> -> memref<10000x128xf32, #tpu.memory_space<vmem_shared>>
        tpu.enqueue_indirect_dma source(%arg19 : memref<80x128xf32, #tpu.memory_space<vmem>>) target(%dma_start3A_208 : memref<10000x128xf32, #tpu.memory_space<vmem_shared>>) offsets(%arg15 : memref<80xi32, #tpu.memory_space<vmem>>) semaphore(%arg32 : memref<!tpu.dma_semaphore, #tpu.memory_space<semaphore_mem>>) {add = true}
      } else {
      }
    }
    %scan3A_44 = arith.constant 32 : i32
    %barrier3A_45 = arith.constant 0 : index
    tpu.barrier barrier_id(%barrier3A_45)
    %mul3A_46 = arith.constant 624 : i32
    %mul3A_47 = arith.muli %arg1, %mul3A_46 : i32
    %mul3A_48 = arith.constant 624 : i32
    %mul3A_49 = arith.muli %arg1, %mul3A_48 : i32
    "tpu.region"() ({
      %run_scoped3A = tpu.sem_alloc : memref<!tpu.dma_semaphore, #tpu.memory_space<semaphore_mem>>
      %dma_start3A_55 = arith.constant 0 : i32
      %dma_start3A_56 = tpu.memref_slice %arg7[%arg0, %mul3A_49, %dma_start3A_55] : memref<2x10000x128xf32, #tpu.memory_space<hbm>> -> memref<1x624x128xf32, #tpu.memory_space<hbm>>
      %dma_start3A_57 = tpu.memref_squeeze %dma_start3A_56 : memref<1x624x128xf32, #tpu.memory_space<hbm>> -> memref<624x128xf32, #tpu.memory_space<hbm>>
      %dma_start3A_58 = arith.constant 0 : i32
      %dma_start3A_59 = tpu.memref_slice %arg20[%mul3A_47, %dma_start3A_58] : memref<10000x128xf32, #tpu.memory_space<vmem_shared>> -> memref<624x128xf32, #tpu.memory_space<vmem_shared>>
      tpu.enqueue_dma source(%dma_start3A_59 : memref<624x128xf32, #tpu.memory_space<vmem_shared>>) target(%dma_start3A_57 : memref<624x128xf32, #tpu.memory_space<hbm>>) target_semaphore(%run_scoped3A : memref<!tpu.dma_semaphore, #tpu.memory_space<semaphore_mem>>)
      %dma_wait3A_60 = arith.constant 0 : i32
      %dma_wait3A_61 = tpu.memref_slice %arg7[%arg0, %mul3A_49, %dma_wait3A_60] : memref<2x10000x128xf32, #tpu.memory_space<hbm>> -> memref<1x624x128xf32, #tpu.memory_space<hbm>>
      %dma_wait3A_62 = tpu.memref_squeeze %dma_wait3A_61 : memref<1x624x128xf32, #tpu.memory_space<hbm>> -> memref<624x128xf32, #tpu.memory_space<hbm>>
      %dma_wait3A_63 = arith.constant 0 : i32
      %dma_wait3A_64 = tpu.memref_slice %arg20[%mul3A_47, %dma_wait3A_63] : memref<10000x128xf32, #tpu.memory_space<vmem_shared>> -> memref<624x128xf32, #tpu.memory_space<vmem_shared>>
      tpu.wait_dma2 semaphore(%run_scoped3A : memref<!tpu.dma_semaphore, #tpu.memory_space<semaphore_mem>>) src(%dma_wait3A_64 : memref<624x128xf32, #tpu.memory_space<vmem_shared>>) dst(%dma_wait3A_62 : memref<624x128xf32, #tpu.memory_space<hbm>>)
      tpu.yield
    }) : () -> ()
    %eq3A_50 = arith.constant 15 : i32
    %eq3A_51 = arith.cmpi eq, %arg1, %eq3A_50 : i32
    %convert_element_type3A_52 = arith.extui %eq3A_51 : i1 to i32
    %cond3A_53 = arith.constant 0 : i32
    %cond3A_54 = arith.cmpi ne, %convert_element_type3A_52, %cond3A_53 : i32
    scf.if %cond3A_54 {
      "tpu.region"() ({
        %run_scoped3A = tpu.sem_alloc : memref<!tpu.dma_semaphore, #tpu.memory_space<semaphore_mem>>
        %dma_start3A_55 = arith.constant 9984 : i32
        %dma_start3A_56 = arith.constant 0 : i32
        %dma_start3A_57 = tpu.memref_slice %arg7[%arg0, %dma_start3A_55, %dma_start3A_56] : memref<2x10000x128xf32, #tpu.memory_space<hbm>> -> memref<1x16x128xf32, #tpu.memory_space<hbm>>
        %dma_start3A_58 = tpu.memref_squeeze %dma_start3A_57 : memref<1x16x128xf32, #tpu.memory_space<hbm>> -> memref<16x128xf32, #tpu.memory_space<hbm>>
        %dma_start3A_59 = arith.constant 9984 : i32
        %dma_start3A_60 = arith.constant 0 : i32
        %dma_start3A_61 = tpu.memref_slice %arg20[%dma_start3A_59, %dma_start3A_60] : memref<10000x128xf32, #tpu.memory_space<vmem_shared>> -> memref<16x128xf32, #tpu.memory_space<vmem_shared>>
        tpu.enqueue_dma source(%dma_start3A_61 : memref<16x128xf32, #tpu.memory_space<vmem_shared>>) target(%dma_start3A_58 : memref<16x128xf32, #tpu.memory_space<hbm>>) target_semaphore(%run_scoped3A : memref<!tpu.dma_semaphore, #tpu.memory_space<semaphore_mem>>)
        %dma_wait3A_62 = arith.constant 9984 : i32
        %dma_wait3A_63 = arith.constant 0 : i32
        %dma_wait3A_64 = tpu.memref_slice %arg7[%arg0, %dma_wait3A_62, %dma_wait3A_63] : memref<2x10000x128xf32, #tpu.memory_space<hbm>> -> memref<1x16x128xf32, #tpu.memory_space<hbm>>
        %dma_wait3A_65 = tpu.memref_squeeze %dma_wait3A_64 : memref<1x16x128xf32, #tpu.memory_space<hbm>> -> memref<16x128xf32, #tpu.memory_space<hbm>>
        %dma_wait3A_66 = arith.constant 9984 : i32
        %dma_wait3A_67 = arith.constant 0 : i32
        %dma_wait3A_68 = tpu.memref_slice %arg20[%dma_wait3A_66, %dma_wait3A_67] : memref<10000x128xf32, #tpu.memory_space<vmem_shared>> -> memref<16x128xf32, #tpu.memory_space<vmem_shared>>
        tpu.wait_dma2 semaphore(%run_scoped3A : memref<!tpu.dma_semaphore, #tpu.memory_space<semaphore_mem>>) src(%dma_wait3A_68 : memref<16x128xf32, #tpu.memory_space<vmem_shared>>) dst(%dma_wait3A_65 : memref<16x128xf32, #tpu.memory_space<hbm>>)
        tpu.yield
      }) : () -> ()
    } else {
    }
    return
  }
}

module attributes {stable_mosaic.version = 14 : i64} {
  func.func @_tc_edge_body(%arg0: i32, %arg1: memref<8000x3xf32, #tpu.memory_space<vmem>>, %arg2: memref<3x128xf32, #tpu.memory_space<vmem>>, %arg3: memref<1x128xf32, #tpu.memory_space<vmem>>, %arg4: memref<8000x128xf32, #tpu.memory_space<vmem>>) attributes {dimension_semantics = [#tpu.dimension_semantics<arbitrary>], iteration_bounds = array<i64: 40>, scalar_prefetch = 0 : i64, scratch_operands = 0 : i64, tpu.core_type = #tpu.core_type<tc>, window_params = [{transform_indices = @transform_0, window_bounds = array<i64: 8000, 3>}, {pipeline_mode = #tpu.pipeline_mode<synchronous>, transform_indices = @transform_1, window_bounds = array<i64: 3, 128>}, {pipeline_mode = #tpu.pipeline_mode<synchronous>, transform_indices = @transform_2, window_bounds = array<i64: 1, 128>}, {transform_indices = @transform_3, window_bounds = array<i64: 8000, 128>}]} {
    %get3A = arith.constant 0 : index
    %get3A_0 = arith.constant 0 : index
    %get3A_1 = vector.load %arg1[%get3A, %get3A_0] : memref<8000x3xf32, #tpu.memory_space<vmem>>, vector<8000x3xf32>
    %get3A_2 = arith.constant 0 : index
    %get3A_3 = arith.constant 0 : index
    %get3A_4 = vector.load %arg2[%get3A_2, %get3A_3] : memref<3x128xf32, #tpu.memory_space<vmem>>, vector<3x128xf32>
    %dot_general3A = arith.constant dense<0.000000e+00> : vector<8000x128xf32>
    %dot_general3A_5 = tpu.matmul %get3A_1, %get3A_4, %dot_general3A {dimension_numbers = #tpu.dot_dimension_numbers<[1], [0], [0], [1], [0, 0, 1, 1], [], []>, transpose_lhs_hint = false} : vector<8000x3xf32>, vector<3x128xf32>, vector<8000x128xf32> -> vector<8000x128xf32>
    %get3A_6 = arith.constant 0 : index
    %get3A_7 = arith.constant 0 : index
    %get3A_8 = vector.load %arg3[%get3A_6, %get3A_7] : memref<1x128xf32, #tpu.memory_space<vmem>>, vector<1x128xf32>
    %add3A = vector.broadcast %get3A_8 : vector<1x128xf32> to vector<8000x128xf32>
    %add3A_9 = arith.addf %dot_general3A_5, %add3A : vector<8000x128xf32>
    %swap3A = arith.constant 0 : index
    %swap3A_10 = arith.constant 0 : index
    %swap3A_11 = vector.load %arg4[%swap3A, %swap3A_10] : memref<8000x128xf32, #tpu.memory_space<vmem>>, vector<8000x128xf32>
    tpu.vector_store %arg4[%swap3A, %swap3A_10], %add3A_9 {strides = array<i32>} : memref<8000x128xf32, #tpu.memory_space<vmem>>, vector<8000x128xf32>,
    return
  }
  func.func @transform_0(%arg0: i32) -> (i32, i32) {
    %c0_i32 = arith.constant 0 : i32
    %c0_i32_0 = arith.constant 0 : i32
    return %arg0, %c0_i32 : i32, i32
  }
  func.func @transform_1(%arg0: i32) -> (i32, i32) {
    %c0_i32 = arith.constant 0 : i32
    %c0_i32_0 = arith.constant 0 : i32
    %c0_i32_1 = arith.constant 0 : i32
    return %c0_i32, %c0_i32_0 : i32, i32
  }
  func.func @transform_2(%arg0: i32) -> (i32, i32) {
    %c0_i32 = arith.constant 0 : i32
    %c0_i32_0 = arith.constant 0 : i32
    %c0_i32_1 = arith.constant 0 : i32
    return %c0_i32, %c0_i32_0 : i32, i32
  }
  func.func @transform_3(%arg0: i32) -> (i32, i32) {
    %c0_i32 = arith.constant 0 : i32
    %c0_i32_0 = arith.constant 0 : i32
    return %arg0, %c0_i32 : i32, i32
  }
}

module attributes {stable_mosaic.version = 14 : i64} {
  func.func @_tc_body_mid(%arg0: i32, %arg1: memref<1000x128xf32, #tpu.memory_space<vmem>>, %arg2: memref<2x1000x128xf32, #tpu.memory_space<vmem>>, %arg3: memref<3x128x128xf32, #tpu.memory_space<vmem>>, %arg4: memref<3x128xf32, #tpu.memory_space<vmem>>, %arg5: memref<1000x128xf32, #tpu.memory_space<vmem>>) attributes {dimension_semantics = [#tpu.dimension_semantics<arbitrary>], iteration_bounds = array<i64: 10>, scalar_prefetch = 0 : i64, scratch_operands = 0 : i64, tpu.core_type = #tpu.core_type<tc>, window_params = [{transform_indices = @transform_0, window_bounds = array<i64: 1000, 128>}, {transform_indices = @transform_1, window_bounds = array<i64: 2, 1000, 128>}, {pipeline_mode = #tpu.pipeline_mode<synchronous>, transform_indices = @transform_2, window_bounds = array<i64: 3, 128, 128>}, {pipeline_mode = #tpu.pipeline_mode<synchronous>, transform_indices = @transform_3, window_bounds = array<i64: 3, 128>}, {transform_indices = @transform_4, window_bounds = array<i64: 1000, 128>}]} {
    %get3A = arith.constant 0 : index
    %get3A_0 = arith.constant 0 : index
    %get3A_1 = vector.load %arg1[%get3A, %get3A_0] : memref<1000x128xf32, #tpu.memory_space<vmem>>, vector<1000x128xf32>
    %get3A_2 = arith.constant 0 : index
    %get3A_3 = arith.constant 0 : index
    %get3A_4 = arith.constant 0 : index
    %get3A_5 = vector.load %arg2[%get3A_2, %get3A_3, %get3A_4] : memref<2x1000x128xf32, #tpu.memory_space<vmem>>, vector<1x1000x128xf32>
    %get3A_6 = vector.shape_cast %get3A_5 : vector<1x1000x128xf32> to vector<1000x128xf32>
    %add3A = arith.addf %get3A_1, %get3A_6 : vector<1000x128xf32>
    %get3A_7 = arith.constant 1 : index
    %get3A_8 = arith.constant 0 : index
    %get3A_9 = arith.constant 0 : index
    %get3A_10 = vector.load %arg2[%get3A_7, %get3A_8, %get3A_9] : memref<2x1000x128xf32, #tpu.memory_space<vmem>>, vector<1x1000x128xf32>
    %get3A_11 = vector.shape_cast %get3A_10 : vector<1x1000x128xf32> to vector<1000x128xf32>
    %add3A_12 = arith.addf %add3A, %get3A_11 : vector<1000x128xf32>
    %get3A_13 = arith.constant 0 : index
    %get3A_14 = arith.constant 0 : index
    %get3A_15 = arith.constant 0 : index
    %get3A_16 = vector.load %arg3[%get3A_13, %get3A_14, %get3A_15] : memref<3x128x128xf32, #tpu.memory_space<vmem>>, vector<1x128x128xf32>
    %get3A_17 = vector.shape_cast %get3A_16 : vector<1x128x128xf32> to vector<128x128xf32>
    %dot_general3A = arith.constant dense<0.000000e+00> : vector<1000x128xf32>
    %dot_general3A_18 = tpu.matmul %add3A_12, %get3A_17, %dot_general3A {dimension_numbers = #tpu.dot_dimension_numbers<[1], [0], [0], [1], [0, 0, 1, 1], [], []>, transpose_lhs_hint = false} : vector<1000x128xf32>, vector<128x128xf32>, vector<1000x128xf32> -> vector<1000x128xf32>
    %get3A_19 = arith.constant 0 : index
    %get3A_20 = arith.constant 0 : index
    %get3A_21 = vector.load %arg4[%get3A_19, %get3A_20] : memref<3x128xf32, #tpu.memory_space<vmem>>, vector<1x128xf32>
    %get3A_22 = vector.shape_cast %get3A_21 : vector<1x128xf32> to vector<128xf32>
    %broadcast_in_dim3A = vector.shape_cast %get3A_22 : vector<128xf32> to vector<1x128xf32>
    %add3A_23 = vector.broadcast %broadcast_in_dim3A : vector<1x128xf32> to vector<1000x128xf32>
    %add3A_24 = arith.addf %dot_general3A_18, %add3A_23 : vector<1000x128xf32>
    %max3A = arith.constant 0.000000e+00 : f32
    %max3A_25 = vector.broadcast %max3A : f32 to vector<1000x128xf32>
    %max3A_26 = arith.maximumf %add3A_24, %max3A_25 : vector<1000x128xf32>
    %get3A_27 = arith.constant 1 : index
    %get3A_28 = arith.constant 0 : index
    %get3A_29 = arith.constant 0 : index
    %get3A_30 = vector.load %arg3[%get3A_27, %get3A_28, %get3A_29] : memref<3x128x128xf32, #tpu.memory_space<vmem>>, vector<1x128x128xf32>
    %get3A_31 = vector.shape_cast %get3A_30 : vector<1x128x128xf32> to vector<128x128xf32>
    %dot_general3A_32 = arith.constant dense<0.000000e+00> : vector<1000x128xf32>
    %dot_general3A_33 = tpu.matmul %max3A_26, %get3A_31, %dot_general3A_32 {dimension_numbers = #tpu.dot_dimension_numbers<[1], [0], [0], [1], [0, 0, 1, 1], [], []>, transpose_lhs_hint = false} : vector<1000x128xf32>, vector<128x128xf32>, vector<1000x128xf32> -> vector<1000x128xf32>
    %get3A_34 = arith.constant 1 : index
    %get3A_35 = arith.constant 0 : index
    %get3A_36 = vector.load %arg4[%get3A_34, %get3A_35] : memref<3x128xf32, #tpu.memory_space<vmem>>, vector<1x128xf32>
    %get3A_37 = vector.shape_cast %get3A_36 : vector<1x128xf32> to vector<128xf32>
    %broadcast_in_dim3A_38 = vector.shape_cast %get3A_37 : vector<128xf32> to vector<1x128xf32>
    %add3A_39 = vector.broadcast %broadcast_in_dim3A_38 : vector<1x128xf32> to vector<1000x128xf32>
    %add3A_40 = arith.addf %dot_general3A_33, %add3A_39 : vector<1000x128xf32>
    %max3A_41 = arith.constant 0.000000e+00 : f32
    %max3A_42 = vector.broadcast %max3A_41 : f32 to vector<1000x128xf32>
    %max3A_43 = arith.maximumf %add3A_40, %max3A_42 : vector<1000x128xf32>
    %get3A_44 = arith.constant 2 : index
    %get3A_45 = arith.constant 0 : index
    %get3A_46 = arith.constant 0 : index
    %get3A_47 = vector.load %arg3[%get3A_44, %get3A_45, %get3A_46] : memref<3x128x128xf32, #tpu.memory_space<vmem>>, vector<1x128x128xf32>
    %get3A_48 = vector.shape_cast %get3A_47 : vector<1x128x128xf32> to vector<128x128xf32>
    %dot_general3A_49 = arith.constant dense<0.000000e+00> : vector<1000x128xf32>
    %dot_general3A_50 = tpu.matmul %max3A_43, %get3A_48, %dot_general3A_49 {dimension_numbers = #tpu.dot_dimension_numbers<[1], [0], [0], [1], [0, 0, 1, 1], [], []>, transpose_lhs_hint = false} : vector<1000x128xf32>, vector<128x128xf32>, vector<1000x128xf32> -> vector<1000x128xf32>
    %get3A_51 = arith.constant 2 : index
    %get3A_52 = arith.constant 0 : index
    %get3A_53 = vector.load %arg4[%get3A_51, %get3A_52] : memref<3x128xf32, #tpu.memory_space<vmem>>, vector<1x128xf32>
    %get3A_54 = vector.shape_cast %get3A_53 : vector<1x128xf32> to vector<128xf32>
    %broadcast_in_dim3A_55 = vector.shape_cast %get3A_54 : vector<128xf32> to vector<1x128xf32>
    %add3A_56 = vector.broadcast %broadcast_in_dim3A_55 : vector<1x128xf32> to vector<1000x128xf32>
    %add3A_57 = arith.addf %dot_general3A_50, %add3A_56 : vector<1000x128xf32>
    %max3A_58 = arith.constant 0.000000e+00 : f32
    %max3A_59 = vector.broadcast %max3A_58 : f32 to vector<1000x128xf32>
    %max3A_60 = arith.maximumf %add3A_57, %max3A_59 : vector<1000x128xf32>
    %get3A_61 = arith.constant 0 : index
    %get3A_62 = arith.constant 0 : index
    %get3A_63 = vector.load %arg1[%get3A_61, %get3A_62] : memref<1000x128xf32, #tpu.memory_space<vmem>>, vector<1000x128xf32>
    %add3A_64 = arith.addf %max3A_60, %get3A_63 : vector<1000x128xf32>
    %swap3A = arith.constant 0 : index
    %swap3A_65 = arith.constant 0 : index
    %swap3A_66 = vector.load %arg5[%swap3A, %swap3A_65] : memref<1000x128xf32, #tpu.memory_space<vmem>>, vector<1000x128xf32>
    tpu.vector_store %arg5[%swap3A, %swap3A_65], %add3A_64 {strides = array<i32>} : memref<1000x128xf32, #tpu.memory_space<vmem>>, vector<1000x128xf32>,
    return
  }
  func.func @transform_0(%arg0: i32) -> (i32, i32) {
    %c0_i32 = arith.constant 0 : i32
    %c0_i32_0 = arith.constant 0 : i32
    return %arg0, %c0_i32 : i32, i32
  }
  func.func @transform_1(%arg0: i32) -> (i32, i32, i32) {
    %c0_i32 = arith.constant 0 : i32
    %c0_i32_0 = arith.constant 0 : i32
    %c0_i32_1 = arith.constant 0 : i32
    return %c0_i32, %arg0, %c0_i32_0 : i32, i32, i32
  }
  func.func @transform_2(%arg0: i32) -> (i32, i32, i32) {
    %c0_i32 = arith.constant 0 : i32
    %c0_i32_0 = arith.constant 0 : i32
    %c0_i32_1 = arith.constant 0 : i32
    %c0_i32_2 = arith.constant 0 : i32
    return %c0_i32, %c0_i32_0, %c0_i32_1 : i32, i32, i32
  }
  func.func @transform_3(%arg0: i32) -> (i32, i32) {
    %c0_i32 = arith.constant 0 : i32
    %c0_i32_0 = arith.constant 0 : i32
    %c0_i32_1 = arith.constant 0 : i32
    return %c0_i32, %c0_i32_0 : i32, i32
  }
  func.func @transform_4(%arg0: i32) -> (i32, i32) {
    %c0_i32 = arith.constant 0 : i32
    %c0_i32_0 = arith.constant 0 : i32
    return %arg0, %c0_i32 : i32, i32
  }
}

module attributes {stable_mosaic.version = 14 : i64} {
  func.func @_tc_body_final(%arg0: i32, %arg1: memref<1000x128xf32, #tpu.memory_space<vmem>>, %arg2: memref<2x1000x128xf32, #tpu.memory_space<vmem>>, %arg3: memref<3x128x128xf32, #tpu.memory_space<vmem>>, %arg4: memref<3x128xf32, #tpu.memory_space<vmem>>, %arg5: memref<128x128xf32, #tpu.memory_space<vmem>>, %arg6: memref<1x128xf32, #tpu.memory_space<vmem>>, %arg7: memref<128x128xf32, #tpu.memory_space<vmem>>, %arg8: memref<1x128xf32, #tpu.memory_space<vmem>>, %arg9: memref<1000x128xf32, #tpu.memory_space<vmem>>) attributes {dimension_semantics = [#tpu.dimension_semantics<arbitrary>], iteration_bounds = array<i64: 10>, scalar_prefetch = 0 : i64, scratch_operands = 0 : i64, tpu.core_type = #tpu.core_type<tc>, window_params = [{transform_indices = @transform_0, window_bounds = array<i64: 1000, 128>}, {transform_indices = @transform_1, window_bounds = array<i64: 2, 1000, 128>}, {pipeline_mode = #tpu.pipeline_mode<synchronous>, transform_indices = @transform_2, window_bounds = array<i64: 3, 128, 128>}, {pipeline_mode = #tpu.pipeline_mode<synchronous>, transform_indices = @transform_3, window_bounds = array<i64: 3, 128>}, {pipeline_mode = #tpu.pipeline_mode<synchronous>, transform_indices = @transform_4, window_bounds = array<i64: 128, 128>}, {pipeline_mode = #tpu.pipeline_mode<synchronous>, transform_indices = @transform_5, window_bounds = array<i64: 1, 128>}, {pipeline_mode = #tpu.pipeline_mode<synchronous>, transform_indices = @transform_6, window_bounds = array<i64: 128, 128>}, {pipeline_mode = #tpu.pipeline_mode<synchronous>, transform_indices = @transform_7, window_bounds = array<i64: 1, 128>}, {transform_indices = @transform_8, window_bounds = array<i64: 1000, 128>}]} {
    %get3A = arith.constant 0 : index
    %get3A_0 = arith.constant 0 : index
    %get3A_1 = vector.load %arg1[%get3A, %get3A_0] : memref<1000x128xf32, #tpu.memory_space<vmem>>, vector<1000x128xf32>
    %get3A_2 = arith.constant 0 : index
    %get3A_3 = arith.constant 0 : index
    %get3A_4 = arith.constant 0 : index
    %get3A_5 = vector.load %arg2[%get3A_2, %get3A_3, %get3A_4] : memref<2x1000x128xf32, #tpu.memory_space<vmem>>, vector<1x1000x128xf32>
    %get3A_6 = vector.shape_cast %get3A_5 : vector<1x1000x128xf32> to vector<1000x128xf32>
    %add3A = arith.addf %get3A_1, %get3A_6 : vector<1000x128xf32>
    %get3A_7 = arith.constant 1 : index
    %get3A_8 = arith.constant 0 : index
    %get3A_9 = arith.constant 0 : index
    %get3A_10 = vector.load %arg2[%get3A_7, %get3A_8, %get3A_9] : memref<2x1000x128xf32, #tpu.memory_space<vmem>>, vector<1x1000x128xf32>
    %get3A_11 = vector.shape_cast %get3A_10 : vector<1x1000x128xf32> to vector<1000x128xf32>
    %add3A_12 = arith.addf %add3A, %get3A_11 : vector<1000x128xf32>
    %get3A_13 = arith.constant 0 : index
    %get3A_14 = arith.constant 0 : index
    %get3A_15 = arith.constant 0 : index
    %get3A_16 = vector.load %arg3[%get3A_13, %get3A_14, %get3A_15] : memref<3x128x128xf32, #tpu.memory_space<vmem>>, vector<1x128x128xf32>
    %get3A_17 = vector.shape_cast %get3A_16 : vector<1x128x128xf32> to vector<128x128xf32>
    %dot_general3A = arith.constant dense<0.000000e+00> : vector<1000x128xf32>
    %dot_general3A_18 = tpu.matmul %add3A_12, %get3A_17, %dot_general3A {dimension_numbers = #tpu.dot_dimension_numbers<[1], [0], [0], [1], [0, 0, 1, 1], [], []>, transpose_lhs_hint = false} : vector<1000x128xf32>, vector<128x128xf32>, vector<1000x128xf32> -> vector<1000x128xf32>
    %get3A_19 = arith.constant 0 : index
    %get3A_20 = arith.constant 0 : index
    %get3A_21 = vector.load %arg4[%get3A_19, %get3A_20] : memref<3x128xf32, #tpu.memory_space<vmem>>, vector<1x128xf32>
    %get3A_22 = vector.shape_cast %get3A_21 : vector<1x128xf32> to vector<128xf32>
    %broadcast_in_dim3A = vector.shape_cast %get3A_22 : vector<128xf32> to vector<1x128xf32>
    %add3A_23 = vector.broadcast %broadcast_in_dim3A : vector<1x128xf32> to vector<1000x128xf32>
    %add3A_24 = arith.addf %dot_general3A_18, %add3A_23 : vector<1000x128xf32>
    %max3A = arith.constant 0.000000e+00 : f32
    %max3A_25 = vector.broadcast %max3A : f32 to vector<1000x128xf32>
    %max3A_26 = arith.maximumf %add3A_24, %max3A_25 : vector<1000x128xf32>
    %get3A_27 = arith.constant 1 : index
    %get3A_28 = arith.constant 0 : index
    %get3A_29 = arith.constant 0 : index
    %get3A_30 = vector.load %arg3[%get3A_27, %get3A_28, %get3A_29] : memref<3x128x128xf32, #tpu.memory_space<vmem>>, vector<1x128x128xf32>
    %get3A_31 = vector.shape_cast %get3A_30 : vector<1x128x128xf32> to vector<128x128xf32>
    %dot_general3A_32 = arith.constant dense<0.000000e+00> : vector<1000x128xf32>
    %dot_general3A_33 = tpu.matmul %max3A_26, %get3A_31, %dot_general3A_32 {dimension_numbers = #tpu.dot_dimension_numbers<[1], [0], [0], [1], [0, 0, 1, 1], [], []>, transpose_lhs_hint = false} : vector<1000x128xf32>, vector<128x128xf32>, vector<1000x128xf32> -> vector<1000x128xf32>
    %get3A_34 = arith.constant 1 : index
    %get3A_35 = arith.constant 0 : index
    %get3A_36 = vector.load %arg4[%get3A_34, %get3A_35] : memref<3x128xf32, #tpu.memory_space<vmem>>, vector<1x128xf32>
    %get3A_37 = vector.shape_cast %get3A_36 : vector<1x128xf32> to vector<128xf32>
    %broadcast_in_dim3A_38 = vector.shape_cast %get3A_37 : vector<128xf32> to vector<1x128xf32>
    %add3A_39 = vector.broadcast %broadcast_in_dim3A_38 : vector<1x128xf32> to vector<1000x128xf32>
    %add3A_40 = arith.addf %dot_general3A_33, %add3A_39 : vector<1000x128xf32>
    %max3A_41 = arith.constant 0.000000e+00 : f32
    %max3A_42 = vector.broadcast %max3A_41 : f32 to vector<1000x128xf32>
    %max3A_43 = arith.maximumf %add3A_40, %max3A_42 : vector<1000x128xf32>
    %get3A_44 = arith.constant 2 : index
    %get3A_45 = arith.constant 0 : index
    %get3A_46 = arith.constant 0 : index
    %get3A_47 = vector.load %arg3[%get3A_44, %get3A_45, %get3A_46] : memref<3x128x128xf32, #tpu.memory_space<vmem>>, vector<1x128x128xf32>
    %get3A_48 = vector.shape_cast %get3A_47 : vector<1x128x128xf32> to vector<128x128xf32>
    %dot_general3A_49 = arith.constant dense<0.000000e+00> : vector<1000x128xf32>
    %dot_general3A_50 = tpu.matmul %max3A_43, %get3A_48, %dot_general3A_49 {dimension_numbers = #tpu.dot_dimension_numbers<[1], [0], [0], [1], [0, 0, 1, 1], [], []>, transpose_lhs_hint = false} : vector<1000x128xf32>, vector<128x128xf32>, vector<1000x128xf32> -> vector<1000x128xf32>
    %get3A_51 = arith.constant 2 : index
    %get3A_52 = arith.constant 0 : index
    %get3A_53 = vector.load %arg4[%get3A_51, %get3A_52] : memref<3x128xf32, #tpu.memory_space<vmem>>, vector<1x128xf32>
    %get3A_54 = vector.shape_cast %get3A_53 : vector<1x128xf32> to vector<128xf32>
    %broadcast_in_dim3A_55 = vector.shape_cast %get3A_54 : vector<128xf32> to vector<1x128xf32>
    %add3A_56 = vector.broadcast %broadcast_in_dim3A_55 : vector<1x128xf32> to vector<1000x128xf32>
    %add3A_57 = arith.addf %dot_general3A_50, %add3A_56 : vector<1000x128xf32>
    %max3A_58 = arith.constant 0.000000e+00 : f32
    %max3A_59 = vector.broadcast %max3A_58 : f32 to vector<1000x128xf32>
    %max3A_60 = arith.maximumf %add3A_57, %max3A_59 : vector<1000x128xf32>
    %get3A_61 = arith.constant 0 : index
    %get3A_62 = arith.constant 0 : index
    %get3A_63 = vector.load %arg1[%get3A_61, %get3A_62] : memref<1000x128xf32, #tpu.memory_space<vmem>>, vector<1000x128xf32>
    %add3A_64 = arith.addf %max3A_60, %get3A_63 : vector<1000x128xf32>
    %get3A_65 = arith.constant 0 : index
    %get3A_66 = arith.constant 0 : index
    %get3A_67 = vector.load %arg5[%get3A_65, %get3A_66] : memref<128x128xf32, #tpu.memory_space<vmem>>, vector<128x128xf32>
    %dot_general3A_68 = arith.constant dense<0.000000e+00> : vector<1000x128xf32>
    %dot_general3A_69 = tpu.matmul %add3A_64, %get3A_67, %dot_general3A_68 {dimension_numbers = #tpu.dot_dimension_numbers<[1], [0], [0], [1], [0, 0, 1, 1], [], []>, transpose_lhs_hint = false} : vector<1000x128xf32>, vector<128x128xf32>, vector<1000x128xf32> -> vector<1000x128xf32>
    %get3A_70 = arith.constant 0 : index
    %get3A_71 = arith.constant 0 : index
    %get3A_72 = vector.load %arg6[%get3A_70, %get3A_71] : memref<1x128xf32, #tpu.memory_space<vmem>>, vector<1x128xf32>
    %add3A_73 = vector.broadcast %get3A_72 : vector<1x128xf32> to vector<1000x128xf32>
    %add3A_74 = arith.addf %dot_general3A_69, %add3A_73 : vector<1000x128xf32>
    %max3A_75 = arith.constant 0.000000e+00 : f32
    %max3A_76 = vector.broadcast %max3A_75 : f32 to vector<1000x128xf32>
    %max3A_77 = arith.maximumf %add3A_74, %max3A_76 : vector<1000x128xf32>
    %get3A_78 = arith.constant 0 : index
    %get3A_79 = arith.constant 0 : index
    %get3A_80 = vector.load %arg7[%get3A_78, %get3A_79] : memref<128x128xf32, #tpu.memory_space<vmem>>, vector<128x128xf32>
    %dot_general3A_81 = arith.constant dense<0.000000e+00> : vector<1000x128xf32>
    %dot_general3A_82 = tpu.matmul %max3A_77, %get3A_80, %dot_general3A_81 {dimension_numbers = #tpu.dot_dimension_numbers<[1], [0], [0], [1], [0, 0, 1, 1], [], []>, transpose_lhs_hint = false} : vector<1000x128xf32>, vector<128x128xf32>, vector<1000x128xf32> -> vector<1000x128xf32>
    %get3A_83 = arith.constant 0 : index
    %get3A_84 = arith.constant 0 : index
    %get3A_85 = vector.load %arg8[%get3A_83, %get3A_84] : memref<1x128xf32, #tpu.memory_space<vmem>>, vector<1x128xf32>
    %add3A_86 = vector.broadcast %get3A_85 : vector<1x128xf32> to vector<1000x128xf32>
    %add3A_87 = arith.addf %dot_general3A_82, %add3A_86 : vector<1000x128xf32>
    %swap3A = arith.constant 0 : index
    %swap3A_88 = arith.constant 0 : index
    %swap3A_89 = vector.load %arg9[%swap3A, %swap3A_88] : memref<1000x128xf32, #tpu.memory_space<vmem>>, vector<1000x128xf32>
    tpu.vector_store %arg9[%swap3A, %swap3A_88], %add3A_87 {strides = array<i32>} : memref<1000x128xf32, #tpu.memory_space<vmem>>, vector<1000x128xf32>,
    return
  }
  func.func @transform_0(%arg0: i32) -> (i32, i32) {
    %c0_i32 = arith.constant 0 : i32
    %c0_i32_0 = arith.constant 0 : i32
    return %arg0, %c0_i32 : i32, i32
  }
  func.func @transform_1(%arg0: i32) -> (i32, i32, i32) {
    %c0_i32 = arith.constant 0 : i32
    %c0_i32_0 = arith.constant 0 : i32
    %c0_i32_1 = arith.constant 0 : i32
    return %c0_i32, %arg0, %c0_i32_0 : i32, i32, i32
  }
  func.func @transform_2(%arg0: i32) -> (i32, i32, i32) {
    %c0_i32 = arith.constant 0 : i32
    %c0_i32_0 = arith.constant 0 : i32
    %c0_i32_1 = arith.constant 0 : i32
    %c0_i32_2 = arith.constant 0 : i32
    return %c0_i32, %c0_i32_0, %c0_i32_1 : i32, i32, i32
  }
  func.func @transform_3(%arg0: i32) -> (i32, i32) {
    %c0_i32 = arith.constant 0 : i32
    %c0_i32_0 = arith.constant 0 : i32
    %c0_i32_1 = arith.constant 0 : i32
    return %c0_i32, %c0_i32_0 : i32, i32
  }
  func.func @transform_4(%arg0: i32) -> (i32, i32) {
    %c0_i32 = arith.constant 0 : i32
    %c0_i32_0 = arith.constant 0 : i32
    %c0_i32_1 = arith.constant 0 : i32
    return %c0_i32, %c0_i32_0 : i32, i32
  }
  func.func @transform_5(%arg0: i32) -> (i32, i32) {
    %c0_i32 = arith.constant 0 : i32
    %c0_i32_0 = arith.constant 0 : i32
    %c0_i32_1 = arith.constant 0 : i32
    return %c0_i32, %c0_i32_0 : i32, i32
  }
  func.func @transform_6(%arg0: i32) -> (i32, i32) {
    %c0_i32 = arith.constant 0 : i32
    %c0_i32_0 = arith.constant 0 : i32
    %c0_i32_1 = arith.constant 0 : i32
    return %c0_i32, %c0_i32_0 : i32, i32
  }
  func.func @transform_7(%arg0: i32) -> (i32, i32) {
    %c0_i32 = arith.constant 0 : i32
    %c0_i32_0 = arith.constant 0 : i32
    %c0_i32_1 = arith.constant 0 : i32
    return %c0_i32, %c0_i32_0 : i32, i32
  }
  func.func @transform_8(%arg0: i32) -> (i32, i32) {
    %c0_i32 = arith.constant 0 : i32
    %c0_i32_0 = arith.constant 0 : i32
    return %arg0, %c0_i32 : i32, i32
  }
}

</mosaic_0001>

<sc_bundles>
// kernel: kernel.11.cloned.1.call-start
scs
__scs_entry_jumppad:
0x0: {  	(pc) =	sbr.rel $0x88, $3  }
0x1: {  	(tag) =	ssettag $0x0;
	lr =	simm.s32 $0x1  }
0x2: {  	[smem:$0x3F96] =	sst lr;
	_ =	strace $0xD0000000  }
0x3: {  	_ = 	snop  }
0x4: {  	_ = 	snop  }
0x5: {  	_ = 	snop  }
0x6: {  	_ = 	snop  }
0x7: {  	_ = 	snop  }
__scs_overlays_trampoline_lowered:
0x8: {  	[smem:$0x3FA5] =	sst s0  }
0x9: {  	[smem:$0x3FA6] =	sst s1  }
0xa: {  	[smem:$0x3FA7] =	sst s2  }
0xb: {  	[smem:$0x3FA8] =	sst s3  }
0xc: {  	[smem:$0x3FA9] =	sst s4  }
0xd: {  	[smem:$0x3FAA] =	sst s5  }
0xe: {  	[smem:$0x3FAB] =	sst s6  }
0xf: {  	[smem:$0x3FAC] =	sst s7  }
0x10: {  	[smem:$0x3FAD] =	sst s8  }
0x11: {  	[smem:$0x3FAE] =	sst s9;
	s0 =	simm.s32 @!p0 $0x0  }
0x12: {  	s1 =	sld [smem:$0x3F94];
	s0 =	simm.s32 @p0 $0x1  }
0x13: {  	[smem:$0x3FAF] =	sst s0;
	s0 =	simm.s32 @!p1 $0x0  }
0x14: {  	s2 =	sld [smem:$0x3F93];
	s0 =	simm.s32 @p1 $0x1  }
0x15: {  	[smem:$0x3FB0] =	sst s0;
	s0 =	simm.s32 @!p2 $0x0  }
0x16: {  	s3 =	sld [smem:$0x3FDB];
	s0 =	simm.s32 @p2 $0x1  }
0x17: {  	s4 =	simm.s32 $0x1BF5;
	[smem:$0x3FB2] =	sst s0  }
0x18: {  	s0 =	sld [smem:$0x3F95];
	_ =	swait.ge [sflag:s4], $0x0  }
0x19: {  	s7 =	sld [smem:$0x3F96]  }
0x1a: {  	s8 =	sadd.s32 $0xFFFFE003, lr  }
0x1b: {  	s9 =	sadd.s32 $0xFFFFFEF7, lr;
	s5 =	simm.s32 $0xFFFFFFFF;
	p2 =	slt.u32 s8, $0xFFFFF086  }
0x1c: {  	p1 =	slt.u32 s9, $0xF7A;
	s5 =	simm.s32 @!p2 $0x0  }
0x1d: {  	s5 =	simm.s32 @p1 $0x1;
	p0 =	seq.s32 s7, s2  }
0x1e: {  	s7 =	smul.u32 @!p0 $0xF7A, s2;
	p2 =	seq.s32 @!p0 s5, $0x0  }
0x1f: {  	s9 =	smul.u32 $0xF7A, s1;
	s8 =	simm.s32 @!p0 $0x1BF5;
	p2 =	por !p2, p0  }
0x20: {  	[sflag:s8] =	ssyncset.s32 @!p0 $0xFFFFF086;
	s6 =	sadd.s32 @!p0 s3, s7;
	s7 =	simm.s32 @!p0 $0x108  }
0x21: {  	s3 =	sadd.s32 s3, s9;
	s6 =	sadd.s32 @!p0 $0x88, s6;
	s7 =	simm.s32 @p2 $0x1082  }
0x22: {  	[simem:s7], [sflag:s8] =	dma.local @!p0 [hbm:s6], $0xF7A  }
0x23: {  	s9 =	sor.u32 $0xD0000000, s2;
	s6 =	simm.s32 $0x108;
	_ =	swait.ge @!p0 [sflag:s8], $0x0  }
0x24: {  	s3 =	sadd.s32 $0x88, s3;
	s6 =	simm.s32 @!p1 $0x1082;
	[sflag:s4] =	ssyncset.s32 $0xFFFFF086  }
0x25: {  	[simem:s6], [sflag:s4] =	dma.local [hbm:s3], $0xF7A  }
0x26: {  	[smem:$0x3F96] =	sst s1;
	(tag) =	ssettag s2;
	_ =	strace s9  }
0x27: {  	s1 =	sld [smem:$0x3FA6]  }
0x28: {  	s2 =	sld [smem:$0x3FA7]  }
0x29: {  	s4 =	sld [smem:$0x3FA9]  }
0x2a: {  	p0 =	seq.s32 s5, $0x0;
	s5 =	sld [smem:$0x3FAA]  }
0x2b: {  	s6 =	sld [smem:$0x3FAB]  }
0x2c: {  	s7 =	sld [smem:$0x3FAC]  }
0x2d: {  	s3 =	simm.s32 $0x108;
	s8 =	sld [smem:$0x3FAD]  }
0x2e: {  	s3 =	simm.s32 @!p0 $0x1082;
	s9 =	sld [smem:$0x3FAE]  }
0x2f: {  	lr =	sadd.s32 s0, s3;
	s0 =	sld [smem:$0x3FA5]  }
0x30: {  	s3 =	sld [smem:$0x3FA8]  }
0x31: {  	[smem:$0x3FB1] =	sst s10  }
0x32: {  	s10 =	sld [smem:$0x3FAF];
	_ =	sdelay $0x3  }
0x33: {  	p0 =	seq.s32 s10, $0x1;
	s10 =	sld [smem:$0x3FB1];
	_ =	sdelay $0x3  }
0x34: {  	[smem:$0x3FB1] =	sst s10  }
0x35: {  	s10 =	sld [smem:$0x3FB0];
	_ =	sdelay $0x3  }
0x36: {  	p1 =	seq.s32 s10, $0x1;
	s10 =	sld [smem:$0x3FB1];
	_ =	sdelay $0x3  }
0x37: {  	[smem:$0x3FB1] =	sst s10  }
0x38: {  	s10 =	sld [smem:$0x3FB2]  }
0x39: {  	_ = 	snop;
	(pc) =	sbr.ind lr, $3  }
0x3a: {  	_ = 	snop  }
0x3b: {  	_ = 	snop  }
0x3c: {  	p2 =	seq.s32 s10, $0x1;
	s10 =	sld [smem:$0x3FB1]  }
0x3d: {  	_ =	shalt  }
0x3e: {  	_ =	shalt  }
0x3f: {  	_ =	shalt  }
0x40: {  	_ =	shalt  }
0x41: {  	_ =	shalt  }
0x42: {  	_ =	shalt  }
0x43: {  	_ =	shalt  }
0x44: {  	_ =	shalt  }
0x45: {  	_ =	shalt  }
0x46: {  	_ =	shalt  }
0x47: {  	_ =	shalt  }
0x48: {  	_ =	shalt  }
0x49: {  	_ =	shalt  }
0x4a: {  	_ =	shalt  }
0x4b: {  	_ =	shalt  }
0x4c: {  	_ =	shalt  }
0x4d: {  	_ =	shalt  }
0x4e: {  	_ =	shalt  }
0x4f: {  	_ =	shalt  }
0x50: {  	_ =	shalt  }
0x51: {  	_ =	shalt  }
0x52: {  	_ =	shalt  }
0x53: {  	_ =	shalt  }
0x54: {  	_ =	shalt  }
0x55: {  	_ =	shalt  }
0x56: {  	_ =	shalt  }
0x57: {  	_ =	shalt  }
0x58: {  	_ =	shalt  }
0x59: {  	_ =	shalt  }
0x5a: {  	_ =	shalt  }
0x5b: {  	_ =	shalt  }
0x5c: {  	_ =	shalt  }
0x5d: {  	_ =	shalt  }
0x5e: {  	_ =	shalt  }
0x5f: {  	_ =	shalt  }
0x60: {  	_ =	shalt  }
0x61: {  	_ =	shalt  }
0x62: {  	_ =	shalt  }
0x63: {  	_ =	shalt  }
0x64: {  	_ =	shalt  }
0x65: {  	_ =	shalt  }
0x66: {  	_ =	shalt  }
0x67: {  	_ =	shalt  }
0x68: {  	_ =	shalt  }
0x69: {  	_ =	shalt  }
0x6a: {  	_ =	shalt  }
0x6b: {  	_ =	shalt  }
0x6c: {  	_ =	shalt  }
0x6d: {  	_ =	shalt  }
0x6e: {  	_ =	shalt  }
0x6f: {  	_ =	shalt  }
0x70: {  	_ =	shalt  }
0x71: {  	_ =	shalt  }
0x72: {  	_ =	shalt  }
0x73: {  	_ =	shalt  }
0x74: {  	_ =	shalt  }
0x75: {  	_ =	shalt  }
0x76: {  	_ =	shalt  }
0x77: {  	_ =	shalt  }
0x78: {  	_ =	shalt  }
0x79: {  	_ =	shalt  }
0x7a: {  	_ =	shalt  }
0x7b: {  	_ =	shalt  }
0x7c: {  	_ =	shalt  }
0x7d: {  	_ =	shalt  }
0x7e: {  	_ =	shalt  }
0x7f: {  	_ =	shalt  }
0x80: {  	_ =	shalt  }
0x81: {  	_ =	shalt  }
0x82: {  	_ =	shalt  }
0x83: {  	_ =	shalt  }
0x84: {  	_ =	shalt  }
0x85: {  	_ =	shalt  }
0x86: {  	_ =	shalt  }
0x87: {  	_ =	shalt  }
.Lfunc_end0:
.L_simem_size_0:
called_computation_lowered:
.L_overlay_start_0:
0x88: {  	s2 =	sld [smem:$0x3FD9]  }
0x89: {  	s3 =	sld [smem:$0x3FFE];
	_ =	sdelay $0x1  }
0x8a: {  	s1 =	srdreg.scid  }
0x8b: {  	s0 =	sand.u32 $0x1, s1  }
0x8c: {  	s17 =	sshll.u32 s0, $0xA;
	s2 =	sadd.s32 s3, s2  }
0x8d: {  	s2 =	sadd.s32 s2, s17  }
0x8e: {  	[smem:$0x3FBD] =	sst s2  }
0x8f: {  	_ = 	snop  }
0x90: {  	s2 =	sld [smem:$0x3FC9]  }
0x91: {  	s18 =	sld [smem:$0x3FD0];
	(tm) =	ssettm $0x1  }
0x92: {  	s4 =	sld [smem:$0x3FFB];
	_ =	sdelay $0x3  }
0x93: {  	_ =	strace s4  }
0x94: {  	s4 =	sld [smem:$0x3FFC];
	_ =	sdelay $0x3  }
0x95: {  	_ =	strace s4  }
0x96: {  	s4 =	sld [smem:$0x3FFD];
	_ =	sdelay $0x3  }
0x97: {  	_ =	strace s4  }
0x98: {  	_ =	strace $0x8FFFFFFF  }
0x99: {  	s19 =	sld [smem:$0x3FDB];
	_ =	sdelay $0x1  }
0x9a: {  	s5 =	simm.s32 $_scs_section_size  }
0x9b: {  	s6 =	simm.s32 $_size__tile_overlayer_lowered;
	s7 =	simm.s32 $_tile_overlayer_lowered  }
0x9c: {  	s22 =	simm.s32 $0x1BFF;
	s21 =	sshll.u32 s7, $0x1;
	s4 =	sadd.s32 s5, s19  }
0x9d: {  	s8 =	simm.s32 $0x0;
	s20 =	sshll.u32 s6, $0x1;
	s6 =	sadd.s32 s21, s4  }
0x9e: {  	[timem:s8], [sflag:s22] =	dma.local [hbm:s6], s20  }
0x9f: {  	_ =	swait.ge [sflag:s22], s20  }
0xa0: {  	s5 =	ssub.s32 $0x0, s20;
	[sflag:s22] =	ssyncset.done $0x0  }
0xa1: {  	[sflag:s22] =	ssyncadd.s32 s5;
	_ =	sdelay $0x1  }
0xa2: {  	s23 =	simm.s32 $0x1B8B  }
0xa3: {  	_ =	swait.ge [sflag:s23], $0x1  }
0xa4: {  	[sflag:s23] =	ssyncset.done $0x0  }
0xa5: {  	s25 =	simm.s32 $0x1B8E;
	s24 =	sld [smem:$0x3FFE];
	[sflag:s23] =	ssyncadd.s32 $0xFFFFFFFF  }
0xa6: {  	s26 =	simm.s32 $execute0_lowered;
	[smem:$0x3FD2] =	sst s25  }
0xa7: {  	s6 =	sshll.u32 s26, $0x1;
	_ =	strace $0x80000046;
	[dreg:$0x1] =	wrdreg $0xFFFFFFFF  }
0xa8: {  	s28 =	simm.s32 $_size_execute0_lowered;
	s4 =	sadd.s32 s4, s6;
	[dreg:$0x0] =	wrdreg $0x0  }
0xa9: {  	s6 =	sshll.u32 s28, $0x1;
	[dreg:$0x2] =	wrdreg s4  }
0xaa: {  	[dreg:$0x3] =	wrdreg s6  }
0xab: {  	[dreg:$0x4] =	wrdreg $0xC0  }
0xac: {  	_ =	task [dreg:s8], $0x5FFFF  }
0xad: {  	[dreg:$0x1] =	wrdreg $0xFFFFFFFF  }
0xae: {  	[dreg:$0x0] =	wrdreg $0x60  }
0xaf: {  	[dreg:$0x2] =	wrdreg s24  }
0xb0: {  	[dreg:$0x3] =	wrdreg s18  }
0xb1: {  	[dreg:$0x4] =	wrdreg s2  }
0xb2: {  	[dreg:$0x5] =	wrdreg $0xA4000  }
0xb3: {  	[dreg:$0x6] =	wrdreg $0x9  }
0xb4: {  	_ =	task.clear_ibuf [dreg:s8], $0x7FFFF;
	_ =	strace $0x90000046  }
0xb5: {  	s29 =	simm.s32 $0x9;
	_ =	strace $0x80000048  }
0xb6: {  	_ =	swait.ge [sflag:s29], $0x1  }
0xb7: {  	[sflag:s29] =	ssyncadd.s32 $0xFFFFFFFF  }
0xb8: {  	_ =	strace $0x90000048  }
0xb9: {  	_ =	sfence  }
0xba: {  	s30 =	sld [smem:$0x0];
	_ =	sdelay $0x2  }
0xbb: {  	s31 =	sshll.u32 s1, $0xD;
	s1 =	sshrl.u32 s1, $0x2  }
0xbc: {  	s3 =	sand.u32 $0x4000, s31;
	s1 =	sadd.s32 s1, s30  }
0xbd: {  	s0 =	sor.u32 s3, s0;
	s1 =	sshll.u32 s1, $0x11  }
0xbe: {  	s0 =	sor.u32 s1, s0  }
0xbf: {  	s0 =	sadd.s32 $0x8F2B, s0  }
0xc0: {  	[sflag:s0] =	ssyncadd.remote.s32 $0x1  }
0xc1: {  	_ =	sfence.sel $0xFFFF  }
0xc2: {  	[dreg:$0x0] =	wrdreg $0xFFFFFFFF;
	(pc) =	sbr.abs _section_cstart, $3  }
0xc3: {  	[dreg:$0x1] =	wrdreg $0xFFFFFFFF  }
0xc4: {  	_ =	task.clear_ibuf [dreg:s8], $0x2FFFF;
	_ =	strace $0x9FFFFFFF  }
0xc5: {  	(tm) =	ssettm $0x7FFFFFFF  }
tec
execute0_lowered:
.L_overlay_start_1:
0x0: {  	(tag) =	ssettag $0x1  }
0x1: {  	s0 =	rddreg [dreg:$0x0]  }
0x2: {  	s5 =	rddreg [dreg:$0x1]  }
0x3: {  	s1 =	rddreg [dreg:$0x2]  }
0x4: {  	s2 =	rddreg [dreg:$0x3];
	s3 =	simm.s32 $0x0;
	s8 =	srdreg.scid  }
0x5: {  	s15 =	stileid.u32;
	s28 =	simm.s32 $0x400;
	s30 =	simm.s32 $0x280  }
0x6: {  	s31 =	simm.s32 $0x2C00;
	s29 =	simm.s32 $0x5;
	s4 =	sadd.s32 $0x4F0400, s0  }
0x7: {  	s16 =	simm.s32 $0x0;
	s6 =	sadd.s32 $0x4E6600, s0;
	s7 =	sadd.s32 $0x4FA200, s0  }
0x8: {  	[smem:$0x7FF] =	sst s3;
	s0 =	sadd.s32 $0x9DC200, s0;
	s11 =	smul.u32 $0x4E000, s15  }
0x9: {  	s9 =	sand.u32 $0x1, s8;
	s10 =	sshll.u32 s15, $0x1;
	s13 =	smul.u32 $0x13800, s15  }
0xa: {  	s14 =	sshll.u32 s15, $0x6;
	s18 =	sadd.s32 $0x138000, s2;
	p0 =	sne.s32 s15, $0xF  }
0xb: {  	s15 =	simm.s32 $0x7C00;
	_ =	strace $0x80000047;
	s8 =	ssub.s32 $0x2, s9  }
0xc: {  	s10 =	sor.u32 s9, s10;
	[dreg:$0x7] =	wrdreg s18;
	s9 =	smul.u32 $0x138800, s9  }
0xd: {  	s12 =	sshrl.u32 s8, $0x1;
	s11 =	sshrl.u32 s11, $0x2;
	s17 =	sshrl.u32 s13, $0x3  }
0xe: {  	s12 =	ssub.s32 s8, s12;
	s8 =	smul.u32 $0x2710, s10;
	s11 =	sadd.s32 s11, s2  }
0xf: {  	s10 =	smul.u32 $0x27100, s10;
	s24 =	sadd.s32 s13, s9;
	s9 =	sshrl.u32 s9, $0x3  }
0x10: {  	s13 =	simm.s32 $0xA;
	[dreg:$0x5] =	wrdreg s11;
	s11 =	sadd.s32 s5, s17  }
0x11: {  	s5 =	sadd.s32 $0x27000, s5;
	s9 =	sadd.s32 s0, s9;
	s26 =	smax.u32 s12, $0x1  }
0x12: {  	s12 =	simm.s32 $0x5400;
	[dreg:$0x6] =	wrdreg s11;
	s11 =	sor.u32 $0x1C0D, s14  }
0x13: {  	[dreg:$0x8] =	wrdreg s5;
	s19 =	sshrl.u32 s8, $0x3;
	s21 =	sadd.s32 $0x50, s8  }
0x14: {  	s10 =	sadd.s32 s7, s10;
	s25 =	sadd.s32 $0x27000, s9;
	[dreg:$0x11] =	wrdreg s26  }
0x15: {  	s26 =	simm.s32 $0x200;
	s9 =	simm.s32 $0x9;
	[dreg:$0xb] =	wrdreg s10  }
0x16: {  	s14 =	simm.s32 $0x380;
	s20 =	sadd.s32 s4, s19;
	[dreg:$0x10] =	wrdreg s25  }
0x17: {  	s5 =	sadd.s32 s6, s19;
	s22 =	sshrl.u32 s21, $0x3;
	[dreg:$0x9] =	wrdreg s20  }
0x18: {  	s19 =	simm.s32 $0xD;
	[dreg:$0xa] =	wrdreg s5;
	s23 =	sadd.s32 s4, s22  }
.Ltmp0:
0x19: {  	s10 =	sadd.s32 s6, s22;
	s5 =	sshll.u32 s21, $0x4;
	(pc) =	sbr.rel .LBB2_1-.Ltmp0, $4  }
0x1a: {  	s20 =	sadd.s32 $0x140, s8;
	[dreg:$0xc] =	wrdreg s23;
	s5 =	sadd.s32 s7, s5  }
0x1b: {  	s21 =	sadd.s32 $0x190, s8;
	[dreg:$0xe] =	wrdreg s5;
	s5 =	sshrl.u32 s24, $0x3  }
0x1c: {  	[dreg:$0xd] =	wrdreg s10;
	s10 =	simm.s32 $0x300;
	s0 =	sadd.s32 s0, s5  }
0x1d: {  	s5 =	simm.s32 $0x50;
	[dreg:$0xf] =	wrdreg s0;
	s0 =	simm.s32 $0x1  }
.LBB2_21:
0x1e: {  	[bflag:$0x0] =	sbarrier.arrive $0xFFFF  }
0x1f: {  	s17 =	rddreg [dreg:$0xf]  }
0x20: {  	s19 =	simm.s32 $0xD;
	s18 =	rddreg [dreg:$0x12]  }
0x21: {  	[hbm:s17], [sflag:s11] =	dma.local [spmem:s18], $0x2700  }
0x22: {  	_ =	swait.ge [sflag:s19], $0x2700  }
0x23: {  	[sflag:s19] =	ssyncset.done $0x0;
	s17 =	rddreg [dreg:$0x10]  }
0x24: {  	s18 =	rddreg [dreg:$0x13];
	[sflag:s19] =	ssyncadd.s32 $0xFFFFD900  }
0x25: {  	[hbm:s17], [sflag:s11] =	dma.local @!p0 [spmem:s18], $0x100  }
0x26: {  	s17 =	simm.s32 @!p0 $0xD  }
0x27: {  	_ =	swait.ge @!p0 [sflag:s17], $0x100  }
0x28: {  	s16 =	sadd.s32 $0x1, s16;
	s25 =	rddreg [dreg:$0x11]  }
0x29: {  	p1 =	sne.s32 s16, s25  }
.Ltmp1:
0x2a: {  	_ = 	snop;
	(pc) =	sbr.rel @!p1 .LBB2_22-.Ltmp1, $3  }
0x2b: {  	_ =	sdelay $0x1  }
0x2c: {  	[sflag:s17] =	ssyncset.done @!p0 $0x0  }
0x2d: {  	[sflag:s17] =	ssyncadd.s32 @!p0 $0xFFFFFF00  }
.LBB2_1:
0x2e: {  	s17 =	rddreg [dreg:$0x5]  }
0x2f: {  	s24 =	rddreg [dreg:$0x6];
	s18 =	sshrl.u32 s17, $0x3  }
0x30: {  	[dreg:$0x12] =	wrdreg s18  }
0x31: {  	[spmem:s18], [sflag:s11] =	dma.local [hbm:s24], $0x2700  }
0x32: {  	_ =	swait.ge [sflag:s19], $0x2700  }
0x33: {  	s17 =	rddreg [dreg:$0x7]  }
0x34: {  	[sflag:s19] =	ssyncset.done $0x0;
	s18 =	sshrl.u32 @!p0 s17, $0x3;
	s17 =	rddreg [dreg:$0x8]  }
0x35: {  	[sflag:s19] =	ssyncadd.s32 $0xFFFFD900;
	[dreg:$0x13] =	wrdreg s18  }
0x36: {  	[spmem:s18], [sflag:s11] =	dma.local @!p0 [hbm:s17], $0x100  }
0x37: {  	s17 =	simm.s32 @!p0 $0xD  }
0x38: {  	_ =	swait.ge @!p0 [sflag:s17], $0x100  }
0x39: {  	[sflag:s17] =	ssyncset.done @!p0 $0x0  }
0x3a: {  	[sflag:s17] =	ssyncadd.s32 @!p0 $0xFFFFFF00  }
0x3b: {  	[bflag:$0x0] =	sbarrier.arrive $0xFFFF  }
0x3c: {  	s25 =	rddreg [dreg:$0x9]  }
0x3d: {  	[tilespmem:s3], [sflag:$0x1] =	stream.linear.gather [hbm4b:s25+s3], $0x50, $0x38;
	[tilespmem:$0x1DC80] =	vst v63  }
0x3e: {  	s18 =	rddreg [dreg:$0xa]  }
0x3f: {  	[tilespmem:s26], [sflag:$0x1] =	stream.linear.gather [hbm4b:s18+s3], $0x50, $0x38;
	[tilespmem:$0x1DC80] =	vst v63  }
0x40: {  	s19 =	rddreg [dreg:$0xb]  }
0x41: {  	[tilespmem:s28], [sflag:$0x1] =	stream.linear.gather [hbm4b:s19+s3], $0x2800, $0x38;
	[tilespmem:$0x1DC80] =	vst v63  }
0x42: {  	s23 =	simm.s32 $0x80;
	s22 =	rddreg [dreg:$0xc]  }
0x43: {  	[tilespmem:s23], [sflag:$0x2] =	stream.linear.gather [hbm4b:s22+s3], $0x50, $0x38;
	[tilespmem:$0x1DC80] =	vst v63  }
0x44: {  	s24 =	rddreg [dreg:$0xd]  }
0x45: {  	[tilespmem:s30], [sflag:$0x2] =	stream.linear.gather [hbm4b:s24+s3], $0x50, $0x38;
	[tilespmem:$0x1DC80] =	vst v63  }
0x46: {  	s25 =	rddreg [dreg:$0xe]  }
0x47: {  	[tilespmem:s31], [sflag:$0x2] =	stream.linear.gather [hbm4b:s25+s3], $0x2800, $0x38;
	[tilespmem:$0x1DC80] =	vst v63  }
0x48: {  	_ =	swait.ge [sflag:s0], $0x50  }
0x49: {  	[sflag:s0] =	ssyncset.done $0x0  }
0x4a: {  	[sflag:s0] =	ssyncadd.s32 $0xFFFFFFB0  }
0x4b: {  	_ =	swait.ge [sflag:s0], $0x50  }
0x4c: {  	[sflag:s0] =	ssyncset.done $0x0  }
.Ltmp2:
0x4d: {  	[sflag:s0] =	ssyncadd.s32 $0xFFFFFFB0;
	(pc) =	sbr.rel .LBB2_2-.Ltmp2, $4  }
0x4e: {  	_ =	swait.ge [sflag:s0], $0x2800  }
0x4f: {  	[sflag:s0] =	ssyncset.done $0x0  }
0x50: {  	s19 =	simm.s32 $0x0;
	[sflag:s0] =	ssyncadd.s32 $0xFFFFD800  }
0x51: {  	[tilespmem:s28], [sflag:$0x5] =	stream.indirect.gather.add.f32 [hbm:s1], $0x80, s3, s5, $0xb8;
	[tilespmem:$0x1DC80] =	vst v63  }
.LBB2_20:
0x52: {  	s19 =	sadd.s32 $0x1, s19  }
0x53: {  	p1 =	sne.s32 s19, $0x20  }
.Ltmp3:
0x54: {  	_ = 	snop;
	(pc) =	sbr.rel @!p1 .LBB2_21-.Ltmp3, $1  }
0x55: {  	_ =	sdelay $0x3  }
.LBB2_2:
0x56: {  	s22 =	sshll.u32 s19, $0x2  }
0x57: {  	_ =	swait.ge [sflag:s29], $0x2800;
	s17 =	sadd.s32 $0xFFFFFFFE, s22;
	s23 =	sor.u32 $0x2, s22  }
0x58: {  	[sflag:s29] =	ssyncset.done $0x0;
	p1 =	sgt.u32 s17, $0x7C;
	p3 =	sgt.u32 s23, $0x7C  }
0x59: {  	[sflag:s29] =	ssyncadd.s32 $0xFFFFD800;
	s17 =	simm.s32 @!p1 $0xB;
	s23 =	smul.u32 @!p3 $0x50, s23  }
0x5a: {  	_ =	swait.ge @!p1 [sflag:s17], $0x2800  }
0x5b: {  	[sflag:s17] =	ssyncset.done @!p1 $0x0;
	s23 =	sadd.s32 @!p3 s8, s23  }
0x5c: {  	[sflag:s17] =	ssyncadd.s32 @!p1 $0xFFFFD800;
	s17 =	sshrl.u32 @!p3 s23, $0x3  }
0x5d: {  	s25 =	simm.s32 @!p3 $0x0;
	s18 =	simm.s32 @!p3 $0x100;
	s24 =	sadd.s32 @!p3 s4, s17  }
0x5e: {  	[tilespmem:s18], [sflag:$0x3] =	stream.linear.gather @!p3 [hbm4b:s24+s25], $0x50, $0x38;
	[tilespmem:$0x1DC80] =	vst v63  }
0x5f: {  	s17 =	sadd.s32 @!p3 s6, s17;
	s18 =	simm.s32 @!p3 $0x300  }
0x60: {  	[tilespmem:s18], [sflag:$0x3] =	stream.linear.gather @!p3 [hbm4b:s17+s25], $0x50, $0x38;
	[tilespmem:$0x1DC80] =	vst v63  }
0x61: {  	s17 =	sshll.u32 @!p3 s23, $0x4  }
0x62: {  	p1 =	sgt.u32 s19, $0x1E;
	s18 =	simm.s32 @!p3 $0x5400;
	s17 =	sadd.s32 @!p3 s7, s17  }
0x63: {  	[tilespmem:s18], [sflag:$0x3] =	stream.linear.gather @!p3 [hbm4b:s17+s25], $0x2800, $0x38;
	[tilespmem:$0x1DC80] =	vst v63  }
0x64: {  	s17 =	simm.s32 @!p1 $0x2  }
0x65: {  	_ =	swait.ge @!p1 [sflag:s17], $0x50  }
0x66: {  	[sflag:s17] =	ssyncset.done @!p1 $0x0  }
0x67: {  	[sflag:s17] =	ssyncadd.s32 @!p1 $0xFFFFFFB0  }
0x68: {  	_ =	swait.ge @!p1 [sflag:s17], $0x50  }
0x69: {  	[sflag:s17] =	ssyncset.done @!p1 $0x0  }
0x6a: {  	[sflag:s17] =	ssyncadd.s32 @!p1 $0xFFFFFFB0  }
0x6b: {  	_ =	swait.ge @!p1 [sflag:s17], $0x2800  }
0x6c: {  	s23 =	simm.s32 @!p1 $0x2C00;
	[sflag:s17] =	ssyncset.done @!p1 $0x0  }
0x6d: {  	s18 =	simm.s32 @!p1 $0x80;
	[sflag:s17] =	ssyncadd.s32 @!p1 $0xFFFFD800;
	s17 =	simm.s32 @!p1 $0x50  }
0x6e: {  	[tilespmem:s23], [sflag:$0x6] =	stream.indirect.gather.add.f32 @!p1 [hbm:s1], $0x80, s18, s17, $0xb8;
	[tilespmem:$0x1DC80] =	vst v63  }
0x6f: {  	s23 =	simm.s32 $0x500  }
0x70: {  	v0 =	vld [tilespmem:s23+$0xFFFFFF10]  }
0x71: {  	v6 =	vld [tilespmem:s23+$0xF0]  }
0x72: {  	v1 =	vld [tilespmem:s23+$0xFFFFFF20]  }
0x73: {  	v7 =	vld [tilespmem:s23+$0xFFFFFF80]  }
0x74: {  	v2 =	vld [tilespmem:s23+$0xFFFFFF30]  }
0x75: {  	v8 =	vld [tilespmem:s23+$0xFFFFFF90];
	v0 =	vmax.f32 v0, $0.0e+00  }
0x76: {  	v3 =	vld [tilespmem:s23+$0xFFFFFF40];
	v6 =	vmax.f32 v6, $0.0e+00;
	[tilespmem:s23+$0xFFFFFF10] =	vst v0  }
0x77: {  	v4 =	vld [tilespmem:s23+$0xFFFFFF50];
	v1 =	vmax.f32 v1, $0.0e+00;
	[tilespmem:s23+$0xF0] =	vst v6  }
0x78: {  	v5 =	vld [tilespmem:s23+$0xFFFFFF60];
	[tilespmem:s23+$0xFFFFFF20] =	vst v1;
	v1 =	vmax.f32 v7, $0.0e+00  }
0x79: {  	v0 =	vld [tilespmem:s23+$0xFFFFFF70];
	[tilespmem:s23+$0xFFFFFF80] =	vst v1;
	v1 =	vmax.f32 v2, $0.0e+00  }
0x7a: {  	v9 =	vld [tilespmem:s23+$0xFFFFFFA0];
	[tilespmem:s23+$0xFFFFFF30] =	vst v1;
	v1 =	vmax.f32 v8, $0.0e+00  }
0x7b: {  	v10 =	vld [tilespmem:s23+$0xFFFFFFB0];
	[tilespmem:s23+$0xFFFFFF90] =	vst v1;
	v1 =	vmax.f32 v3, $0.0e+00  }
0x7c: {  	v6 =	vld [tilespmem:s23+$0xFFFFFFC0];
	[tilespmem:s23+$0xFFFFFF40] =	vst v1;
	v1 =	vmax.f32 v4, $0.0e+00  }
0x7d: {  	v4 =	vld [tilespmem:s23+$0x0];
	[tilespmem:s23+$0xFFFFFF50] =	vst v1;
	v1 =	vmax.f32 v5, $0.0e+00  }
0x7e: {  	v7 =	vld [tilespmem:s23+$0xFFFFFFD0];
	v0 =	vmax.f32 v0, $0.0e+00;
	[tilespmem:s23+$0xFFFFFF60] =	vst v1  }
0x7f: {  	v1 =	vld [tilespmem:s23+$0x10];
	[tilespmem:s23+$0xFFFFFF70] =	vst v0;
	v0 =	vmax.f32 v9, $0.0e+00  }
0x80: {  	v2 =	vld [tilespmem:s23+$0xFFFFFFE0];
	[tilespmem:s23+$0xFFFFFFA0] =	vst v0;
	v0 =	vmax.f32 v10, $0.0e+00  }
0x81: {  	v3 =	vld [tilespmem:s23+$0xFFFFFFF0];
	[tilespmem:s23+$0xFFFFFFB0] =	vst v0;
	v0 =	vmax.f32 v6, $0.0e+00  }
0x82: {  	v5 =	vld [tilespmem:s23+$0x20];
	[tilespmem:s23+$0xFFFFFFC0] =	vst v0;
	v0 =	vmax.f32 v4, $0.0e+00  }
0x83: {  	v4 =	vld [tilespmem:s23+$0x50];
	[tilespmem:s23+$0x0] =	vst v0;
	v0 =	vmax.f32 v7, $0.0e+00  }
0x84: {  	v63 =	vld [tilespmem:s23+$0x30];
	[tilespmem:s23+$0xFFFFFFD0] =	vst v0;
	v0 =	vmax.f32 v1, $0.0e+00  }
0x85: {  	v6 =	vld [tilespmem:s23+$0x40];
	[tilespmem:s23+$0x10] =	vst v0;
	v0 =	vmax.f32 v2, $0.0e+00  }
0x86: {  	v1 =	vld [tilespmem:s23+$0x60];
	[tilespmem:s23+$0xFFFFFFE0] =	vst v0;
	v0 =	vmax.f32 v3, $0.0e+00  }
0x87: {  	v2 =	vld [tilespmem:s23+$0x80];
	[tilespmem:s23+$0xFFFFFFF0] =	vst v0;
	v0 =	vmax.f32 v5, $0.0e+00  }
0x88: {  	v3 =	vld [tilespmem:s23+$0x70];
	v4 =	vmax.f32 v4, $0.0e+00;
	[tilespmem:s23+$0x20] =	vst v0  }
0x89: {  	v5 =	vld [tilespmem:s23+$0x90];
	v0 =	vmax.f32 v63, $0.0e+00;
	[tilespmem:s23+$0x50] =	vst v4  }
0x8a: {  	[tilespmem:s23+$0x30] =	vst v0;
	v0 =	vmax.f32 v6, $0.0e+00;
	v6 =	vld [tilespmem:s23+$0xA0]  }
0x8b: {  	v4 =	vmax.f32 v1, $0.0e+00;
	[tilespmem:s23+$0x40] =	vst v0;
	v0 =	vld [tilespmem:s23+$0xB0]  }
0x8c: {  	v1 =	vld [tilespmem:s23+$0xC0];
	[tilespmem:s23+$0x60] =	vst v4;
	v4 =	vmax.f32 v2, $0.0e+00  }
0x8d: {  	v2 =	vld [tilespmem:s23+$0xD0];
	v3 =	vmax.f32 v3, $0.0e+00;
	[tilespmem:s23+$0x80] =	vst v4  }
0x8e: {  	[tilespmem:s23+$0x70] =	vst v3;
	v5 =	vmax.f32 v5, $0.0e+00;
	v3 =	vld [tilespmem:s23+$0xE0]  }
0x8f: {  	s24 =	simm.s32 $0x0;
	s25 =	simm.s32 $0x700;
	v4 =	vld [tilespmem:s23+$0xFFFFFF00];
	[tilespmem:s23+$0x90] =	vst v5;
	v5 =	vmax.f32 v6, $0.0e+00  }
.LBB2_3:
0x90: {  	v6 =	vld [tilespmem:s25+$0xF0];
	s24 =	sadd.s32 $0x4, s24;
	[tilespmem:s23+$0xA0] =	vst v5;
	v0 =	vmax.f32 v0, $0.0e+00  }
0x91: {  	v5 =	vld [tilespmem:s25+$0xFFFFFF10];
	p2 =	slt.u32 s24, $0x4C;
	[tilespmem:s23+$0xB0] =	vst v0;
	v0 =	vmax.f32 v1, $0.0e+00  }
0x92: {  	v1 =	vld [tilespmem:s25+$0xFFFFFF20];
	[tilespmem:s23+$0xC0] =	vst v0;
	v0 =	vmax.f32 v2, $0.0e+00  }
0x93: {  	v2 =	vld [tilespmem:s25+$0xFFFFFF30];
	[tilespmem:s23+$0xD0] =	vst v0;
	v0 =	vmax.f32 v3, $0.0e+00  }
0x94: {  	v3 =	vld [tilespmem:s25+$0xFFFFFF40];
	v4 =	vmax.f32 v4, $0.0e+00;
	[tilespmem:s23+$0xE0] =	vst v0  }
0x95: {  	v0 =	vld [tilespmem:s25+$0xFFFFFF50];
	v6 =	vmax.f32 v6, $0.0e+00;
	[tilespmem:s23+$0xFFFFFF00] =	vst v4;
	s23 =	smov.u32 s25  }
0x96: {  	v4 =	vmax.f32 v5, $0.0e+00;
	v5 =	vld [tilespmem:s25+$0xFFFFFF60];
	[tilespmem:s25+$0xF0] =	vst v6  }
0x97: {  	[tilespmem:s25+$0xFFFFFF10] =	vst v4;
	v1 =	vmax.f32 v1, $0.0e+00;
	v4 =	vld [tilespmem:s25+$0xFFFFFF70]  }
0x98: {  	[tilespmem:s25+$0xFFFFFF20] =	vst v1;
	v1 =	vmax.f32 v2, $0.0e+00;
	v2 =	vld [tilespmem:s25+$0xFFFFFF80]  }
0x99: {  	[tilespmem:s25+$0xFFFFFF30] =	vst v1;
	v1 =	vmax.f32 v3, $0.0e+00;
	v3 =	vld [tilespmem:s25+$0xFFFFFF90]  }
0x9a: {  	[tilespmem:s25+$0xFFFFFF40] =	vst v1;
	v0 =	vmax.f32 v0, $0.0e+00;
	v1 =	vld [tilespmem:s25+$0xFFFFFFA0]  }
0x9b: {  	[tilespmem:s25+$0xFFFFFF50] =	vst v0;
	v0 =	vmax.f32 v5, $0.0e+00;
	v5 =	vld [tilespmem:s25+$0xFFFFFFB0]  }
0x9c: {  	[tilespmem:s25+$0xFFFFFF60] =	vst v0;
	v0 =	vmax.f32 v4, $0.0e+00;
	v4 =	vld [tilespmem:s25+$0xFFFFFFC0]  }
0x9d: {  	[tilespmem:s25+$0xFFFFFF70] =	vst v0;
	v0 =	vmax.f32 v2, $0.0e+00;
	v2 =	vld [tilespmem:s25+$0xFFFFFFD0]  }
0x9e: {  	[tilespmem:s25+$0xFFFFFF80] =	vst v0;
	v0 =	vmax.f32 v3, $0.0e+00;
	v3 =	vld [tilespmem:s25+$0xFFFFFFE0]  }
0x9f: {  	[tilespmem:s25+$0xFFFFFF90] =	vst v0;
	v0 =	vmax.f32 v1, $0.0e+00;
	v1 =	vld [tilespmem:s25+$0xFFFFFFF0]  }
0xa0: {  	[tilespmem:s25+$0xFFFFFFA0] =	vst v0;
	v0 =	vmax.f32 v5, $0.0e+00;
	v5 =	vld [tilespmem:s25+$0x0]  }
0xa1: {  	[tilespmem:s25+$0xFFFFFFB0] =	vst v0;
	v0 =	vmax.f32 v4, $0.0e+00;
	v4 =	vld [tilespmem:s25+$0x10]  }
0xa2: {  	[tilespmem:s25+$0xFFFFFFC0] =	vst v0;
	v0 =	vmax.f32 v2, $0.0e+00;
	v2 =	vld [tilespmem:s25+$0x20]  }
0xa3: {  	[tilespmem:s25+$0xFFFFFFD0] =	vst v0;
	v0 =	vmax.f32 v3, $0.0e+00;
	v3 =	vld [tilespmem:s25+$0x30]  }
0xa4: {  	[tilespmem:s25+$0xFFFFFFE0] =	vst v0;
	v0 =	vmax.f32 v1, $0.0e+00;
	v1 =	vld [tilespmem:s25+$0x40]  }
0xa5: {  	[tilespmem:s25+$0xFFFFFFF0] =	vst v0;
	v0 =	vmax.f32 v5, $0.0e+00;
	v5 =	vld [tilespmem:s25+$0x50]  }
0xa6: {  	[tilespmem:s25+$0x0] =	vst v0;
	v0 =	vmax.f32 v4, $0.0e+00;
	v4 =	vld [tilespmem:s25+$0x60]  }
0xa7: {  	[tilespmem:s25+$0x10] =	vst v0;
	v0 =	vmax.f32 v2, $0.0e+00;
	v2 =	vld [tilespmem:s25+$0x70]  }
0xa8: {  	[tilespmem:s25+$0x20] =	vst v0;
	v0 =	vmax.f32 v3, $0.0e+00;
	v3 =	vld [tilespmem:s25+$0x80]  }
0xa9: {  	[tilespmem:s25+$0x30] =	vst v0;
	v0 =	vmax.f32 v1, $0.0e+00;
	v6 =	vld [tilespmem:s25+$0x90]  }
0xaa: {  	[tilespmem:s25+$0x40] =	vst v0;
	v0 =	vmax.f32 v5, $0.0e+00;
	v5 =	vld [tilespmem:s25+$0xA0]  }
.Ltmp4:
0xab: {  	[tilespmem:s25+$0x50] =	vst v0;
	v1 =	vmax.f32 v4, $0.0e+00;
	v0 =	vld [tilespmem:s25+$0xB0];
	(pc) =	sbr.rel @p2 .LBB2_3-.Ltmp4, $4  }
0xac: {  	[tilespmem:s25+$0x60] =	vst v1;
	v2 =	vmax.f32 v2, $0.0e+00;
	v1 =	vld [tilespmem:s25+$0xC0]  }
0xad: {  	[tilespmem:s25+$0x70] =	vst v2;
	v3 =	vmax.f32 v3, $0.0e+00;
	v2 =	vld [tilespmem:s25+$0xD0]  }
0xae: {  	[tilespmem:s25+$0x80] =	vst v3;
	v6 =	vmax.f32 v6, $0.0e+00;
	v3 =	vld [tilespmem:s25+$0xE0]  }
0xaf: {  	s25 =	sadd.s32 $0x200, s25;
	v4 =	vld [tilespmem:s23+$0xFFFFFF00];
	[tilespmem:s23+$0x90] =	vst v6;
	v5 =	vmax.f32 v5, $0.0e+00  }
0xb0: {  	[tilespmem:s23+$0xA0] =	vst v5;
	v0 =	vmax.f32 v0, $0.0e+00  }
0xb1: {  	[tilespmem:s23+$0xB0] =	vst v0;
	v60 =	vmax.f32 v1, $0.0e+00  }
0xb2: {  	[tilespmem:s23+$0xC0] =	vst v60;
	v61 =	vmax.f32 v2, $0.0e+00  }
0xb3: {  	[tilespmem:s23+$0xD0] =	vst v61;
	v62 =	vmax.f32 v3, $0.0e+00  }
0xb4: {  	v63 =	vmax.f32 v4, $0.0e+00;
	[tilespmem:s23+$0xE0] =	vst v62  }
0xb5: {  	s17 =	simm.s32 @!p1 $0x6;
	[tilespmem:s23+$0xFFFFFF00] =	vst v63  }
0xb6: {  	[spmem:s2] =	stream.indirect.scatter.add.f32 [tilespmem:s28], [sflag:$0x9], $0x80, s26, s5, $0xb8;
	[tilespmem:$0x1DC80] =	vst v63  }
0xb7: {  	s18 =	sadd.s32 $0xFFFFFFFF, s22;
	s22 =	sor.u32 $0x3, s22;
	_ =	swait.ge @!p1 [sflag:s17], $0x2800  }
0xb8: {  	p4 =	sgt.u32 s18, $0x7C;
	p2 =	sgt.u32 s22, $0x7C;
	[sflag:s17] =	ssyncset.done @!p1 $0x0  }
0xb9: {  	s18 =	smul.u32 @!p2 $0x50, s22;
	[sflag:s17] =	ssyncadd.s32 @!p1 $0xFFFFD800;
	s17 =	simm.s32 @!p4 $0xC  }
0xba: {  	_ =	swait.ge @!p4 [sflag:s17], $0x2800  }
0xbb: {  	s18 =	sadd.s32 @!p2 s8, s18;
	[sflag:s17] =	ssyncset.done @!p4 $0x0  }
0xbc: {  	[sflag:s17] =	ssyncadd.s32 @!p4 $0xFFFFD800;
	s17 =	sshrl.u32 @!p2 s18, $0x3  }
0xbd: {  	s24 =	simm.s32 @!p2 $0x0;
	s22 =	simm.s32 @!p2 $0x180;
	s23 =	sadd.s32 @!p2 s4, s17  }
0xbe: {  	[tilespmem:s22], [sflag:$0x4] =	stream.linear.gather @!p2 [hbm4b:s23+s24], $0x50, $0x38;
	[tilespmem:$0x1DC80] =	vst v63  }
0xbf: {  	s17 =	sadd.s32 @!p2 s6, s17;
	s23 =	simm.s32 @!p2 $0x380  }
0xc0: {  	[tilespmem:s23], [sflag:$0x4] =	stream.linear.gather @!p2 [hbm4b:s17+s24], $0x50, $0x38;
	[tilespmem:$0x1DC80] =	vst v63  }
0xc1: {  	s17 =	sshll.u32 @!p2 s18, $0x4  }
0xc2: {  	s23 =	simm.s32 @!p2 $0x7C00;
	s17 =	sadd.s32 @!p2 s7, s17  }
0xc3: {  	[tilespmem:s23], [sflag:$0x4] =	stream.linear.gather @!p2 [hbm4b:s17+s24], $0x2800, $0x38;
	[tilespmem:$0x1DC80] =	vst v63  }
0xc4: {  	s17 =	simm.s32 @!p3 $0x3  }
0xc5: {  	_ =	swait.ge @!p3 [sflag:s17], $0x50  }
0xc6: {  	[sflag:s17] =	ssyncset.done @!p3 $0x0  }
0xc7: {  	[sflag:s17] =	ssyncadd.s32 @!p3 $0xFFFFFFB0  }
0xc8: {  	_ =	swait.ge @!p3 [sflag:s17], $0x50  }
0xc9: {  	[sflag:s17] =	ssyncset.done @!p3 $0x0  }
.Ltmp5:
0xca: {  	[sflag:s17] =	ssyncadd.s32 @!p3 $0xFFFFFFB0;
	(pc) =	sbr.rel @p1 .LBB2_8-.Ltmp5, $4  }
0xcb: {  	_ =	swait.ge @!p3 [sflag:s17], $0x2800  }
0xcc: {  	s18 =	simm.s32 @!p3 $0x100;
	[sflag:s17] =	ssyncset.done @!p3 $0x0  }
0xcd: {  	s24 =	simm.s32 @!p3 $0x5400;
	[sflag:s17] =	ssyncadd.s32 @!p3 $0xFFFFD800;
	s17 =	simm.s32 @!p3 $0x50  }
0xce: {  	[tilespmem:s24], [sflag:$0x7] =	stream.indirect.gather.add.f32 @!p3 [hbm:s1], $0x80, s18, s17, $0xb8;
	[tilespmem:$0x1DC80] =	vst v63  }
0xcf: {  	s24 =	simm.s32 $0x2D00  }
0xd0: {  	v0 =	vld [tilespmem:s24+$0xFFFFFF10]  }
0xd1: {  	v6 =	vld [tilespmem:s24+$0xF0]  }
0xd2: {  	v1 =	vld [tilespmem:s24+$0xFFFFFF20]  }
0xd3: {  	v7 =	vld [tilespmem:s24+$0xFFFFFF80]  }
0xd4: {  	v2 =	vld [tilespmem:s24+$0xFFFFFF30]  }
0xd5: {  	v8 =	vld [tilespmem:s24+$0xFFFFFF90];
	v0 =	vmax.f32 v0, $0.0e+00  }
0xd6: {  	v3 =	vld [tilespmem:s24+$0xFFFFFF40];
	v6 =	vmax.f32 v6, $0.0e+00;
	[tilespmem:s24+$0xFFFFFF10] =	vst v0  }
0xd7: {  	v4 =	vld [tilespmem:s24+$0xFFFFFF50];
	v1 =	vmax.f32 v1, $0.0e+00;
	[tilespmem:s24+$0xF0] =	vst v6  }
0xd8: {  	v5 =	vld [tilespmem:s24+$0xFFFFFF60];
	[tilespmem:s24+$0xFFFFFF20] =	vst v1;
	v1 =	vmax.f32 v7, $0.0e+00  }
0xd9: {  	v0 =	vld [tilespmem:s24+$0xFFFFFF70];
	[tilespmem:s24+$0xFFFFFF80] =	vst v1;
	v1 =	vmax.f32 v2, $0.0e+00  }
0xda: {  	v9 =	vld [tilespmem:s24+$0xFFFFFFA0];
	[tilespmem:s24+$0xFFFFFF30] =	vst v1;
	v1 =	vmax.f32 v8, $0.0e+00  }
0xdb: {  	v10 =	vld [tilespmem:s24+$0xFFFFFFB0];
	[tilespmem:s24+$0xFFFFFF90] =	vst v1;
	v1 =	vmax.f32 v3, $0.0e+00  }
0xdc: {  	v6 =	vld [tilespmem:s24+$0xFFFFFFC0];
	[tilespmem:s24+$0xFFFFFF40] =	vst v1;
	v1 =	vmax.f32 v4, $0.0e+00  }
0xdd: {  	v4 =	vld [tilespmem:s24+$0x0];
	[tilespmem:s24+$0xFFFFFF50] =	vst v1;
	v1 =	vmax.f32 v5, $0.0e+00  }
0xde: {  	v7 =	vld [tilespmem:s24+$0xFFFFFFD0];
	v0 =	vmax.f32 v0, $0.0e+00;
	[tilespmem:s24+$0xFFFFFF60] =	vst v1  }
0xdf: {  	v1 =	vld [tilespmem:s24+$0x10];
	[tilespmem:s24+$0xFFFFFF70] =	vst v0;
	v0 =	vmax.f32 v9, $0.0e+00  }
0xe0: {  	v2 =	vld [tilespmem:s24+$0xFFFFFFE0];
	[tilespmem:s24+$0xFFFFFFA0] =	vst v0;
	v0 =	vmax.f32 v10, $0.0e+00  }
0xe1: {  	v3 =	vld [tilespmem:s24+$0xFFFFFFF0];
	[tilespmem:s24+$0xFFFFFFB0] =	vst v0;
	v0 =	vmax.f32 v6, $0.0e+00  }
0xe2: {  	v5 =	vld [tilespmem:s24+$0x20];
	[tilespmem:s24+$0xFFFFFFC0] =	vst v0;
	v0 =	vmax.f32 v4, $0.0e+00  }
0xe3: {  	v4 =	vld [tilespmem:s24+$0x50];
	[tilespmem:s24+$0x0] =	vst v0;
	v0 =	vmax.f32 v7, $0.0e+00  }
0xe4: {  	v63 =	vld [tilespmem:s24+$0x30];
	[tilespmem:s24+$0xFFFFFFD0] =	vst v0;
	v0 =	vmax.f32 v1, $0.0e+00  }
0xe5: {  	v6 =	vld [tilespmem:s24+$0x40];
	[tilespmem:s24+$0x10] =	vst v0;
	v0 =	vmax.f32 v2, $0.0e+00  }
0xe6: {  	v1 =	vld [tilespmem:s24+$0x60];
	[tilespmem:s24+$0xFFFFFFE0] =	vst v0;
	v0 =	vmax.f32 v3, $0.0e+00  }
0xe7: {  	v2 =	vld [tilespmem:s24+$0x80];
	[tilespmem:s24+$0xFFFFFFF0] =	vst v0;
	v0 =	vmax.f32 v5, $0.0e+00  }
0xe8: {  	v3 =	vld [tilespmem:s24+$0x70];
	v4 =	vmax.f32 v4, $0.0e+00;
	[tilespmem:s24+$0x20] =	vst v0  }
0xe9: {  	v5 =	vld [tilespmem:s24+$0x90];
	v0 =	vmax.f32 v63, $0.0e+00;
	[tilespmem:s24+$0x50] =	vst v4  }
0xea: {  	[tilespmem:s24+$0x30] =	vst v0;
	v0 =	vmax.f32 v6, $0.0e+00;
	v6 =	vld [tilespmem:s24+$0xA0]  }
0xeb: {  	v4 =	vmax.f32 v1, $0.0e+00;
	[tilespmem:s24+$0x40] =	vst v0;
	v0 =	vld [tilespmem:s24+$0xB0]  }
0xec: {  	v1 =	vld [tilespmem:s24+$0xC0];
	[tilespmem:s24+$0x60] =	vst v4;
	v4 =	vmax.f32 v2, $0.0e+00  }
0xed: {  	v2 =	vld [tilespmem:s24+$0xD0];
	v3 =	vmax.f32 v3, $0.0e+00;
	[tilespmem:s24+$0x80] =	vst v4  }
0xee: {  	[tilespmem:s24+$0x70] =	vst v3;
	v5 =	vmax.f32 v5, $0.0e+00;
	v3 =	vld [tilespmem:s24+$0xE0]  }
0xef: {  	s25 =	simm.s32 $0x0;
	s17 =	simm.s32 $0x2F00;
	v4 =	vld [tilespmem:s24+$0xFFFFFF00];
	[tilespmem:s24+$0x90] =	vst v5;
	v5 =	vmax.f32 v6, $0.0e+00  }
.LBB2_6:
0xf0: {  	v6 =	vld [tilespmem:s17+$0xF0];
	s25 =	sadd.s32 $0x4, s25;
	[tilespmem:s24+$0xA0] =	vst v5;
	v0 =	vmax.f32 v0, $0.0e+00  }
0xf1: {  	v5 =	vld [tilespmem:s17+$0xFFFFFF10];
	p4 =	slt.u32 s25, $0x4C;
	[tilespmem:s24+$0xB0] =	vst v0;
	v0 =	vmax.f32 v1, $0.0e+00  }
0xf2: {  	v1 =	vld [tilespmem:s17+$0xFFFFFF20];
	[tilespmem:s24+$0xC0] =	vst v0;
	v0 =	vmax.f32 v2, $0.0e+00  }
0xf3: {  	v2 =	vld [tilespmem:s17+$0xFFFFFF30];
	[tilespmem:s24+$0xD0] =	vst v0;
	v0 =	vmax.f32 v3, $0.0e+00  }
0xf4: {  	v3 =	vld [tilespmem:s17+$0xFFFFFF40];
	v4 =	vmax.f32 v4, $0.0e+00;
	[tilespmem:s24+$0xE0] =	vst v0  }
0xf5: {  	v0 =	vld [tilespmem:s17+$0xFFFFFF50];
	v6 =	vmax.f32 v6, $0.0e+00;
	[tilespmem:s24+$0xFFFFFF00] =	vst v4;
	s24 =	smov.u32 s17  }
0xf6: {  	v4 =	vmax.f32 v5, $0.0e+00;
	v5 =	vld [tilespmem:s17+$0xFFFFFF60];
	[tilespmem:s17+$0xF0] =	vst v6  }
0xf7: {  	[tilespmem:s17+$0xFFFFFF10] =	vst v4;
	v1 =	vmax.f32 v1, $0.0e+00;
	v4 =	vld [tilespmem:s17+$0xFFFFFF70]  }
0xf8: {  	[tilespmem:s17+$0xFFFFFF20] =	vst v1;
	v1 =	vmax.f32 v2, $0.0e+00;
	v2 =	vld [tilespmem:s17+$0xFFFFFF80]  }
0xf9: {  	[tilespmem:s17+$0xFFFFFF30] =	vst v1;
	v1 =	vmax.f32 v3, $0.0e+00;
	v3 =	vld [tilespmem:s17+$0xFFFFFF90]  }
0xfa: {  	[tilespmem:s17+$0xFFFFFF40] =	vst v1;
	v0 =	vmax.f32 v0, $0.0e+00;
	v1 =	vld [tilespmem:s17+$0xFFFFFFA0]  }
0xfb: {  	[tilespmem:s17+$0xFFFFFF50] =	vst v0;
	v0 =	vmax.f32 v5, $0.0e+00;
	v5 =	vld [tilespmem:s17+$0xFFFFFFB0]  }
0xfc: {  	[tilespmem:s17+$0xFFFFFF60] =	vst v0;
	v0 =	vmax.f32 v4, $0.0e+00;
	v4 =	vld [tilespmem:s17+$0xFFFFFFC0]  }
0xfd: {  	[tilespmem:s17+$0xFFFFFF70] =	vst v0;
	v0 =	vmax.f32 v2, $0.0e+00;
	v2 =	vld [tilespmem:s17+$0xFFFFFFD0]  }
0xfe: {  	[tilespmem:s17+$0xFFFFFF80] =	vst v0;
	v0 =	vmax.f32 v3, $0.0e+00;
	v3 =	vld [tilespmem:s17+$0xFFFFFFE0]  }
0xff: {  	[tilespmem:s17+$0xFFFFFF90] =	vst v0;
	v0 =	vmax.f32 v1, $0.0e+00;
	v1 =	vld [tilespmem:s17+$0xFFFFFFF0]  }
0x100: {  	[tilespmem:s17+$0xFFFFFFA0] =	vst v0;
	v0 =	vmax.f32 v5, $0.0e+00;
	v5 =	vld [tilespmem:s17+$0x0]  }
0x101: {  	[tilespmem:s17+$0xFFFFFFB0] =	vst v0;
	v0 =	vmax.f32 v4, $0.0e+00;
	v4 =	vld [tilespmem:s17+$0x10]  }
0x102: {  	[tilespmem:s17+$0xFFFFFFC0] =	vst v0;
	v0 =	vmax.f32 v2, $0.0e+00;
	v2 =	vld [tilespmem:s17+$0x20]  }
0x103: {  	[tilespmem:s17+$0xFFFFFFD0] =	vst v0;
	v0 =	vmax.f32 v3, $0.0e+00;
	v3 =	vld [tilespmem:s17+$0x30]  }
0x104: {  	[tilespmem:s17+$0xFFFFFFE0] =	vst v0;
	v0 =	vmax.f32 v1, $0.0e+00;
	v1 =	vld [tilespmem:s17+$0x40]  }
0x105: {  	[tilespmem:s17+$0xFFFFFFF0] =	vst v0;
	v0 =	vmax.f32 v5, $0.0e+00;
	v5 =	vld [tilespmem:s17+$0x50]  }
0x106: {  	[tilespmem:s17+$0x0] =	vst v0;
	v0 =	vmax.f32 v4, $0.0e+00;
	v4 =	vld [tilespmem:s17+$0x60]  }
0x107: {  	[tilespmem:s17+$0x10] =	vst v0;
	v0 =	vmax.f32 v2, $0.0e+00;
	v2 =	vld [tilespmem:s17+$0x70]  }
0x108: {  	[tilespmem:s17+$0x20] =	vst v0;
	v0 =	vmax.f32 v3, $0.0e+00;
	v3 =	vld [tilespmem:s17+$0x80]  }
0x109: {  	[tilespmem:s17+$0x30] =	vst v0;
	v0 =	vmax.f32 v1, $0.0e+00;
	v6 =	vld [tilespmem:s17+$0x90]  }
0x10a: {  	[tilespmem:s17+$0x40] =	vst v0;
	v0 =	vmax.f32 v5, $0.0e+00;
	v5 =	vld [tilespmem:s17+$0xA0]  }
.Ltmp6:
0x10b: {  	[tilespmem:s17+$0x50] =	vst v0;
	v1 =	vmax.f32 v4, $0.0e+00;
	v0 =	vld [tilespmem:s17+$0xB0];
	(pc) =	sbr.rel @p4 .LBB2_6-.Ltmp6, $4  }
0x10c: {  	[tilespmem:s17+$0x60] =	vst v1;
	v2 =	vmax.f32 v2, $0.0e+00;
	v1 =	vld [tilespmem:s17+$0xC0]  }
0x10d: {  	[tilespmem:s17+$0x70] =	vst v2;
	v3 =	vmax.f32 v3, $0.0e+00;
	v2 =	vld [tilespmem:s17+$0xD0]  }
0x10e: {  	[tilespmem:s17+$0x80] =	vst v3;
	v6 =	vmax.f32 v6, $0.0e+00;
	v3 =	vld [tilespmem:s17+$0xE0]  }
0x10f: {  	s17 =	sadd.s32 $0x200, s17;
	v4 =	vld [tilespmem:s24+$0xFFFFFF00];
	[tilespmem:s24+$0x90] =	vst v6;
	v5 =	vmax.f32 v5, $0.0e+00  }
0x110: {  	[tilespmem:s24+$0xA0] =	vst v5;
	v0 =	vmax.f32 v0, $0.0e+00  }
0x111: {  	[tilespmem:s24+$0xB0] =	vst v0;
	v60 =	vmax.f32 v1, $0.0e+00  }
0x112: {  	[tilespmem:s24+$0xC0] =	vst v60;
	v61 =	vmax.f32 v2, $0.0e+00  }
0x113: {  	[tilespmem:s24+$0xD0] =	vst v61;
	v62 =	vmax.f32 v3, $0.0e+00  }
0x114: {  	v63 =	vmax.f32 v4, $0.0e+00;
	[tilespmem:s24+$0xE0] =	vst v62  }
0x115: {  	[tilespmem:s24+$0xFFFFFF00] =	vst v63  }
0x116: {  	[spmem:s2] =	stream.indirect.scatter.add.f32 [tilespmem:s31], [sflag:$0xA], $0x80, s30, s5, $0xb8;
	[tilespmem:$0x1DC80] =	vst v63  }
.LBB2_8:
0x117: {  	s17 =	simm.s32 @!p3 $0x7  }
0x118: {  	p4 =	seq.s32 s19, $0x1F;
	_ =	swait.ge @!p3 [sflag:s17], $0x2800  }
0x119: {  	s18 =	smul.u32 @!p4 $0x140, s19;
	[sflag:s17] =	ssyncset.done @!p3 $0x0  }
0x11a: {  	[sflag:s17] =	ssyncadd.s32 @!p3 $0xFFFFD800  }
0x11b: {  	s17 =	sadd.s32 @!p4 s18, s20;
	_ =	swait.ge [sflag:s9], $0x2800  }
0x11c: {  	s18 =	sshrl.u32 @!p4 s17, $0x3;
	[sflag:s9] =	ssyncset.done $0x0  }
0x11d: {  	s25 =	simm.s32 @!p4 $0x0;
	s24 =	sadd.s32 @!p4 s4, s18;
	[sflag:s9] =	ssyncadd.s32 $0xFFFFD800  }
0x11e: {  	[tilespmem:s25], [sflag:$0x1] =	stream.linear.gather @!p4 [hbm4b:s24+s25], $0x50, $0x38;
	[tilespmem:$0x1DC80] =	vst v63  }
0x11f: {  	s17 =	sshll.u32 @!p4 s17, $0x4;
	s18 =	sadd.s32 @!p4 s6, s18;
	s24 =	simm.s32 @!p4 $0x200  }
0x120: {  	[tilespmem:s24], [sflag:$0x1] =	stream.linear.gather @!p4 [hbm4b:s18+s25], $0x50, $0x38;
	[tilespmem:$0x1DC80] =	vst v63  }
0x121: {  	s17 =	sadd.s32 @!p4 s7, s17;
	s18 =	simm.s32 @!p4 $0x400  }
0x122: {  	[tilespmem:s18], [sflag:$0x1] =	stream.linear.gather @!p4 [hbm4b:s17+s25], $0x2800, $0x38;
	[tilespmem:$0x1DC80] =	vst v63  }
0x123: {  	s17 =	simm.s32 @!p2 $0x4  }
0x124: {  	_ =	swait.ge @!p2 [sflag:s17], $0x50  }
0x125: {  	[sflag:s17] =	ssyncset.done @!p2 $0x0  }
0x126: {  	[sflag:s17] =	ssyncadd.s32 @!p2 $0xFFFFFFB0  }
0x127: {  	_ =	swait.ge @!p2 [sflag:s17], $0x50  }
0x128: {  	[sflag:s17] =	ssyncset.done @!p2 $0x0  }
.Ltmp7:
0x129: {  	[sflag:s17] =	ssyncadd.s32 @!p2 $0xFFFFFFB0;
	(pc) =	sbr.rel @p3 .LBB2_12-.Ltmp7, $4  }
0x12a: {  	_ =	swait.ge @!p2 [sflag:s17], $0x2800  }
0x12b: {  	[sflag:s17] =	ssyncset.done @!p2 $0x0  }
0x12c: {  	[sflag:s17] =	ssyncadd.s32 @!p2 $0xFFFFD800;
	s17 =	simm.s32 @!p2 $0x50  }
0x12d: {  	[tilespmem:s23], [sflag:$0x8] =	stream.indirect.gather.add.f32 @!p2 [hbm:s1], $0x80, s22, s17, $0xb8;
	[tilespmem:$0x1DC80] =	vst v63  }
0x12e: {  	s22 =	simm.s32 $0x5500  }
0x12f: {  	v0 =	vld [tilespmem:s22+$0xFFFFFF10]  }
0x130: {  	v6 =	vld [tilespmem:s22+$0xF0]  }
0x131: {  	v1 =	vld [tilespmem:s22+$0xFFFFFF20]  }
0x132: {  	v7 =	vld [tilespmem:s22+$0xFFFFFF80]  }
0x133: {  	v2 =	vld [tilespmem:s22+$0xFFFFFF30]  }
0x134: {  	v8 =	vld [tilespmem:s22+$0xFFFFFF90];
	v0 =	vmax.f32 v0, $0.0e+00  }
0x135: {  	v3 =	vld [tilespmem:s22+$0xFFFFFF40];
	v6 =	vmax.f32 v6, $0.0e+00;
	[tilespmem:s22+$0xFFFFFF10] =	vst v0  }
0x136: {  	v4 =	vld [tilespmem:s22+$0xFFFFFF50];
	v1 =	vmax.f32 v1, $0.0e+00;
	[tilespmem:s22+$0xF0] =	vst v6  }
0x137: {  	v5 =	vld [tilespmem:s22+$0xFFFFFF60];
	[tilespmem:s22+$0xFFFFFF20] =	vst v1;
	v1 =	vmax.f32 v7, $0.0e+00  }
0x138: {  	v0 =	vld [tilespmem:s22+$0xFFFFFF70];
	[tilespmem:s22+$0xFFFFFF80] =	vst v1;
	v1 =	vmax.f32 v2, $0.0e+00  }
0x139: {  	v9 =	vld [tilespmem:s22+$0xFFFFFFA0];
	[tilespmem:s22+$0xFFFFFF30] =	vst v1;
	v1 =	vmax.f32 v8, $0.0e+00  }
0x13a: {  	v10 =	vld [tilespmem:s22+$0xFFFFFFB0];
	[tilespmem:s22+$0xFFFFFF90] =	vst v1;
	v1 =	vmax.f32 v3, $0.0e+00  }
0x13b: {  	v6 =	vld [tilespmem:s22+$0xFFFFFFC0];
	[tilespmem:s22+$0xFFFFFF40] =	vst v1;
	v1 =	vmax.f32 v4, $0.0e+00  }
0x13c: {  	v4 =	vld [tilespmem:s22+$0x0];
	[tilespmem:s22+$0xFFFFFF50] =	vst v1;
	v1 =	vmax.f32 v5, $0.0e+00  }
0x13d: {  	v7 =	vld [tilespmem:s22+$0xFFFFFFD0];
	v0 =	vmax.f32 v0, $0.0e+00;
	[tilespmem:s22+$0xFFFFFF60] =	vst v1  }
0x13e: {  	v1 =	vld [tilespmem:s22+$0x10];
	[tilespmem:s22+$0xFFFFFF70] =	vst v0;
	v0 =	vmax.f32 v9, $0.0e+00  }
0x13f: {  	v2 =	vld [tilespmem:s22+$0xFFFFFFE0];
	[tilespmem:s22+$0xFFFFFFA0] =	vst v0;
	v0 =	vmax.f32 v10, $0.0e+00  }
0x140: {  	v3 =	vld [tilespmem:s22+$0xFFFFFFF0];
	[tilespmem:s22+$0xFFFFFFB0] =	vst v0;
	v0 =	vmax.f32 v6, $0.0e+00  }
0x141: {  	v5 =	vld [tilespmem:s22+$0x20];
	[tilespmem:s22+$0xFFFFFFC0] =	vst v0;
	v0 =	vmax.f32 v4, $0.0e+00  }
0x142: {  	v4 =	vld [tilespmem:s22+$0x50];
	[tilespmem:s22+$0x0] =	vst v0;
	v0 =	vmax.f32 v7, $0.0e+00  }
0x143: {  	v63 =	vld [tilespmem:s22+$0x30];
	[tilespmem:s22+$0xFFFFFFD0] =	vst v0;
	v0 =	vmax.f32 v1, $0.0e+00  }
0x144: {  	v6 =	vld [tilespmem:s22+$0x40];
	[tilespmem:s22+$0x10] =	vst v0;
	v0 =	vmax.f32 v2, $0.0e+00  }
0x145: {  	v1 =	vld [tilespmem:s22+$0x60];
	[tilespmem:s22+$0xFFFFFFE0] =	vst v0;
	v0 =	vmax.f32 v3, $0.0e+00  }
0x146: {  	v2 =	vld [tilespmem:s22+$0x80];
	[tilespmem:s22+$0xFFFFFFF0] =	vst v0;
	v0 =	vmax.f32 v5, $0.0e+00  }
0x147: {  	v3 =	vld [tilespmem:s22+$0x70];
	v4 =	vmax.f32 v4, $0.0e+00;
	[tilespmem:s22+$0x20] =	vst v0  }
0x148: {  	v5 =	vld [tilespmem:s22+$0x90];
	v0 =	vmax.f32 v63, $0.0e+00;
	[tilespmem:s22+$0x50] =	vst v4  }
0x149: {  	[tilespmem:s22+$0x30] =	vst v0;
	v0 =	vmax.f32 v6, $0.0e+00;
	v6 =	vld [tilespmem:s22+$0xA0]  }
0x14a: {  	v4 =	vmax.f32 v1, $0.0e+00;
	[tilespmem:s22+$0x40] =	vst v0;
	v0 =	vld [tilespmem:s22+$0xB0]  }
0x14b: {  	v1 =	vld [tilespmem:s22+$0xC0];
	[tilespmem:s22+$0x60] =	vst v4;
	v4 =	vmax.f32 v2, $0.0e+00  }
0x14c: {  	v2 =	vld [tilespmem:s22+$0xD0];
	v3 =	vmax.f32 v3, $0.0e+00;
	[tilespmem:s22+$0x80] =	vst v4  }
0x14d: {  	[tilespmem:s22+$0x70] =	vst v3;
	v5 =	vmax.f32 v5, $0.0e+00;
	v3 =	vld [tilespmem:s22+$0xE0]  }
0x14e: {  	s23 =	simm.s32 $0x0;
	s17 =	simm.s32 $0x5700;
	v4 =	vld [tilespmem:s22+$0xFFFFFF00];
	[tilespmem:s22+$0x90] =	vst v5;
	v5 =	vmax.f32 v6, $0.0e+00  }
.LBB2_10:
0x14f: {  	v6 =	vld [tilespmem:s17+$0xF0];
	s23 =	sadd.s32 $0x4, s23;
	[tilespmem:s22+$0xA0] =	vst v5;
	v0 =	vmax.f32 v0, $0.0e+00  }
0x150: {  	v5 =	vld [tilespmem:s17+$0xFFFFFF10];
	p3 =	slt.u32 s23, $0x4C;
	[tilespmem:s22+$0xB0] =	vst v0;
	v0 =	vmax.f32 v1, $0.0e+00  }
0x151: {  	v1 =	vld [tilespmem:s17+$0xFFFFFF20];
	[tilespmem:s22+$0xC0] =	vst v0;
	v0 =	vmax.f32 v2, $0.0e+00  }
0x152: {  	v2 =	vld [tilespmem:s17+$0xFFFFFF30];
	[tilespmem:s22+$0xD0] =	vst v0;
	v0 =	vmax.f32 v3, $0.0e+00  }
0x153: {  	v3 =	vld [tilespmem:s17+$0xFFFFFF40];
	v4 =	vmax.f32 v4, $0.0e+00;
	[tilespmem:s22+$0xE0] =	vst v0  }
0x154: {  	v0 =	vld [tilespmem:s17+$0xFFFFFF50];
	v6 =	vmax.f32 v6, $0.0e+00;
	[tilespmem:s22+$0xFFFFFF00] =	vst v4;
	s22 =	smov.u32 s17  }
0x155: {  	v4 =	vmax.f32 v5, $0.0e+00;
	v5 =	vld [tilespmem:s17+$0xFFFFFF60];
	[tilespmem:s17+$0xF0] =	vst v6  }
0x156: {  	[tilespmem:s17+$0xFFFFFF10] =	vst v4;
	v1 =	vmax.f32 v1, $0.0e+00;
	v4 =	vld [tilespmem:s17+$0xFFFFFF70]  }
0x157: {  	[tilespmem:s17+$0xFFFFFF20] =	vst v1;
	v1 =	vmax.f32 v2, $0.0e+00;
	v2 =	vld [tilespmem:s17+$0xFFFFFF80]  }
0x158: {  	[tilespmem:s17+$0xFFFFFF30] =	vst v1;
	v1 =	vmax.f32 v3, $0.0e+00;
	v3 =	vld [tilespmem:s17+$0xFFFFFF90]  }
0x159: {  	[tilespmem:s17+$0xFFFFFF40] =	vst v1;
	v0 =	vmax.f32 v0, $0.0e+00;
	v1 =	vld [tilespmem:s17+$0xFFFFFFA0]  }
0x15a: {  	[tilespmem:s17+$0xFFFFFF50] =	vst v0;
	v0 =	vmax.f32 v5, $0.0e+00;
	v5 =	vld [tilespmem:s17+$0xFFFFFFB0]  }
0x15b: {  	[tilespmem:s17+$0xFFFFFF60] =	vst v0;
	v0 =	vmax.f32 v4, $0.0e+00;
	v4 =	vld [tilespmem:s17+$0xFFFFFFC0]  }
0x15c: {  	[tilespmem:s17+$0xFFFFFF70] =	vst v0;
	v0 =	vmax.f32 v2, $0.0e+00;
	v2 =	vld [tilespmem:s17+$0xFFFFFFD0]  }
0x15d: {  	[tilespmem:s17+$0xFFFFFF80] =	vst v0;
	v0 =	vmax.f32 v3, $0.0e+00;
	v3 =	vld [tilespmem:s17+$0xFFFFFFE0]  }
0x15e: {  	[tilespmem:s17+$0xFFFFFF90] =	vst v0;
	v0 =	vmax.f32 v1, $0.0e+00;
	v1 =	vld [tilespmem:s17+$0xFFFFFFF0]  }
0x15f: {  	[tilespmem:s17+$0xFFFFFFA0] =	vst v0;
	v0 =	vmax.f32 v5, $0.0e+00;
	v5 =	vld [tilespmem:s17+$0x0]  }
0x160: {  	[tilespmem:s17+$0xFFFFFFB0] =	vst v0;
	v0 =	vmax.f32 v4, $0.0e+00;
	v4 =	vld [tilespmem:s17+$0x10]  }
0x161: {  	[tilespmem:s17+$0xFFFFFFC0] =	vst v0;
	v0 =	vmax.f32 v2, $0.0e+00;
	v2 =	vld [tilespmem:s17+$0x20]  }
0x162: {  	[tilespmem:s17+$0xFFFFFFD0] =	vst v0;
	v0 =	vmax.f32 v3, $0.0e+00;
	v3 =	vld [tilespmem:s17+$0x30]  }
0x163: {  	[tilespmem:s17+$0xFFFFFFE0] =	vst v0;
	v0 =	vmax.f32 v1, $0.0e+00;
	v1 =	vld [tilespmem:s17+$0x40]  }
0x164: {  	[tilespmem:s17+$0xFFFFFFF0] =	vst v0;
	v0 =	vmax.f32 v5, $0.0e+00;
	v5 =	vld [tilespmem:s17+$0x50]  }
0x165: {  	[tilespmem:s17+$0x0] =	vst v0;
	v0 =	vmax.f32 v4, $0.0e+00;
	v4 =	vld [tilespmem:s17+$0x60]  }
0x166: {  	[tilespmem:s17+$0x10] =	vst v0;
	v0 =	vmax.f32 v2, $0.0e+00;
	v2 =	vld [tilespmem:s17+$0x70]  }
0x167: {  	[tilespmem:s17+$0x20] =	vst v0;
	v0 =	vmax.f32 v3, $0.0e+00;
	v3 =	vld [tilespmem:s17+$0x80]  }
0x168: {  	[tilespmem:s17+$0x30] =	vst v0;
	v0 =	vmax.f32 v1, $0.0e+00;
	v6 =	vld [tilespmem:s17+$0x90]  }
0x169: {  	[tilespmem:s17+$0x40] =	vst v0;
	v0 =	vmax.f32 v5, $0.0e+00;
	v5 =	vld [tilespmem:s17+$0xA0]  }
.Ltmp8:
0x16a: {  	[tilespmem:s17+$0x50] =	vst v0;
	v1 =	vmax.f32 v4, $0.0e+00;
	v0 =	vld [tilespmem:s17+$0xB0];
	(pc) =	sbr.rel @p3 .LBB2_10-.Ltmp8, $4  }
0x16b: {  	[tilespmem:s17+$0x60] =	vst v1;
	v2 =	vmax.f32 v2, $0.0e+00;
	v1 =	vld [tilespmem:s17+$0xC0]  }
0x16c: {  	[tilespmem:s17+$0x70] =	vst v2;
	v3 =	vmax.f32 v3, $0.0e+00;
	v2 =	vld [tilespmem:s17+$0xD0]  }
0x16d: {  	[tilespmem:s17+$0x80] =	vst v3;
	v6 =	vmax.f32 v6, $0.0e+00;
	v3 =	vld [tilespmem:s17+$0xE0]  }
0x16e: {  	s17 =	sadd.s32 $0x200, s17;
	v4 =	vld [tilespmem:s22+$0xFFFFFF00];
	[tilespmem:s22+$0x90] =	vst v6;
	v5 =	vmax.f32 v5, $0.0e+00  }
0x16f: {  	[tilespmem:s22+$0xA0] =	vst v5;
	v0 =	vmax.f32 v0, $0.0e+00  }
0x170: {  	[tilespmem:s22+$0xB0] =	vst v0;
	v60 =	vmax.f32 v1, $0.0e+00  }
0x171: {  	[tilespmem:s22+$0xC0] =	vst v60;
	v61 =	vmax.f32 v2, $0.0e+00  }
0x172: {  	[tilespmem:s22+$0xD0] =	vst v61;
	v62 =	vmax.f32 v3, $0.0e+00  }
0x173: {  	v63 =	vmax.f32 v4, $0.0e+00;
	[tilespmem:s22+$0xE0] =	vst v62  }
0x174: {  	[tilespmem:s22+$0xFFFFFF00] =	vst v63  }
0x175: {  	[spmem:s2] =	stream.indirect.scatter.add.f32 [tilespmem:s12], [sflag:$0xB], $0x80, s10, s5, $0xb8;
	[tilespmem:$0x1DC80] =	vst v63  }
.LBB2_12:
.Ltmp9:
0x176: {  	(pc) =	sbr.rel @p1 .LBB2_14-.Ltmp9, $4  }
0x177: {  	s17 =	simm.s32 @!p2 $0x8  }
0x178: {  	_ =	swait.ge @!p2 [sflag:s17], $0x2800  }
0x179: {  	[sflag:s17] =	ssyncset.done @!p2 $0x0  }
0x17a: {  	[sflag:s17] =	ssyncadd.s32 @!p2 $0xFFFFD800  }
0x17b: {  	p1 =	seq.s32 s19, $0x1E  }
0x17c: {  	s17 =	smul.u32 @!p1 $0x140, s19;
	_ =	sdelay $0x1  }
0x17d: {  	_ =	swait.ge [sflag:s13], $0x2800;
	s17 =	sadd.s32 @!p1 s17, s21  }
0x17e: {  	[sflag:s13] =	ssyncset.done $0x0;
	s23 =	simm.s32 @!p1 $0x0;
	s18 =	sshrl.u32 @!p1 s17, $0x3  }
0x17f: {  	s24 =	simm.s32 @!p1 $0x80;
	[sflag:s13] =	ssyncadd.s32 $0xFFFFD800;
	s22 =	sadd.s32 @!p1 s4, s18  }
0x180: {  	[tilespmem:s24], [sflag:$0x2] =	stream.linear.gather @!p1 [hbm4b:s22+s23], $0x50, $0x38;
	[tilespmem:$0x1DC80] =	vst v63  }
.Ltmp10:
0x181: {  	_ = 	snop;
	(pc) =	sbr.rel .LBB2_15-.Ltmp10, $4  }
0x182: {  	s17 =	sshll.u32 @!p1 s17, $0x4;
	s18 =	sadd.s32 @!p1 s6, s18;
	s22 =	simm.s32 @!p1 $0x280  }
0x183: {  	[tilespmem:s22], [sflag:$0x2] =	stream.linear.gather @!p1 [hbm4b:s18+s23], $0x50, $0x38;
	[tilespmem:$0x1DC80] =	vst v63  }
0x184: {  	s17 =	sadd.s32 @!p1 s7, s17;
	s18 =	simm.s32 @!p1 $0x2C00  }
0x185: {  	[tilespmem:s18], [sflag:$0x2] =	stream.linear.gather @!p1 [hbm4b:s17+s23], $0x2800, $0x38;
	[tilespmem:$0x1DC80] =	vst v63  }
.LBB2_14:
.Ltmp11:
0x186: {  	(pc) =	sbr.rel @p4 .LBB2_16-.Ltmp11, $1  }
0x187: {  	_ =	sdelay $0x3  }
.LBB2_15:
0x188: {  	_ =	swait.ge [sflag:s0], $0x50  }
0x189: {  	[sflag:s0] =	ssyncset.done $0x0  }
0x18a: {  	[sflag:s0] =	ssyncadd.s32 $0xFFFFFFB0  }
0x18b: {  	_ =	swait.ge [sflag:s0], $0x50  }
0x18c: {  	[sflag:s0] =	ssyncset.done $0x0  }
0x18d: {  	[sflag:s0] =	ssyncadd.s32 $0xFFFFFFB0  }
0x18e: {  	_ =	swait.ge [sflag:s0], $0x2800  }
0x18f: {  	[sflag:s0] =	ssyncset.done $0x0  }
0x190: {  	[sflag:s0] =	ssyncadd.s32 $0xFFFFD800  }
0x191: {  	[tilespmem:s28], [sflag:$0x5] =	stream.indirect.gather.add.f32 [hbm:s1], $0x80, s3, s5, $0xb8;
	[tilespmem:$0x1DC80] =	vst v63  }
.LBB2_16:
.Ltmp12:
0x192: {  	(pc) =	sbr.rel @p2 .LBB2_20-.Ltmp12, $1  }
0x193: {  	_ =	sdelay $0x3  }
0x194: {  	s22 =	simm.s32 $0x7D00  }
0x195: {  	v0 =	vld [tilespmem:s22+$0xFFFFFF10]  }
0x196: {  	v6 =	vld [tilespmem:s22+$0xF0]  }
0x197: {  	v1 =	vld [tilespmem:s22+$0xFFFFFF20]  }
0x198: {  	v7 =	vld [tilespmem:s22+$0xFFFFFF80]  }
0x199: {  	v2 =	vld [tilespmem:s22+$0xFFFFFF30]  }
0x19a: {  	v8 =	vld [tilespmem:s22+$0xFFFFFF90];
	v0 =	vmax.f32 v0, $0.0e+00  }
0x19b: {  	v3 =	vld [tilespmem:s22+$0xFFFFFF40];
	v6 =	vmax.f32 v6, $0.0e+00;
	[tilespmem:s22+$0xFFFFFF10] =	vst v0  }
0x19c: {  	v4 =	vld [tilespmem:s22+$0xFFFFFF50];
	v1 =	vmax.f32 v1, $0.0e+00;
	[tilespmem:s22+$0xF0] =	vst v6  }
0x19d: {  	v5 =	vld [tilespmem:s22+$0xFFFFFF60];
	[tilespmem:s22+$0xFFFFFF20] =	vst v1;
	v1 =	vmax.f32 v7, $0.0e+00  }
0x19e: {  	v0 =	vld [tilespmem:s22+$0xFFFFFF70];
	[tilespmem:s22+$0xFFFFFF80] =	vst v1;
	v1 =	vmax.f32 v2, $0.0e+00  }
0x19f: {  	v9 =	vld [tilespmem:s22+$0xFFFFFFA0];
	[tilespmem:s22+$0xFFFFFF30] =	vst v1;
	v1 =	vmax.f32 v8, $0.0e+00  }
0x1a0: {  	v10 =	vld [tilespmem:s22+$0xFFFFFFB0];
	[tilespmem:s22+$0xFFFFFF90] =	vst v1;
	v1 =	vmax.f32 v3, $0.0e+00  }
0x1a1: {  	v6 =	vld [tilespmem:s22+$0xFFFFFFC0];
	[tilespmem:s22+$0xFFFFFF40] =	vst v1;
	v1 =	vmax.f32 v4, $0.0e+00  }
0x1a2: {  	v4 =	vld [tilespmem:s22+$0x0];
	[tilespmem:s22+$0xFFFFFF50] =	vst v1;
	v1 =	vmax.f32 v5, $0.0e+00  }
0x1a3: {  	v7 =	vld [tilespmem:s22+$0xFFFFFFD0];
	v0 =	vmax.f32 v0, $0.0e+00;
	[tilespmem:s22+$0xFFFFFF60] =	vst v1  }
0x1a4: {  	v1 =	vld [tilespmem:s22+$0x10];
	[tilespmem:s22+$0xFFFFFF70] =	vst v0;
	v0 =	vmax.f32 v9, $0.0e+00  }
0x1a5: {  	v2 =	vld [tilespmem:s22+$0xFFFFFFE0];
	[tilespmem:s22+$0xFFFFFFA0] =	vst v0;
	v0 =	vmax.f32 v10, $0.0e+00  }
0x1a6: {  	v3 =	vld [tilespmem:s22+$0xFFFFFFF0];
	[tilespmem:s22+$0xFFFFFFB0] =	vst v0;
	v0 =	vmax.f32 v6, $0.0e+00  }
0x1a7: {  	v5 =	vld [tilespmem:s22+$0x20];
	[tilespmem:s22+$0xFFFFFFC0] =	vst v0;
	v0 =	vmax.f32 v4, $0.0e+00  }
0x1a8: {  	v4 =	vld [tilespmem:s22+$0x50];
	[tilespmem:s22+$0x0] =	vst v0;
	v0 =	vmax.f32 v7, $0.0e+00  }
0x1a9: {  	v63 =	vld [tilespmem:s22+$0x30];
	[tilespmem:s22+$0xFFFFFFD0] =	vst v0;
	v0 =	vmax.f32 v1, $0.0e+00  }
0x1aa: {  	v6 =	vld [tilespmem:s22+$0x40];
	[tilespmem:s22+$0x10] =	vst v0;
	v0 =	vmax.f32 v2, $0.0e+00  }
0x1ab: {  	v1 =	vld [tilespmem:s22+$0x60];
	[tilespmem:s22+$0xFFFFFFE0] =	vst v0;
	v0 =	vmax.f32 v3, $0.0e+00  }
0x1ac: {  	v2 =	vld [tilespmem:s22+$0x80];
	[tilespmem:s22+$0xFFFFFFF0] =	vst v0;
	v0 =	vmax.f32 v5, $0.0e+00  }
0x1ad: {  	v3 =	vld [tilespmem:s22+$0x70];
	v4 =	vmax.f32 v4, $0.0e+00;
	[tilespmem:s22+$0x20] =	vst v0  }
0x1ae: {  	v5 =	vld [tilespmem:s22+$0x90];
	v0 =	vmax.f32 v63, $0.0e+00;
	[tilespmem:s22+$0x50] =	vst v4  }
0x1af: {  	[tilespmem:s22+$0x30] =	vst v0;
	v0 =	vmax.f32 v6, $0.0e+00;
	v6 =	vld [tilespmem:s22+$0xA0]  }
0x1b0: {  	v4 =	vmax.f32 v1, $0.0e+00;
	[tilespmem:s22+$0x40] =	vst v0;
	v0 =	vld [tilespmem:s22+$0xB0]  }
0x1b1: {  	v1 =	vld [tilespmem:s22+$0xC0];
	[tilespmem:s22+$0x60] =	vst v4;
	v4 =	vmax.f32 v2, $0.0e+00  }
0x1b2: {  	v2 =	vld [tilespmem:s22+$0xD0];
	v3 =	vmax.f32 v3, $0.0e+00;
	[tilespmem:s22+$0x80] =	vst v4  }
0x1b3: {  	[tilespmem:s22+$0x70] =	vst v3;
	v5 =	vmax.f32 v5, $0.0e+00;
	v3 =	vld [tilespmem:s22+$0xE0]  }
0x1b4: {  	s23 =	simm.s32 $0x0;
	s17 =	simm.s32 $0x7F00;
	v4 =	vld [tilespmem:s22+$0xFFFFFF00];
	[tilespmem:s22+$0x90] =	vst v5;
	v5 =	vmax.f32 v6, $0.0e+00  }
.LBB2_18:
0x1b5: {  	v6 =	vld [tilespmem:s17+$0xF0];
	s23 =	sadd.s32 $0x4, s23;
	[tilespmem:s22+$0xA0] =	vst v5;
	v0 =	vmax.f32 v0, $0.0e+00  }
0x1b6: {  	v5 =	vld [tilespmem:s17+$0xFFFFFF10];
	p1 =	slt.u32 s23, $0x4C;
	[tilespmem:s22+$0xB0] =	vst v0;
	v0 =	vmax.f32 v1, $0.0e+00  }
0x1b7: {  	v1 =	vld [tilespmem:s17+$0xFFFFFF20];
	[tilespmem:s22+$0xC0] =	vst v0;
	v0 =	vmax.f32 v2, $0.0e+00  }
0x1b8: {  	v2 =	vld [tilespmem:s17+$0xFFFFFF30];
	[tilespmem:s22+$0xD0] =	vst v0;
	v0 =	vmax.f32 v3, $0.0e+00  }
0x1b9: {  	v3 =	vld [tilespmem:s17+$0xFFFFFF40];
	v4 =	vmax.f32 v4, $0.0e+00;
	[tilespmem:s22+$0xE0] =	vst v0  }
0x1ba: {  	v0 =	vld [tilespmem:s17+$0xFFFFFF50];
	v6 =	vmax.f32 v6, $0.0e+00;
	[tilespmem:s22+$0xFFFFFF00] =	vst v4;
	s22 =	smov.u32 s17  }
0x1bb: {  	v4 =	vmax.f32 v5, $0.0e+00;
	v5 =	vld [tilespmem:s17+$0xFFFFFF60];
	[tilespmem:s17+$0xF0] =	vst v6  }
0x1bc: {  	[tilespmem:s17+$0xFFFFFF10] =	vst v4;
	v1 =	vmax.f32 v1, $0.0e+00;
	v4 =	vld [tilespmem:s17+$0xFFFFFF70]  }
0x1bd: {  	[tilespmem:s17+$0xFFFFFF20] =	vst v1;
	v1 =	vmax.f32 v2, $0.0e+00;
	v2 =	vld [tilespmem:s17+$0xFFFFFF80]  }
0x1be: {  	[tilespmem:s17+$0xFFFFFF30] =	vst v1;
	v1 =	vmax.f32 v3, $0.0e+00;
	v3 =	vld [tilespmem:s17+$0xFFFFFF90]  }
0x1bf: {  	[tilespmem:s17+$0xFFFFFF40] =	vst v1;
	v0 =	vmax.f32 v0, $0.0e+00;
	v1 =	vld [tilespmem:s17+$0xFFFFFFA0]  }
0x1c0: {  	[tilespmem:s17+$0xFFFFFF50] =	vst v0;
	v0 =	vmax.f32 v5, $0.0e+00;
	v5 =	vld [tilespmem:s17+$0xFFFFFFB0]  }
0x1c1: {  	[tilespmem:s17+$0xFFFFFF60] =	vst v0;
	v0 =	vmax.f32 v4, $0.0e+00;
	v4 =	vld [tilespmem:s17+$0xFFFFFFC0]  }
0x1c2: {  	[tilespmem:s17+$0xFFFFFF70] =	vst v0;
	v0 =	vmax.f32 v2, $0.0e+00;
	v2 =	vld [tilespmem:s17+$0xFFFFFFD0]  }
0x1c3: {  	[tilespmem:s17+$0xFFFFFF80] =	vst v0;
	v0 =	vmax.f32 v3, $0.0e+00;
	v3 =	vld [tilespmem:s17+$0xFFFFFFE0]  }
0x1c4: {  	[tilespmem:s17+$0xFFFFFF90] =	vst v0;
	v0 =	vmax.f32 v1, $0.0e+00;
	v1 =	vld [tilespmem:s17+$0xFFFFFFF0]  }
0x1c5: {  	[tilespmem:s17+$0xFFFFFFA0] =	vst v0;
	v0 =	vmax.f32 v5, $0.0e+00;
	v5 =	vld [tilespmem:s17+$0x0]  }
0x1c6: {  	[tilespmem:s17+$0xFFFFFFB0] =	vst v0;
	v0 =	vmax.f32 v4, $0.0e+00;
	v4 =	vld [tilespmem:s17+$0x10]  }
0x1c7: {  	[tilespmem:s17+$0xFFFFFFC0] =	vst v0;
	v0 =	vmax.f32 v2, $0.0e+00;
	v2 =	vld [tilespmem:s17+$0x20]  }
0x1c8: {  	[tilespmem:s17+$0xFFFFFFD0] =	vst v0;
	v0 =	vmax.f32 v3, $0.0e+00;
	v3 =	vld [tilespmem:s17+$0x30]  }
0x1c9: {  	[tilespmem:s17+$0xFFFFFFE0] =	vst v0;
	v0 =	vmax.f32 v1, $0.0e+00;
	v1 =	vld [tilespmem:s17+$0x40]  }
0x1ca: {  	[tilespmem:s17+$0xFFFFFFF0] =	vst v0;
	v0 =	vmax.f32 v5, $0.0e+00;
	v5 =	vld [tilespmem:s17+$0x50]  }
0x1cb: {  	[tilespmem:s17+$0x0] =	vst v0;
	v0 =	vmax.f32 v4, $0.0e+00;
	v4 =	vld [tilespmem:s17+$0x60]  }
0x1cc: {  	[tilespmem:s17+$0x10] =	vst v0;
	v0 =	vmax.f32 v2, $0.0e+00;
	v2 =	vld [tilespmem:s17+$0x70]  }
0x1cd: {  	[tilespmem:s17+$0x20] =	vst v0;
	v0 =	vmax.f32 v3, $0.0e+00;
	v3 =	vld [tilespmem:s17+$0x80]  }
0x1ce: {  	[tilespmem:s17+$0x30] =	vst v0;
	v0 =	vmax.f32 v1, $0.0e+00;
	v6 =	vld [tilespmem:s17+$0x90]  }
0x1cf: {  	[tilespmem:s17+$0x40] =	vst v0;
	v0 =	vmax.f32 v5, $0.0e+00;
	v5 =	vld [tilespmem:s17+$0xA0]  }
.Ltmp13:
0x1d0: {  	[tilespmem:s17+$0x50] =	vst v0;
	v1 =	vmax.f32 v4, $0.0e+00;
	v0 =	vld [tilespmem:s17+$0xB0];
	(pc) =	sbr.rel @p1 .LBB2_18-.Ltmp13, $4  }
0x1d1: {  	[tilespmem:s17+$0x60] =	vst v1;
	v2 =	vmax.f32 v2, $0.0e+00;
	v1 =	vld [tilespmem:s17+$0xC0]  }
0x1d2: {  	[tilespmem:s17+$0x70] =	vst v2;
	v3 =	vmax.f32 v3, $0.0e+00;
	v2 =	vld [tilespmem:s17+$0xD0]  }
0x1d3: {  	[tilespmem:s17+$0x80] =	vst v3;
	v6 =	vmax.f32 v6, $0.0e+00;
	v3 =	vld [tilespmem:s17+$0xE0]  }
0x1d4: {  	s17 =	sadd.s32 $0x200, s17;
	v4 =	vld [tilespmem:s22+$0xFFFFFF00];
	[tilespmem:s22+$0x90] =	vst v6;
	v5 =	vmax.f32 v5, $0.0e+00  }
0x1d5: {  	[tilespmem:s22+$0xA0] =	vst v5;
	v0 =	vmax.f32 v0, $0.0e+00  }
0x1d6: {  	[tilespmem:s22+$0xB0] =	vst v0;
	v60 =	vmax.f32 v1, $0.0e+00  }
.Ltmp14:
0x1d7: {  	[tilespmem:s22+$0xC0] =	vst v60;
	v61 =	vmax.f32 v2, $0.0e+00;
	(pc) =	sbr.rel .LBB2_20-.Ltmp14, $4  }
0x1d8: {  	[tilespmem:s22+$0xD0] =	vst v61;
	v62 =	vmax.f32 v3, $0.0e+00  }
0x1d9: {  	v63 =	vmax.f32 v4, $0.0e+00;
	[tilespmem:s22+$0xE0] =	vst v62  }
0x1da: {  	[tilespmem:s22+$0xFFFFFF00] =	vst v63  }
0x1db: {  	[spmem:s2] =	stream.indirect.scatter.add.f32 [tilespmem:s15], [sflag:$0xC], $0x80, s14, s5, $0xb8;
	[tilespmem:$0x1DC80] =	vst v63  }
.LBB2_22:
0x1dc: {  	_ =	sfence.sel $0x180000  }
0x1dd: {  	[bflag:$0x0] =	sbarrier.arrive $0xFFFF  }
0x1de: {  	_ =	strace $0x90000047  }
0x1df: {  	s0 =	stileid.u32;
	[bflag:$0x2] =	sbarrier.arrive $0xFFFF  }
0x1e0: {  	p0 =	sne.s32 s0, $0x0;
	s0 =	rddreg [dreg:$0x4]  }
0x1e1: {  	s0 =	sadd.s32 @!p0 $0x100000, s0  }
0x1e2: {  	[sflag:s0] =	ssyncadd.tile.s32 @!p0 $0x1;
	_ =	shalt  }
.Lfunc_end2:
_tile_overlayer_lowered:
.L_overlay_start_2:
0x1e3: {  	(tag) =	ssettag $0x2  }
0x1e4: {  	s0 =	rddreg [dreg:$0x0];
	s2 =	stileid.u32  }
0x1e5: {  	s1 =	rddreg [dreg:$0x1];
	p0 =	sne.s32 s2, $0x0  }
0x1e6: {  	s3 =	rddreg [dreg:$0x2];
	[bflag:$0x3] =	sbarrier.arrive $0xFFFF;
	s2 =	simm.s32 @!p0 $0x1C0D  }
0x1e7: {  	[timem:s3], [sflag:s2] =	dma.local @!p0 [hbm:s0], s1  }
0x1e8: {  	s0 =	simm.s32 @!p0 $0xD  }
0x1e9: {  	_ =	swait.ge @!p0 [sflag:s0], s1  }
0x1ea: {  	s1 =	ssub.s32 @!p0 $0x0, s1;
	[sflag:s0] =	ssyncset.done @!p0 $0x0  }
0x1eb: {  	[sflag:s0] =	ssyncadd.s32 @!p0 s1  }
0x1ec: {  	[bflag:$0x3] =	sbarrier.arrive $0xFFFF  }
0x1ed: {  	_ =	shalt  }

// kernel: kernel.14.cloned.1.call-start
scs
__scs_entry_jumppad:
0x0: {  	(pc) =	sbr.rel $0x88, $3  }
0x1: {  	(tag) =	ssettag $0x0;
	lr =	simm.s32 $0x1  }
0x2: {  	[smem:$0x3F96] =	sst lr;
	_ =	strace $0xD0000000  }
0x3: {  	_ = 	snop  }
0x4: {  	_ = 	snop  }
0x5: {  	_ = 	snop  }
0x6: {  	_ = 	snop  }
0x7: {  	_ = 	snop  }
__scs_overlays_trampoline_lowered:
0x8: {  	[smem:$0x3FA5] =	sst s0  }
0x9: {  	[smem:$0x3FA6] =	sst s1  }
0xa: {  	[smem:$0x3FA7] =	sst s2  }
0xb: {  	[smem:$0x3FA8] =	sst s3  }
0xc: {  	[smem:$0x3FA9] =	sst s4  }
0xd: {  	[smem:$0x3FAA] =	sst s5  }
0xe: {  	[smem:$0x3FAB] =	sst s6  }
0xf: {  	[smem:$0x3FAC] =	sst s7  }
0x10: {  	[smem:$0x3FAD] =	sst s8  }
0x11: {  	[smem:$0x3FAE] =	sst s9;
	s0 =	simm.s32 @!p0 $0x0  }
0x12: {  	s1 =	sld [smem:$0x3F94];
	s0 =	simm.s32 @p0 $0x1  }
0x13: {  	[smem:$0x3FAF] =	sst s0;
	s0 =	simm.s32 @!p1 $0x0  }
0x14: {  	s2 =	sld [smem:$0x3F93];
	s0 =	simm.s32 @p1 $0x1  }
0x15: {  	[smem:$0x3FB0] =	sst s0;
	s0 =	simm.s32 @!p2 $0x0  }
0x16: {  	s3 =	sld [smem:$0x3FDB];
	s0 =	simm.s32 @p2 $0x1  }
0x17: {  	s4 =	simm.s32 $0x1BF5;
	[smem:$0x3FB2] =	sst s0  }
0x18: {  	s0 =	sld [smem:$0x3F95];
	_ =	swait.ge [sflag:s4], $0x0  }
0x19: {  	s7 =	sld [smem:$0x3F96]  }
0x1a: {  	s8 =	sadd.s32 $0xFFFFE003, lr  }
0x1b: {  	s9 =	sadd.s32 $0xFFFFFEF7, lr;
	s5 =	simm.s32 $0xFFFFFFFF;
	p2 =	slt.u32 s8, $0xFFFFF086  }
0x1c: {  	p1 =	slt.u32 s9, $0xF7A;
	s5 =	simm.s32 @!p2 $0x0  }
0x1d: {  	s5 =	simm.s32 @p1 $0x1;
	p0 =	seq.s32 s7, s2  }
0x1e: {  	s7 =	smul.u32 @!p0 $0xF7A, s2;
	p2 =	seq.s32 @!p0 s5, $0x0  }
0x1f: {  	s9 =	smul.u32 $0xF7A, s1;
	s8 =	simm.s32 @!p0 $0x1BF5;
	p2 =	por !p2, p0  }
0x20: {  	[sflag:s8] =	ssyncset.s32 @!p0 $0xFFFFF086;
	s6 =	sadd.s32 @!p0 s3, s7;
	s7 =	simm.s32 @!p0 $0x108  }
0x21: {  	s3 =	sadd.s32 s3, s9;
	s6 =	sadd.s32 @!p0 $0x88, s6;
	s7 =	simm.s32 @p2 $0x1082  }
0x22: {  	[simem:s7], [sflag:s8] =	dma.local @!p0 [hbm:s6], $0xF7A  }
0x23: {  	s9 =	sor.u32 $0xD0000000, s2;
	s6 =	simm.s32 $0x108;
	_ =	swait.ge @!p0 [sflag:s8], $0x0  }
0x24: {  	s3 =	sadd.s32 $0x88, s3;
	s6 =	simm.s32 @!p1 $0x1082;
	[sflag:s4] =	ssyncset.s32 $0xFFFFF086  }
0x25: {  	[simem:s6], [sflag:s4] =	dma.local [hbm:s3], $0xF7A  }
0x26: {  	[smem:$0x3F96] =	sst s1;
	(tag) =	ssettag s2;
	_ =	strace s9  }
0x27: {  	s1 =	sld [smem:$0x3FA6]  }
0x28: {  	s2 =	sld [smem:$0x3FA7]  }
0x29: {  	s4 =	sld [smem:$0x3FA9]  }
0x2a: {  	p0 =	seq.s32 s5, $0x0;
	s5 =	sld [smem:$0x3FAA]  }
0x2b: {  	s6 =	sld [smem:$0x3FAB]  }
0x2c: {  	s7 =	sld [smem:$0x3FAC]  }
0x2d: {  	s3 =	simm.s32 $0x108;
	s8 =	sld [smem:$0x3FAD]  }
0x2e: {  	s3 =	simm.s32 @!p0 $0x1082;
	s9 =	sld [smem:$0x3FAE]  }
0x2f: {  	lr =	sadd.s32 s0, s3;
	s0 =	sld [smem:$0x3FA5]  }
0x30: {  	s3 =	sld [smem:$0x3FA8]  }
0x31: {  	[smem:$0x3FB1] =	sst s10  }
0x32: {  	s10 =	sld [smem:$0x3FAF];
	_ =	sdelay $0x3  }
0x33: {  	p0 =	seq.s32 s10, $0x1;
	s10 =	sld [smem:$0x3FB1];
	_ =	sdelay $0x3  }
0x34: {  	[smem:$0x3FB1] =	sst s10  }
0x35: {  	s10 =	sld [smem:$0x3FB0];
	_ =	sdelay $0x3  }
0x36: {  	p1 =	seq.s32 s10, $0x1;
	s10 =	sld [smem:$0x3FB1];
	_ =	sdelay $0x3  }
0x37: {  	[smem:$0x3FB1] =	sst s10  }
0x38: {  	s10 =	sld [smem:$0x3FB2]  }
0x39: {  	_ = 	snop;
	(pc) =	sbr.ind lr, $3  }
0x3a: {  	_ = 	snop  }
0x3b: {  	_ = 	snop  }
0x3c: {  	p2 =	seq.s32 s10, $0x1;
	s10 =	sld [smem:$0x3FB1]  }
0x3d: {  	_ =	shalt  }
0x3e: {  	_ =	shalt  }
0x3f: {  	_ =	shalt  }
0x40: {  	_ =	shalt  }
0x41: {  	_ =	shalt  }
0x42: {  	_ =	shalt  }
0x43: {  	_ =	shalt  }
0x44: {  	_ =	shalt  }
0x45: {  	_ =	shalt  }
0x46: {  	_ =	shalt  }
0x47: {  	_ =	shalt  }
0x48: {  	_ =	shalt  }
0x49: {  	_ =	shalt  }
0x4a: {  	_ =	shalt  }
0x4b: {  	_ =	shalt  }
0x4c: {  	_ =	shalt  }
0x4d: {  	_ =	shalt  }
0x4e: {  	_ =	shalt  }
0x4f: {  	_ =	shalt  }
0x50: {  	_ =	shalt  }
0x51: {  	_ =	shalt  }
0x52: {  	_ =	shalt  }
0x53: {  	_ =	shalt  }
0x54: {  	_ =	shalt  }
0x55: {  	_ =	shalt  }
0x56: {  	_ =	shalt  }
0x57: {  	_ =	shalt  }
0x58: {  	_ =	shalt  }
0x59: {  	_ =	shalt  }
0x5a: {  	_ =	shalt  }
0x5b: {  	_ =	shalt  }
0x5c: {  	_ =	shalt  }
0x5d: {  	_ =	shalt  }
0x5e: {  	_ =	shalt  }
0x5f: {  	_ =	shalt  }
0x60: {  	_ =	shalt  }
0x61: {  	_ =	shalt  }
0x62: {  	_ =	shalt  }
0x63: {  	_ =	shalt  }
0x64: {  	_ =	shalt  }
0x65: {  	_ =	shalt  }
0x66: {  	_ =	shalt  }
0x67: {  	_ =	shalt  }
0x68: {  	_ =	shalt  }
0x69: {  	_ =	shalt  }
0x6a: {  	_ =	shalt  }
0x6b: {  	_ =	shalt  }
0x6c: {  	_ =	shalt  }
0x6d: {  	_ =	shalt  }
0x6e: {  	_ =	shalt  }
0x6f: {  	_ =	shalt  }
0x70: {  	_ =	shalt  }
0x71: {  	_ =	shalt  }
0x72: {  	_ =	shalt  }
0x73: {  	_ =	shalt  }
0x74: {  	_ =	shalt  }
0x75: {  	_ =	shalt  }
0x76: {  	_ =	shalt  }
0x77: {  	_ =	shalt  }
0x78: {  	_ =	shalt  }
0x79: {  	_ =	shalt  }
0x7a: {  	_ =	shalt  }
0x7b: {  	_ =	shalt  }
0x7c: {  	_ =	shalt  }
0x7d: {  	_ =	shalt  }
0x7e: {  	_ =	shalt  }
0x7f: {  	_ =	shalt  }
0x80: {  	_ =	shalt  }
0x81: {  	_ =	shalt  }
0x82: {  	_ =	shalt  }
0x83: {  	_ =	shalt  }
0x84: {  	_ =	shalt  }
0x85: {  	_ =	shalt  }
0x86: {  	_ =	shalt  }
0x87: {  	_ =	shalt  }
.Lfunc_end0:
.L_simem_size_0:
called_computation.1_lowered:
.L_overlay_start_0:
0x88: {  	s2 =	sld [smem:$0x3FD9]  }
0x89: {  	s3 =	sld [smem:$0x3FFE];
	_ =	sdelay $0x1  }
0x8a: {  	s1 =	srdreg.scid  }
0x8b: {  	s0 =	sand.u32 $0x1, s1  }
0x8c: {  	s17 =	sshll.u32 s0, $0xA;
	s2 =	sadd.s32 s3, s2  }
0x8d: {  	s2 =	sadd.s32 s2, s17  }
0x8e: {  	[smem:$0x3FBD] =	sst s2  }
0x8f: {  	_ = 	snop  }
0x90: {  	s2 =	sld [smem:$0x3FD0];
	(tm) =	ssettm $0x1  }
0x91: {  	s18 =	sld [smem:$0x3FFB];
	_ =	sdelay $0x3  }
0x92: {  	_ =	strace s18  }
0x93: {  	s3 =	sld [smem:$0x3FFC];
	_ =	sdelay $0x3  }
0x94: {  	_ =	strace s3  }
0x95: {  	s3 =	sld [smem:$0x3FFD];
	_ =	sdelay $0x3  }
0x96: {  	_ =	strace s3  }
0x97: {  	_ =	strace $0x8FFFFFFF  }
0x98: {  	s19 =	sld [smem:$0x3FDB];
	_ =	sdelay $0x1  }
0x99: {  	s4 =	simm.s32 $_scs_section_size  }
0x9a: {  	s5 =	simm.s32 $_size__tile_overlayer_lowered;
	s6 =	simm.s32 $_tile_overlayer_lowered  }
0x9b: {  	s22 =	simm.s32 $0x1BFF;
	s21 =	sshll.u32 s6, $0x1;
	s3 =	sadd.s32 s4, s19  }
0x9c: {  	s7 =	simm.s32 $0x0;
	s20 =	sshll.u32 s5, $0x1;
	s5 =	sadd.s32 s21, s3  }
0x9d: {  	[timem:s7], [sflag:s22] =	dma.local [hbm:s5], s20  }
0x9e: {  	_ =	swait.ge [sflag:s22], s20  }
0x9f: {  	s4 =	ssub.s32 $0x0, s20;
	[sflag:s22] =	ssyncset.done $0x0  }
0xa0: {  	[sflag:s22] =	ssyncadd.s32 s4;
	_ =	sdelay $0x1  }
0xa1: {  	s23 =	simm.s32 $0x1B8B  }
0xa2: {  	_ =	swait.ge [sflag:s23], $0x1  }
0xa3: {  	[sflag:s23] =	ssyncset.done $0x0  }
0xa4: {  	s25 =	simm.s32 $0x1B8E;
	s24 =	sld [smem:$0x3FFE];
	[sflag:s23] =	ssyncadd.s32 $0xFFFFFFFF  }
0xa5: {  	s26 =	simm.s32 $execute0_lowered;
	[smem:$0x3FD2] =	sst s25  }
0xa6: {  	s5 =	sshll.u32 s26, $0x1;
	_ =	strace $0x80000049;
	[dreg:$0x1] =	wrdreg $0xFFFFFFFF  }
0xa7: {  	s28 =	simm.s32 $_size_execute0_lowered;
	s3 =	sadd.s32 s3, s5;
	[dreg:$0x0] =	wrdreg $0x0  }
0xa8: {  	s5 =	sshll.u32 s28, $0x1;
	[dreg:$0x2] =	wrdreg s3  }
0xa9: {  	[dreg:$0x3] =	wrdreg s5  }
0xaa: {  	[dreg:$0x4] =	wrdreg $0xC0  }
0xab: {  	_ =	task [dreg:s7], $0x5FFFF  }
0xac: {  	[dreg:$0x1] =	wrdreg $0xFFFFFFFF  }
0xad: {  	[dreg:$0x0] =	wrdreg $0x60  }
0xae: {  	[dreg:$0x2] =	wrdreg s24  }
0xaf: {  	[dreg:$0x3] =	wrdreg s2  }
0xb0: {  	[dreg:$0x4] =	wrdreg $0xA4000  }
0xb1: {  	[dreg:$0x5] =	wrdreg $0x9  }
0xb2: {  	_ =	task.clear_ibuf [dreg:s7], $0x6FFFF;
	_ =	strace $0x90000049  }
0xb3: {  	s29 =	simm.s32 $0x9;
	_ =	strace $0x8000004B  }
0xb4: {  	_ =	swait.ge [sflag:s29], $0x1  }
0xb5: {  	[sflag:s29] =	ssyncadd.s32 $0xFFFFFFFF  }
0xb6: {  	_ =	strace $0x9000004B  }
0xb7: {  	_ =	sfence  }
0xb8: {  	s30 =	sld [smem:$0x0];
	_ =	sdelay $0x2  }
0xb9: {  	s31 =	sshll.u32 s1, $0xD;
	s1 =	sshrl.u32 s1, $0x2  }
0xba: {  	s3 =	sand.u32 $0x4000, s31;
	s1 =	sadd.s32 s1, s30  }
0xbb: {  	s0 =	sor.u32 s3, s0;
	s1 =	sshll.u32 s1, $0x11  }
0xbc: {  	s0 =	sor.u32 s1, s0  }
0xbd: {  	s0 =	sadd.s32 $0x8F2B, s0  }
0xbe: {  	[sflag:s0] =	ssyncadd.remote.s32 $0x1  }
0xbf: {  	_ =	sfence.sel $0xFFFF  }
0xc0: {  	[dreg:$0x0] =	wrdreg $0xFFFFFFFF;
	(pc) =	sbr.abs _section_cstart, $3  }
0xc1: {  	[dreg:$0x1] =	wrdreg $0xFFFFFFFF  }
0xc2: {  	_ =	task.clear_ibuf [dreg:s7], $0x2FFFF;
	_ =	strace $0x9FFFFFFF  }
0xc3: {  	(tm) =	ssettm $0x7FFFFFFF  }
tec
execute0_lowered:
.L_overlay_start_1:
0x0: {  	(tag) =	ssettag $0x1  }
0x1: {  	s0 =	rddreg [dreg:$0x0]  }
0x2: {  	s5 =	rddreg [dreg:$0x1]  }
0x3: {  	s1 =	rddreg [dreg:$0x2]  }
0x4: {  	s2 =	simm.s32 $0x0;
	s8 =	srdreg.scid;
	s15 =	stileid.u32  }
0x5: {  	s28 =	simm.s32 $0x400;
	s30 =	simm.s32 $0x280;
	s31 =	simm.s32 $0x2C00  }
0x6: {  	s29 =	simm.s32 $0x5;
	s3 =	sadd.s32 $0x4F0400, s0;
	s4 =	sadd.s32 $0x4E6600, s0  }
0x7: {  	s16 =	simm.s32 $0x0;
	s6 =	sadd.s32 $0xA2A400, s0;
	s7 =	sadd.s32 $0x4FA200, s0  }
0x8: {  	[smem:$0x7FF] =	sst s2;
	s0 =	sadd.s32 $0x521400, s0;
	s11 =	smul.u32 $0x4E000, s15  }
0x9: {  	s9 =	sand.u32 $0x1, s8;
	s10 =	sshll.u32 s15, $0x1;
	s13 =	smul.u32 $0x13800, s15  }
0xa: {  	s14 =	sshll.u32 s15, $0x6;
	s18 =	sadd.s32 $0x138000, s1;
	p0 =	sne.s32 s15, $0xF  }
0xb: {  	s15 =	simm.s32 $0x7C00;
	_ =	strace $0x8000004A;
	s8 =	ssub.s32 $0x2, s9  }
0xc: {  	s10 =	sor.u32 s9, s10;
	[dreg:$0x6] =	wrdreg s18;
	s9 =	smul.u32 $0x138800, s9  }
0xd: {  	s12 =	sshrl.u32 s8, $0x1;
	s11 =	sshrl.u32 s11, $0x2;
	s17 =	sshrl.u32 s13, $0x3  }
0xe: {  	s12 =	ssub.s32 s8, s12;
	s8 =	smul.u32 $0x2710, s10;
	s11 =	sadd.s32 s11, s1  }
0xf: {  	s10 =	smul.u32 $0x27100, s10;
	s24 =	sadd.s32 s13, s9;
	s9 =	sshrl.u32 s9, $0x3  }
0x10: {  	s13 =	simm.s32 $0xA;
	[dreg:$0x4] =	wrdreg s11;
	s11 =	sadd.s32 s5, s17  }
0x11: {  	s5 =	sadd.s32 $0x27000, s5;
	s9 =	sadd.s32 s0, s9;
	s26 =	smax.u32 s12, $0x1  }
0x12: {  	s12 =	simm.s32 $0x5400;
	[dreg:$0x5] =	wrdreg s11;
	s11 =	sor.u32 $0x1C0D, s14  }
0x13: {  	[dreg:$0x7] =	wrdreg s5;
	s19 =	sshrl.u32 s8, $0x3;
	s21 =	sadd.s32 $0x50, s8  }
0x14: {  	s10 =	sadd.s32 s6, s10;
	s25 =	sadd.s32 $0x27000, s9;
	[dreg:$0x10] =	wrdreg s26  }
0x15: {  	s26 =	simm.s32 $0x200;
	s9 =	simm.s32 $0x9;
	[dreg:$0xa] =	wrdreg s10  }
0x16: {  	s14 =	simm.s32 $0x380;
	s20 =	sadd.s32 s3, s19;
	[dreg:$0xf] =	wrdreg s25  }
0x17: {  	s5 =	sadd.s32 s4, s19;
	s22 =	sshrl.u32 s21, $0x3;
	[dreg:$0x8] =	wrdreg s20  }
0x18: {  	s19 =	simm.s32 $0xD;
	[dreg:$0x9] =	wrdreg s5;
	s23 =	sadd.s32 s3, s22  }
.Ltmp0:
0x19: {  	s10 =	sadd.s32 s4, s22;
	s5 =	sshll.u32 s21, $0x4;
	(pc) =	sbr.rel .LBB2_1-.Ltmp0, $4  }
0x1a: {  	s20 =	sadd.s32 $0x140, s8;
	[dreg:$0xb] =	wrdreg s23;
	s5 =	sadd.s32 s6, s5  }
0x1b: {  	s21 =	sadd.s32 $0x190, s8;
	[dreg:$0xd] =	wrdreg s5;
	s5 =	sshrl.u32 s24, $0x3  }
0x1c: {  	[dreg:$0xc] =	wrdreg s10;
	s10 =	simm.s32 $0x300;
	s0 =	sadd.s32 s0, s5  }
0x1d: {  	s5 =	simm.s32 $0x50;
	[dreg:$0xe] =	wrdreg s0;
	s0 =	simm.s32 $0x1  }
.LBB2_21:
0x1e: {  	[bflag:$0x0] =	sbarrier.arrive $0xFFFF  }
0x1f: {  	s17 =	rddreg [dreg:$0xe]  }
0x20: {  	s19 =	simm.s32 $0xD;
	s18 =	rddreg [dreg:$0x11]  }
0x21: {  	[hbm:s17], [sflag:s11] =	dma.local [spmem:s18], $0x2700  }
0x22: {  	_ =	swait.ge [sflag:s19], $0x2700  }
0x23: {  	[sflag:s19] =	ssyncset.done $0x0;
	s17 =	rddreg [dreg:$0xf]  }
0x24: {  	s18 =	rddreg [dreg:$0x12];
	[sflag:s19] =	ssyncadd.s32 $0xFFFFD900  }
0x25: {  	[hbm:s17], [sflag:s11] =	dma.local @!p0 [spmem:s18], $0x100  }
0x26: {  	s17 =	simm.s32 @!p0 $0xD  }
0x27: {  	_ =	swait.ge @!p0 [sflag:s17], $0x100  }
0x28: {  	s16 =	sadd.s32 $0x1, s16;
	s25 =	rddreg [dreg:$0x10]  }
0x29: {  	p1 =	sne.s32 s16, s25  }
.Ltmp1:
0x2a: {  	_ = 	snop;
	(pc) =	sbr.rel @!p1 .LBB2_22-.Ltmp1, $3  }
0x2b: {  	_ =	sdelay $0x1  }
0x2c: {  	[sflag:s17] =	ssyncset.done @!p0 $0x0  }
0x2d: {  	[sflag:s17] =	ssyncadd.s32 @!p0 $0xFFFFFF00  }
.LBB2_1:
0x2e: {  	s17 =	rddreg [dreg:$0x4]  }
0x2f: {  	s24 =	rddreg [dreg:$0x5];
	s18 =	sshrl.u32 s17, $0x3  }
0x30: {  	[dreg:$0x11] =	wrdreg s18  }
0x31: {  	[spmem:s18], [sflag:s11] =	dma.local [hbm:s24], $0x2700  }
0x32: {  	_ =	swait.ge [sflag:s19], $0x2700  }
0x33: {  	s17 =	rddreg [dreg:$0x6]  }
0x34: {  	[sflag:s19] =	ssyncset.done $0x0;
	s18 =	sshrl.u32 @!p0 s17, $0x3;
	s17 =	rddreg [dreg:$0x7]  }
0x35: {  	[sflag:s19] =	ssyncadd.s32 $0xFFFFD900;
	[dreg:$0x12] =	wrdreg s18  }
0x36: {  	[spmem:s18], [sflag:s11] =	dma.local @!p0 [hbm:s17], $0x100  }
0x37: {  	s17 =	simm.s32 @!p0 $0xD  }
0x38: {  	_ =	swait.ge @!p0 [sflag:s17], $0x100  }
0x39: {  	[sflag:s17] =	ssyncset.done @!p0 $0x0  }
0x3a: {  	[sflag:s17] =	ssyncadd.s32 @!p0 $0xFFFFFF00  }
0x3b: {  	[bflag:$0x0] =	sbarrier.arrive $0xFFFF  }
0x3c: {  	s25 =	rddreg [dreg:$0x8]  }
0x3d: {  	[tilespmem:s2], [sflag:$0x1] =	stream.linear.gather [hbm4b:s25+s2], $0x50, $0x38;
	[tilespmem:$0x1DC80] =	vst v63  }
0x3e: {  	s18 =	rddreg [dreg:$0x9]  }
0x3f: {  	[tilespmem:s26], [sflag:$0x1] =	stream.linear.gather [hbm4b:s18+s2], $0x50, $0x38;
	[tilespmem:$0x1DC80] =	vst v63  }
0x40: {  	s19 =	rddreg [dreg:$0xa]  }
0x41: {  	[tilespmem:s28], [sflag:$0x1] =	stream.linear.gather [hbm4b:s19+s2], $0x2800, $0x38;
	[tilespmem:$0x1DC80] =	vst v63  }
0x42: {  	s23 =	simm.s32 $0x80;
	s22 =	rddreg [dreg:$0xb]  }
0x43: {  	[tilespmem:s23], [sflag:$0x2] =	stream.linear.gather [hbm4b:s22+s2], $0x50, $0x38;
	[tilespmem:$0x1DC80] =	vst v63  }
0x44: {  	s24 =	rddreg [dreg:$0xc]  }
0x45: {  	[tilespmem:s30], [sflag:$0x2] =	stream.linear.gather [hbm4b:s24+s2], $0x50, $0x38;
	[tilespmem:$0x1DC80] =	vst v63  }
0x46: {  	s25 =	rddreg [dreg:$0xd]  }
0x47: {  	[tilespmem:s31], [sflag:$0x2] =	stream.linear.gather [hbm4b:s25+s2], $0x2800, $0x38;
	[tilespmem:$0x1DC80] =	vst v63  }
0x48: {  	_ =	swait.ge [sflag:s0], $0x50  }
0x49: {  	[sflag:s0] =	ssyncset.done $0x0  }
0x4a: {  	[sflag:s0] =	ssyncadd.s32 $0xFFFFFFB0  }
0x4b: {  	_ =	swait.ge [sflag:s0], $0x50  }
0x4c: {  	[sflag:s0] =	ssyncset.done $0x0  }
.Ltmp2:
0x4d: {  	[sflag:s0] =	ssyncadd.s32 $0xFFFFFFB0;
	(pc) =	sbr.rel .LBB2_2-.Ltmp2, $4  }
0x4e: {  	_ =	swait.ge [sflag:s0], $0x2800  }
0x4f: {  	[sflag:s0] =	ssyncset.done $0x0  }
0x50: {  	s19 =	simm.s32 $0x0;
	[sflag:s0] =	ssyncadd.s32 $0xFFFFD800  }
0x51: {  	[tilespmem:s28], [sflag:$0x5] =	stream.indirect.gather.add.f32 [hbm:s7], $0x80, s2, s5, $0xb8;
	[tilespmem:$0x1DC80] =	vst v63  }
.LBB2_20:
0x52: {  	s19 =	sadd.s32 $0x1, s19  }
0x53: {  	p1 =	sne.s32 s19, $0x20  }
.Ltmp3:
0x54: {  	_ = 	snop;
	(pc) =	sbr.rel @!p1 .LBB2_21-.Ltmp3, $1  }
0x55: {  	_ =	sdelay $0x3  }
.LBB2_2:
0x56: {  	s22 =	sshll.u32 s19, $0x2  }
0x57: {  	_ =	swait.ge [sflag:s29], $0x2800;
	s17 =	sadd.s32 $0xFFFFFFFE, s22;
	s23 =	sor.u32 $0x2, s22  }
0x58: {  	[sflag:s29] =	ssyncset.done $0x0;
	p1 =	sgt.u32 s17, $0x7C;
	p3 =	sgt.u32 s23, $0x7C  }
0x59: {  	[sflag:s29] =	ssyncadd.s32 $0xFFFFD800;
	s17 =	simm.s32 @!p1 $0xB;
	s23 =	smul.u32 @!p3 $0x50, s23  }
0x5a: {  	_ =	swait.ge @!p1 [sflag:s17], $0x2800  }
0x5b: {  	[sflag:s17] =	ssyncset.done @!p1 $0x0;
	s23 =	sadd.s32 @!p3 s8, s23  }
0x5c: {  	[sflag:s17] =	ssyncadd.s32 @!p1 $0xFFFFD800;
	s17 =	sshrl.u32 @!p3 s23, $0x3  }
0x5d: {  	s25 =	simm.s32 @!p3 $0x0;
	s18 =	simm.s32 @!p3 $0x100;
	s24 =	sadd.s32 @!p3 s3, s17  }
0x5e: {  	[tilespmem:s18], [sflag:$0x3] =	stream.linear.gather @!p3 [hbm4b:s24+s25], $0x50, $0x38;
	[tilespmem:$0x1DC80] =	vst v63  }
0x5f: {  	s17 =	sadd.s32 @!p3 s4, s17;
	s18 =	simm.s32 @!p3 $0x300  }
0x60: {  	[tilespmem:s18], [sflag:$0x3] =	stream.linear.gather @!p3 [hbm4b:s17+s25], $0x50, $0x38;
	[tilespmem:$0x1DC80] =	vst v63  }
0x61: {  	s17 =	sshll.u32 @!p3 s23, $0x4  }
0x62: {  	p1 =	sgt.u32 s19, $0x1E;
	s18 =	simm.s32 @!p3 $0x5400;
	s17 =	sadd.s32 @!p3 s6, s17  }
0x63: {  	[tilespmem:s18], [sflag:$0x3] =	stream.linear.gather @!p3 [hbm4b:s17+s25], $0x2800, $0x38;
	[tilespmem:$0x1DC80] =	vst v63  }
0x64: {  	s17 =	simm.s32 @!p1 $0x2  }
0x65: {  	_ =	swait.ge @!p1 [sflag:s17], $0x50  }
0x66: {  	[sflag:s17] =	ssyncset.done @!p1 $0x0  }
0x67: {  	[sflag:s17] =	ssyncadd.s32 @!p1 $0xFFFFFFB0  }
0x68: {  	_ =	swait.ge @!p1 [sflag:s17], $0x50  }
0x69: {  	[sflag:s17] =	ssyncset.done @!p1 $0x0  }
0x6a: {  	[sflag:s17] =	ssyncadd.s32 @!p1 $0xFFFFFFB0  }
0x6b: {  	_ =	swait.ge @!p1 [sflag:s17], $0x2800  }
0x6c: {  	s23 =	simm.s32 @!p1 $0x2C00;
	[sflag:s17] =	ssyncset.done @!p1 $0x0  }
0x6d: {  	s18 =	simm.s32 @!p1 $0x80;
	[sflag:s17] =	ssyncadd.s32 @!p1 $0xFFFFD800;
	s17 =	simm.s32 @!p1 $0x50  }
0x6e: {  	[tilespmem:s23], [sflag:$0x6] =	stream.indirect.gather.add.f32 @!p1 [hbm:s7], $0x80, s18, s17, $0xb8;
	[tilespmem:$0x1DC80] =	vst v63  }
0x6f: {  	s23 =	simm.s32 $0x500  }
0x70: {  	v0 =	vld [tilespmem:s23+$0xFFFFFF10]  }
0x71: {  	v6 =	vld [tilespmem:s23+$0xF0]  }
0x72: {  	v1 =	vld [tilespmem:s23+$0xFFFFFF20]  }
0x73: {  	v7 =	vld [tilespmem:s23+$0xFFFFFF80]  }
0x74: {  	v2 =	vld [tilespmem:s23+$0xFFFFFF30]  }
0x75: {  	v8 =	vld [tilespmem:s23+$0xFFFFFF90];
	v0 =	vmax.f32 v0, $0.0e+00  }
0x76: {  	v3 =	vld [tilespmem:s23+$0xFFFFFF40];
	v6 =	vmax.f32 v6, $0.0e+00;
	[tilespmem:s23+$0xFFFFFF10] =	vst v0  }
0x77: {  	v4 =	vld [tilespmem:s23+$0xFFFFFF50];
	v1 =	vmax.f32 v1, $0.0e+00;
	[tilespmem:s23+$0xF0] =	vst v6  }
0x78: {  	v5 =	vld [tilespmem:s23+$0xFFFFFF60];
	[tilespmem:s23+$0xFFFFFF20] =	vst v1;
	v1 =	vmax.f32 v7, $0.0e+00  }
0x79: {  	v0 =	vld [tilespmem:s23+$0xFFFFFF70];
	[tilespmem:s23+$0xFFFFFF80] =	vst v1;
	v1 =	vmax.f32 v2, $0.0e+00  }
0x7a: {  	v9 =	vld [tilespmem:s23+$0xFFFFFFA0];
	[tilespmem:s23+$0xFFFFFF30] =	vst v1;
	v1 =	vmax.f32 v8, $0.0e+00  }
0x7b: {  	v10 =	vld [tilespmem:s23+$0xFFFFFFB0];
	[tilespmem:s23+$0xFFFFFF90] =	vst v1;
	v1 =	vmax.f32 v3, $0.0e+00  }
0x7c: {  	v6 =	vld [tilespmem:s23+$0xFFFFFFC0];
	[tilespmem:s23+$0xFFFFFF40] =	vst v1;
	v1 =	vmax.f32 v4, $0.0e+00  }
0x7d: {  	v4 =	vld [tilespmem:s23+$0x0];
	[tilespmem:s23+$0xFFFFFF50] =	vst v1;
	v1 =	vmax.f32 v5, $0.0e+00  }
0x7e: {  	v7 =	vld [tilespmem:s23+$0xFFFFFFD0];
	v0 =	vmax.f32 v0, $0.0e+00;
	[tilespmem:s23+$0xFFFFFF60] =	vst v1  }
0x7f: {  	v1 =	vld [tilespmem:s23+$0x10];
	[tilespmem:s23+$0xFFFFFF70] =	vst v0;
	v0 =	vmax.f32 v9, $0.0e+00  }
0x80: {  	v2 =	vld [tilespmem:s23+$0xFFFFFFE0];
	[tilespmem:s23+$0xFFFFFFA0] =	vst v0;
	v0 =	vmax.f32 v10, $0.0e+00  }
0x81: {  	v3 =	vld [tilespmem:s23+$0xFFFFFFF0];
	[tilespmem:s23+$0xFFFFFFB0] =	vst v0;
	v0 =	vmax.f32 v6, $0.0e+00  }
0x82: {  	v5 =	vld [tilespmem:s23+$0x20];
	[tilespmem:s23+$0xFFFFFFC0] =	vst v0;
	v0 =	vmax.f32 v4, $0.0e+00  }
0x83: {  	v4 =	vld [tilespmem:s23+$0x50];
	[tilespmem:s23+$0x0] =	vst v0;
	v0 =	vmax.f32 v7, $0.0e+00  }
0x84: {  	v63 =	vld [tilespmem:s23+$0x30];
	[tilespmem:s23+$0xFFFFFFD0] =	vst v0;
	v0 =	vmax.f32 v1, $0.0e+00  }
0x85: {  	v6 =	vld [tilespmem:s23+$0x40];
	[tilespmem:s23+$0x10] =	vst v0;
	v0 =	vmax.f32 v2, $0.0e+00  }
0x86: {  	v1 =	vld [tilespmem:s23+$0x60];
	[tilespmem:s23+$0xFFFFFFE0] =	vst v0;
	v0 =	vmax.f32 v3, $0.0e+00  }
0x87: {  	v2 =	vld [tilespmem:s23+$0x80];
	[tilespmem:s23+$0xFFFFFFF0] =	vst v0;
	v0 =	vmax.f32 v5, $0.0e+00  }
0x88: {  	v3 =	vld [tilespmem:s23+$0x70];
	v4 =	vmax.f32 v4, $0.0e+00;
	[tilespmem:s23+$0x20] =	vst v0  }
0x89: {  	v5 =	vld [tilespmem:s23+$0x90];
	v0 =	vmax.f32 v63, $0.0e+00;
	[tilespmem:s23+$0x50] =	vst v4  }
0x8a: {  	[tilespmem:s23+$0x30] =	vst v0;
	v0 =	vmax.f32 v6, $0.0e+00;
	v6 =	vld [tilespmem:s23+$0xA0]  }
0x8b: {  	v4 =	vmax.f32 v1, $0.0e+00;
	[tilespmem:s23+$0x40] =	vst v0;
	v0 =	vld [tilespmem:s23+$0xB0]  }
0x8c: {  	v1 =	vld [tilespmem:s23+$0xC0];
	[tilespmem:s23+$0x60] =	vst v4;
	v4 =	vmax.f32 v2, $0.0e+00  }
0x8d: {  	v2 =	vld [tilespmem:s23+$0xD0];
	v3 =	vmax.f32 v3, $0.0e+00;
	[tilespmem:s23+$0x80] =	vst v4  }
0x8e: {  	[tilespmem:s23+$0x70] =	vst v3;
	v5 =	vmax.f32 v5, $0.0e+00;
	v3 =	vld [tilespmem:s23+$0xE0]  }
0x8f: {  	s24 =	simm.s32 $0x0;
	s25 =	simm.s32 $0x700;
	v4 =	vld [tilespmem:s23+$0xFFFFFF00];
	[tilespmem:s23+$0x90] =	vst v5;
	v5 =	vmax.f32 v6, $0.0e+00  }
.LBB2_3:
0x90: {  	v6 =	vld [tilespmem:s25+$0xF0];
	s24 =	sadd.s32 $0x4, s24;
	[tilespmem:s23+$0xA0] =	vst v5;
	v0 =	vmax.f32 v0, $0.0e+00  }
0x91: {  	v5 =	vld [tilespmem:s25+$0xFFFFFF10];
	p2 =	slt.u32 s24, $0x4C;
	[tilespmem:s23+$0xB0] =	vst v0;
	v0 =	vmax.f32 v1, $0.0e+00  }
0x92: {  	v1 =	vld [tilespmem:s25+$0xFFFFFF20];
	[tilespmem:s23+$0xC0] =	vst v0;
	v0 =	vmax.f32 v2, $0.0e+00  }
0x93: {  	v2 =	vld [tilespmem:s25+$0xFFFFFF30];
	[tilespmem:s23+$0xD0] =	vst v0;
	v0 =	vmax.f32 v3, $0.0e+00  }
0x94: {  	v3 =	vld [tilespmem:s25+$0xFFFFFF40];
	v4 =	vmax.f32 v4, $0.0e+00;
	[tilespmem:s23+$0xE0] =	vst v0  }
0x95: {  	v0 =	vld [tilespmem:s25+$0xFFFFFF50];
	v6 =	vmax.f32 v6, $0.0e+00;
	[tilespmem:s23+$0xFFFFFF00] =	vst v4;
	s23 =	smov.u32 s25  }
0x96: {  	v4 =	vmax.f32 v5, $0.0e+00;
	v5 =	vld [tilespmem:s25+$0xFFFFFF60];
	[tilespmem:s25+$0xF0] =	vst v6  }
0x97: {  	[tilespmem:s25+$0xFFFFFF10] =	vst v4;
	v1 =	vmax.f32 v1, $0.0e+00;
	v4 =	vld [tilespmem:s25+$0xFFFFFF70]  }
0x98: {  	[tilespmem:s25+$0xFFFFFF20] =	vst v1;
	v1 =	vmax.f32 v2, $0.0e+00;
	v2 =	vld [tilespmem:s25+$0xFFFFFF80]  }
0x99: {  	[tilespmem:s25+$0xFFFFFF30] =	vst v1;
	v1 =	vmax.f32 v3, $0.0e+00;
	v3 =	vld [tilespmem:s25+$0xFFFFFF90]  }
0x9a: {  	[tilespmem:s25+$0xFFFFFF40] =	vst v1;
	v0 =	vmax.f32 v0, $0.0e+00;
	v1 =	vld [tilespmem:s25+$0xFFFFFFA0]  }
0x9b: {  	[tilespmem:s25+$0xFFFFFF50] =	vst v0;
	v0 =	vmax.f32 v5, $0.0e+00;
	v5 =	vld [tilespmem:s25+$0xFFFFFFB0]  }
0x9c: {  	[tilespmem:s25+$0xFFFFFF60] =	vst v0;
	v0 =	vmax.f32 v4, $0.0e+00;
	v4 =	vld [tilespmem:s25+$0xFFFFFFC0]  }
0x9d: {  	[tilespmem:s25+$0xFFFFFF70] =	vst v0;
	v0 =	vmax.f32 v2, $0.0e+00;
	v2 =	vld [tilespmem:s25+$0xFFFFFFD0]  }
0x9e: {  	[tilespmem:s25+$0xFFFFFF80] =	vst v0;
	v0 =	vmax.f32 v3, $0.0e+00;
	v3 =	vld [tilespmem:s25+$0xFFFFFFE0]  }
0x9f: {  	[tilespmem:s25+$0xFFFFFF90] =	vst v0;
	v0 =	vmax.f32 v1, $0.0e+00;
	v1 =	vld [tilespmem:s25+$0xFFFFFFF0]  }
0xa0: {  	[tilespmem:s25+$0xFFFFFFA0] =	vst v0;
	v0 =	vmax.f32 v5, $0.0e+00;
	v5 =	vld [tilespmem:s25+$0x0]  }
0xa1: {  	[tilespmem:s25+$0xFFFFFFB0] =	vst v0;
	v0 =	vmax.f32 v4, $0.0e+00;
	v4 =	vld [tilespmem:s25+$0x10]  }
0xa2: {  	[tilespmem:s25+$0xFFFFFFC0] =	vst v0;
	v0 =	vmax.f32 v2, $0.0e+00;
	v2 =	vld [tilespmem:s25+$0x20]  }
0xa3: {  	[tilespmem:s25+$0xFFFFFFD0] =	vst v0;
	v0 =	vmax.f32 v3, $0.0e+00;
	v3 =	vld [tilespmem:s25+$0x30]  }
0xa4: {  	[tilespmem:s25+$0xFFFFFFE0] =	vst v0;
	v0 =	vmax.f32 v1, $0.0e+00;
	v1 =	vld [tilespmem:s25+$0x40]  }
0xa5: {  	[tilespmem:s25+$0xFFFFFFF0] =	vst v0;
	v0 =	vmax.f32 v5, $0.0e+00;
	v5 =	vld [tilespmem:s25+$0x50]  }
0xa6: {  	[tilespmem:s25+$0x0] =	vst v0;
	v0 =	vmax.f32 v4, $0.0e+00;
	v4 =	vld [tilespmem:s25+$0x60]  }
0xa7: {  	[tilespmem:s25+$0x10] =	vst v0;
	v0 =	vmax.f32 v2, $0.0e+00;
	v2 =	vld [tilespmem:s25+$0x70]  }
0xa8: {  	[tilespmem:s25+$0x20] =	vst v0;
	v0 =	vmax.f32 v3, $0.0e+00;
	v3 =	vld [tilespmem:s25+$0x80]  }
0xa9: {  	[tilespmem:s25+$0x30] =	vst v0;
	v0 =	vmax.f32 v1, $0.0e+00;
	v6 =	vld [tilespmem:s25+$0x90]  }
0xaa: {  	[tilespmem:s25+$0x40] =	vst v0;
	v0 =	vmax.f32 v5, $0.0e+00;
	v5 =	vld [tilespmem:s25+$0xA0]  }
.Ltmp4:
0xab: {  	[tilespmem:s25+$0x50] =	vst v0;
	v1 =	vmax.f32 v4, $0.0e+00;
	v0 =	vld [tilespmem:s25+$0xB0];
	(pc) =	sbr.rel @p2 .LBB2_3-.Ltmp4, $4  }
0xac: {  	[tilespmem:s25+$0x60] =	vst v1;
	v2 =	vmax.f32 v2, $0.0e+00;
	v1 =	vld [tilespmem:s25+$0xC0]  }
0xad: {  	[tilespmem:s25+$0x70] =	vst v2;
	v3 =	vmax.f32 v3, $0.0e+00;
	v2 =	vld [tilespmem:s25+$0xD0]  }
0xae: {  	[tilespmem:s25+$0x80] =	vst v3;
	v6 =	vmax.f32 v6, $0.0e+00;
	v3 =	vld [tilespmem:s25+$0xE0]  }
0xaf: {  	s25 =	sadd.s32 $0x200, s25;
	v4 =	vld [tilespmem:s23+$0xFFFFFF00];
	[tilespmem:s23+$0x90] =	vst v6;
	v5 =	vmax.f32 v5, $0.0e+00  }
0xb0: {  	[tilespmem:s23+$0xA0] =	vst v5;
	v0 =	vmax.f32 v0, $0.0e+00  }
0xb1: {  	[tilespmem:s23+$0xB0] =	vst v0;
	v60 =	vmax.f32 v1, $0.0e+00  }
0xb2: {  	[tilespmem:s23+$0xC0] =	vst v60;
	v61 =	vmax.f32 v2, $0.0e+00  }
0xb3: {  	[tilespmem:s23+$0xD0] =	vst v61;
	v62 =	vmax.f32 v3, $0.0e+00  }
0xb4: {  	v63 =	vmax.f32 v4, $0.0e+00;
	[tilespmem:s23+$0xE0] =	vst v62  }
0xb5: {  	s17 =	simm.s32 @!p1 $0x6;
	[tilespmem:s23+$0xFFFFFF00] =	vst v63  }
0xb6: {  	[spmem:s1] =	stream.indirect.scatter.add.f32 [tilespmem:s28], [sflag:$0x9], $0x80, s26, s5, $0xb8;
	[tilespmem:$0x1DC80] =	vst v63  }
0xb7: {  	s18 =	sadd.s32 $0xFFFFFFFF, s22;
	s22 =	sor.u32 $0x3, s22;
	_ =	swait.ge @!p1 [sflag:s17], $0x2800  }
0xb8: {  	p4 =	sgt.u32 s18, $0x7C;
	p2 =	sgt.u32 s22, $0x7C;
	[sflag:s17] =	ssyncset.done @!p1 $0x0  }
0xb9: {  	s18 =	smul.u32 @!p2 $0x50, s22;
	[sflag:s17] =	ssyncadd.s32 @!p1 $0xFFFFD800;
	s17 =	simm.s32 @!p4 $0xC  }
0xba: {  	_ =	swait.ge @!p4 [sflag:s17], $0x2800  }
0xbb: {  	s18 =	sadd.s32 @!p2 s8, s18;
	[sflag:s17] =	ssyncset.done @!p4 $0x0  }
0xbc: {  	[sflag:s17] =	ssyncadd.s32 @!p4 $0xFFFFD800;
	s17 =	sshrl.u32 @!p2 s18, $0x3  }
0xbd: {  	s24 =	simm.s32 @!p2 $0x0;
	s22 =	simm.s32 @!p2 $0x180;
	s23 =	sadd.s32 @!p2 s3, s17  }
0xbe: {  	[tilespmem:s22], [sflag:$0x4] =	stream.linear.gather @!p2 [hbm4b:s23+s24], $0x50, $0x38;
	[tilespmem:$0x1DC80] =	vst v63  }
0xbf: {  	s17 =	sadd.s32 @!p2 s4, s17;
	s23 =	simm.s32 @!p2 $0x380  }
0xc0: {  	[tilespmem:s23], [sflag:$0x4] =	stream.linear.gather @!p2 [hbm4b:s17+s24], $0x50, $0x38;
	[tilespmem:$0x1DC80] =	vst v63  }
0xc1: {  	s17 =	sshll.u32 @!p2 s18, $0x4  }
0xc2: {  	s23 =	simm.s32 @!p2 $0x7C00;
	s17 =	sadd.s32 @!p2 s6, s17  }
0xc3: {  	[tilespmem:s23], [sflag:$0x4] =	stream.linear.gather @!p2 [hbm4b:s17+s24], $0x2800, $0x38;
	[tilespmem:$0x1DC80] =	vst v63  }
0xc4: {  	s17 =	simm.s32 @!p3 $0x3  }
0xc5: {  	_ =	swait.ge @!p3 [sflag:s17], $0x50  }
0xc6: {  	[sflag:s17] =	ssyncset.done @!p3 $0x0  }
0xc7: {  	[sflag:s17] =	ssyncadd.s32 @!p3 $0xFFFFFFB0  }
0xc8: {  	_ =	swait.ge @!p3 [sflag:s17], $0x50  }
0xc9: {  	[sflag:s17] =	ssyncset.done @!p3 $0x0  }
.Ltmp5:
0xca: {  	[sflag:s17] =	ssyncadd.s32 @!p3 $0xFFFFFFB0;
	(pc) =	sbr.rel @p1 .LBB2_8-.Ltmp5, $4  }
0xcb: {  	_ =	swait.ge @!p3 [sflag:s17], $0x2800  }
0xcc: {  	s18 =	simm.s32 @!p3 $0x100;
	[sflag:s17] =	ssyncset.done @!p3 $0x0  }
0xcd: {  	s24 =	simm.s32 @!p3 $0x5400;
	[sflag:s17] =	ssyncadd.s32 @!p3 $0xFFFFD800;
	s17 =	simm.s32 @!p3 $0x50  }
0xce: {  	[tilespmem:s24], [sflag:$0x7] =	stream.indirect.gather.add.f32 @!p3 [hbm:s7], $0x80, s18, s17, $0xb8;
	[tilespmem:$0x1DC80] =	vst v63  }
0xcf: {  	s24 =	simm.s32 $0x2D00  }
0xd0: {  	v0 =	vld [tilespmem:s24+$0xFFFFFF10]  }
0xd1: {  	v6 =	vld [tilespmem:s24+$0xF0]  }
0xd2: {  	v1 =	vld [tilespmem:s24+$0xFFFFFF20]  }
0xd3: {  	v7 =	vld [tilespmem:s24+$0xFFFFFF80]  }
0xd4: {  	v2 =	vld [tilespmem:s24+$0xFFFFFF30]  }
0xd5: {  	v8 =	vld [tilespmem:s24+$0xFFFFFF90];
	v0 =	vmax.f32 v0, $0.0e+00  }
0xd6: {  	v3 =	vld [tilespmem:s24+$0xFFFFFF40];
	v6 =	vmax.f32 v6, $0.0e+00;
	[tilespmem:s24+$0xFFFFFF10] =	vst v0  }
0xd7: {  	v4 =	vld [tilespmem:s24+$0xFFFFFF50];
	v1 =	vmax.f32 v1, $0.0e+00;
	[tilespmem:s24+$0xF0] =	vst v6  }
0xd8: {  	v5 =	vld [tilespmem:s24+$0xFFFFFF60];
	[tilespmem:s24+$0xFFFFFF20] =	vst v1;
	v1 =	vmax.f32 v7, $0.0e+00  }
0xd9: {  	v0 =	vld [tilespmem:s24+$0xFFFFFF70];
	[tilespmem:s24+$0xFFFFFF80] =	vst v1;
	v1 =	vmax.f32 v2, $0.0e+00  }
0xda: {  	v9 =	vld [tilespmem:s24+$0xFFFFFFA0];
	[tilespmem:s24+$0xFFFFFF30] =	vst v1;
	v1 =	vmax.f32 v8, $0.0e+00  }
0xdb: {  	v10 =	vld [tilespmem:s24+$0xFFFFFFB0];
	[tilespmem:s24+$0xFFFFFF90] =	vst v1;
	v1 =	vmax.f32 v3, $0.0e+00  }
0xdc: {  	v6 =	vld [tilespmem:s24+$0xFFFFFFC0];
	[tilespmem:s24+$0xFFFFFF40] =	vst v1;
	v1 =	vmax.f32 v4, $0.0e+00  }
0xdd: {  	v4 =	vld [tilespmem:s24+$0x0];
	[tilespmem:s24+$0xFFFFFF50] =	vst v1;
	v1 =	vmax.f32 v5, $0.0e+00  }
0xde: {  	v7 =	vld [tilespmem:s24+$0xFFFFFFD0];
	v0 =	vmax.f32 v0, $0.0e+00;
	[tilespmem:s24+$0xFFFFFF60] =	vst v1  }
0xdf: {  	v1 =	vld [tilespmem:s24+$0x10];
	[tilespmem:s24+$0xFFFFFF70] =	vst v0;
	v0 =	vmax.f32 v9, $0.0e+00  }
0xe0: {  	v2 =	vld [tilespmem:s24+$0xFFFFFFE0];
	[tilespmem:s24+$0xFFFFFFA0] =	vst v0;
	v0 =	vmax.f32 v10, $0.0e+00  }
0xe1: {  	v3 =	vld [tilespmem:s24+$0xFFFFFFF0];
	[tilespmem:s24+$0xFFFFFFB0] =	vst v0;
	v0 =	vmax.f32 v6, $0.0e+00  }
0xe2: {  	v5 =	vld [tilespmem:s24+$0x20];
	[tilespmem:s24+$0xFFFFFFC0] =	vst v0;
	v0 =	vmax.f32 v4, $0.0e+00  }
0xe3: {  	v4 =	vld [tilespmem:s24+$0x50];
	[tilespmem:s24+$0x0] =	vst v0;
	v0 =	vmax.f32 v7, $0.0e+00  }
0xe4: {  	v63 =	vld [tilespmem:s24+$0x30];
	[tilespmem:s24+$0xFFFFFFD0] =	vst v0;
	v0 =	vmax.f32 v1, $0.0e+00  }
0xe5: {  	v6 =	vld [tilespmem:s24+$0x40];
	[tilespmem:s24+$0x10] =	vst v0;
	v0 =	vmax.f32 v2, $0.0e+00  }
0xe6: {  	v1 =	vld [tilespmem:s24+$0x60];
	[tilespmem:s24+$0xFFFFFFE0] =	vst v0;
	v0 =	vmax.f32 v3, $0.0e+00  }
0xe7: {  	v2 =	vld [tilespmem:s24+$0x80];
	[tilespmem:s24+$0xFFFFFFF0] =	vst v0;
	v0 =	vmax.f32 v5, $0.0e+00  }
0xe8: {  	v3 =	vld [tilespmem:s24+$0x70];
	v4 =	vmax.f32 v4, $0.0e+00;
	[tilespmem:s24+$0x20] =	vst v0  }
0xe9: {  	v5 =	vld [tilespmem:s24+$0x90];
	v0 =	vmax.f32 v63, $0.0e+00;
	[tilespmem:s24+$0x50] =	vst v4  }
0xea: {  	[tilespmem:s24+$0x30] =	vst v0;
	v0 =	vmax.f32 v6, $0.0e+00;
	v6 =	vld [tilespmem:s24+$0xA0]  }
0xeb: {  	v4 =	vmax.f32 v1, $0.0e+00;
	[tilespmem:s24+$0x40] =	vst v0;
	v0 =	vld [tilespmem:s24+$0xB0]  }
0xec: {  	v1 =	vld [tilespmem:s24+$0xC0];
	[tilespmem:s24+$0x60] =	vst v4;
	v4 =	vmax.f32 v2, $0.0e+00  }
0xed: {  	v2 =	vld [tilespmem:s24+$0xD0];
	v3 =	vmax.f32 v3, $0.0e+00;
	[tilespmem:s24+$0x80] =	vst v4  }
0xee: {  	[tilespmem:s24+$0x70] =	vst v3;
	v5 =	vmax.f32 v5, $0.0e+00;
	v3 =	vld [tilespmem:s24+$0xE0]  }
0xef: {  	s25 =	simm.s32 $0x0;
	s17 =	simm.s32 $0x2F00;
	v4 =	vld [tilespmem:s24+$0xFFFFFF00];
	[tilespmem:s24+$0x90] =	vst v5;
	v5 =	vmax.f32 v6, $0.0e+00  }
.LBB2_6:
0xf0: {  	v6 =	vld [tilespmem:s17+$0xF0];
	s25 =	sadd.s32 $0x4, s25;
	[tilespmem:s24+$0xA0] =	vst v5;
	v0 =	vmax.f32 v0, $0.0e+00  }
0xf1: {  	v5 =	vld [tilespmem:s17+$0xFFFFFF10];
	p4 =	slt.u32 s25, $0x4C;
	[tilespmem:s24+$0xB0] =	vst v0;
	v0 =	vmax.f32 v1, $0.0e+00  }
0xf2: {  	v1 =	vld [tilespmem:s17+$0xFFFFFF20];
	[tilespmem:s24+$0xC0] =	vst v0;
	v0 =	vmax.f32 v2, $0.0e+00  }
0xf3: {  	v2 =	vld [tilespmem:s17+$0xFFFFFF30];
	[tilespmem:s24+$0xD0] =	vst v0;
	v0 =	vmax.f32 v3, $0.0e+00  }
0xf4: {  	v3 =	vld [tilespmem:s17+$0xFFFFFF40];
	v4 =	vmax.f32 v4, $0.0e+00;
	[tilespmem:s24+$0xE0] =	vst v0  }
0xf5: {  	v0 =	vld [tilespmem:s17+$0xFFFFFF50];
	v6 =	vmax.f32 v6, $0.0e+00;
	[tilespmem:s24+$0xFFFFFF00] =	vst v4;
	s24 =	smov.u32 s17  }
0xf6: {  	v4 =	vmax.f32 v5, $0.0e+00;
	v5 =	vld [tilespmem:s17+$0xFFFFFF60];
	[tilespmem:s17+$0xF0] =	vst v6  }
0xf7: {  	[tilespmem:s17+$0xFFFFFF10] =	vst v4;
	v1 =	vmax.f32 v1, $0.0e+00;
	v4 =	vld [tilespmem:s17+$0xFFFFFF70]  }
0xf8: {  	[tilespmem:s17+$0xFFFFFF20] =	vst v1;
	v1 =	vmax.f32 v2, $0.0e+00;
	v2 =	vld [tilespmem:s17+$0xFFFFFF80]  }
0xf9: {  	[tilespmem:s17+$0xFFFFFF30] =	vst v1;
	v1 =	vmax.f32 v3, $0.0e+00;
	v3 =	vld [tilespmem:s17+$0xFFFFFF90]  }
0xfa: {  	[tilespmem:s17+$0xFFFFFF40] =	vst v1;
	v0 =	vmax.f32 v0, $0.0e+00;
	v1 =	vld [tilespmem:s17+$0xFFFFFFA0]  }
0xfb: {  	[tilespmem:s17+$0xFFFFFF50] =	vst v0;
	v0 =	vmax.f32 v5, $0.0e+00;
	v5 =	vld [tilespmem:s17+$0xFFFFFFB0]  }
0xfc: {  	[tilespmem:s17+$0xFFFFFF60] =	vst v0;
	v0 =	vmax.f32 v4, $0.0e+00;
	v4 =	vld [tilespmem:s17+$0xFFFFFFC0]  }
0xfd: {  	[tilespmem:s17+$0xFFFFFF70] =	vst v0;
	v0 =	vmax.f32 v2, $0.0e+00;
	v2 =	vld [tilespmem:s17+$0xFFFFFFD0]  }
0xfe: {  	[tilespmem:s17+$0xFFFFFF80] =	vst v0;
	v0 =	vmax.f32 v3, $0.0e+00;
	v3 =	vld [tilespmem:s17+$0xFFFFFFE0]  }
0xff: {  	[tilespmem:s17+$0xFFFFFF90] =	vst v0;
	v0 =	vmax.f32 v1, $0.0e+00;
	v1 =	vld [tilespmem:s17+$0xFFFFFFF0]  }
0x100: {  	[tilespmem:s17+$0xFFFFFFA0] =	vst v0;
	v0 =	vmax.f32 v5, $0.0e+00;
	v5 =	vld [tilespmem:s17+$0x0]  }
0x101: {  	[tilespmem:s17+$0xFFFFFFB0] =	vst v0;
	v0 =	vmax.f32 v4, $0.0e+00;
	v4 =	vld [tilespmem:s17+$0x10]  }
0x102: {  	[tilespmem:s17+$0xFFFFFFC0] =	vst v0;
	v0 =	vmax.f32 v2, $0.0e+00;
	v2 =	vld [tilespmem:s17+$0x20]  }
0x103: {  	[tilespmem:s17+$0xFFFFFFD0] =	vst v0;
	v0 =	vmax.f32 v3, $0.0e+00;
	v3 =	vld [tilespmem:s17+$0x30]  }
0x104: {  	[tilespmem:s17+$0xFFFFFFE0] =	vst v0;
	v0 =	vmax.f32 v1, $0.0e+00;
	v1 =	vld [tilespmem:s17+$0x40]  }
0x105: {  	[tilespmem:s17+$0xFFFFFFF0] =	vst v0;
	v0 =	vmax.f32 v5, $0.0e+00;
	v5 =	vld [tilespmem:s17+$0x50]  }
0x106: {  	[tilespmem:s17+$0x0] =	vst v0;
	v0 =	vmax.f32 v4, $0.0e+00;
	v4 =	vld [tilespmem:s17+$0x60]  }
0x107: {  	[tilespmem:s17+$0x10] =	vst v0;
	v0 =	vmax.f32 v2, $0.0e+00;
	v2 =	vld [tilespmem:s17+$0x70]  }
0x108: {  	[tilespmem:s17+$0x20] =	vst v0;
	v0 =	vmax.f32 v3, $0.0e+00;
	v3 =	vld [tilespmem:s17+$0x80]  }
0x109: {  	[tilespmem:s17+$0x30] =	vst v0;
	v0 =	vmax.f32 v1, $0.0e+00;
	v6 =	vld [tilespmem:s17+$0x90]  }
0x10a: {  	[tilespmem:s17+$0x40] =	vst v0;
	v0 =	vmax.f32 v5, $0.0e+00;
	v5 =	vld [tilespmem:s17+$0xA0]  }
.Ltmp6:
0x10b: {  	[tilespmem:s17+$0x50] =	vst v0;
	v1 =	vmax.f32 v4, $0.0e+00;
	v0 =	vld [tilespmem:s17+$0xB0];
	(pc) =	sbr.rel @p4 .LBB2_6-.Ltmp6, $4  }
0x10c: {  	[tilespmem:s17+$0x60] =	vst v1;
	v2 =	vmax.f32 v2, $0.0e+00;
	v1 =	vld [tilespmem:s17+$0xC0]  }
0x10d: {  	[tilespmem:s17+$0x70] =	vst v2;
	v3 =	vmax.f32 v3, $0.0e+00;
	v2 =	vld [tilespmem:s17+$0xD0]  }
0x10e: {  	[tilespmem:s17+$0x80] =	vst v3;
	v6 =	vmax.f32 v6, $0.0e+00;
	v3 =	vld [tilespmem:s17+$0xE0]  }
0x10f: {  	s17 =	sadd.s32 $0x200, s17;
	v4 =	vld [tilespmem:s24+$0xFFFFFF00];
	[tilespmem:s24+$0x90] =	vst v6;
	v5 =	vmax.f32 v5, $0.0e+00  }
0x110: {  	[tilespmem:s24+$0xA0] =	vst v5;
	v0 =	vmax.f32 v0, $0.0e+00  }
0x111: {  	[tilespmem:s24+$0xB0] =	vst v0;
	v60 =	vmax.f32 v1, $0.0e+00  }
0x112: {  	[tilespmem:s24+$0xC0] =	vst v60;
	v61 =	vmax.f32 v2, $0.0e+00  }
0x113: {  	[tilespmem:s24+$0xD0] =	vst v61;
	v62 =	vmax.f32 v3, $0.0e+00  }
0x114: {  	v63 =	vmax.f32 v4, $0.0e+00;
	[tilespmem:s24+$0xE0] =	vst v62  }
0x115: {  	[tilespmem:s24+$0xFFFFFF00] =	vst v63  }
0x116: {  	[spmem:s1] =	stream.indirect.scatter.add.f32 [tilespmem:s31], [sflag:$0xA], $0x80, s30, s5, $0xb8;
	[tilespmem:$0x1DC80] =	vst v63  }
.LBB2_8:
0x117: {  	s17 =	simm.s32 @!p3 $0x7  }
0x118: {  	p4 =	seq.s32 s19, $0x1F;
	_ =	swait.ge @!p3 [sflag:s17], $0x2800  }
0x119: {  	s18 =	smul.u32 @!p4 $0x140, s19;
	[sflag:s17] =	ssyncset.done @!p3 $0x0  }
0x11a: {  	[sflag:s17] =	ssyncadd.s32 @!p3 $0xFFFFD800  }
0x11b: {  	s17 =	sadd.s32 @!p4 s18, s20;
	_ =	swait.ge [sflag:s9], $0x2800  }
0x11c: {  	s18 =	sshrl.u32 @!p4 s17, $0x3;
	[sflag:s9] =	ssyncset.done $0x0  }
0x11d: {  	s25 =	simm.s32 @!p4 $0x0;
	s24 =	sadd.s32 @!p4 s3, s18;
	[sflag:s9] =	ssyncadd.s32 $0xFFFFD800  }
0x11e: {  	[tilespmem:s25], [sflag:$0x1] =	stream.linear.gather @!p4 [hbm4b:s24+s25], $0x50, $0x38;
	[tilespmem:$0x1DC80] =	vst v63  }
0x11f: {  	s17 =	sshll.u32 @!p4 s17, $0x4;
	s18 =	sadd.s32 @!p4 s4, s18;
	s24 =	simm.s32 @!p4 $0x200  }
0x120: {  	[tilespmem:s24], [sflag:$0x1] =	stream.linear.gather @!p4 [hbm4b:s18+s25], $0x50, $0x38;
	[tilespmem:$0x1DC80] =	vst v63  }
0x121: {  	s17 =	sadd.s32 @!p4 s6, s17;
	s18 =	simm.s32 @!p4 $0x400  }
0x122: {  	[tilespmem:s18], [sflag:$0x1] =	stream.linear.gather @!p4 [hbm4b:s17+s25], $0x2800, $0x38;
	[tilespmem:$0x1DC80] =	vst v63  }
0x123: {  	s17 =	simm.s32 @!p2 $0x4  }
0x124: {  	_ =	swait.ge @!p2 [sflag:s17], $0x50  }
0x125: {  	[sflag:s17] =	ssyncset.done @!p2 $0x0  }
0x126: {  	[sflag:s17] =	ssyncadd.s32 @!p2 $0xFFFFFFB0  }
0x127: {  	_ =	swait.ge @!p2 [sflag:s17], $0x50  }
0x128: {  	[sflag:s17] =	ssyncset.done @!p2 $0x0  }
.Ltmp7:
0x129: {  	[sflag:s17] =	ssyncadd.s32 @!p2 $0xFFFFFFB0;
	(pc) =	sbr.rel @p3 .LBB2_12-.Ltmp7, $4  }
0x12a: {  	_ =	swait.ge @!p2 [sflag:s17], $0x2800  }
0x12b: {  	[sflag:s17] =	ssyncset.done @!p2 $0x0  }
0x12c: {  	[sflag:s17] =	ssyncadd.s32 @!p2 $0xFFFFD800;
	s17 =	simm.s32 @!p2 $0x50  }
0x12d: {  	[tilespmem:s23], [sflag:$0x8] =	stream.indirect.gather.add.f32 @!p2 [hbm:s7], $0x80, s22, s17, $0xb8;
	[tilespmem:$0x1DC80] =	vst v63  }
0x12e: {  	s22 =	simm.s32 $0x5500  }
0x12f: {  	v0 =	vld [tilespmem:s22+$0xFFFFFF10]  }
0x130: {  	v6 =	vld [tilespmem:s22+$0xF0]  }
0x131: {  	v1 =	vld [tilespmem:s22+$0xFFFFFF20]  }
0x132: {  	v7 =	vld [tilespmem:s22+$0xFFFFFF80]  }
0x133: {  	v2 =	vld [tilespmem:s22+$0xFFFFFF30]  }
0x134: {  	v8 =	vld [tilespmem:s22+$0xFFFFFF90];
	v0 =	vmax.f32 v0, $0.0e+00  }
0x135: {  	v3 =	vld [tilespmem:s22+$0xFFFFFF40];
	v6 =	vmax.f32 v6, $0.0e+00;
	[tilespmem:s22+$0xFFFFFF10] =	vst v0  }
0x136: {  	v4 =	vld [tilespmem:s22+$0xFFFFFF50];
	v1 =	vmax.f32 v1, $0.0e+00;
	[tilespmem:s22+$0xF0] =	vst v6  }
0x137: {  	v5 =	vld [tilespmem:s22+$0xFFFFFF60];
	[tilespmem:s22+$0xFFFFFF20] =	vst v1;
	v1 =	vmax.f32 v7, $0.0e+00  }
0x138: {  	v0 =	vld [tilespmem:s22+$0xFFFFFF70];
	[tilespmem:s22+$0xFFFFFF80] =	vst v1;
	v1 =	vmax.f32 v2, $0.0e+00  }
0x139: {  	v9 =	vld [tilespmem:s22+$0xFFFFFFA0];
	[tilespmem:s22+$0xFFFFFF30] =	vst v1;
	v1 =	vmax.f32 v8, $0.0e+00  }
0x13a: {  	v10 =	vld [tilespmem:s22+$0xFFFFFFB0];
	[tilespmem:s22+$0xFFFFFF90] =	vst v1;
	v1 =	vmax.f32 v3, $0.0e+00  }
0x13b: {  	v6 =	vld [tilespmem:s22+$0xFFFFFFC0];
	[tilespmem:s22+$0xFFFFFF40] =	vst v1;
	v1 =	vmax.f32 v4, $0.0e+00  }
0x13c: {  	v4 =	vld [tilespmem:s22+$0x0];
	[tilespmem:s22+$0xFFFFFF50] =	vst v1;
	v1 =	vmax.f32 v5, $0.0e+00  }
0x13d: {  	v7 =	vld [tilespmem:s22+$0xFFFFFFD0];
	v0 =	vmax.f32 v0, $0.0e+00;
	[tilespmem:s22+$0xFFFFFF60] =	vst v1  }
0x13e: {  	v1 =	vld [tilespmem:s22+$0x10];
	[tilespmem:s22+$0xFFFFFF70] =	vst v0;
	v0 =	vmax.f32 v9, $0.0e+00  }
0x13f: {  	v2 =	vld [tilespmem:s22+$0xFFFFFFE0];
	[tilespmem:s22+$0xFFFFFFA0] =	vst v0;
	v0 =	vmax.f32 v10, $0.0e+00  }
0x140: {  	v3 =	vld [tilespmem:s22+$0xFFFFFFF0];
	[tilespmem:s22+$0xFFFFFFB0] =	vst v0;
	v0 =	vmax.f32 v6, $0.0e+00  }
0x141: {  	v5 =	vld [tilespmem:s22+$0x20];
	[tilespmem:s22+$0xFFFFFFC0] =	vst v0;
	v0 =	vmax.f32 v4, $0.0e+00  }
0x142: {  	v4 =	vld [tilespmem:s22+$0x50];
	[tilespmem:s22+$0x0] =	vst v0;
	v0 =	vmax.f32 v7, $0.0e+00  }
0x143: {  	v63 =	vld [tilespmem:s22+$0x30];
	[tilespmem:s22+$0xFFFFFFD0] =	vst v0;
	v0 =	vmax.f32 v1, $0.0e+00  }
0x144: {  	v6 =	vld [tilespmem:s22+$0x40];
	[tilespmem:s22+$0x10] =	vst v0;
	v0 =	vmax.f32 v2, $0.0e+00  }
0x145: {  	v1 =	vld [tilespmem:s22+$0x60];
	[tilespmem:s22+$0xFFFFFFE0] =	vst v0;
	v0 =	vmax.f32 v3, $0.0e+00  }
0x146: {  	v2 =	vld [tilespmem:s22+$0x80];
	[tilespmem:s22+$0xFFFFFFF0] =	vst v0;
	v0 =	vmax.f32 v5, $0.0e+00  }
0x147: {  	v3 =	vld [tilespmem:s22+$0x70];
	v4 =	vmax.f32 v4, $0.0e+00;
	[tilespmem:s22+$0x20] =	vst v0  }
0x148: {  	v5 =	vld [tilespmem:s22+$0x90];
	v0 =	vmax.f32 v63, $0.0e+00;
	[tilespmem:s22+$0x50] =	vst v4  }
0x149: {  	[tilespmem:s22+$0x30] =	vst v0;
	v0 =	vmax.f32 v6, $0.0e+00;
	v6 =	vld [tilespmem:s22+$0xA0]  }
0x14a: {  	v4 =	vmax.f32 v1, $0.0e+00;
	[tilespmem:s22+$0x40] =	vst v0;
	v0 =	vld [tilespmem:s22+$0xB0]  }
0x14b: {  	v1 =	vld [tilespmem:s22+$0xC0];
	[tilespmem:s22+$0x60] =	vst v4;
	v4 =	vmax.f32 v2, $0.0e+00  }
0x14c: {  	v2 =	vld [tilespmem:s22+$0xD0];
	v3 =	vmax.f32 v3, $0.0e+00;
	[tilespmem:s22+$0x80] =	vst v4  }
0x14d: {  	[tilespmem:s22+$0x70] =	vst v3;
	v5 =	vmax.f32 v5, $0.0e+00;
	v3 =	vld [tilespmem:s22+$0xE0]  }
0x14e: {  	s23 =	simm.s32 $0x0;
	s17 =	simm.s32 $0x5700;
	v4 =	vld [tilespmem:s22+$0xFFFFFF00];
	[tilespmem:s22+$0x90] =	vst v5;
	v5 =	vmax.f32 v6, $0.0e+00  }
.LBB2_10:
0x14f: {  	v6 =	vld [tilespmem:s17+$0xF0];
	s23 =	sadd.s32 $0x4, s23;
	[tilespmem:s22+$0xA0] =	vst v5;
	v0 =	vmax.f32 v0, $0.0e+00  }
0x150: {  	v5 =	vld [tilespmem:s17+$0xFFFFFF10];
	p3 =	slt.u32 s23, $0x4C;
	[tilespmem:s22+$0xB0] =	vst v0;
	v0 =	vmax.f32 v1, $0.0e+00  }
0x151: {  	v1 =	vld [tilespmem:s17+$0xFFFFFF20];
	[tilespmem:s22+$0xC0] =	vst v0;
	v0 =	vmax.f32 v2, $0.0e+00  }
0x152: {  	v2 =	vld [tilespmem:s17+$0xFFFFFF30];
	[tilespmem:s22+$0xD0] =	vst v0;
	v0 =	vmax.f32 v3, $0.0e+00  }
0x153: {  	v3 =	vld [tilespmem:s17+$0xFFFFFF40];
	v4 =	vmax.f32 v4, $0.0e+00;
	[tilespmem:s22+$0xE0] =	vst v0  }
0x154: {  	v0 =	vld [tilespmem:s17+$0xFFFFFF50];
	v6 =	vmax.f32 v6, $0.0e+00;
	[tilespmem:s22+$0xFFFFFF00] =	vst v4;
	s22 =	smov.u32 s17  }
0x155: {  	v4 =	vmax.f32 v5, $0.0e+00;
	v5 =	vld [tilespmem:s17+$0xFFFFFF60];
	[tilespmem:s17+$0xF0] =	vst v6  }
0x156: {  	[tilespmem:s17+$0xFFFFFF10] =	vst v4;
	v1 =	vmax.f32 v1, $0.0e+00;
	v4 =	vld [tilespmem:s17+$0xFFFFFF70]  }
0x157: {  	[tilespmem:s17+$0xFFFFFF20] =	vst v1;
	v1 =	vmax.f32 v2, $0.0e+00;
	v2 =	vld [tilespmem:s17+$0xFFFFFF80]  }
0x158: {  	[tilespmem:s17+$0xFFFFFF30] =	vst v1;
	v1 =	vmax.f32 v3, $0.0e+00;
	v3 =	vld [tilespmem:s17+$0xFFFFFF90]  }
0x159: {  	[tilespmem:s17+$0xFFFFFF40] =	vst v1;
	v0 =	vmax.f32 v0, $0.0e+00;
	v1 =	vld [tilespmem:s17+$0xFFFFFFA0]  }
0x15a: {  	[tilespmem:s17+$0xFFFFFF50] =	vst v0;
	v0 =	vmax.f32 v5, $0.0e+00;
	v5 =	vld [tilespmem:s17+$0xFFFFFFB0]  }
0x15b: {  	[tilespmem:s17+$0xFFFFFF60] =	vst v0;
	v0 =	vmax.f32 v4, $0.0e+00;
	v4 =	vld [tilespmem:s17+$0xFFFFFFC0]  }
0x15c: {  	[tilespmem:s17+$0xFFFFFF70] =	vst v0;
	v0 =	vmax.f32 v2, $0.0e+00;
	v2 =	vld [tilespmem:s17+$0xFFFFFFD0]  }
0x15d: {  	[tilespmem:s17+$0xFFFFFF80] =	vst v0;
	v0 =	vmax.f32 v3, $0.0e+00;
	v3 =	vld [tilespmem:s17+$0xFFFFFFE0]  }
0x15e: {  	[tilespmem:s17+$0xFFFFFF90] =	vst v0;
	v0 =	vmax.f32 v1, $0.0e+00;
	v1 =	vld [tilespmem:s17+$0xFFFFFFF0]  }
0x15f: {  	[tilespmem:s17+$0xFFFFFFA0] =	vst v0;
	v0 =	vmax.f32 v5, $0.0e+00;
	v5 =	vld [tilespmem:s17+$0x0]  }
0x160: {  	[tilespmem:s17+$0xFFFFFFB0] =	vst v0;
	v0 =	vmax.f32 v4, $0.0e+00;
	v4 =	vld [tilespmem:s17+$0x10]  }
0x161: {  	[tilespmem:s17+$0xFFFFFFC0] =	vst v0;
	v0 =	vmax.f32 v2, $0.0e+00;
	v2 =	vld [tilespmem:s17+$0x20]  }
0x162: {  	[tilespmem:s17+$0xFFFFFFD0] =	vst v0;
	v0 =	vmax.f32 v3, $0.0e+00;
	v3 =	vld [tilespmem:s17+$0x30]  }
0x163: {  	[tilespmem:s17+$0xFFFFFFE0] =	vst v0;
	v0 =	vmax.f32 v1, $0.0e+00;
	v1 =	vld [tilespmem:s17+$0x40]  }
0x164: {  	[tilespmem:s17+$0xFFFFFFF0] =	vst v0;
	v0 =	vmax.f32 v5, $0.0e+00;
	v5 =	vld [tilespmem:s17+$0x50]  }
0x165: {  	[tilespmem:s17+$0x0] =	vst v0;
	v0 =	vmax.f32 v4, $0.0e+00;
	v4 =	vld [tilespmem:s17+$0x60]  }
0x166: {  	[tilespmem:s17+$0x10] =	vst v0;
	v0 =	vmax.f32 v2, $0.0e+00;
	v2 =	vld [tilespmem:s17+$0x70]  }
0x167: {  	[tilespmem:s17+$0x20] =	vst v0;
	v0 =	vmax.f32 v3, $0.0e+00;
	v3 =	vld [tilespmem:s17+$0x80]  }
0x168: {  	[tilespmem:s17+$0x30] =	vst v0;
	v0 =	vmax.f32 v1, $0.0e+00;
	v6 =	vld [tilespmem:s17+$0x90]  }
0x169: {  	[tilespmem:s17+$0x40] =	vst v0;
	v0 =	vmax.f32 v5, $0.0e+00;
	v5 =	vld [tilespmem:s17+$0xA0]  }
.Ltmp8:
0x16a: {  	[tilespmem:s17+$0x50] =	vst v0;
	v1 =	vmax.f32 v4, $0.0e+00;
	v0 =	vld [tilespmem:s17+$0xB0];
	(pc) =	sbr.rel @p3 .LBB2_10-.Ltmp8, $4  }
0x16b: {  	[tilespmem:s17+$0x60] =	vst v1;
	v2 =	vmax.f32 v2, $0.0e+00;
	v1 =	vld [tilespmem:s17+$0xC0]  }
0x16c: {  	[tilespmem:s17+$0x70] =	vst v2;
	v3 =	vmax.f32 v3, $0.0e+00;
	v2 =	vld [tilespmem:s17+$0xD0]  }
0x16d: {  	[tilespmem:s17+$0x80] =	vst v3;
	v6 =	vmax.f32 v6, $0.0e+00;
	v3 =	vld [tilespmem:s17+$0xE0]  }
0x16e: {  	s17 =	sadd.s32 $0x200, s17;
	v4 =	vld [tilespmem:s22+$0xFFFFFF00];
	[tilespmem:s22+$0x90] =	vst v6;
	v5 =	vmax.f32 v5, $0.0e+00  }
0x16f: {  	[tilespmem:s22+$0xA0] =	vst v5;
	v0 =	vmax.f32 v0, $0.0e+00  }
0x170: {  	[tilespmem:s22+$0xB0] =	vst v0;
	v60 =	vmax.f32 v1, $0.0e+00  }
0x171: {  	[tilespmem:s22+$0xC0] =	vst v60;
	v61 =	vmax.f32 v2, $0.0e+00  }
0x172: {  	[tilespmem:s22+$0xD0] =	vst v61;
	v62 =	vmax.f32 v3, $0.0e+00  }
0x173: {  	v63 =	vmax.f32 v4, $0.0e+00;
	[tilespmem:s22+$0xE0] =	vst v62  }
0x174: {  	[tilespmem:s22+$0xFFFFFF00] =	vst v63  }
0x175: {  	[spmem:s1] =	stream.indirect.scatter.add.f32 [tilespmem:s12], [sflag:$0xB], $0x80, s10, s5, $0xb8;
	[tilespmem:$0x1DC80] =	vst v63  }
.LBB2_12:
.Ltmp9:
0x176: {  	(pc) =	sbr.rel @p1 .LBB2_14-.Ltmp9, $4  }
0x177: {  	s17 =	simm.s32 @!p2 $0x8  }
0x178: {  	_ =	swait.ge @!p2 [sflag:s17], $0x2800  }
0x179: {  	[sflag:s17] =	ssyncset.done @!p2 $0x0  }
0x17a: {  	[sflag:s17] =	ssyncadd.s32 @!p2 $0xFFFFD800  }
0x17b: {  	p1 =	seq.s32 s19, $0x1E  }
0x17c: {  	s17 =	smul.u32 @!p1 $0x140, s19;
	_ =	sdelay $0x1  }
0x17d: {  	_ =	swait.ge [sflag:s13], $0x2800;
	s17 =	sadd.s32 @!p1 s17, s21  }
0x17e: {  	[sflag:s13] =	ssyncset.done $0x0;
	s23 =	simm.s32 @!p1 $0x0;
	s18 =	sshrl.u32 @!p1 s17, $0x3  }
0x17f: {  	s24 =	simm.s32 @!p1 $0x80;
	[sflag:s13] =	ssyncadd.s32 $0xFFFFD800;
	s22 =	sadd.s32 @!p1 s3, s18  }
0x180: {  	[tilespmem:s24], [sflag:$0x2] =	stream.linear.gather @!p1 [hbm4b:s22+s23], $0x50, $0x38;
	[tilespmem:$0x1DC80] =	vst v63  }
.Ltmp10:
0x181: {  	_ = 	snop;
	(pc) =	sbr.rel .LBB2_15-.Ltmp10, $4  }
0x182: {  	s17 =	sshll.u32 @!p1 s17, $0x4;
	s18 =	sadd.s32 @!p1 s4, s18;
	s22 =	simm.s32 @!p1 $0x280  }
0x183: {  	[tilespmem:s22], [sflag:$0x2] =	stream.linear.gather @!p1 [hbm4b:s18+s23], $0x50, $0x38;
	[tilespmem:$0x1DC80] =	vst v63  }
0x184: {  	s17 =	sadd.s32 @!p1 s6, s17;
	s18 =	simm.s32 @!p1 $0x2C00  }
0x185: {  	[tilespmem:s18], [sflag:$0x2] =	stream.linear.gather @!p1 [hbm4b:s17+s23], $0x2800, $0x38;
	[tilespmem:$0x1DC80] =	vst v63  }
.LBB2_14:
.Ltmp11:
0x186: {  	(pc) =	sbr.rel @p4 .LBB2_16-.Ltmp11, $1  }
0x187: {  	_ =	sdelay $0x3  }
.LBB2_15:
0x188: {  	_ =	swait.ge [sflag:s0], $0x50  }
0x189: {  	[sflag:s0] =	ssyncset.done $0x0  }
0x18a: {  	[sflag:s0] =	ssyncadd.s32 $0xFFFFFFB0  }
0x18b: {  	_ =	swait.ge [sflag:s0], $0x50  }
0x18c: {  	[sflag:s0] =	ssyncset.done $0x0  }
0x18d: {  	[sflag:s0] =	ssyncadd.s32 $0xFFFFFFB0  }
0x18e: {  	_ =	swait.ge [sflag:s0], $0x2800  }
0x18f: {  	[sflag:s0] =	ssyncset.done $0x0  }
0x190: {  	[sflag:s0] =	ssyncadd.s32 $0xFFFFD800  }
0x191: {  	[tilespmem:s28], [sflag:$0x5] =	stream.indirect.gather.add.f32 [hbm:s7], $0x80, s2, s5, $0xb8;
	[tilespmem:$0x1DC80] =	vst v63  }
.LBB2_16:
.Ltmp12:
0x192: {  	(pc) =	sbr.rel @p2 .LBB2_20-.Ltmp12, $1  }
0x193: {  	_ =	sdelay $0x3  }
0x194: {  	s22 =	simm.s32 $0x7D00  }
0x195: {  	v0 =	vld [tilespmem:s22+$0xFFFFFF10]  }
0x196: {  	v6 =	vld [tilespmem:s22+$0xF0]  }
0x197: {  	v1 =	vld [tilespmem:s22+$0xFFFFFF20]  }
0x198: {  	v7 =	vld [tilespmem:s22+$0xFFFFFF80]  }
0x199: {  	v2 =	vld [tilespmem:s22+$0xFFFFFF30]  }
0x19a: {  	v8 =	vld [tilespmem:s22+$0xFFFFFF90];
	v0 =	vmax.f32 v0, $0.0e+00  }
0x19b: {  	v3 =	vld [tilespmem:s22+$0xFFFFFF40];
	v6 =	vmax.f32 v6, $0.0e+00;
	[tilespmem:s22+$0xFFFFFF10] =	vst v0  }
0x19c: {  	v4 =	vld [tilespmem:s22+$0xFFFFFF50];
	v1 =	vmax.f32 v1, $0.0e+00;
	[tilespmem:s22+$0xF0] =	vst v6  }
0x19d: {  	v5 =	vld [tilespmem:s22+$0xFFFFFF60];
	[tilespmem:s22+$0xFFFFFF20] =	vst v1;
	v1 =	vmax.f32 v7, $0.0e+00  }
0x19e: {  	v0 =	vld [tilespmem:s22+$0xFFFFFF70];
	[tilespmem:s22+$0xFFFFFF80] =	vst v1;
	v1 =	vmax.f32 v2, $0.0e+00  }
0x19f: {  	v9 =	vld [tilespmem:s22+$0xFFFFFFA0];
	[tilespmem:s22+$0xFFFFFF30] =	vst v1;
	v1 =	vmax.f32 v8, $0.0e+00  }
0x1a0: {  	v10 =	vld [tilespmem:s22+$0xFFFFFFB0];
	[tilespmem:s22+$0xFFFFFF90] =	vst v1;
	v1 =	vmax.f32 v3, $0.0e+00  }
0x1a1: {  	v6 =	vld [tilespmem:s22+$0xFFFFFFC0];
	[tilespmem:s22+$0xFFFFFF40] =	vst v1;
	v1 =	vmax.f32 v4, $0.0e+00  }
0x1a2: {  	v4 =	vld [tilespmem:s22+$0x0];
	[tilespmem:s22+$0xFFFFFF50] =	vst v1;
	v1 =	vmax.f32 v5, $0.0e+00  }
0x1a3: {  	v7 =	vld [tilespmem:s22+$0xFFFFFFD0];
	v0 =	vmax.f32 v0, $0.0e+00;
	[tilespmem:s22+$0xFFFFFF60] =	vst v1  }
0x1a4: {  	v1 =	vld [tilespmem:s22+$0x10];
	[tilespmem:s22+$0xFFFFFF70] =	vst v0;
	v0 =	vmax.f32 v9, $0.0e+00  }
0x1a5: {  	v2 =	vld [tilespmem:s22+$0xFFFFFFE0];
	[tilespmem:s22+$0xFFFFFFA0] =	vst v0;
	v0 =	vmax.f32 v10, $0.0e+00  }
0x1a6: {  	v3 =	vld [tilespmem:s22+$0xFFFFFFF0];
	[tilespmem:s22+$0xFFFFFFB0] =	vst v0;
	v0 =	vmax.f32 v6, $0.0e+00  }
0x1a7: {  	v5 =	vld [tilespmem:s22+$0x20];
	[tilespmem:s22+$0xFFFFFFC0] =	vst v0;
	v0 =	vmax.f32 v4, $0.0e+00  }
0x1a8: {  	v4 =	vld [tilespmem:s22+$0x50];
	[tilespmem:s22+$0x0] =	vst v0;
	v0 =	vmax.f32 v7, $0.0e+00  }
0x1a9: {  	v63 =	vld [tilespmem:s22+$0x30];
	[tilespmem:s22+$0xFFFFFFD0] =	vst v0;
	v0 =	vmax.f32 v1, $0.0e+00  }
0x1aa: {  	v6 =	vld [tilespmem:s22+$0x40];
	[tilespmem:s22+$0x10] =	vst v0;
	v0 =	vmax.f32 v2, $0.0e+00  }
0x1ab: {  	v1 =	vld [tilespmem:s22+$0x60];
	[tilespmem:s22+$0xFFFFFFE0] =	vst v0;
	v0 =	vmax.f32 v3, $0.0e+00  }
0x1ac: {  	v2 =	vld [tilespmem:s22+$0x80];
	[tilespmem:s22+$0xFFFFFFF0] =	vst v0;
	v0 =	vmax.f32 v5, $0.0e+00  }
0x1ad: {  	v3 =	vld [tilespmem:s22+$0x70];
	v4 =	vmax.f32 v4, $0.0e+00;
	[tilespmem:s22+$0x20] =	vst v0  }
0x1ae: {  	v5 =	vld [tilespmem:s22+$0x90];
	v0 =	vmax.f32 v63, $0.0e+00;
	[tilespmem:s22+$0x50] =	vst v4  }
0x1af: {  	[tilespmem:s22+$0x30] =	vst v0;
	v0 =	vmax.f32 v6, $0.0e+00;
	v6 =	vld [tilespmem:s22+$0xA0]  }
0x1b0: {  	v4 =	vmax.f32 v1, $0.0e+00;
	[tilespmem:s22+$0x40] =	vst v0;
	v0 =	vld [tilespmem:s22+$0xB0]  }
0x1b1: {  	v1 =	vld [tilespmem:s22+$0xC0];
	[tilespmem:s22+$0x60] =	vst v4;
	v4 =	vmax.f32 v2, $0.0e+00  }
0x1b2: {  	v2 =	vld [tilespmem:s22+$0xD0];
	v3 =	vmax.f32 v3, $0.0e+00;
	[tilespmem:s22+$0x80] =	vst v4  }
0x1b3: {  	[tilespmem:s22+$0x70] =	vst v3;
	v5 =	vmax.f32 v5, $0.0e+00;
	v3 =	vld [tilespmem:s22+$0xE0]  }
0x1b4: {  	s23 =	simm.s32 $0x0;
	s17 =	simm.s32 $0x7F00;
	v4 =	vld [tilespmem:s22+$0xFFFFFF00];
	[tilespmem:s22+$0x90] =	vst v5;
	v5 =	vmax.f32 v6, $0.0e+00  }
.LBB2_18:
0x1b5: {  	v6 =	vld [tilespmem:s17+$0xF0];
	s23 =	sadd.s32 $0x4, s23;
	[tilespmem:s22+$0xA0] =	vst v5;
	v0 =	vmax.f32 v0, $0.0e+00  }
0x1b6: {  	v5 =	vld [tilespmem:s17+$0xFFFFFF10];
	p1 =	slt.u32 s23, $0x4C;
	[tilespmem:s22+$0xB0] =	vst v0;
	v0 =	vmax.f32 v1, $0.0e+00  }
0x1b7: {  	v1 =	vld [tilespmem:s17+$0xFFFFFF20];
	[tilespmem:s22+$0xC0] =	vst v0;
	v0 =	vmax.f32 v2, $0.0e+00  }
0x1b8: {  	v2 =	vld [tilespmem:s17+$0xFFFFFF30];
	[tilespmem:s22+$0xD0] =	vst v0;
	v0 =	vmax.f32 v3, $0.0e+00  }
0x1b9: {  	v3 =	vld [tilespmem:s17+$0xFFFFFF40];
	v4 =	vmax.f32 v4, $0.0e+00;
	[tilespmem:s22+$0xE0] =	vst v0  }
0x1ba: {  	v0 =	vld [tilespmem:s17+$0xFFFFFF50];
	v6 =	vmax.f32 v6, $0.0e+00;
	[tilespmem:s22+$0xFFFFFF00] =	vst v4;
	s22 =	smov.u32 s17  }
0x1bb: {  	v4 =	vmax.f32 v5, $0.0e+00;
	v5 =	vld [tilespmem:s17+$0xFFFFFF60];
	[tilespmem:s17+$0xF0] =	vst v6  }
0x1bc: {  	[tilespmem:s17+$0xFFFFFF10] =	vst v4;
	v1 =	vmax.f32 v1, $0.0e+00;
	v4 =	vld [tilespmem:s17+$0xFFFFFF70]  }
0x1bd: {  	[tilespmem:s17+$0xFFFFFF20] =	vst v1;
	v1 =	vmax.f32 v2, $0.0e+00;
	v2 =	vld [tilespmem:s17+$0xFFFFFF80]  }
0x1be: {  	[tilespmem:s17+$0xFFFFFF30] =	vst v1;
	v1 =	vmax.f32 v3, $0.0e+00;
	v3 =	vld [tilespmem:s17+$0xFFFFFF90]  }
0x1bf: {  	[tilespmem:s17+$0xFFFFFF40] =	vst v1;
	v0 =	vmax.f32 v0, $0.0e+00;
	v1 =	vld [tilespmem:s17+$0xFFFFFFA0]  }
0x1c0: {  	[tilespmem:s17+$0xFFFFFF50] =	vst v0;
	v0 =	vmax.f32 v5, $0.0e+00;
	v5 =	vld [tilespmem:s17+$0xFFFFFFB0]  }
0x1c1: {  	[tilespmem:s17+$0xFFFFFF60] =	vst v0;
	v0 =	vmax.f32 v4, $0.0e+00;
	v4 =	vld [tilespmem:s17+$0xFFFFFFC0]  }
0x1c2: {  	[tilespmem:s17+$0xFFFFFF70] =	vst v0;
	v0 =	vmax.f32 v2, $0.0e+00;
	v2 =	vld [tilespmem:s17+$0xFFFFFFD0]  }
0x1c3: {  	[tilespmem:s17+$0xFFFFFF80] =	vst v0;
	v0 =	vmax.f32 v3, $0.0e+00;
	v3 =	vld [tilespmem:s17+$0xFFFFFFE0]  }
0x1c4: {  	[tilespmem:s17+$0xFFFFFF90] =	vst v0;
	v0 =	vmax.f32 v1, $0.0e+00;
	v1 =	vld [tilespmem:s17+$0xFFFFFFF0]  }
0x1c5: {  	[tilespmem:s17+$0xFFFFFFA0] =	vst v0;
	v0 =	vmax.f32 v5, $0.0e+00;
	v5 =	vld [tilespmem:s17+$0x0]  }
0x1c6: {  	[tilespmem:s17+$0xFFFFFFB0] =	vst v0;
	v0 =	vmax.f32 v4, $0.0e+00;
	v4 =	vld [tilespmem:s17+$0x10]  }
0x1c7: {  	[tilespmem:s17+$0xFFFFFFC0] =	vst v0;
	v0 =	vmax.f32 v2, $0.0e+00;
	v2 =	vld [tilespmem:s17+$0x20]  }
0x1c8: {  	[tilespmem:s17+$0xFFFFFFD0] =	vst v0;
	v0 =	vmax.f32 v3, $0.0e+00;
	v3 =	vld [tilespmem:s17+$0x30]  }
0x1c9: {  	[tilespmem:s17+$0xFFFFFFE0] =	vst v0;
	v0 =	vmax.f32 v1, $0.0e+00;
	v1 =	vld [tilespmem:s17+$0x40]  }
0x1ca: {  	[tilespmem:s17+$0xFFFFFFF0] =	vst v0;
	v0 =	vmax.f32 v5, $0.0e+00;
	v5 =	vld [tilespmem:s17+$0x50]  }
0x1cb: {  	[tilespmem:s17+$0x0] =	vst v0;
	v0 =	vmax.f32 v4, $0.0e+00;
	v4 =	vld [tilespmem:s17+$0x60]  }
0x1cc: {  	[tilespmem:s17+$0x10] =	vst v0;
	v0 =	vmax.f32 v2, $0.0e+00;
	v2 =	vld [tilespmem:s17+$0x70]  }
0x1cd: {  	[tilespmem:s17+$0x20] =	vst v0;
	v0 =	vmax.f32 v3, $0.0e+00;
	v3 =	vld [tilespmem:s17+$0x80]  }
0x1ce: {  	[tilespmem:s17+$0x30] =	vst v0;
	v0 =	vmax.f32 v1, $0.0e+00;
	v6 =	vld [tilespmem:s17+$0x90]  }
0x1cf: {  	[tilespmem:s17+$0x40] =	vst v0;
	v0 =	vmax.f32 v5, $0.0e+00;
	v5 =	vld [tilespmem:s17+$0xA0]  }
.Ltmp13:
0x1d0: {  	[tilespmem:s17+$0x50] =	vst v0;
	v1 =	vmax.f32 v4, $0.0e+00;
	v0 =	vld [tilespmem:s17+$0xB0];
	(pc) =	sbr.rel @p1 .LBB2_18-.Ltmp13, $4  }
0x1d1: {  	[tilespmem:s17+$0x60] =	vst v1;
	v2 =	vmax.f32 v2, $0.0e+00;
	v1 =	vld [tilespmem:s17+$0xC0]  }
0x1d2: {  	[tilespmem:s17+$0x70] =	vst v2;
	v3 =	vmax.f32 v3, $0.0e+00;
	v2 =	vld [tilespmem:s17+$0xD0]  }
0x1d3: {  	[tilespmem:s17+$0x80] =	vst v3;
	v6 =	vmax.f32 v6, $0.0e+00;
	v3 =	vld [tilespmem:s17+$0xE0]  }
0x1d4: {  	s17 =	sadd.s32 $0x200, s17;
	v4 =	vld [tilespmem:s22+$0xFFFFFF00];
	[tilespmem:s22+$0x90] =	vst v6;
	v5 =	vmax.f32 v5, $0.0e+00  }
0x1d5: {  	[tilespmem:s22+$0xA0] =	vst v5;
	v0 =	vmax.f32 v0, $0.0e+00  }
0x1d6: {  	[tilespmem:s22+$0xB0] =	vst v0;
	v60 =	vmax.f32 v1, $0.0e+00  }
.Ltmp14:
0x1d7: {  	[tilespmem:s22+$0xC0] =	vst v60;
	v61 =	vmax.f32 v2, $0.0e+00;
	(pc) =	sbr.rel .LBB2_20-.Ltmp14, $4  }
0x1d8: {  	[tilespmem:s22+$0xD0] =	vst v61;
	v62 =	vmax.f32 v3, $0.0e+00  }
0x1d9: {  	v63 =	vmax.f32 v4, $0.0e+00;
	[tilespmem:s22+$0xE0] =	vst v62  }
0x1da: {  	[tilespmem:s22+$0xFFFFFF00] =	vst v63  }
0x1db: {  	[spmem:s1] =	stream.indirect.scatter.add.f32 [tilespmem:s15], [sflag:$0xC], $0x80, s14, s5, $0xb8;
	[tilespmem:$0x1DC80] =	vst v63  }
.LBB2_22:
0x1dc: {  	_ =	sfence.sel $0x180000  }
0x1dd: {  	[bflag:$0x0] =	sbarrier.arrive $0xFFFF  }
0x1de: {  	_ =	strace $0x9000004A  }
0x1df: {  	s0 =	stileid.u32;
	[bflag:$0x2] =	sbarrier.arrive $0xFFFF  }
0x1e0: {  	p0 =	sne.s32 s0, $0x0;
	s0 =	rddreg [dreg:$0x3]  }
0x1e1: {  	s0 =	sadd.s32 @!p0 $0x100000, s0  }
0x1e2: {  	[sflag:s0] =	ssyncadd.tile.s32 @!p0 $0x1;
	_ =	shalt  }
.Lfunc_end2:
_tile_overlayer_lowered:
.L_overlay_start_2:
0x1e3: {  	(tag) =	ssettag $0x2  }
0x1e4: {  	s0 =	rddreg [dreg:$0x0];
	s2 =	stileid.u32  }
0x1e5: {  	s1 =	rddreg [dreg:$0x1];
	p0 =	sne.s32 s2, $0x0  }
0x1e6: {  	s3 =	rddreg [dreg:$0x2];
	[bflag:$0x3] =	sbarrier.arrive $0xFFFF;
	s2 =	simm.s32 @!p0 $0x1C0D  }
0x1e7: {  	[timem:s3], [sflag:s2] =	dma.local @!p0 [hbm:s0], s1  }
0x1e8: {  	s0 =	simm.s32 @!p0 $0xD  }
0x1e9: {  	_ =	swait.ge @!p0 [sflag:s0], s1  }
0x1ea: {  	s1 =	ssub.s32 @!p0 $0x0, s1;
	[sflag:s0] =	ssyncset.done @!p0 $0x0  }
0x1eb: {  	[sflag:s0] =	ssyncadd.s32 @!p0 s1  }
0x1ec: {  	[bflag:$0x3] =	sbarrier.arrive $0xFFFF  }
0x1ed: {  	_ =	shalt  }

// kernel: kernel.17.cloned.1.call-start
scs
__scs_entry_jumppad:
0x0: {  	(pc) =	sbr.rel $0x88, $3  }
0x1: {  	(tag) =	ssettag $0x0;
	lr =	simm.s32 $0x1  }
0x2: {  	[smem:$0x3F96] =	sst lr;
	_ =	strace $0xD0000000  }
0x3: {  	_ = 	snop  }
0x4: {  	_ = 	snop  }
0x5: {  	_ = 	snop  }
0x6: {  	_ = 	snop  }
0x7: {  	_ = 	snop  }
__scs_overlays_trampoline_lowered:
0x8: {  	[smem:$0x3FA5] =	sst s0  }
0x9: {  	[smem:$0x3FA6] =	sst s1  }
0xa: {  	[smem:$0x3FA7] =	sst s2  }
0xb: {  	[smem:$0x3FA8] =	sst s3  }
0xc: {  	[smem:$0x3FA9] =	sst s4  }
0xd: {  	[smem:$0x3FAA] =	sst s5  }
0xe: {  	[smem:$0x3FAB] =	sst s6  }
0xf: {  	[smem:$0x3FAC] =	sst s7  }
0x10: {  	[smem:$0x3FAD] =	sst s8  }
0x11: {  	[smem:$0x3FAE] =	sst s9;
	s0 =	simm.s32 @!p0 $0x0  }
0x12: {  	s1 =	sld [smem:$0x3F94];
	s0 =	simm.s32 @p0 $0x1  }
0x13: {  	[smem:$0x3FAF] =	sst s0;
	s0 =	simm.s32 @!p1 $0x0  }
0x14: {  	s2 =	sld [smem:$0x3F93];
	s0 =	simm.s32 @p1 $0x1  }
0x15: {  	[smem:$0x3FB0] =	sst s0;
	s0 =	simm.s32 @!p2 $0x0  }
0x16: {  	s3 =	sld [smem:$0x3FDB];
	s0 =	simm.s32 @p2 $0x1  }
0x17: {  	s4 =	simm.s32 $0x1BF5;
	[smem:$0x3FB2] =	sst s0  }
0x18: {  	s0 =	sld [smem:$0x3F95];
	_ =	swait.ge [sflag:s4], $0x0  }
0x19: {  	s7 =	sld [smem:$0x3F96]  }
0x1a: {  	s8 =	sadd.s32 $0xFFFFE003, lr  }
0x1b: {  	s9 =	sadd.s32 $0xFFFFFEF7, lr;
	s5 =	simm.s32 $0xFFFFFFFF;
	p2 =	slt.u32 s8, $0xFFFFF086  }
0x1c: {  	p1 =	slt.u32 s9, $0xF7A;
	s5 =	simm.s32 @!p2 $0x0  }
0x1d: {  	s5 =	simm.s32 @p1 $0x1;
	p0 =	seq.s32 s7, s2  }
0x1e: {  	s7 =	smul.u32 @!p0 $0xF7A, s2;
	p2 =	seq.s32 @!p0 s5, $0x0  }
0x1f: {  	s9 =	smul.u32 $0xF7A, s1;
	s8 =	simm.s32 @!p0 $0x1BF5;
	p2 =	por !p2, p0  }
0x20: {  	[sflag:s8] =	ssyncset.s32 @!p0 $0xFFFFF086;
	s6 =	sadd.s32 @!p0 s3, s7;
	s7 =	simm.s32 @!p0 $0x108  }
0x21: {  	s3 =	sadd.s32 s3, s9;
	s6 =	sadd.s32 @!p0 $0x88, s6;
	s7 =	simm.s32 @p2 $0x1082  }
0x22: {  	[simem:s7], [sflag:s8] =	dma.local @!p0 [hbm:s6], $0xF7A  }
0x23: {  	s9 =	sor.u32 $0xD0000000, s2;
	s6 =	simm.s32 $0x108;
	_ =	swait.ge @!p0 [sflag:s8], $0x0  }
0x24: {  	s3 =	sadd.s32 $0x88, s3;
	s6 =	simm.s32 @!p1 $0x1082;
	[sflag:s4] =	ssyncset.s32 $0xFFFFF086  }
0x25: {  	[simem:s6], [sflag:s4] =	dma.local [hbm:s3], $0xF7A  }
0x26: {  	[smem:$0x3F96] =	sst s1;
	(tag) =	ssettag s2;
	_ =	strace s9  }
0x27: {  	s1 =	sld [smem:$0x3FA6]  }
0x28: {  	s2 =	sld [smem:$0x3FA7]  }
0x29: {  	s4 =	sld [smem:$0x3FA9]  }
0x2a: {  	p0 =	seq.s32 s5, $0x0;
	s5 =	sld [smem:$0x3FAA]  }
0x2b: {  	s6 =	sld [smem:$0x3FAB]  }
0x2c: {  	s7 =	sld [smem:$0x3FAC]  }
0x2d: {  	s3 =	simm.s32 $0x108;
	s8 =	sld [smem:$0x3FAD]  }
0x2e: {  	s3 =	simm.s32 @!p0 $0x1082;
	s9 =	sld [smem:$0x3FAE]  }
0x2f: {  	lr =	sadd.s32 s0, s3;
	s0 =	sld [smem:$0x3FA5]  }
0x30: {  	s3 =	sld [smem:$0x3FA8]  }
0x31: {  	[smem:$0x3FB1] =	sst s10  }
0x32: {  	s10 =	sld [smem:$0x3FAF];
	_ =	sdelay $0x3  }
0x33: {  	p0 =	seq.s32 s10, $0x1;
	s10 =	sld [smem:$0x3FB1];
	_ =	sdelay $0x3  }
0x34: {  	[smem:$0x3FB1] =	sst s10  }
0x35: {  	s10 =	sld [smem:$0x3FB0];
	_ =	sdelay $0x3  }
0x36: {  	p1 =	seq.s32 s10, $0x1;
	s10 =	sld [smem:$0x3FB1];
	_ =	sdelay $0x3  }
0x37: {  	[smem:$0x3FB1] =	sst s10  }
0x38: {  	s10 =	sld [smem:$0x3FB2]  }
0x39: {  	_ = 	snop;
	(pc) =	sbr.ind lr, $3  }
0x3a: {  	_ = 	snop  }
0x3b: {  	_ = 	snop  }
0x3c: {  	p2 =	seq.s32 s10, $0x1;
	s10 =	sld [smem:$0x3FB1]  }
0x3d: {  	_ =	shalt  }
0x3e: {  	_ =	shalt  }
0x3f: {  	_ =	shalt  }
0x40: {  	_ =	shalt  }
0x41: {  	_ =	shalt  }
0x42: {  	_ =	shalt  }
0x43: {  	_ =	shalt  }
0x44: {  	_ =	shalt  }
0x45: {  	_ =	shalt  }
0x46: {  	_ =	shalt  }
0x47: {  	_ =	shalt  }
0x48: {  	_ =	shalt  }
0x49: {  	_ =	shalt  }
0x4a: {  	_ =	shalt  }
0x4b: {  	_ =	shalt  }
0x4c: {  	_ =	shalt  }
0x4d: {  	_ =	shalt  }
0x4e: {  	_ =	shalt  }
0x4f: {  	_ =	shalt  }
0x50: {  	_ =	shalt  }
0x51: {  	_ =	shalt  }
0x52: {  	_ =	shalt  }
0x53: {  	_ =	shalt  }
0x54: {  	_ =	shalt  }
0x55: {  	_ =	shalt  }
0x56: {  	_ =	shalt  }
0x57: {  	_ =	shalt  }
0x58: {  	_ =	shalt  }
0x59: {  	_ =	shalt  }
0x5a: {  	_ =	shalt  }
0x5b: {  	_ =	shalt  }
0x5c: {  	_ =	shalt  }
0x5d: {  	_ =	shalt  }
0x5e: {  	_ =	shalt  }
0x5f: {  	_ =	shalt  }
0x60: {  	_ =	shalt  }
0x61: {  	_ =	shalt  }
0x62: {  	_ =	shalt  }
0x63: {  	_ =	shalt  }
0x64: {  	_ =	shalt  }
0x65: {  	_ =	shalt  }
0x66: {  	_ =	shalt  }
0x67: {  	_ =	shalt  }
0x68: {  	_ =	shalt  }
0x69: {  	_ =	shalt  }
0x6a: {  	_ =	shalt  }
0x6b: {  	_ =	shalt  }
0x6c: {  	_ =	shalt  }
0x6d: {  	_ =	shalt  }
0x6e: {  	_ =	shalt  }
0x6f: {  	_ =	shalt  }
0x70: {  	_ =	shalt  }
0x71: {  	_ =	shalt  }
0x72: {  	_ =	shalt  }
0x73: {  	_ =	shalt  }
0x74: {  	_ =	shalt  }
0x75: {  	_ =	shalt  }
0x76: {  	_ =	shalt  }
0x77: {  	_ =	shalt  }
0x78: {  	_ =	shalt  }
0x79: {  	_ =	shalt  }
0x7a: {  	_ =	shalt  }
0x7b: {  	_ =	shalt  }
0x7c: {  	_ =	shalt  }
0x7d: {  	_ =	shalt  }
0x7e: {  	_ =	shalt  }
0x7f: {  	_ =	shalt  }
0x80: {  	_ =	shalt  }
0x81: {  	_ =	shalt  }
0x82: {  	_ =	shalt  }
0x83: {  	_ =	shalt  }
0x84: {  	_ =	shalt  }
0x85: {  	_ =	shalt  }
0x86: {  	_ =	shalt  }
0x87: {  	_ =	shalt  }
.Lfunc_end0:
.L_simem_size_0:
called_computation.2_lowered:
.L_overlay_start_0:
0x88: {  	s2 =	sld [smem:$0x3FD9]  }
0x89: {  	s3 =	sld [smem:$0x3FFE];
	_ =	sdelay $0x1  }
0x8a: {  	s1 =	srdreg.scid  }
0x8b: {  	s0 =	sand.u32 $0x1, s1  }
0x8c: {  	s17 =	sshll.u32 s0, $0xA;
	s2 =	sadd.s32 s3, s2  }
0x8d: {  	s2 =	sadd.s32 s2, s17  }
0x8e: {  	[smem:$0x3FBD] =	sst s2  }
0x8f: {  	_ = 	snop  }
0x90: {  	s2 =	sld [smem:$0x3FD0];
	(tm) =	ssettm $0x1  }
0x91: {  	s18 =	sld [smem:$0x3FFB];
	_ =	sdelay $0x3  }
0x92: {  	_ =	strace s18  }
0x93: {  	s3 =	sld [smem:$0x3FFC];
	_ =	sdelay $0x3  }
0x94: {  	_ =	strace s3  }
0x95: {  	s3 =	sld [smem:$0x3FFD];
	_ =	sdelay $0x3  }
0x96: {  	_ =	strace s3  }
0x97: {  	_ =	strace $0x8FFFFFFF  }
0x98: {  	s19 =	sld [smem:$0x3FDB];
	_ =	sdelay $0x1  }
0x99: {  	s4 =	simm.s32 $_scs_section_size  }
0x9a: {  	s5 =	simm.s32 $_size__tile_overlayer_lowered;
	s6 =	simm.s32 $_tile_overlayer_lowered  }
0x9b: {  	s22 =	simm.s32 $0x1BFF;
	s21 =	sshll.u32 s6, $0x1;
	s3 =	sadd.s32 s4, s19  }
0x9c: {  	s7 =	simm.s32 $0x0;
	s20 =	sshll.u32 s5, $0x1;
	s5 =	sadd.s32 s21, s3  }
0x9d: {  	[timem:s7], [sflag:s22] =	dma.local [hbm:s5], s20  }
0x9e: {  	_ =	swait.ge [sflag:s22], s20  }
0x9f: {  	s4 =	ssub.s32 $0x0, s20;
	[sflag:s22] =	ssyncset.done $0x0  }
0xa0: {  	[sflag:s22] =	ssyncadd.s32 s4;
	_ =	sdelay $0x1  }
0xa1: {  	s23 =	simm.s32 $0x1B8B  }
0xa2: {  	_ =	swait.ge [sflag:s23], $0x1  }
0xa3: {  	[sflag:s23] =	ssyncset.done $0x0  }
0xa4: {  	s25 =	simm.s32 $0x1B8E;
	s24 =	sld [smem:$0x3FFE];
	[sflag:s23] =	ssyncadd.s32 $0xFFFFFFFF  }
0xa5: {  	s26 =	simm.s32 $execute0_lowered;
	[smem:$0x3FD2] =	sst s25  }
0xa6: {  	s5 =	sshll.u32 s26, $0x1;
	_ =	strace $0x8000004C;
	[dreg:$0x1] =	wrdreg $0xFFFFFFFF  }
0xa7: {  	s28 =	simm.s32 $_size_execute0_lowered;
	s3 =	sadd.s32 s3, s5;
	[dreg:$0x0] =	wrdreg $0x0  }
0xa8: {  	s5 =	sshll.u32 s28, $0x1;
	[dreg:$0x2] =	wrdreg s3  }
0xa9: {  	[dreg:$0x3] =	wrdreg s5  }
0xaa: {  	[dreg:$0x4] =	wrdreg $0xC0  }
0xab: {  	_ =	task [dreg:s7], $0x5FFFF  }
0xac: {  	[dreg:$0x1] =	wrdreg $0xFFFFFFFF  }
0xad: {  	[dreg:$0x0] =	wrdreg $0x60  }
0xae: {  	[dreg:$0x2] =	wrdreg s24  }
0xaf: {  	[dreg:$0x3] =	wrdreg s2  }
0xb0: {  	[dreg:$0x4] =	wrdreg $0xA4000  }
0xb1: {  	[dreg:$0x5] =	wrdreg $0x9  }
0xb2: {  	_ =	task.clear_ibuf [dreg:s7], $0x6FFFF;
	_ =	strace $0x9000004C  }
0xb3: {  	s29 =	simm.s32 $0x9;
	_ =	strace $0x8000004E  }
0xb4: {  	_ =	swait.ge [sflag:s29], $0x1  }
0xb5: {  	[sflag:s29] =	ssyncadd.s32 $0xFFFFFFFF  }
0xb6: {  	_ =	strace $0x9000004E  }
0xb7: {  	_ =	sfence  }
0xb8: {  	s30 =	sld [smem:$0x0];
	_ =	sdelay $0x2  }
0xb9: {  	s31 =	sshll.u32 s1, $0xD;
	s1 =	sshrl.u32 s1, $0x2  }
0xba: {  	s3 =	sand.u32 $0x4000, s31;
	s1 =	sadd.s32 s1, s30  }
0xbb: {  	s0 =	sor.u32 s3, s0;
	s1 =	sshll.u32 s1, $0x11  }
0xbc: {  	s0 =	sor.u32 s1, s0  }
0xbd: {  	s0 =	sadd.s32 $0x8F2B, s0  }
0xbe: {  	[sflag:s0] =	ssyncadd.remote.s32 $0x1  }
0xbf: {  	_ =	sfence.sel $0xFFFF  }
0xc0: {  	[dreg:$0x0] =	wrdreg $0xFFFFFFFF;
	(pc) =	sbr.abs _section_cstart, $3  }
0xc1: {  	[dreg:$0x1] =	wrdreg $0xFFFFFFFF  }
0xc2: {  	_ =	task.clear_ibuf [dreg:s7], $0x2FFFF;
	_ =	strace $0x9FFFFFFF  }
0xc3: {  	(tm) =	ssettm $0x7FFFFFFF  }
tec
execute0_lowered:
.L_overlay_start_1:
0x0: {  	(tag) =	ssettag $0x1  }
0x1: {  	s0 =	rddreg [dreg:$0x0]  }
0x2: {  	s5 =	rddreg [dreg:$0x1]  }
0x3: {  	s1 =	rddreg [dreg:$0x2]  }
0x4: {  	s2 =	simm.s32 $0x0;
	s8 =	srdreg.scid;
	s15 =	stileid.u32  }
0x5: {  	s28 =	simm.s32 $0x400;
	s30 =	simm.s32 $0x280;
	s31 =	simm.s32 $0x2C00  }
0x6: {  	s29 =	simm.s32 $0x5;
	[smem:$0x7FF] =	sst s2;
	s3 =	sadd.s32 $0x4F0400, s0  }
0x7: {  	s16 =	simm.s32 $0x0;
	s4 =	sadd.s32 $0x4E6600, s0;
	s6 =	sadd.s32 $0xF0F600, s0  }
0x8: {  	s7 =	sadd.s32 $0x3E00, s0;
	s0 =	sadd.s32 $0x2B000, s0;
	s11 =	smul.u32 $0x4E000, s15  }
0x9: {  	s9 =	sand.u32 $0x1, s8;
	s10 =	sshll.u32 s15, $0x1;
	s13 =	smul.u32 $0x13800, s15  }
0xa: {  	s14 =	sshll.u32 s15, $0x6;
	s18 =	sadd.s32 $0x138000, s1;
	p0 =	sne.s32 s15, $0xF  }
0xb: {  	s15 =	simm.s32 $0x7C00;
	_ =	strace $0x8000004D;
	s8 =	ssub.s32 $0x2, s9  }
0xc: {  	s10 =	sor.u32 s9, s10;
	[dreg:$0x6] =	wrdreg s18;
	s9 =	smul.u32 $0x138800, s9  }
0xd: {  	s12 =	sshrl.u32 s8, $0x1;
	s11 =	sshrl.u32 s11, $0x2;
	s17 =	sshrl.u32 s13, $0x3  }
0xe: {  	s12 =	ssub.s32 s8, s12;
	s8 =	smul.u32 $0x2710, s10;
	s11 =	sadd.s32 s11, s1  }
0xf: {  	s10 =	smul.u32 $0x27100, s10;
	s24 =	sadd.s32 s13, s9;
	s9 =	sshrl.u32 s9, $0x3  }
0x10: {  	s13 =	simm.s32 $0xA;
	[dreg:$0x4] =	wrdreg s11;
	s11 =	sadd.s32 s5, s17  }
0x11: {  	s5 =	sadd.s32 $0x27000, s5;
	s9 =	sadd.s32 s0, s9;
	s26 =	smax.u32 s12, $0x1  }
0x12: {  	s12 =	simm.s32 $0x5400;
	[dreg:$0x5] =	wrdreg s11;
	s11 =	sor.u32 $0x1C0D, s14  }
0x13: {  	[dreg:$0x7] =	wrdreg s5;
	s19 =	sshrl.u32 s8, $0x3;
	s21 =	sadd.s32 $0x50, s8  }
0x14: {  	s10 =	sadd.s32 s6, s10;
	s25 =	sadd.s32 $0x27000, s9;
	[dreg:$0x10] =	wrdreg s26  }
0x15: {  	s26 =	simm.s32 $0x200;
	s9 =	simm.s32 $0x9;
	[dreg:$0xa] =	wrdreg s10  }
0x16: {  	s14 =	simm.s32 $0x380;
	s20 =	sadd.s32 s3, s19;
	[dreg:$0xf] =	wrdreg s25  }
0x17: {  	s5 =	sadd.s32 s4, s19;
	s22 =	sshrl.u32 s21, $0x3;
	[dreg:$0x8] =	wrdreg s20  }
0x18: {  	s19 =	simm.s32 $0xD;
	[dreg:$0x9] =	wrdreg s5;
	s23 =	sadd.s32 s3, s22  }
.Ltmp0:
0x19: {  	s10 =	sadd.s32 s4, s22;
	s5 =	sshll.u32 s21, $0x4;
	(pc) =	sbr.rel .LBB2_1-.Ltmp0, $4  }
0x1a: {  	s20 =	sadd.s32 $0x140, s8;
	[dreg:$0xb] =	wrdreg s23;
	s5 =	sadd.s32 s6, s5  }
0x1b: {  	s21 =	sadd.s32 $0x190, s8;
	[dreg:$0xd] =	wrdreg s5;
	s5 =	sshrl.u32 s24, $0x3  }
0x1c: {  	[dreg:$0xc] =	wrdreg s10;
	s10 =	simm.s32 $0x300;
	s0 =	sadd.s32 s0, s5  }
0x1d: {  	s5 =	simm.s32 $0x50;
	[dreg:$0xe] =	wrdreg s0;
	s0 =	simm.s32 $0x1  }
.LBB2_21:
0x1e: {  	[bflag:$0x0] =	sbarrier.arrive $0xFFFF  }
0x1f: {  	s17 =	rddreg [dreg:$0xe]  }
0x20: {  	s19 =	simm.s32 $0xD;
	s18 =	rddreg [dreg:$0x11]  }
0x21: {  	[hbm:s17], [sflag:s11] =	dma.local [spmem:s18], $0x2700  }
0x22: {  	_ =	swait.ge [sflag:s19], $0x2700  }
0x23: {  	[sflag:s19] =	ssyncset.done $0x0;
	s17 =	rddreg [dreg:$0xf]  }
0x24: {  	s18 =	rddreg [dreg:$0x12];
	[sflag:s19] =	ssyncadd.s32 $0xFFFFD900  }
0x25: {  	[hbm:s17], [sflag:s11] =	dma.local @!p0 [spmem:s18], $0x100  }
0x26: {  	s17 =	simm.s32 @!p0 $0xD  }
0x27: {  	_ =	swait.ge @!p0 [sflag:s17], $0x100  }
0x28: {  	s16 =	sadd.s32 $0x1, s16;
	s25 =	rddreg [dreg:$0x10]  }
0x29: {  	p1 =	sne.s32 s16, s25  }
.Ltmp1:
0x2a: {  	_ = 	snop;
	(pc) =	sbr.rel @!p1 .LBB2_22-.Ltmp1, $3  }
0x2b: {  	_ =	sdelay $0x1  }
0x2c: {  	[sflag:s17] =	ssyncset.done @!p0 $0x0  }
0x2d: {  	[sflag:s17] =	ssyncadd.s32 @!p0 $0xFFFFFF00  }
.LBB2_1:
0x2e: {  	s17 =	rddreg [dreg:$0x4]  }
0x2f: {  	s24 =	rddreg [dreg:$0x5];
	s18 =	sshrl.u32 s17, $0x3  }
0x30: {  	[dreg:$0x11] =	wrdreg s18  }
0x31: {  	[spmem:s18], [sflag:s11] =	dma.local [hbm:s24], $0x2700  }
0x32: {  	_ =	swait.ge [sflag:s19], $0x2700  }
0x33: {  	s17 =	rddreg [dreg:$0x6]  }
0x34: {  	[sflag:s19] =	ssyncset.done $0x0;
	s18 =	sshrl.u32 @!p0 s17, $0x3;
	s17 =	rddreg [dreg:$0x7]  }
0x35: {  	[sflag:s19] =	ssyncadd.s32 $0xFFFFD900;
	[dreg:$0x12] =	wrdreg s18  }
0x36: {  	[spmem:s18], [sflag:s11] =	dma.local @!p0 [hbm:s17], $0x100  }
0x37: {  	s17 =	simm.s32 @!p0 $0xD  }
0x38: {  	_ =	swait.ge @!p0 [sflag:s17], $0x100  }
0x39: {  	[sflag:s17] =	ssyncset.done @!p0 $0x0  }
0x3a: {  	[sflag:s17] =	ssyncadd.s32 @!p0 $0xFFFFFF00  }
0x3b: {  	[bflag:$0x0] =	sbarrier.arrive $0xFFFF  }
0x3c: {  	s25 =	rddreg [dreg:$0x8]  }
0x3d: {  	[tilespmem:s2], [sflag:$0x1] =	stream.linear.gather [hbm4b:s25+s2], $0x50, $0x38;
	[tilespmem:$0x1DC80] =	vst v63  }
0x3e: {  	s18 =	rddreg [dreg:$0x9]  }
0x3f: {  	[tilespmem:s26], [sflag:$0x1] =	stream.linear.gather [hbm4b:s18+s2], $0x50, $0x38;
	[tilespmem:$0x1DC80] =	vst v63  }
0x40: {  	s19 =	rddreg [dreg:$0xa]  }
0x41: {  	[tilespmem:s28], [sflag:$0x1] =	stream.linear.gather [hbm4b:s19+s2], $0x2800, $0x38;
	[tilespmem:$0x1DC80] =	vst v63  }
0x42: {  	s23 =	simm.s32 $0x80;
	s22 =	rddreg [dreg:$0xb]  }
0x43: {  	[tilespmem:s23], [sflag:$0x2] =	stream.linear.gather [hbm4b:s22+s2], $0x50, $0x38;
	[tilespmem:$0x1DC80] =	vst v63  }
0x44: {  	s24 =	rddreg [dreg:$0xc]  }
0x45: {  	[tilespmem:s30], [sflag:$0x2] =	stream.linear.gather [hbm4b:s24+s2], $0x50, $0x38;
	[tilespmem:$0x1DC80] =	vst v63  }
0x46: {  	s25 =	rddreg [dreg:$0xd]  }
0x47: {  	[tilespmem:s31], [sflag:$0x2] =	stream.linear.gather [hbm4b:s25+s2], $0x2800, $0x38;
	[tilespmem:$0x1DC80] =	vst v63  }
0x48: {  	_ =	swait.ge [sflag:s0], $0x50  }
0x49: {  	[sflag:s0] =	ssyncset.done $0x0  }
0x4a: {  	[sflag:s0] =	ssyncadd.s32 $0xFFFFFFB0  }
0x4b: {  	_ =	swait.ge [sflag:s0], $0x50  }
0x4c: {  	[sflag:s0] =	ssyncset.done $0x0  }
.Ltmp2:
0x4d: {  	[sflag:s0] =	ssyncadd.s32 $0xFFFFFFB0;
	(pc) =	sbr.rel .LBB2_2-.Ltmp2, $4  }
0x4e: {  	_ =	swait.ge [sflag:s0], $0x2800  }
0x4f: {  	[sflag:s0] =	ssyncset.done $0x0  }
0x50: {  	s19 =	simm.s32 $0x0;
	[sflag:s0] =	ssyncadd.s32 $0xFFFFD800  }
0x51: {  	[tilespmem:s28], [sflag:$0x5] =	stream.indirect.gather.add.f32 [hbm:s7], $0x80, s2, s5, $0xb8;
	[tilespmem:$0x1DC80] =	vst v63  }
.LBB2_20:
0x52: {  	s19 =	sadd.s32 $0x1, s19  }
0x53: {  	p1 =	sne.s32 s19, $0x20  }
.Ltmp3:
0x54: {  	_ = 	snop;
	(pc) =	sbr.rel @!p1 .LBB2_21-.Ltmp3, $1  }
0x55: {  	_ =	sdelay $0x3  }
.LBB2_2:
0x56: {  	s22 =	sshll.u32 s19, $0x2  }
0x57: {  	_ =	swait.ge [sflag:s29], $0x2800;
	s17 =	sadd.s32 $0xFFFFFFFE, s22;
	s23 =	sor.u32 $0x2, s22  }
0x58: {  	[sflag:s29] =	ssyncset.done $0x0;
	p1 =	sgt.u32 s17, $0x7C;
	p3 =	sgt.u32 s23, $0x7C  }
0x59: {  	[sflag:s29] =	ssyncadd.s32 $0xFFFFD800;
	s17 =	simm.s32 @!p1 $0xB;
	s23 =	smul.u32 @!p3 $0x50, s23  }
0x5a: {  	_ =	swait.ge @!p1 [sflag:s17], $0x2800  }
0x5b: {  	[sflag:s17] =	ssyncset.done @!p1 $0x0;
	s23 =	sadd.s32 @!p3 s8, s23  }
0x5c: {  	[sflag:s17] =	ssyncadd.s32 @!p1 $0xFFFFD800;
	s17 =	sshrl.u32 @!p3 s23, $0x3  }
0x5d: {  	s25 =	simm.s32 @!p3 $0x0;
	s18 =	simm.s32 @!p3 $0x100;
	s24 =	sadd.s32 @!p3 s3, s17  }
0x5e: {  	[tilespmem:s18], [sflag:$0x3] =	stream.linear.gather @!p3 [hbm4b:s24+s25], $0x50, $0x38;
	[tilespmem:$0x1DC80] =	vst v63  }
0x5f: {  	s17 =	sadd.s32 @!p3 s4, s17;
	s18 =	simm.s32 @!p3 $0x300  }
0x60: {  	[tilespmem:s18], [sflag:$0x3] =	stream.linear.gather @!p3 [hbm4b:s17+s25], $0x50, $0x38;
	[tilespmem:$0x1DC80] =	vst v63  }
0x61: {  	s17 =	sshll.u32 @!p3 s23, $0x4  }
0x62: {  	p1 =	sgt.u32 s19, $0x1E;
	s18 =	simm.s32 @!p3 $0x5400;
	s17 =	sadd.s32 @!p3 s6, s17  }
0x63: {  	[tilespmem:s18], [sflag:$0x3] =	stream.linear.gather @!p3 [hbm4b:s17+s25], $0x2800, $0x38;
	[tilespmem:$0x1DC80] =	vst v63  }
0x64: {  	s17 =	simm.s32 @!p1 $0x2  }
0x65: {  	_ =	swait.ge @!p1 [sflag:s17], $0x50  }
0x66: {  	[sflag:s17] =	ssyncset.done @!p1 $0x0  }
0x67: {  	[sflag:s17] =	ssyncadd.s32 @!p1 $0xFFFFFFB0  }
0x68: {  	_ =	swait.ge @!p1 [sflag:s17], $0x50  }
0x69: {  	[sflag:s17] =	ssyncset.done @!p1 $0x0  }
0x6a: {  	[sflag:s17] =	ssyncadd.s32 @!p1 $0xFFFFFFB0  }
0x6b: {  	_ =	swait.ge @!p1 [sflag:s17], $0x2800  }
0x6c: {  	s23 =	simm.s32 @!p1 $0x2C00;
	[sflag:s17] =	ssyncset.done @!p1 $0x0  }
0x6d: {  	s18 =	simm.s32 @!p1 $0x80;
	[sflag:s17] =	ssyncadd.s32 @!p1 $0xFFFFD800;
	s17 =	simm.s32 @!p1 $0x50  }
0x6e: {  	[tilespmem:s23], [sflag:$0x6] =	stream.indirect.gather.add.f32 @!p1 [hbm:s7], $0x80, s18, s17, $0xb8;
	[tilespmem:$0x1DC80] =	vst v63  }
0x6f: {  	s23 =	simm.s32 $0x500  }
0x70: {  	v0 =	vld [tilespmem:s23+$0xFFFFFF10]  }
0x71: {  	v6 =	vld [tilespmem:s23+$0xF0]  }
0x72: {  	v1 =	vld [tilespmem:s23+$0xFFFFFF20]  }
0x73: {  	v7 =	vld [tilespmem:s23+$0xFFFFFF80]  }
0x74: {  	v2 =	vld [tilespmem:s23+$0xFFFFFF30]  }
0x75: {  	v8 =	vld [tilespmem:s23+$0xFFFFFF90];
	v0 =	vmax.f32 v0, $0.0e+00  }
0x76: {  	v3 =	vld [tilespmem:s23+$0xFFFFFF40];
	v6 =	vmax.f32 v6, $0.0e+00;
	[tilespmem:s23+$0xFFFFFF10] =	vst v0  }
0x77: {  	v4 =	vld [tilespmem:s23+$0xFFFFFF50];
	v1 =	vmax.f32 v1, $0.0e+00;
	[tilespmem:s23+$0xF0] =	vst v6  }
0x78: {  	v5 =	vld [tilespmem:s23+$0xFFFFFF60];
	[tilespmem:s23+$0xFFFFFF20] =	vst v1;
	v1 =	vmax.f32 v7, $0.0e+00  }
0x79: {  	v0 =	vld [tilespmem:s23+$0xFFFFFF70];
	[tilespmem:s23+$0xFFFFFF80] =	vst v1;
	v1 =	vmax.f32 v2, $0.0e+00  }
0x7a: {  	v9 =	vld [tilespmem:s23+$0xFFFFFFA0];
	[tilespmem:s23+$0xFFFFFF30] =	vst v1;
	v1 =	vmax.f32 v8, $0.0e+00  }
0x7b: {  	v10 =	vld [tilespmem:s23+$0xFFFFFFB0];
	[tilespmem:s23+$0xFFFFFF90] =	vst v1;
	v1 =	vmax.f32 v3, $0.0e+00  }
0x7c: {  	v6 =	vld [tilespmem:s23+$0xFFFFFFC0];
	[tilespmem:s23+$0xFFFFFF40] =	vst v1;
	v1 =	vmax.f32 v4, $0.0e+00  }
0x7d: {  	v4 =	vld [tilespmem:s23+$0x0];
	[tilespmem:s23+$0xFFFFFF50] =	vst v1;
	v1 =	vmax.f32 v5, $0.0e+00  }
0x7e: {  	v7 =	vld [tilespmem:s23+$0xFFFFFFD0];
	v0 =	vmax.f32 v0, $0.0e+00;
	[tilespmem:s23+$0xFFFFFF60] =	vst v1  }
0x7f: {  	v1 =	vld [tilespmem:s23+$0x10];
	[tilespmem:s23+$0xFFFFFF70] =	vst v0;
	v0 =	vmax.f32 v9, $0.0e+00  }
0x80: {  	v2 =	vld [tilespmem:s23+$0xFFFFFFE0];
	[tilespmem:s23+$0xFFFFFFA0] =	vst v0;
	v0 =	vmax.f32 v10, $0.0e+00  }
0x81: {  	v3 =	vld [tilespmem:s23+$0xFFFFFFF0];
	[tilespmem:s23+$0xFFFFFFB0] =	vst v0;
	v0 =	vmax.f32 v6, $0.0e+00  }
0x82: {  	v5 =	vld [tilespmem:s23+$0x20];
	[tilespmem:s23+$0xFFFFFFC0] =	vst v0;
	v0 =	vmax.f32 v4, $0.0e+00  }
0x83: {  	v4 =	vld [tilespmem:s23+$0x50];
	[tilespmem:s23+$0x0] =	vst v0;
	v0 =	vmax.f32 v7, $0.0e+00  }
0x84: {  	v63 =	vld [tilespmem:s23+$0x30];
	[tilespmem:s23+$0xFFFFFFD0] =	vst v0;
	v0 =	vmax.f32 v1, $0.0e+00  }
0x85: {  	v6 =	vld [tilespmem:s23+$0x40];
	[tilespmem:s23+$0x10] =	vst v0;
	v0 =	vmax.f32 v2, $0.0e+00  }
0x86: {  	v1 =	vld [tilespmem:s23+$0x60];
	[tilespmem:s23+$0xFFFFFFE0] =	vst v0;
	v0 =	vmax.f32 v3, $0.0e+00  }
0x87: {  	v2 =	vld [tilespmem:s23+$0x80];
	[tilespmem:s23+$0xFFFFFFF0] =	vst v0;
	v0 =	vmax.f32 v5, $0.0e+00  }
0x88: {  	v3 =	vld [tilespmem:s23+$0x70];
	v4 =	vmax.f32 v4, $0.0e+00;
	[tilespmem:s23+$0x20] =	vst v0  }
0x89: {  	v5 =	vld [tilespmem:s23+$0x90];
	v0 =	vmax.f32 v63, $0.0e+00;
	[tilespmem:s23+$0x50] =	vst v4  }
0x8a: {  	[tilespmem:s23+$0x30] =	vst v0;
	v0 =	vmax.f32 v6, $0.0e+00;
	v6 =	vld [tilespmem:s23+$0xA0]  }
0x8b: {  	v4 =	vmax.f32 v1, $0.0e+00;
	[tilespmem:s23+$0x40] =	vst v0;
	v0 =	vld [tilespmem:s23+$0xB0]  }
0x8c: {  	v1 =	vld [tilespmem:s23+$0xC0];
	[tilespmem:s23+$0x60] =	vst v4;
	v4 =	vmax.f32 v2, $0.0e+00  }
0x8d: {  	v2 =	vld [tilespmem:s23+$0xD0];
	v3 =	vmax.f32 v3, $0.0e+00;
	[tilespmem:s23+$0x80] =	vst v4  }
0x8e: {  	[tilespmem:s23+$0x70] =	vst v3;
	v5 =	vmax.f32 v5, $0.0e+00;
	v3 =	vld [tilespmem:s23+$0xE0]  }
0x8f: {  	s24 =	simm.s32 $0x0;
	s25 =	simm.s32 $0x700;
	v4 =	vld [tilespmem:s23+$0xFFFFFF00];
	[tilespmem:s23+$0x90] =	vst v5;
	v5 =	vmax.f32 v6, $0.0e+00  }
.LBB2_3:
0x90: {  	v6 =	vld [tilespmem:s25+$0xF0];
	s24 =	sadd.s32 $0x4, s24;
	[tilespmem:s23+$0xA0] =	vst v5;
	v0 =	vmax.f32 v0, $0.0e+00  }
0x91: {  	v5 =	vld [tilespmem:s25+$0xFFFFFF10];
	p2 =	slt.u32 s24, $0x4C;
	[tilespmem:s23+$0xB0] =	vst v0;
	v0 =	vmax.f32 v1, $0.0e+00  }
0x92: {  	v1 =	vld [tilespmem:s25+$0xFFFFFF20];
	[tilespmem:s23+$0xC0] =	vst v0;
	v0 =	vmax.f32 v2, $0.0e+00  }
0x93: {  	v2 =	vld [tilespmem:s25+$0xFFFFFF30];
	[tilespmem:s23+$0xD0] =	vst v0;
	v0 =	vmax.f32 v3, $0.0e+00  }
0x94: {  	v3 =	vld [tilespmem:s25+$0xFFFFFF40];
	v4 =	vmax.f32 v4, $0.0e+00;
	[tilespmem:s23+$0xE0] =	vst v0  }
0x95: {  	v0 =	vld [tilespmem:s25+$0xFFFFFF50];
	v6 =	vmax.f32 v6, $0.0e+00;
	[tilespmem:s23+$0xFFFFFF00] =	vst v4;
	s23 =	smov.u32 s25  }
0x96: {  	v4 =	vmax.f32 v5, $0.0e+00;
	v5 =	vld [tilespmem:s25+$0xFFFFFF60];
	[tilespmem:s25+$0xF0] =	vst v6  }
0x97: {  	[tilespmem:s25+$0xFFFFFF10] =	vst v4;
	v1 =	vmax.f32 v1, $0.0e+00;
	v4 =	vld [tilespmem:s25+$0xFFFFFF70]  }
0x98: {  	[tilespmem:s25+$0xFFFFFF20] =	vst v1;
	v1 =	vmax.f32 v2, $0.0e+00;
	v2 =	vld [tilespmem:s25+$0xFFFFFF80]  }
0x99: {  	[tilespmem:s25+$0xFFFFFF30] =	vst v1;
	v1 =	vmax.f32 v3, $0.0e+00;
	v3 =	vld [tilespmem:s25+$0xFFFFFF90]  }
0x9a: {  	[tilespmem:s25+$0xFFFFFF40] =	vst v1;
	v0 =	vmax.f32 v0, $0.0e+00;
	v1 =	vld [tilespmem:s25+$0xFFFFFFA0]  }
0x9b: {  	[tilespmem:s25+$0xFFFFFF50] =	vst v0;
	v0 =	vmax.f32 v5, $0.0e+00;
	v5 =	vld [tilespmem:s25+$0xFFFFFFB0]  }
0x9c: {  	[tilespmem:s25+$0xFFFFFF60] =	vst v0;
	v0 =	vmax.f32 v4, $0.0e+00;
	v4 =	vld [tilespmem:s25+$0xFFFFFFC0]  }
0x9d: {  	[tilespmem:s25+$0xFFFFFF70] =	vst v0;
	v0 =	vmax.f32 v2, $0.0e+00;
	v2 =	vld [tilespmem:s25+$0xFFFFFFD0]  }
0x9e: {  	[tilespmem:s25+$0xFFFFFF80] =	vst v0;
	v0 =	vmax.f32 v3, $0.0e+00;
	v3 =	vld [tilespmem:s25+$0xFFFFFFE0]  }
0x9f: {  	[tilespmem:s25+$0xFFFFFF90] =	vst v0;
	v0 =	vmax.f32 v1, $0.0e+00;
	v1 =	vld [tilespmem:s25+$0xFFFFFFF0]  }
0xa0: {  	[tilespmem:s25+$0xFFFFFFA0] =	vst v0;
	v0 =	vmax.f32 v5, $0.0e+00;
	v5 =	vld [tilespmem:s25+$0x0]  }
0xa1: {  	[tilespmem:s25+$0xFFFFFFB0] =	vst v0;
	v0 =	vmax.f32 v4, $0.0e+00;
	v4 =	vld [tilespmem:s25+$0x10]  }
0xa2: {  	[tilespmem:s25+$0xFFFFFFC0] =	vst v0;
	v0 =	vmax.f32 v2, $0.0e+00;
	v2 =	vld [tilespmem:s25+$0x20]  }
0xa3: {  	[tilespmem:s25+$0xFFFFFFD0] =	vst v0;
	v0 =	vmax.f32 v3, $0.0e+00;
	v3 =	vld [tilespmem:s25+$0x30]  }
0xa4: {  	[tilespmem:s25+$0xFFFFFFE0] =	vst v0;
	v0 =	vmax.f32 v1, $0.0e+00;
	v1 =	vld [tilespmem:s25+$0x40]  }
0xa5: {  	[tilespmem:s25+$0xFFFFFFF0] =	vst v0;
	v0 =	vmax.f32 v5, $0.0e+00;
	v5 =	vld [tilespmem:s25+$0x50]  }
0xa6: {  	[tilespmem:s25+$0x0] =	vst v0;
	v0 =	vmax.f32 v4, $0.0e+00;
	v4 =	vld [tilespmem:s25+$0x60]  }
0xa7: {  	[tilespmem:s25+$0x10] =	vst v0;
	v0 =	vmax.f32 v2, $0.0e+00;
	v2 =	vld [tilespmem:s25+$0x70]  }
0xa8: {  	[tilespmem:s25+$0x20] =	vst v0;
	v0 =	vmax.f32 v3, $0.0e+00;
	v3 =	vld [tilespmem:s25+$0x80]  }
0xa9: {  	[tilespmem:s25+$0x30] =	vst v0;
	v0 =	vmax.f32 v1, $0.0e+00;
	v6 =	vld [tilespmem:s25+$0x90]  }
0xaa: {  	[tilespmem:s25+$0x40] =	vst v0;
	v0 =	vmax.f32 v5, $0.0e+00;
	v5 =	vld [tilespmem:s25+$0xA0]  }
.Ltmp4:
0xab: {  	[tilespmem:s25+$0x50] =	vst v0;
	v1 =	vmax.f32 v4, $0.0e+00;
	v0 =	vld [tilespmem:s25+$0xB0];
	(pc) =	sbr.rel @p2 .LBB2_3-.Ltmp4, $4  }
0xac: {  	[tilespmem:s25+$0x60] =	vst v1;
	v2 =	vmax.f32 v2, $0.0e+00;
	v1 =	vld [tilespmem:s25+$0xC0]  }
0xad: {  	[tilespmem:s25+$0x70] =	vst v2;
	v3 =	vmax.f32 v3, $0.0e+00;
	v2 =	vld [tilespmem:s25+$0xD0]  }
0xae: {  	[tilespmem:s25+$0x80] =	vst v3;
	v6 =	vmax.f32 v6, $0.0e+00;
	v3 =	vld [tilespmem:s25+$0xE0]  }
0xaf: {  	s25 =	sadd.s32 $0x200, s25;
	v4 =	vld [tilespmem:s23+$0xFFFFFF00];
	[tilespmem:s23+$0x90] =	vst v6;
	v5 =	vmax.f32 v5, $0.0e+00  }
0xb0: {  	[tilespmem:s23+$0xA0] =	vst v5;
	v0 =	vmax.f32 v0, $0.0e+00  }
0xb1: {  	[tilespmem:s23+$0xB0] =	vst v0;
	v60 =	vmax.f32 v1, $0.0e+00  }
0xb2: {  	[tilespmem:s23+$0xC0] =	vst v60;
	v61 =	vmax.f32 v2, $0.0e+00  }
0xb3: {  	[tilespmem:s23+$0xD0] =	vst v61;
	v62 =	vmax.f32 v3, $0.0e+00  }
0xb4: {  	v63 =	vmax.f32 v4, $0.0e+00;
	[tilespmem:s23+$0xE0] =	vst v62  }
0xb5: {  	s17 =	simm.s32 @!p1 $0x6;
	[tilespmem:s23+$0xFFFFFF00] =	vst v63  }
0xb6: {  	[spmem:s1] =	stream.indirect.scatter.add.f32 [tilespmem:s28], [sflag:$0x9], $0x80, s26, s5, $0xb8;
	[tilespmem:$0x1DC80] =	vst v63  }
0xb7: {  	s18 =	sadd.s32 $0xFFFFFFFF, s22;
	s22 =	sor.u32 $0x3, s22;
	_ =	swait.ge @!p1 [sflag:s17], $0x2800  }
0xb8: {  	p4 =	sgt.u32 s18, $0x7C;
	p2 =	sgt.u32 s22, $0x7C;
	[sflag:s17] =	ssyncset.done @!p1 $0x0  }
0xb9: {  	s18 =	smul.u32 @!p2 $0x50, s22;
	[sflag:s17] =	ssyncadd.s32 @!p1 $0xFFFFD800;
	s17 =	simm.s32 @!p4 $0xC  }
0xba: {  	_ =	swait.ge @!p4 [sflag:s17], $0x2800  }
0xbb: {  	s18 =	sadd.s32 @!p2 s8, s18;
	[sflag:s17] =	ssyncset.done @!p4 $0x0  }
0xbc: {  	[sflag:s17] =	ssyncadd.s32 @!p4 $0xFFFFD800;
	s17 =	sshrl.u32 @!p2 s18, $0x3  }
0xbd: {  	s24 =	simm.s32 @!p2 $0x0;
	s22 =	simm.s32 @!p2 $0x180;
	s23 =	sadd.s32 @!p2 s3, s17  }
0xbe: {  	[tilespmem:s22], [sflag:$0x4] =	stream.linear.gather @!p2 [hbm4b:s23+s24], $0x50, $0x38;
	[tilespmem:$0x1DC80] =	vst v63  }
0xbf: {  	s17 =	sadd.s32 @!p2 s4, s17;
	s23 =	simm.s32 @!p2 $0x380  }
0xc0: {  	[tilespmem:s23], [sflag:$0x4] =	stream.linear.gather @!p2 [hbm4b:s17+s24], $0x50, $0x38;
	[tilespmem:$0x1DC80] =	vst v63  }
0xc1: {  	s17 =	sshll.u32 @!p2 s18, $0x4  }
0xc2: {  	s23 =	simm.s32 @!p2 $0x7C00;
	s17 =	sadd.s32 @!p2 s6, s17  }
0xc3: {  	[tilespmem:s23], [sflag:$0x4] =	stream.linear.gather @!p2 [hbm4b:s17+s24], $0x2800, $0x38;
	[tilespmem:$0x1DC80] =	vst v63  }
0xc4: {  	s17 =	simm.s32 @!p3 $0x3  }
0xc5: {  	_ =	swait.ge @!p3 [sflag:s17], $0x50  }
0xc6: {  	[sflag:s17] =	ssyncset.done @!p3 $0x0  }
0xc7: {  	[sflag:s17] =	ssyncadd.s32 @!p3 $0xFFFFFFB0  }
0xc8: {  	_ =	swait.ge @!p3 [sflag:s17], $0x50  }
0xc9: {  	[sflag:s17] =	ssyncset.done @!p3 $0x0  }
.Ltmp5:
0xca: {  	[sflag:s17] =	ssyncadd.s32 @!p3 $0xFFFFFFB0;
	(pc) =	sbr.rel @p1 .LBB2_8-.Ltmp5, $4  }
0xcb: {  	_ =	swait.ge @!p3 [sflag:s17], $0x2800  }
0xcc: {  	s18 =	simm.s32 @!p3 $0x100;
	[sflag:s17] =	ssyncset.done @!p3 $0x0  }
0xcd: {  	s24 =	simm.s32 @!p3 $0x5400;
	[sflag:s17] =	ssyncadd.s32 @!p3 $0xFFFFD800;
	s17 =	simm.s32 @!p3 $0x50  }
0xce: {  	[tilespmem:s24], [sflag:$0x7] =	stream.indirect.gather.add.f32 @!p3 [hbm:s7], $0x80, s18, s17, $0xb8;
	[tilespmem:$0x1DC80] =	vst v63  }
0xcf: {  	s24 =	simm.s32 $0x2D00  }
0xd0: {  	v0 =	vld [tilespmem:s24+$0xFFFFFF10]  }
0xd1: {  	v6 =	vld [tilespmem:s24+$0xF0]  }
0xd2: {  	v1 =	vld [tilespmem:s24+$0xFFFFFF20]  }
0xd3: {  	v7 =	vld [tilespmem:s24+$0xFFFFFF80]  }
0xd4: {  	v2 =	vld [tilespmem:s24+$0xFFFFFF30]  }
0xd5: {  	v8 =	vld [tilespmem:s24+$0xFFFFFF90];
	v0 =	vmax.f32 v0, $0.0e+00  }
0xd6: {  	v3 =	vld [tilespmem:s24+$0xFFFFFF40];
	v6 =	vmax.f32 v6, $0.0e+00;
	[tilespmem:s24+$0xFFFFFF10] =	vst v0  }
0xd7: {  	v4 =	vld [tilespmem:s24+$0xFFFFFF50];
	v1 =	vmax.f32 v1, $0.0e+00;
	[tilespmem:s24+$0xF0] =	vst v6  }
0xd8: {  	v5 =	vld [tilespmem:s24+$0xFFFFFF60];
	[tilespmem:s24+$0xFFFFFF20] =	vst v1;
	v1 =	vmax.f32 v7, $0.0e+00  }
0xd9: {  	v0 =	vld [tilespmem:s24+$0xFFFFFF70];
	[tilespmem:s24+$0xFFFFFF80] =	vst v1;
	v1 =	vmax.f32 v2, $0.0e+00  }
0xda: {  	v9 =	vld [tilespmem:s24+$0xFFFFFFA0];
	[tilespmem:s24+$0xFFFFFF30] =	vst v1;
	v1 =	vmax.f32 v8, $0.0e+00  }
0xdb: {  	v10 =	vld [tilespmem:s24+$0xFFFFFFB0];
	[tilespmem:s24+$0xFFFFFF90] =	vst v1;
	v1 =	vmax.f32 v3, $0.0e+00  }
0xdc: {  	v6 =	vld [tilespmem:s24+$0xFFFFFFC0];
	[tilespmem:s24+$0xFFFFFF40] =	vst v1;
	v1 =	vmax.f32 v4, $0.0e+00  }
0xdd: {  	v4 =	vld [tilespmem:s24+$0x0];
	[tilespmem:s24+$0xFFFFFF50] =	vst v1;
	v1 =	vmax.f32 v5, $0.0e+00  }
0xde: {  	v7 =	vld [tilespmem:s24+$0xFFFFFFD0];
	v0 =	vmax.f32 v0, $0.0e+00;
	[tilespmem:s24+$0xFFFFFF60] =	vst v1  }
0xdf: {  	v1 =	vld [tilespmem:s24+$0x10];
	[tilespmem:s24+$0xFFFFFF70] =	vst v0;
	v0 =	vmax.f32 v9, $0.0e+00  }
0xe0: {  	v2 =	vld [tilespmem:s24+$0xFFFFFFE0];
	[tilespmem:s24+$0xFFFFFFA0] =	vst v0;
	v0 =	vmax.f32 v10, $0.0e+00  }
0xe1: {  	v3 =	vld [tilespmem:s24+$0xFFFFFFF0];
	[tilespmem:s24+$0xFFFFFFB0] =	vst v0;
	v0 =	vmax.f32 v6, $0.0e+00  }
0xe2: {  	v5 =	vld [tilespmem:s24+$0x20];
	[tilespmem:s24+$0xFFFFFFC0] =	vst v0;
	v0 =	vmax.f32 v4, $0.0e+00  }
0xe3: {  	v4 =	vld [tilespmem:s24+$0x50];
	[tilespmem:s24+$0x0] =	vst v0;
	v0 =	vmax.f32 v7, $0.0e+00  }
0xe4: {  	v63 =	vld [tilespmem:s24+$0x30];
	[tilespmem:s24+$0xFFFFFFD0] =	vst v0;
	v0 =	vmax.f32 v1, $0.0e+00  }
0xe5: {  	v6 =	vld [tilespmem:s24+$0x40];
	[tilespmem:s24+$0x10] =	vst v0;
	v0 =	vmax.f32 v2, $0.0e+00  }
0xe6: {  	v1 =	vld [tilespmem:s24+$0x60];
	[tilespmem:s24+$0xFFFFFFE0] =	vst v0;
	v0 =	vmax.f32 v3, $0.0e+00  }
0xe7: {  	v2 =	vld [tilespmem:s24+$0x80];
	[tilespmem:s24+$0xFFFFFFF0] =	vst v0;
	v0 =	vmax.f32 v5, $0.0e+00  }
0xe8: {  	v3 =	vld [tilespmem:s24+$0x70];
	v4 =	vmax.f32 v4, $0.0e+00;
	[tilespmem:s24+$0x20] =	vst v0  }
0xe9: {  	v5 =	vld [tilespmem:s24+$0x90];
	v0 =	vmax.f32 v63, $0.0e+00;
	[tilespmem:s24+$0x50] =	vst v4  }
0xea: {  	[tilespmem:s24+$0x30] =	vst v0;
	v0 =	vmax.f32 v6, $0.0e+00;
	v6 =	vld [tilespmem:s24+$0xA0]  }
0xeb: {  	v4 =	vmax.f32 v1, $0.0e+00;
	[tilespmem:s24+$0x40] =	vst v0;
	v0 =	vld [tilespmem:s24+$0xB0]  }
0xec: {  	v1 =	vld [tilespmem:s24+$0xC0];
	[tilespmem:s24+$0x60] =	vst v4;
	v4 =	vmax.f32 v2, $0.0e+00  }
0xed: {  	v2 =	vld [tilespmem:s24+$0xD0];
	v3 =	vmax.f32 v3, $0.0e+00;
	[tilespmem:s24+$0x80] =	vst v4  }
0xee: {  	[tilespmem:s24+$0x70] =	vst v3;
	v5 =	vmax.f32 v5, $0.0e+00;
	v3 =	vld [tilespmem:s24+$0xE0]  }
0xef: {  	s25 =	simm.s32 $0x0;
	s17 =	simm.s32 $0x2F00;
	v4 =	vld [tilespmem:s24+$0xFFFFFF00];
	[tilespmem:s24+$0x90] =	vst v5;
	v5 =	vmax.f32 v6, $0.0e+00  }
.LBB2_6:
0xf0: {  	v6 =	vld [tilespmem:s17+$0xF0];
	s25 =	sadd.s32 $0x4, s25;
	[tilespmem:s24+$0xA0] =	vst v5;
	v0 =	vmax.f32 v0, $0.0e+00  }
0xf1: {  	v5 =	vld [tilespmem:s17+$0xFFFFFF10];
	p4 =	slt.u32 s25, $0x4C;
	[tilespmem:s24+$0xB0] =	vst v0;
	v0 =	vmax.f32 v1, $0.0e+00  }
0xf2: {  	v1 =	vld [tilespmem:s17+$0xFFFFFF20];
	[tilespmem:s24+$0xC0] =	vst v0;
	v0 =	vmax.f32 v2, $0.0e+00  }
0xf3: {  	v2 =	vld [tilespmem:s17+$0xFFFFFF30];
	[tilespmem:s24+$0xD0] =	vst v0;
	v0 =	vmax.f32 v3, $0.0e+00  }
0xf4: {  	v3 =	vld [tilespmem:s17+$0xFFFFFF40];
	v4 =	vmax.f32 v4, $0.0e+00;
	[tilespmem:s24+$0xE0] =	vst v0  }
0xf5: {  	v0 =	vld [tilespmem:s17+$0xFFFFFF50];
	v6 =	vmax.f32 v6, $0.0e+00;
	[tilespmem:s24+$0xFFFFFF00] =	vst v4;
	s24 =	smov.u32 s17  }
0xf6: {  	v4 =	vmax.f32 v5, $0.0e+00;
	v5 =	vld [tilespmem:s17+$0xFFFFFF60];
	[tilespmem:s17+$0xF0] =	vst v6  }
0xf7: {  	[tilespmem:s17+$0xFFFFFF10] =	vst v4;
	v1 =	vmax.f32 v1, $0.0e+00;
	v4 =	vld [tilespmem:s17+$0xFFFFFF70]  }
0xf8: {  	[tilespmem:s17+$0xFFFFFF20] =	vst v1;
	v1 =	vmax.f32 v2, $0.0e+00;
	v2 =	vld [tilespmem:s17+$0xFFFFFF80]  }
0xf9: {  	[tilespmem:s17+$0xFFFFFF30] =	vst v1;
	v1 =	vmax.f32 v3, $0.0e+00;
	v3 =	vld [tilespmem:s17+$0xFFFFFF90]  }
0xfa: {  	[tilespmem:s17+$0xFFFFFF40] =	vst v1;
	v0 =	vmax.f32 v0, $0.0e+00;
	v1 =	vld [tilespmem:s17+$0xFFFFFFA0]  }
0xfb: {  	[tilespmem:s17+$0xFFFFFF50] =	vst v0;
	v0 =	vmax.f32 v5, $0.0e+00;
	v5 =	vld [tilespmem:s17+$0xFFFFFFB0]  }
0xfc: {  	[tilespmem:s17+$0xFFFFFF60] =	vst v0;
	v0 =	vmax.f32 v4, $0.0e+00;
	v4 =	vld [tilespmem:s17+$0xFFFFFFC0]  }
0xfd: {  	[tilespmem:s17+$0xFFFFFF70] =	vst v0;
	v0 =	vmax.f32 v2, $0.0e+00;
	v2 =	vld [tilespmem:s17+$0xFFFFFFD0]  }
0xfe: {  	[tilespmem:s17+$0xFFFFFF80] =	vst v0;
	v0 =	vmax.f32 v3, $0.0e+00;
	v3 =	vld [tilespmem:s17+$0xFFFFFFE0]  }
0xff: {  	[tilespmem:s17+$0xFFFFFF90] =	vst v0;
	v0 =	vmax.f32 v1, $0.0e+00;
	v1 =	vld [tilespmem:s17+$0xFFFFFFF0]  }
0x100: {  	[tilespmem:s17+$0xFFFFFFA0] =	vst v0;
	v0 =	vmax.f32 v5, $0.0e+00;
	v5 =	vld [tilespmem:s17+$0x0]  }
0x101: {  	[tilespmem:s17+$0xFFFFFFB0] =	vst v0;
	v0 =	vmax.f32 v4, $0.0e+00;
	v4 =	vld [tilespmem:s17+$0x10]  }
0x102: {  	[tilespmem:s17+$0xFFFFFFC0] =	vst v0;
	v0 =	vmax.f32 v2, $0.0e+00;
	v2 =	vld [tilespmem:s17+$0x20]  }
0x103: {  	[tilespmem:s17+$0xFFFFFFD0] =	vst v0;
	v0 =	vmax.f32 v3, $0.0e+00;
	v3 =	vld [tilespmem:s17+$0x30]  }
0x104: {  	[tilespmem:s17+$0xFFFFFFE0] =	vst v0;
	v0 =	vmax.f32 v1, $0.0e+00;
	v1 =	vld [tilespmem:s17+$0x40]  }
0x105: {  	[tilespmem:s17+$0xFFFFFFF0] =	vst v0;
	v0 =	vmax.f32 v5, $0.0e+00;
	v5 =	vld [tilespmem:s17+$0x50]  }
0x106: {  	[tilespmem:s17+$0x0] =	vst v0;
	v0 =	vmax.f32 v4, $0.0e+00;
	v4 =	vld [tilespmem:s17+$0x60]  }
0x107: {  	[tilespmem:s17+$0x10] =	vst v0;
	v0 =	vmax.f32 v2, $0.0e+00;
	v2 =	vld [tilespmem:s17+$0x70]  }
0x108: {  	[tilespmem:s17+$0x20] =	vst v0;
	v0 =	vmax.f32 v3, $0.0e+00;
	v3 =	vld [tilespmem:s17+$0x80]  }
0x109: {  	[tilespmem:s17+$0x30] =	vst v0;
	v0 =	vmax.f32 v1, $0.0e+00;
	v6 =	vld [tilespmem:s17+$0x90]  }
0x10a: {  	[tilespmem:s17+$0x40] =	vst v0;
	v0 =	vmax.f32 v5, $0.0e+00;
	v5 =	vld [tilespmem:s17+$0xA0]  }
.Ltmp6:
0x10b: {  	[tilespmem:s17+$0x50] =	vst v0;
	v1 =	vmax.f32 v4, $0.0e+00;
	v0 =	vld [tilespmem:s17+$0xB0];
	(pc) =	sbr.rel @p4 .LBB2_6-.Ltmp6, $4  }
0x10c: {  	[tilespmem:s17+$0x60] =	vst v1;
	v2 =	vmax.f32 v2, $0.0e+00;
	v1 =	vld [tilespmem:s17+$0xC0]  }
0x10d: {  	[tilespmem:s17+$0x70] =	vst v2;
	v3 =	vmax.f32 v3, $0.0e+00;
	v2 =	vld [tilespmem:s17+$0xD0]  }
0x10e: {  	[tilespmem:s17+$0x80] =	vst v3;
	v6 =	vmax.f32 v6, $0.0e+00;
	v3 =	vld [tilespmem:s17+$0xE0]  }
0x10f: {  	s17 =	sadd.s32 $0x200, s17;
	v4 =	vld [tilespmem:s24+$0xFFFFFF00];
	[tilespmem:s24+$0x90] =	vst v6;
	v5 =	vmax.f32 v5, $0.0e+00  }
0x110: {  	[tilespmem:s24+$0xA0] =	vst v5;
	v0 =	vmax.f32 v0, $0.0e+00  }
0x111: {  	[tilespmem:s24+$0xB0] =	vst v0;
	v60 =	vmax.f32 v1, $0.0e+00  }
0x112: {  	[tilespmem:s24+$0xC0] =	vst v60;
	v61 =	vmax.f32 v2, $0.0e+00  }
0x113: {  	[tilespmem:s24+$0xD0] =	vst v61;
	v62 =	vmax.f32 v3, $0.0e+00  }
0x114: {  	v63 =	vmax.f32 v4, $0.0e+00;
	[tilespmem:s24+$0xE0] =	vst v62  }
0x115: {  	[tilespmem:s24+$0xFFFFFF00] =	vst v63  }
0x116: {  	[spmem:s1] =	stream.indirect.scatter.add.f32 [tilespmem:s31], [sflag:$0xA], $0x80, s30, s5, $0xb8;
	[tilespmem:$0x1DC80] =	vst v63  }
.LBB2_8:
0x117: {  	s17 =	simm.s32 @!p3 $0x7  }
0x118: {  	p4 =	seq.s32 s19, $0x1F;
	_ =	swait.ge @!p3 [sflag:s17], $0x2800  }
0x119: {  	s18 =	smul.u32 @!p4 $0x140, s19;
	[sflag:s17] =	ssyncset.done @!p3 $0x0  }
0x11a: {  	[sflag:s17] =	ssyncadd.s32 @!p3 $0xFFFFD800  }
0x11b: {  	s17 =	sadd.s32 @!p4 s18, s20;
	_ =	swait.ge [sflag:s9], $0x2800  }
0x11c: {  	s18 =	sshrl.u32 @!p4 s17, $0x3;
	[sflag:s9] =	ssyncset.done $0x0  }
0x11d: {  	s25 =	simm.s32 @!p4 $0x0;
	s24 =	sadd.s32 @!p4 s3, s18;
	[sflag:s9] =	ssyncadd.s32 $0xFFFFD800  }
0x11e: {  	[tilespmem:s25], [sflag:$0x1] =	stream.linear.gather @!p4 [hbm4b:s24+s25], $0x50, $0x38;
	[tilespmem:$0x1DC80] =	vst v63  }
0x11f: {  	s17 =	sshll.u32 @!p4 s17, $0x4;
	s18 =	sadd.s32 @!p4 s4, s18;
	s24 =	simm.s32 @!p4 $0x200  }
0x120: {  	[tilespmem:s24], [sflag:$0x1] =	stream.linear.gather @!p4 [hbm4b:s18+s25], $0x50, $0x38;
	[tilespmem:$0x1DC80] =	vst v63  }
0x121: {  	s17 =	sadd.s32 @!p4 s6, s17;
	s18 =	simm.s32 @!p4 $0x400  }
0x122: {  	[tilespmem:s18], [sflag:$0x1] =	stream.linear.gather @!p4 [hbm4b:s17+s25], $0x2800, $0x38;
	[tilespmem:$0x1DC80] =	vst v63  }
0x123: {  	s17 =	simm.s32 @!p2 $0x4  }
0x124: {  	_ =	swait.ge @!p2 [sflag:s17], $0x50  }
0x125: {  	[sflag:s17] =	ssyncset.done @!p2 $0x0  }
0x126: {  	[sflag:s17] =	ssyncadd.s32 @!p2 $0xFFFFFFB0  }
0x127: {  	_ =	swait.ge @!p2 [sflag:s17], $0x50  }
0x128: {  	[sflag:s17] =	ssyncset.done @!p2 $0x0  }
.Ltmp7:
0x129: {  	[sflag:s17] =	ssyncadd.s32 @!p2 $0xFFFFFFB0;
	(pc) =	sbr.rel @p3 .LBB2_12-.Ltmp7, $4  }
0x12a: {  	_ =	swait.ge @!p2 [sflag:s17], $0x2800  }
0x12b: {  	[sflag:s17] =	ssyncset.done @!p2 $0x0  }
0x12c: {  	[sflag:s17] =	ssyncadd.s32 @!p2 $0xFFFFD800;
	s17 =	simm.s32 @!p2 $0x50  }
0x12d: {  	[tilespmem:s23], [sflag:$0x8] =	stream.indirect.gather.add.f32 @!p2 [hbm:s7], $0x80, s22, s17, $0xb8;
	[tilespmem:$0x1DC80] =	vst v63  }
0x12e: {  	s22 =	simm.s32 $0x5500  }
0x12f: {  	v0 =	vld [tilespmem:s22+$0xFFFFFF10]  }
0x130: {  	v6 =	vld [tilespmem:s22+$0xF0]  }
0x131: {  	v1 =	vld [tilespmem:s22+$0xFFFFFF20]  }
0x132: {  	v7 =	vld [tilespmem:s22+$0xFFFFFF80]  }
0x133: {  	v2 =	vld [tilespmem:s22+$0xFFFFFF30]  }
0x134: {  	v8 =	vld [tilespmem:s22+$0xFFFFFF90];
	v0 =	vmax.f32 v0, $0.0e+00  }
0x135: {  	v3 =	vld [tilespmem:s22+$0xFFFFFF40];
	v6 =	vmax.f32 v6, $0.0e+00;
	[tilespmem:s22+$0xFFFFFF10] =	vst v0  }
0x136: {  	v4 =	vld [tilespmem:s22+$0xFFFFFF50];
	v1 =	vmax.f32 v1, $0.0e+00;
	[tilespmem:s22+$0xF0] =	vst v6  }
0x137: {  	v5 =	vld [tilespmem:s22+$0xFFFFFF60];
	[tilespmem:s22+$0xFFFFFF20] =	vst v1;
	v1 =	vmax.f32 v7, $0.0e+00  }
0x138: {  	v0 =	vld [tilespmem:s22+$0xFFFFFF70];
	[tilespmem:s22+$0xFFFFFF80] =	vst v1;
	v1 =	vmax.f32 v2, $0.0e+00  }
0x139: {  	v9 =	vld [tilespmem:s22+$0xFFFFFFA0];
	[tilespmem:s22+$0xFFFFFF30] =	vst v1;
	v1 =	vmax.f32 v8, $0.0e+00  }
0x13a: {  	v10 =	vld [tilespmem:s22+$0xFFFFFFB0];
	[tilespmem:s22+$0xFFFFFF90] =	vst v1;
	v1 =	vmax.f32 v3, $0.0e+00  }
0x13b: {  	v6 =	vld [tilespmem:s22+$0xFFFFFFC0];
	[tilespmem:s22+$0xFFFFFF40] =	vst v1;
	v1 =	vmax.f32 v4, $0.0e+00  }
0x13c: {  	v4 =	vld [tilespmem:s22+$0x0];
	[tilespmem:s22+$0xFFFFFF50] =	vst v1;
	v1 =	vmax.f32 v5, $0.0e+00  }
0x13d: {  	v7 =	vld [tilespmem:s22+$0xFFFFFFD0];
	v0 =	vmax.f32 v0, $0.0e+00;
	[tilespmem:s22+$0xFFFFFF60] =	vst v1  }
0x13e: {  	v1 =	vld [tilespmem:s22+$0x10];
	[tilespmem:s22+$0xFFFFFF70] =	vst v0;
	v0 =	vmax.f32 v9, $0.0e+00  }
0x13f: {  	v2 =	vld [tilespmem:s22+$0xFFFFFFE0];
	[tilespmem:s22+$0xFFFFFFA0] =	vst v0;
	v0 =	vmax.f32 v10, $0.0e+00  }
0x140: {  	v3 =	vld [tilespmem:s22+$0xFFFFFFF0];
	[tilespmem:s22+$0xFFFFFFB0] =	vst v0;
	v0 =	vmax.f32 v6, $0.0e+00  }
0x141: {  	v5 =	vld [tilespmem:s22+$0x20];
	[tilespmem:s22+$0xFFFFFFC0] =	vst v0;
	v0 =	vmax.f32 v4, $0.0e+00  }
0x142: {  	v4 =	vld [tilespmem:s22+$0x50];
	[tilespmem:s22+$0x0] =	vst v0;
	v0 =	vmax.f32 v7, $0.0e+00  }
0x143: {  	v63 =	vld [tilespmem:s22+$0x30];
	[tilespmem:s22+$0xFFFFFFD0] =	vst v0;
	v0 =	vmax.f32 v1, $0.0e+00  }
0x144: {  	v6 =	vld [tilespmem:s22+$0x40];
	[tilespmem:s22+$0x10] =	vst v0;
	v0 =	vmax.f32 v2, $0.0e+00  }
0x145: {  	v1 =	vld [tilespmem:s22+$0x60];
	[tilespmem:s22+$0xFFFFFFE0] =	vst v0;
	v0 =	vmax.f32 v3, $0.0e+00  }
0x146: {  	v2 =	vld [tilespmem:s22+$0x80];
	[tilespmem:s22+$0xFFFFFFF0] =	vst v0;
	v0 =	vmax.f32 v5, $0.0e+00  }
0x147: {  	v3 =	vld [tilespmem:s22+$0x70];
	v4 =	vmax.f32 v4, $0.0e+00;
	[tilespmem:s22+$0x20] =	vst v0  }
0x148: {  	v5 =	vld [tilespmem:s22+$0x90];
	v0 =	vmax.f32 v63, $0.0e+00;
	[tilespmem:s22+$0x50] =	vst v4  }
0x149: {  	[tilespmem:s22+$0x30] =	vst v0;
	v0 =	vmax.f32 v6, $0.0e+00;
	v6 =	vld [tilespmem:s22+$0xA0]  }
0x14a: {  	v4 =	vmax.f32 v1, $0.0e+00;
	[tilespmem:s22+$0x40] =	vst v0;
	v0 =	vld [tilespmem:s22+$0xB0]  }
0x14b: {  	v1 =	vld [tilespmem:s22+$0xC0];
	[tilespmem:s22+$0x60] =	vst v4;
	v4 =	vmax.f32 v2, $0.0e+00  }
0x14c: {  	v2 =	vld [tilespmem:s22+$0xD0];
	v3 =	vmax.f32 v3, $0.0e+00;
	[tilespmem:s22+$0x80] =	vst v4  }
0x14d: {  	[tilespmem:s22+$0x70] =	vst v3;
	v5 =	vmax.f32 v5, $0.0e+00;
	v3 =	vld [tilespmem:s22+$0xE0]  }
0x14e: {  	s23 =	simm.s32 $0x0;
	s17 =	simm.s32 $0x5700;
	v4 =	vld [tilespmem:s22+$0xFFFFFF00];
	[tilespmem:s22+$0x90] =	vst v5;
	v5 =	vmax.f32 v6, $0.0e+00  }
.LBB2_10:
0x14f: {  	v6 =	vld [tilespmem:s17+$0xF0];
	s23 =	sadd.s32 $0x4, s23;
	[tilespmem:s22+$0xA0] =	vst v5;
	v0 =	vmax.f32 v0, $0.0e+00  }
0x150: {  	v5 =	vld [tilespmem:s17+$0xFFFFFF10];
	p3 =	slt.u32 s23, $0x4C;
	[tilespmem:s22+$0xB0] =	vst v0;
	v0 =	vmax.f32 v1, $0.0e+00  }
0x151: {  	v1 =	vld [tilespmem:s17+$0xFFFFFF20];
	[tilespmem:s22+$0xC0] =	vst v0;
	v0 =	vmax.f32 v2, $0.0e+00  }
0x152: {  	v2 =	vld [tilespmem:s17+$0xFFFFFF30];
	[tilespmem:s22+$0xD0] =	vst v0;
	v0 =	vmax.f32 v3, $0.0e+00  }
0x153: {  	v3 =	vld [tilespmem:s17+$0xFFFFFF40];
	v4 =	vmax.f32 v4, $0.0e+00;
	[tilespmem:s22+$0xE0] =	vst v0  }
0x154: {  	v0 =	vld [tilespmem:s17+$0xFFFFFF50];
	v6 =	vmax.f32 v6, $0.0e+00;
	[tilespmem:s22+$0xFFFFFF00] =	vst v4;
	s22 =	smov.u32 s17  }
0x155: {  	v4 =	vmax.f32 v5, $0.0e+00;
	v5 =	vld [tilespmem:s17+$0xFFFFFF60];
	[tilespmem:s17+$0xF0] =	vst v6  }
0x156: {  	[tilespmem:s17+$0xFFFFFF10] =	vst v4;
	v1 =	vmax.f32 v1, $0.0e+00;
	v4 =	vld [tilespmem:s17+$0xFFFFFF70]  }
0x157: {  	[tilespmem:s17+$0xFFFFFF20] =	vst v1;
	v1 =	vmax.f32 v2, $0.0e+00;
	v2 =	vld [tilespmem:s17+$0xFFFFFF80]  }
0x158: {  	[tilespmem:s17+$0xFFFFFF30] =	vst v1;
	v1 =	vmax.f32 v3, $0.0e+00;
	v3 =	vld [tilespmem:s17+$0xFFFFFF90]  }
0x159: {  	[tilespmem:s17+$0xFFFFFF40] =	vst v1;
	v0 =	vmax.f32 v0, $0.0e+00;
	v1 =	vld [tilespmem:s17+$0xFFFFFFA0]  }
0x15a: {  	[tilespmem:s17+$0xFFFFFF50] =	vst v0;
	v0 =	vmax.f32 v5, $0.0e+00;
	v5 =	vld [tilespmem:s17+$0xFFFFFFB0]  }
0x15b: {  	[tilespmem:s17+$0xFFFFFF60] =	vst v0;
	v0 =	vmax.f32 v4, $0.0e+00;
	v4 =	vld [tilespmem:s17+$0xFFFFFFC0]  }
0x15c: {  	[tilespmem:s17+$0xFFFFFF70] =	vst v0;
	v0 =	vmax.f32 v2, $0.0e+00;
	v2 =	vld [tilespmem:s17+$0xFFFFFFD0]  }
0x15d: {  	[tilespmem:s17+$0xFFFFFF80] =	vst v0;
	v0 =	vmax.f32 v3, $0.0e+00;
	v3 =	vld [tilespmem:s17+$0xFFFFFFE0]  }
0x15e: {  	[tilespmem:s17+$0xFFFFFF90] =	vst v0;
	v0 =	vmax.f32 v1, $0.0e+00;
	v1 =	vld [tilespmem:s17+$0xFFFFFFF0]  }
0x15f: {  	[tilespmem:s17+$0xFFFFFFA0] =	vst v0;
	v0 =	vmax.f32 v5, $0.0e+00;
	v5 =	vld [tilespmem:s17+$0x0]  }
0x160: {  	[tilespmem:s17+$0xFFFFFFB0] =	vst v0;
	v0 =	vmax.f32 v4, $0.0e+00;
	v4 =	vld [tilespmem:s17+$0x10]  }
0x161: {  	[tilespmem:s17+$0xFFFFFFC0] =	vst v0;
	v0 =	vmax.f32 v2, $0.0e+00;
	v2 =	vld [tilespmem:s17+$0x20]  }
0x162: {  	[tilespmem:s17+$0xFFFFFFD0] =	vst v0;
	v0 =	vmax.f32 v3, $0.0e+00;
	v3 =	vld [tilespmem:s17+$0x30]  }
0x163: {  	[tilespmem:s17+$0xFFFFFFE0] =	vst v0;
	v0 =	vmax.f32 v1, $0.0e+00;
	v1 =	vld [tilespmem:s17+$0x40]  }
0x164: {  	[tilespmem:s17+$0xFFFFFFF0] =	vst v0;
	v0 =	vmax.f32 v5, $0.0e+00;
	v5 =	vld [tilespmem:s17+$0x50]  }
0x165: {  	[tilespmem:s17+$0x0] =	vst v0;
	v0 =	vmax.f32 v4, $0.0e+00;
	v4 =	vld [tilespmem:s17+$0x60]  }
0x166: {  	[tilespmem:s17+$0x10] =	vst v0;
	v0 =	vmax.f32 v2, $0.0e+00;
	v2 =	vld [tilespmem:s17+$0x70]  }
0x167: {  	[tilespmem:s17+$0x20] =	vst v0;
	v0 =	vmax.f32 v3, $0.0e+00;
	v3 =	vld [tilespmem:s17+$0x80]  }
0x168: {  	[tilespmem:s17+$0x30] =	vst v0;
	v0 =	vmax.f32 v1, $0.0e+00;
	v6 =	vld [tilespmem:s17+$0x90]  }
0x169: {  	[tilespmem:s17+$0x40] =	vst v0;
	v0 =	vmax.f32 v5, $0.0e+00;
	v5 =	vld [tilespmem:s17+$0xA0]  }
.Ltmp8:
0x16a: {  	[tilespmem:s17+$0x50] =	vst v0;
	v1 =	vmax.f32 v4, $0.0e+00;
	v0 =	vld [tilespmem:s17+$0xB0];
	(pc) =	sbr.rel @p3 .LBB2_10-.Ltmp8, $4  }
0x16b: {  	[tilespmem:s17+$0x60] =	vst v1;
	v2 =	vmax.f32 v2, $0.0e+00;
	v1 =	vld [tilespmem:s17+$0xC0]  }
0x16c: {  	[tilespmem:s17+$0x70] =	vst v2;
	v3 =	vmax.f32 v3, $0.0e+00;
	v2 =	vld [tilespmem:s17+$0xD0]  }
0x16d: {  	[tilespmem:s17+$0x80] =	vst v3;
	v6 =	vmax.f32 v6, $0.0e+00;
	v3 =	vld [tilespmem:s17+$0xE0]  }
0x16e: {  	s17 =	sadd.s32 $0x200, s17;
	v4 =	vld [tilespmem:s22+$0xFFFFFF00];
	[tilespmem:s22+$0x90] =	vst v6;
	v5 =	vmax.f32 v5, $0.0e+00  }
0x16f: {  	[tilespmem:s22+$0xA0] =	vst v5;
	v0 =	vmax.f32 v0, $0.0e+00  }
0x170: {  	[tilespmem:s22+$0xB0] =	vst v0;
	v60 =	vmax.f32 v1, $0.0e+00  }
0x171: {  	[tilespmem:s22+$0xC0] =	vst v60;
	v61 =	vmax.f32 v2, $0.0e+00  }
0x172: {  	[tilespmem:s22+$0xD0] =	vst v61;
	v62 =	vmax.f32 v3, $0.0e+00  }
0x173: {  	v63 =	vmax.f32 v4, $0.0e+00;
	[tilespmem:s22+$0xE0] =	vst v62  }
0x174: {  	[tilespmem:s22+$0xFFFFFF00] =	vst v63  }
0x175: {  	[spmem:s1] =	stream.indirect.scatter.add.f32 [tilespmem:s12], [sflag:$0xB], $0x80, s10, s5, $0xb8;
	[tilespmem:$0x1DC80] =	vst v63  }
.LBB2_12:
.Ltmp9:
0x176: {  	(pc) =	sbr.rel @p1 .LBB2_14-.Ltmp9, $4  }
0x177: {  	s17 =	simm.s32 @!p2 $0x8  }
0x178: {  	_ =	swait.ge @!p2 [sflag:s17], $0x2800  }
0x179: {  	[sflag:s17] =	ssyncset.done @!p2 $0x0  }
0x17a: {  	[sflag:s17] =	ssyncadd.s32 @!p2 $0xFFFFD800  }
0x17b: {  	p1 =	seq.s32 s19, $0x1E  }
0x17c: {  	s17 =	smul.u32 @!p1 $0x140, s19;
	_ =	sdelay $0x1  }
0x17d: {  	_ =	swait.ge [sflag:s13], $0x2800;
	s17 =	sadd.s32 @!p1 s17, s21  }
0x17e: {  	[sflag:s13] =	ssyncset.done $0x0;
	s23 =	simm.s32 @!p1 $0x0;
	s18 =	sshrl.u32 @!p1 s17, $0x3  }
0x17f: {  	s24 =	simm.s32 @!p1 $0x80;
	[sflag:s13] =	ssyncadd.s32 $0xFFFFD800;
	s22 =	sadd.s32 @!p1 s3, s18  }
0x180: {  	[tilespmem:s24], [sflag:$0x2] =	stream.linear.gather @!p1 [hbm4b:s22+s23], $0x50, $0x38;
	[tilespmem:$0x1DC80] =	vst v63  }
.Ltmp10:
0x181: {  	_ = 	snop;
	(pc) =	sbr.rel .LBB2_15-.Ltmp10, $4  }
0x182: {  	s17 =	sshll.u32 @!p1 s17, $0x4;
	s18 =	sadd.s32 @!p1 s4, s18;
	s22 =	simm.s32 @!p1 $0x280  }
0x183: {  	[tilespmem:s22], [sflag:$0x2] =	stream.linear.gather @!p1 [hbm4b:s18+s23], $0x50, $0x38;
	[tilespmem:$0x1DC80] =	vst v63  }
0x184: {  	s17 =	sadd.s32 @!p1 s6, s17;
	s18 =	simm.s32 @!p1 $0x2C00  }
0x185: {  	[tilespmem:s18], [sflag:$0x2] =	stream.linear.gather @!p1 [hbm4b:s17+s23], $0x2800, $0x38;
	[tilespmem:$0x1DC80] =	vst v63  }
.LBB2_14:
.Ltmp11:
0x186: {  	(pc) =	sbr.rel @p4 .LBB2_16-.Ltmp11, $1  }
0x187: {  	_ =	sdelay $0x3  }
.LBB2_15:
0x188: {  	_ =	swait.ge [sflag:s0], $0x50  }
0x189: {  	[sflag:s0] =	ssyncset.done $0x0  }
0x18a: {  	[sflag:s0] =	ssyncadd.s32 $0xFFFFFFB0  }
0x18b: {  	_ =	swait.ge [sflag:s0], $0x50  }
0x18c: {  	[sflag:s0] =	ssyncset.done $0x0  }
0x18d: {  	[sflag:s0] =	ssyncadd.s32 $0xFFFFFFB0  }
0x18e: {  	_ =	swait.ge [sflag:s0], $0x2800  }
0x18f: {  	[sflag:s0] =	ssyncset.done $0x0  }
0x190: {  	[sflag:s0] =	ssyncadd.s32 $0xFFFFD800  }
0x191: {  	[tilespmem:s28], [sflag:$0x5] =	stream.indirect.gather.add.f32 [hbm:s7], $0x80, s2, s5, $0xb8;
	[tilespmem:$0x1DC80] =	vst v63  }
.LBB2_16:
.Ltmp12:
0x192: {  	(pc) =	sbr.rel @p2 .LBB2_20-.Ltmp12, $1  }
0x193: {  	_ =	sdelay $0x3  }
0x194: {  	s22 =	simm.s32 $0x7D00  }
0x195: {  	v0 =	vld [tilespmem:s22+$0xFFFFFF10]  }
0x196: {  	v6 =	vld [tilespmem:s22+$0xF0]  }
0x197: {  	v1 =	vld [tilespmem:s22+$0xFFFFFF20]  }
0x198: {  	v7 =	vld [tilespmem:s22+$0xFFFFFF80]  }
0x199: {  	v2 =	vld [tilespmem:s22+$0xFFFFFF30]  }
0x19a: {  	v8 =	vld [tilespmem:s22+$0xFFFFFF90];
	v0 =	vmax.f32 v0, $0.0e+00  }
0x19b: {  	v3 =	vld [tilespmem:s22+$0xFFFFFF40];
	v6 =	vmax.f32 v6, $0.0e+00;
	[tilespmem:s22+$0xFFFFFF10] =	vst v0  }
0x19c: {  	v4 =	vld [tilespmem:s22+$0xFFFFFF50];
	v1 =	vmax.f32 v1, $0.0e+00;
	[tilespmem:s22+$0xF0] =	vst v6  }
0x19d: {  	v5 =	vld [tilespmem:s22+$0xFFFFFF60];
	[tilespmem:s22+$0xFFFFFF20] =	vst v1;
	v1 =	vmax.f32 v7, $0.0e+00  }
0x19e: {  	v0 =	vld [tilespmem:s22+$0xFFFFFF70];
	[tilespmem:s22+$0xFFFFFF80] =	vst v1;
	v1 =	vmax.f32 v2, $0.0e+00  }
0x19f: {  	v9 =	vld [tilespmem:s22+$0xFFFFFFA0];
	[tilespmem:s22+$0xFFFFFF30] =	vst v1;
	v1 =	vmax.f32 v8, $0.0e+00  }
0x1a0: {  	v10 =	vld [tilespmem:s22+$0xFFFFFFB0];
	[tilespmem:s22+$0xFFFFFF90] =	vst v1;
	v1 =	vmax.f32 v3, $0.0e+00  }
0x1a1: {  	v6 =	vld [tilespmem:s22+$0xFFFFFFC0];
	[tilespmem:s22+$0xFFFFFF40] =	vst v1;
	v1 =	vmax.f32 v4, $0.0e+00  }
0x1a2: {  	v4 =	vld [tilespmem:s22+$0x0];
	[tilespmem:s22+$0xFFFFFF50] =	vst v1;
	v1 =	vmax.f32 v5, $0.0e+00  }
0x1a3: {  	v7 =	vld [tilespmem:s22+$0xFFFFFFD0];
	v0 =	vmax.f32 v0, $0.0e+00;
	[tilespmem:s22+$0xFFFFFF60] =	vst v1  }
0x1a4: {  	v1 =	vld [tilespmem:s22+$0x10];
	[tilespmem:s22+$0xFFFFFF70] =	vst v0;
	v0 =	vmax.f32 v9, $0.0e+00  }
0x1a5: {  	v2 =	vld [tilespmem:s22+$0xFFFFFFE0];
	[tilespmem:s22+$0xFFFFFFA0] =	vst v0;
	v0 =	vmax.f32 v10, $0.0e+00  }
0x1a6: {  	v3 =	vld [tilespmem:s22+$0xFFFFFFF0];
	[tilespmem:s22+$0xFFFFFFB0] =	vst v0;
	v0 =	vmax.f32 v6, $0.0e+00  }
0x1a7: {  	v5 =	vld [tilespmem:s22+$0x20];
	[tilespmem:s22+$0xFFFFFFC0] =	vst v0;
	v0 =	vmax.f32 v4, $0.0e+00  }
0x1a8: {  	v4 =	vld [tilespmem:s22+$0x50];
	[tilespmem:s22+$0x0] =	vst v0;
	v0 =	vmax.f32 v7, $0.0e+00  }
0x1a9: {  	v63 =	vld [tilespmem:s22+$0x30];
	[tilespmem:s22+$0xFFFFFFD0] =	vst v0;
	v0 =	vmax.f32 v1, $0.0e+00  }
0x1aa: {  	v6 =	vld [tilespmem:s22+$0x40];
	[tilespmem:s22+$0x10] =	vst v0;
	v0 =	vmax.f32 v2, $0.0e+00  }
0x1ab: {  	v1 =	vld [tilespmem:s22+$0x60];
	[tilespmem:s22+$0xFFFFFFE0] =	vst v0;
	v0 =	vmax.f32 v3, $0.0e+00  }
0x1ac: {  	v2 =	vld [tilespmem:s22+$0x80];
	[tilespmem:s22+$0xFFFFFFF0] =	vst v0;
	v0 =	vmax.f32 v5, $0.0e+00  }
0x1ad: {  	v3 =	vld [tilespmem:s22+$0x70];
	v4 =	vmax.f32 v4, $0.0e+00;
	[tilespmem:s22+$0x20] =	vst v0  }
0x1ae: {  	v5 =	vld [tilespmem:s22+$0x90];
	v0 =	vmax.f32 v63, $0.0e+00;
	[tilespmem:s22+$0x50] =	vst v4  }
0x1af: {  	[tilespmem:s22+$0x30] =	vst v0;
	v0 =	vmax.f32 v6, $0.0e+00;
	v6 =	vld [tilespmem:s22+$0xA0]  }
0x1b0: {  	v4 =	vmax.f32 v1, $0.0e+00;
	[tilespmem:s22+$0x40] =	vst v0;
	v0 =	vld [tilespmem:s22+$0xB0]  }
0x1b1: {  	v1 =	vld [tilespmem:s22+$0xC0];
	[tilespmem:s22+$0x60] =	vst v4;
	v4 =	vmax.f32 v2, $0.0e+00  }
0x1b2: {  	v2 =	vld [tilespmem:s22+$0xD0];
	v3 =	vmax.f32 v3, $0.0e+00;
	[tilespmem:s22+$0x80] =	vst v4  }
0x1b3: {  	[tilespmem:s22+$0x70] =	vst v3;
	v5 =	vmax.f32 v5, $0.0e+00;
	v3 =	vld [tilespmem:s22+$0xE0]  }
0x1b4: {  	s23 =	simm.s32 $0x0;
	s17 =	simm.s32 $0x7F00;
	v4 =	vld [tilespmem:s22+$0xFFFFFF00];
	[tilespmem:s22+$0x90] =	vst v5;
	v5 =	vmax.f32 v6, $0.0e+00  }
.LBB2_18:
0x1b5: {  	v6 =	vld [tilespmem:s17+$0xF0];
	s23 =	sadd.s32 $0x4, s23;
	[tilespmem:s22+$0xA0] =	vst v5;
	v0 =	vmax.f32 v0, $0.0e+00  }
0x1b6: {  	v5 =	vld [tilespmem:s17+$0xFFFFFF10];
	p1 =	slt.u32 s23, $0x4C;
	[tilespmem:s22+$0xB0] =	vst v0;
	v0 =	vmax.f32 v1, $0.0e+00  }
0x1b7: {  	v1 =	vld [tilespmem:s17+$0xFFFFFF20];
	[tilespmem:s22+$0xC0] =	vst v0;
	v0 =	vmax.f32 v2, $0.0e+00  }
0x1b8: {  	v2 =	vld [tilespmem:s17+$0xFFFFFF30];
	[tilespmem:s22+$0xD0] =	vst v0;
	v0 =	vmax.f32 v3, $0.0e+00  }
0x1b9: {  	v3 =	vld [tilespmem:s17+$0xFFFFFF40];
	v4 =	vmax.f32 v4, $0.0e+00;
	[tilespmem:s22+$0xE0] =	vst v0  }
0x1ba: {  	v0 =	vld [tilespmem:s17+$0xFFFFFF50];
	v6 =	vmax.f32 v6, $0.0e+00;
	[tilespmem:s22+$0xFFFFFF00] =	vst v4;
	s22 =	smov.u32 s17  }
0x1bb: {  	v4 =	vmax.f32 v5, $0.0e+00;
	v5 =	vld [tilespmem:s17+$0xFFFFFF60];
	[tilespmem:s17+$0xF0] =	vst v6  }
0x1bc: {  	[tilespmem:s17+$0xFFFFFF10] =	vst v4;
	v1 =	vmax.f32 v1, $0.0e+00;
	v4 =	vld [tilespmem:s17+$0xFFFFFF70]  }
0x1bd: {  	[tilespmem:s17+$0xFFFFFF20] =	vst v1;
	v1 =	vmax.f32 v2, $0.0e+00;
	v2 =	vld [tilespmem:s17+$0xFFFFFF80]  }
0x1be: {  	[tilespmem:s17+$0xFFFFFF30] =	vst v1;
	v1 =	vmax.f32 v3, $0.0e+00;
	v3 =	vld [tilespmem:s17+$0xFFFFFF90]  }
0x1bf: {  	[tilespmem:s17+$0xFFFFFF40] =	vst v1;
	v0 =	vmax.f32 v0, $0.0e+00;
	v1 =	vld [tilespmem:s17+$0xFFFFFFA0]  }
0x1c0: {  	[tilespmem:s17+$0xFFFFFF50] =	vst v0;
	v0 =	vmax.f32 v5, $0.0e+00;
	v5 =	vld [tilespmem:s17+$0xFFFFFFB0]  }
0x1c1: {  	[tilespmem:s17+$0xFFFFFF60] =	vst v0;
	v0 =	vmax.f32 v4, $0.0e+00;
	v4 =	vld [tilespmem:s17+$0xFFFFFFC0]  }
0x1c2: {  	[tilespmem:s17+$0xFFFFFF70] =	vst v0;
	v0 =	vmax.f32 v2, $0.0e+00;
	v2 =	vld [tilespmem:s17+$0xFFFFFFD0]  }
0x1c3: {  	[tilespmem:s17+$0xFFFFFF80] =	vst v0;
	v0 =	vmax.f32 v3, $0.0e+00;
	v3 =	vld [tilespmem:s17+$0xFFFFFFE0]  }
0x1c4: {  	[tilespmem:s17+$0xFFFFFF90] =	vst v0;
	v0 =	vmax.f32 v1, $0.0e+00;
	v1 =	vld [tilespmem:s17+$0xFFFFFFF0]  }
0x1c5: {  	[tilespmem:s17+$0xFFFFFFA0] =	vst v0;
	v0 =	vmax.f32 v5, $0.0e+00;
	v5 =	vld [tilespmem:s17+$0x0]  }
0x1c6: {  	[tilespmem:s17+$0xFFFFFFB0] =	vst v0;
	v0 =	vmax.f32 v4, $0.0e+00;
	v4 =	vld [tilespmem:s17+$0x10]  }
0x1c7: {  	[tilespmem:s17+$0xFFFFFFC0] =	vst v0;
	v0 =	vmax.f32 v2, $0.0e+00;
	v2 =	vld [tilespmem:s17+$0x20]  }
0x1c8: {  	[tilespmem:s17+$0xFFFFFFD0] =	vst v0;
	v0 =	vmax.f32 v3, $0.0e+00;
	v3 =	vld [tilespmem:s17+$0x30]  }
0x1c9: {  	[tilespmem:s17+$0xFFFFFFE0] =	vst v0;
	v0 =	vmax.f32 v1, $0.0e+00;
	v1 =	vld [tilespmem:s17+$0x40]  }
0x1ca: {  	[tilespmem:s17+$0xFFFFFFF0] =	vst v0;
	v0 =	vmax.f32 v5, $0.0e+00;
	v5 =	vld [tilespmem:s17+$0x50]  }
0x1cb: {  	[tilespmem:s17+$0x0] =	vst v0;
	v0 =	vmax.f32 v4, $0.0e+00;
	v4 =	vld [tilespmem:s17+$0x60]  }
0x1cc: {  	[tilespmem:s17+$0x10] =	vst v0;
	v0 =	vmax.f32 v2, $0.0e+00;
	v2 =	vld [tilespmem:s17+$0x70]  }
0x1cd: {  	[tilespmem:s17+$0x20] =	vst v0;
	v0 =	vmax.f32 v3, $0.0e+00;
	v3 =	vld [tilespmem:s17+$0x80]  }
0x1ce: {  	[tilespmem:s17+$0x30] =	vst v0;
	v0 =	vmax.f32 v1, $0.0e+00;
	v6 =	vld [tilespmem:s17+$0x90]  }
0x1cf: {  	[tilespmem:s17+$0x40] =	vst v0;
	v0 =	vmax.f32 v5, $0.0e+00;
	v5 =	vld [tilespmem:s17+$0xA0]  }
.Ltmp13:
0x1d0: {  	[tilespmem:s17+$0x50] =	vst v0;
	v1 =	vmax.f32 v4, $0.0e+00;
	v0 =	vld [tilespmem:s17+$0xB0];
	(pc) =	sbr.rel @p1 .LBB2_18-.Ltmp13, $4  }
0x1d1: {  	[tilespmem:s17+$0x60] =	vst v1;
	v2 =	vmax.f32 v2, $0.0e+00;
	v1 =	vld [tilespmem:s17+$0xC0]  }
0x1d2: {  	[tilespmem:s17+$0x70] =	vst v2;
	v3 =	vmax.f32 v3, $0.0e+00;
	v2 =	vld [tilespmem:s17+$0xD0]  }
0x1d3: {  	[tilespmem:s17+$0x80] =	vst v3;
	v6 =	vmax.f32 v6, $0.0e+00;
	v3 =	vld [tilespmem:s17+$0xE0]  }
0x1d4: {  	s17 =	sadd.s32 $0x200, s17;
	v4 =	vld [tilespmem:s22+$0xFFFFFF00];
	[tilespmem:s22+$0x90] =	vst v6;
	v5 =	vmax.f32 v5, $0.0e+00  }
0x1d5: {  	[tilespmem:s22+$0xA0] =	vst v5;
	v0 =	vmax.f32 v0, $0.0e+00  }
0x1d6: {  	[tilespmem:s22+$0xB0] =	vst v0;
	v60 =	vmax.f32 v1, $0.0e+00  }
.Ltmp14:
0x1d7: {  	[tilespmem:s22+$0xC0] =	vst v60;
	v61 =	vmax.f32 v2, $0.0e+00;
	(pc) =	sbr.rel .LBB2_20-.Ltmp14, $4  }
0x1d8: {  	[tilespmem:s22+$0xD0] =	vst v61;
	v62 =	vmax.f32 v3, $0.0e+00  }
0x1d9: {  	v63 =	vmax.f32 v4, $0.0e+00;
	[tilespmem:s22+$0xE0] =	vst v62  }
0x1da: {  	[tilespmem:s22+$0xFFFFFF00] =	vst v63  }
0x1db: {  	[spmem:s1] =	stream.indirect.scatter.add.f32 [tilespmem:s15], [sflag:$0xC], $0x80, s14, s5, $0xb8;
	[tilespmem:$0x1DC80] =	vst v63  }
.LBB2_22:
0x1dc: {  	_ =	sfence.sel $0x180000  }
0x1dd: {  	[bflag:$0x0] =	sbarrier.arrive $0xFFFF  }
0x1de: {  	_ =	strace $0x9000004D  }
0x1df: {  	s0 =	stileid.u32;
	[bflag:$0x2] =	sbarrier.arrive $0xFFFF  }
0x1e0: {  	p0 =	sne.s32 s0, $0x0;
	s0 =	rddreg [dreg:$0x3]  }
0x1e1: {  	s0 =	sadd.s32 @!p0 $0x100000, s0  }
0x1e2: {  	[sflag:s0] =	ssyncadd.tile.s32 @!p0 $0x1;
	_ =	shalt  }
.Lfunc_end2:
_tile_overlayer_lowered:
.L_overlay_start_2:
0x1e3: {  	(tag) =	ssettag $0x2  }
0x1e4: {  	s0 =	rddreg [dreg:$0x0];
	s2 =	stileid.u32  }
0x1e5: {  	s1 =	rddreg [dreg:$0x1];
	p0 =	sne.s32 s2, $0x0  }
0x1e6: {  	s3 =	rddreg [dreg:$0x2];
	[bflag:$0x3] =	sbarrier.arrive $0xFFFF;
	s2 =	simm.s32 @!p0 $0x1C0D  }
0x1e7: {  	[timem:s3], [sflag:s2] =	dma.local @!p0 [hbm:s0], s1  }
0x1e8: {  	s0 =	simm.s32 @!p0 $0xD  }
0x1e9: {  	_ =	swait.ge @!p0 [sflag:s0], s1  }
0x1ea: {  	s1 =	ssub.s32 @!p0 $0x0, s1;
	[sflag:s0] =	ssyncset.done @!p0 $0x0  }
0x1eb: {  	[sflag:s0] =	ssyncadd.s32 @!p0 s1  }
0x1ec: {  	[bflag:$0x3] =	sbarrier.arrive $0xFFFF  }
0x1ed: {  	_ =	shalt  }

</sc_bundles>
